<compile_context>
chip_gen: v7x
topology: tpu7x:2x2x1
jax: 0.10.2.dev20260603
libtpu: 0.0.44.dev20260713+nightly
codegen_flags: <defaults>
</compile_context>

<pallas_src>
import functools

import jax
import jax.numpy as jnp
from jax import lax
from jax.experimental import pallas as pl
from jax.experimental.pallas import tpu as pltpu
from jax.experimental.pallas import tpu_sc as plsc

NC = 2
NS = 16
NW = NC * NS
L = 16
D = 128
DV = D // L
T = 128
EPS = 1e-12


def _build(N, S, V):
    ntok = N // NW
    nchunks = ntok // T
    mesh = plsc.VectorSubcoreMesh(core_axis_name="c", subcore_axis_name="s")

    @functools.partial(
        pl.kernel,
        out_type=jax.ShapeDtypeStruct((N, D), jnp.float32),
        mesh=mesh,
        compiler_params=pltpu.CompilerParams(needs_layout_passes=False),
        scratch_types=[
            pltpu.VMEM((T,), jnp.int32),
            pltpu.VMEM((T,), jnp.int32),
            pltpu.VMEM((T,), jnp.int32),
            pltpu.VMEM((T,), jnp.int32),
            pltpu.VMEM((T, D), jnp.float32),
            pltpu.VMEM((T, D), jnp.float32),
            pltpu.VMEM((T, D), jnp.float32),
            pltpu.VMEM((T, D), jnp.float32),
            pltpu.VMEM((S, D), jnp.float32),
            pltpu.VMEM((2, D), jnp.float32),
            pltpu.VMEM((D,), jnp.float32),
            pltpu.VMEM((D,), jnp.float32),
            pltpu.SemaphoreType.DMA,
            pltpu.SemaphoreType.DMA,
            pltpu.SemaphoreType.DMA,
            pltpu.SemaphoreType.DMA,
        ],
    )
    def k(ids_hbm, tts_hbm, wemb_hbm, pemb_hbm, temb_hbm, lnw_hbm, lnb_hbm,
          out_hbm, idx0, idx1, tt0, tt1, wr0, wr1, ob0, ob1, posb, tvb, lnw_v, lnb_v,
          gs0, gs1, os0, os1):
        idxv = (idx0, idx1)
        ttv = (tt0, tt1)
        wr = (wr0, wr1)
        obuf = (ob0, ob1)
        gsem = (gs0, gs1)
        osem = (os0, os1)

        wid = lax.axis_index("s") * NC + lax.axis_index("c")
        base_w = wid * ntok

        pltpu.sync_copy(pemb_hbm.at[pl.ds(0, S)], posb)
        pltpu.sync_copy(temb_hbm, tvb)
        pltpu.sync_copy(lnw_hbm, lnw_v)
        pltpu.sync_copy(lnb_hbm, lnb_v)

        t0r = [tvb[0, pl.ds(j * L, L)] for j in range(DV)]
        dtr = [tvb[1, pl.ds(j * L, L)] - t0r[j] for j in range(DV)]

        def posfix(pp, carry):
            for j in range(DV):
                sl = pl.ds(j * L, L)
                posb[pp, sl] = posb[pp, sl] + t0r[j]
            return carry

        lax.fori_loop(0, S, posfix, 0)
        lnw_r = [lnw_v[pl.ds(j * L, L)] for j in range(DV)]
        lnb_r = [lnb_v[pl.ds(j * L, L)] for j in range(DV)]

        pltpu.sync_copy(ids_hbm.at[pl.ds(base_w, T)], idxv[0])
        pltpu.sync_copy(tts_hbm.at[pl.ds(base_w, T)], ttv[0])
        pltpu.async_copy(wemb_hbm.at[idxv[0]], wr[0], gsem[0])

        def compute_chunk(i, p):
            buf = wr[p]
            ob = obuf[p]
            ttb = ttv[p]

            def t_body(t, carry):
                pos = lax.rem(i * T + t, S)
                ttf = plsc.load_gather(
                    ttb, [jnp.full((L,), t, jnp.int32)]).astype(jnp.float32)
                a = []
                for j in range(DV):
                    sl = pl.ds(j * L, L)
                    a.append(buf[t, sl] + posb[pos, sl] + ttf * dtr[j])
                sv = [a[0] + a[1], a[2] + a[3], a[4] + a[5], a[6] + a[7]]
                s_acc = (sv[0] + sv[1]) + (sv[2] + sv[3])
                qv = [x * x for x in a]
                q1 = [qv[0] + qv[1], qv[2] + qv[3], qv[4] + qv[5],
                      qv[6] + qv[7]]
                q_acc = (q1[0] + q1[1]) + (q1[2] + q1[3])
                s = jnp.sum(s_acc)
                q = jnp.sum(q_acc)
                uu = jnp.full((L,), s, jnp.float32) * (1.0 / D)
                qq = jnp.full((L,), q, jnp.float32) * (1.0 / D)
                var = jnp.maximum(qq - uu * uu, 0.0) + EPS
                vi = lax.bitcast_convert_type(var, jnp.int32)
                yi = jnp.int32(0x5F3759DF) - lax.shift_right_logical(
                    vi, jnp.int32(1))
                y = lax.bitcast_convert_type(yi, jnp.float32)
                for _ in range(2):
                    y = y * (1.5 - 0.5 * var * y * y)
                for j in range(DV):
                    sl = pl.ds(j * L, L)
                    c1 = y * lnw_r[j]
                    ob[t, sl] = a[j] * c1 + (lnb_r[j] - uu * c1)
                return carry

            lax.fori_loop(0, T, t_body, 0, unroll=8)

        def step(i, p, q):
            base = base_w + i * T
            pltpu.make_async_copy(wemb_hbm.at[idxv[p]], wr[p], gsem[p]).wait()

            @pl.when(i + 1 < nchunks)
            def _():
                nbase = base + T
                pltpu.sync_copy(ids_hbm.at[pl.ds(nbase, T)], idxv[q])
                pltpu.sync_copy(tts_hbm.at[pl.ds(nbase, T)], ttv[q])
                pltpu.async_copy(wemb_hbm.at[idxv[q]], wr[q], gsem[q])

            @pl.when(i >= 2)
            def _():
                pltpu.make_async_copy(
                    obuf[p], out_hbm.at[pl.ds(base_w, T)], osem[p]).wait()

            compute_chunk(i, p)
            pltpu.async_copy(obuf[p], out_hbm.at[pl.ds(base, T)], osem[p])

        def pair_body(h, carry):
            step(2 * h, 0, 1)
            step(2 * h + 1, 1, 0)
            return carry

        lax.fori_loop(0, nchunks // 2, pair_body, 0)
        pltpu.make_async_copy(obuf[0], out_hbm.at[pl.ds(base_w, T)], osem[0]).wait()
        pltpu.make_async_copy(obuf[1], out_hbm.at[pl.ds(base_w, T)], osem[1]).wait()

    return k


def kernel(input_ids, token_type_ids, word_emb, pos_emb, type_emb,
           ln_weight, ln_bias):
    B, S = input_ids.shape
    V, d = word_emb.shape
    N = B * S
    ids = input_ids.reshape(N).astype(jnp.int32)
    tts = token_type_ids.reshape(N).astype(jnp.int32)
    k = _build(N, S, V)
    out = k(ids, tts, word_emb, pos_emb, type_emb,
            ln_weight.astype(jnp.float32), ln_bias.astype(jnp.float32))
    return out.reshape(B, S, d)

# --- scband reference (transcript-rebuilt; emitter-appended) ---
"""Pipeline reference for scband-bert-embeddings-26087631356244 (READ-ONLY COPY).

The authoritative reference and input builder live on the scoring server;
editing this copy changes nothing except your own understanding.
"""

import jax, jax.numpy as jnp
import numpy as np

VOCAB = 100000
HIDDEN = 128
MAX_POS = 512
TYPE_VOCAB = 2
B, S = 1024, 200
EPS = 1e-12

def setup_inputs(seed: int = 0) -> dict:
    key = jax.random.key(seed)
    k1, k2, k3, k4 = jax.random.split(key, 4)
    input_ids = jax.random.randint(k1, (B, S), 0, VOCAB, dtype=jnp.int64 if jax.config.read('jax_enable_x64') else jnp.int32)
    token_type_ids = jax.random.randint(k2, (B, S), 0, TYPE_VOCAB, dtype=input_ids.dtype)
    word_emb = jax.random.normal(k3, (VOCAB, HIDDEN), dtype=jnp.float32) * 0.02
    pos_emb = jax.random.normal(k4, (MAX_POS, HIDDEN), dtype=jnp.float32) * 0.02
    type_emb = jax.random.normal(jax.random.fold_in(key, 5), (TYPE_VOCAB, HIDDEN), dtype=jnp.float32) * 0.02
    ln_weight = jnp.ones((HIDDEN,), dtype=jnp.float32)
    ln_bias = jnp.zeros((HIDDEN,), dtype=jnp.float32)
    return {
        'input_ids': input_ids,
        'token_type_ids': token_type_ids,
        'word_emb': word_emb,
        'pos_emb': pos_emb,
        'type_emb': type_emb,
        'ln_weight': ln_weight,
        'ln_bias': ln_bias,
    }

def _layer_norm(x, weight, bias, eps=EPS):
    u = jnp.mean(x, axis=-1, keepdims=True)
    s = jnp.mean((x - u) ** 2, axis=-1, keepdims=True)
    x = (x - u) / jnp.sqrt(s + eps)
    return weight * x + bias

def reference(input_ids, token_type_ids, word_emb, pos_emb, type_emb, ln_weight, ln_bias):
    seq_length = input_ids.shape[1]
    position_ids = jnp.arange(seq_length)[None, :]
    position_ids = jnp.broadcast_to(position_ids, input_ids.shape)
    words_embeddings = jnp.take(word_emb, input_ids, axis=0)
    position_embeddings = jnp.take(pos_emb, position_ids, axis=0)
    token_type_embeddings = jnp.take(type_emb, token_type_ids, axis=0)
    embeddings = words_embeddings + position_embeddings + token_type_embeddings
    embeddings = _layer_norm(embeddings, ln_weight, ln_bias)
    # dropout is identity in eval/reference mode
    return embeddings

if __name__ == "__main__":
    import jax
    _d = setup_inputs()
    print(jax.jit(kernel)(*tuple(_d.values())))

</pallas_src>

<mosaic_0001>
#map = affine_map<(d0, d1) -> (0)>
#map1 = affine_map<(d0, d1) -> (0, 0)>
module attributes {stable_mosaic.version = 14 : i64} {
  func.func @k(%arg0: i32, %arg1: i32, %arg2: memref<204800xi32, #tpu.memory_space<hbm>>, %arg3: memref<204800xi32, #tpu.memory_space<hbm>>, %arg4: memref<100000x128xf32, #tpu.memory_space<hbm>>, %arg5: memref<512x128xf32, #tpu.memory_space<hbm>>, %arg6: memref<2x128xf32, #tpu.memory_space<hbm>>, %arg7: memref<128xf32, #tpu.memory_space<hbm>>, %arg8: memref<128xf32, #tpu.memory_space<hbm>>, %arg9: memref<204800x128xf32, #tpu.memory_space<hbm>>, %arg10: memref<128xi32, #tpu.memory_space<vmem>>, %arg11: memref<128xi32, #tpu.memory_space<vmem>>, %arg12: memref<128xi32, #tpu.memory_space<vmem>>, %arg13: memref<128xi32, #tpu.memory_space<vmem>>, %arg14: memref<128x128xf32, #tpu.memory_space<vmem>>, %arg15: memref<128x128xf32, #tpu.memory_space<vmem>>, %arg16: memref<128x128xf32, #tpu.memory_space<vmem>>, %arg17: memref<128x128xf32, #tpu.memory_space<vmem>>, %arg18: memref<200x128xf32, #tpu.memory_space<vmem>>, %arg19: memref<2x128xf32, #tpu.memory_space<vmem>>, %arg20: memref<128xf32, #tpu.memory_space<vmem>>, %arg21: memref<128xf32, #tpu.memory_space<vmem>>, %arg22: memref<!tpu.dma_semaphore, #tpu.memory_space<semaphore_mem>>, %arg23: memref<!tpu.dma_semaphore, #tpu.memory_space<semaphore_mem>>, %arg24: memref<!tpu.dma_semaphore, #tpu.memory_space<semaphore_mem>>, %arg25: memref<!tpu.dma_semaphore, #tpu.memory_space<semaphore_mem>>) attributes {dimension_semantics = [#tpu.dimension_semantics<core_parallel>, #tpu.dimension_semantics<subcore_parallel>], iteration_bounds = array<i64: 2, 16>, scalar_prefetch = 0 : i64, scratch_operands = 16 : i64, tpu.core_type = #tpu.core_type<sc_vector_subcore>, window_params = [{transform_indices = #map}, {transform_indices = #map}, {transform_indices = #map1}, {transform_indices = #map1}, {transform_indices = #map1}, {transform_indices = #map}, {transform_indices = #map}, {transform_indices = #map1}]} {
    %mul3A = arith.constant 2 : i32
    %mul3A_0 = arith.muli %arg1, %mul3A : i32
    %add3A = arith.addi %mul3A_0, %arg0 : i32
    %mul3A_1 = arith.constant 6400 : i32
    %mul3A_2 = arith.muli %add3A, %mul3A_1 : i32
    "tpu.region"() ({
      %run_scoped3A = tpu.sem_alloc : memref<!tpu.dma_semaphore, #tpu.memory_space<semaphore_mem>>
      %dma_start3A_125 = arith.constant 0 : i32
      %dma_start3A_126 = arith.constant 0 : i32
      %dma_start3A_127 = tpu.memref_slice %arg5[%dma_start3A_125, %dma_start3A_126] : memref<512x128xf32, #tpu.memory_space<hbm>> -> memref<200x128xf32, #tpu.memory_space<hbm>>
      %dma_start3A_128 = arith.constant 0 : i32
      %dma_start3A_129 = arith.constant 0 : i32
      %dma_start3A_130 = tpu.memref_slice %arg5[%dma_start3A_128, %dma_start3A_129] : memref<512x128xf32, #tpu.memory_space<hbm>> -> memref<200x128xf32, #tpu.memory_space<hbm>>
      tpu.enqueue_dma source(%dma_start3A_130 : memref<200x128xf32, #tpu.memory_space<hbm>>) target(%arg18 : memref<200x128xf32, #tpu.memory_space<vmem>>) target_semaphore(%run_scoped3A : memref<!tpu.dma_semaphore, #tpu.memory_space<semaphore_mem>>)
      %dma_wait3A_131 = arith.constant 0 : i32
      %dma_wait3A_132 = arith.constant 0 : i32
      %dma_wait3A_133 = tpu.memref_slice %arg5[%dma_wait3A_131, %dma_wait3A_132] : memref<512x128xf32, #tpu.memory_space<hbm>> -> memref<200x128xf32, #tpu.memory_space<hbm>>
      %dma_wait3A_134 = arith.constant 0 : i32
      %dma_wait3A_135 = arith.constant 0 : i32
      %dma_wait3A_136 = tpu.memref_slice %arg5[%dma_wait3A_134, %dma_wait3A_135] : memref<512x128xf32, #tpu.memory_space<hbm>> -> memref<200x128xf32, #tpu.memory_space<hbm>>
      tpu.wait_dma2 semaphore(%run_scoped3A : memref<!tpu.dma_semaphore, #tpu.memory_space<semaphore_mem>>) src(%dma_wait3A_136 : memref<200x128xf32, #tpu.memory_space<hbm>>) dst(%arg18 : memref<200x128xf32, #tpu.memory_space<vmem>>)
      tpu.yield
    }) : () -> ()
    "tpu.region"() ({
      %run_scoped3A = tpu.sem_alloc : memref<!tpu.dma_semaphore, #tpu.memory_space<semaphore_mem>>
      tpu.enqueue_dma source(%arg6 : memref<2x128xf32, #tpu.memory_space<hbm>>) target(%arg19 : memref<2x128xf32, #tpu.memory_space<vmem>>) target_semaphore(%run_scoped3A : memref<!tpu.dma_semaphore, #tpu.memory_space<semaphore_mem>>)
      tpu.wait_dma2 semaphore(%run_scoped3A : memref<!tpu.dma_semaphore, #tpu.memory_space<semaphore_mem>>) src(%arg6 : memref<2x128xf32, #tpu.memory_space<hbm>>) dst(%arg19 : memref<2x128xf32, #tpu.memory_space<vmem>>)
      tpu.yield
    }) : () -> ()
    "tpu.region"() ({
      %run_scoped3A = tpu.sem_alloc : memref<!tpu.dma_semaphore, #tpu.memory_space<semaphore_mem>>
      tpu.enqueue_dma source(%arg7 : memref<128xf32, #tpu.memory_space<hbm>>) target(%arg20 : memref<128xf32, #tpu.memory_space<vmem>>) target_semaphore(%run_scoped3A : memref<!tpu.dma_semaphore, #tpu.memory_space<semaphore_mem>>)
      tpu.wait_dma2 semaphore(%run_scoped3A : memref<!tpu.dma_semaphore, #tpu.memory_space<semaphore_mem>>) src(%arg7 : memref<128xf32, #tpu.memory_space<hbm>>) dst(%arg20 : memref<128xf32, #tpu.memory_space<vmem>>)
      tpu.yield
    }) : () -> ()
    "tpu.region"() ({
      %run_scoped3A = tpu.sem_alloc : memref<!tpu.dma_semaphore, #tpu.memory_space<semaphore_mem>>
      tpu.enqueue_dma source(%arg8 : memref<128xf32, #tpu.memory_space<hbm>>) target(%arg21 : memref<128xf32, #tpu.memory_space<vmem>>) target_semaphore(%run_scoped3A : memref<!tpu.dma_semaphore, #tpu.memory_space<semaphore_mem>>)
      tpu.wait_dma2 semaphore(%run_scoped3A : memref<!tpu.dma_semaphore, #tpu.memory_space<semaphore_mem>>) src(%arg8 : memref<128xf32, #tpu.memory_space<hbm>>) dst(%arg21 : memref<128xf32, #tpu.memory_space<vmem>>)
      tpu.yield
    }) : () -> ()
    %get3A = arith.constant 0 : i32
    %get3A_3 = arith.index_cast %get3A : i32 to index
    %get3A_4 = arith.constant 0 : index
    %get3A_5 = tpu.vector_load %arg19[%get3A_3, %get3A_4] {strides = array<i32>} : memref<2x128xf32, #tpu.memory_space<vmem>>, vector<16xf32>,
    %get3A_6 = arith.constant 0 : i32
    %get3A_7 = arith.index_cast %get3A_6 : i32 to index
    %get3A_8 = arith.constant 16 : index
    %get3A_9 = tpu.vector_load %arg19[%get3A_7, %get3A_8] {strides = array<i32>} : memref<2x128xf32, #tpu.memory_space<vmem>>, vector<16xf32>,
    %get3A_10 = arith.constant 0 : i32
    %get3A_11 = arith.index_cast %get3A_10 : i32 to index
    %get3A_12 = arith.constant 32 : index
    %get3A_13 = tpu.vector_load %arg19[%get3A_11, %get3A_12] {strides = array<i32>} : memref<2x128xf32, #tpu.memory_space<vmem>>, vector<16xf32>,
    %get3A_14 = arith.constant 0 : i32
    %get3A_15 = arith.index_cast %get3A_14 : i32 to index
    %get3A_16 = arith.constant 48 : index
    %get3A_17 = tpu.vector_load %arg19[%get3A_15, %get3A_16] {strides = array<i32>} : memref<2x128xf32, #tpu.memory_space<vmem>>, vector<16xf32>,
    %get3A_18 = arith.constant 0 : i32
    %get3A_19 = arith.index_cast %get3A_18 : i32 to index
    %get3A_20 = arith.constant 64 : index
    %get3A_21 = tpu.vector_load %arg19[%get3A_19, %get3A_20] {strides = array<i32>} : memref<2x128xf32, #tpu.memory_space<vmem>>, vector<16xf32>,
    %get3A_22 = arith.constant 0 : i32
    %get3A_23 = arith.index_cast %get3A_22 : i32 to index
    %get3A_24 = arith.constant 80 : index
    %get3A_25 = tpu.vector_load %arg19[%get3A_23, %get3A_24] {strides = array<i32>} : memref<2x128xf32, #tpu.memory_space<vmem>>, vector<16xf32>,
    %get3A_26 = arith.constant 0 : i32
    %get3A_27 = arith.index_cast %get3A_26 : i32 to index
    %get3A_28 = arith.constant 96 : index
    %get3A_29 = tpu.vector_load %arg19[%get3A_27, %get3A_28] {strides = array<i32>} : memref<2x128xf32, #tpu.memory_space<vmem>>, vector<16xf32>,
    %get3A_30 = arith.constant 0 : i32
    %get3A_31 = arith.index_cast %get3A_30 : i32 to index
    %get3A_32 = arith.constant 112 : index
    %get3A_33 = tpu.vector_load %arg19[%get3A_31, %get3A_32] {strides = array<i32>} : memref<2x128xf32, #tpu.memory_space<vmem>>, vector<16xf32>,
    %get3A_34 = arith.constant 1 : i32
    %get3A_35 = arith.index_cast %get3A_34 : i32 to index
    %get3A_36 = arith.constant 0 : index
    %get3A_37 = tpu.vector_load %arg19[%get3A_35, %get3A_36] {strides = array<i32>} : memref<2x128xf32, #tpu.memory_space<vmem>>, vector<16xf32>,
    %sub3A = arith.subf %get3A_37, %get3A_5 : vector<16xf32>
    %get3A_38 = arith.constant 1 : i32
    %get3A_39 = arith.index_cast %get3A_38 : i32 to index
    %get3A_40 = arith.constant 16 : index
    %get3A_41 = tpu.vector_load %arg19[%get3A_39, %get3A_40] {strides = array<i32>} : memref<2x128xf32, #tpu.memory_space<vmem>>, vector<16xf32>,
    %sub3A_42 = arith.subf %get3A_41, %get3A_9 : vector<16xf32>
    %get3A_43 = arith.constant 1 : i32
    %get3A_44 = arith.index_cast %get3A_43 : i32 to index
    %get3A_45 = arith.constant 32 : index
    %get3A_46 = tpu.vector_load %arg19[%get3A_44, %get3A_45] {strides = array<i32>} : memref<2x128xf32, #tpu.memory_space<vmem>>, vector<16xf32>,
    %sub3A_47 = arith.subf %get3A_46, %get3A_13 : vector<16xf32>
    %get3A_48 = arith.constant 1 : i32
    %get3A_49 = arith.index_cast %get3A_48 : i32 to index
    %get3A_50 = arith.constant 48 : index
    %get3A_51 = tpu.vector_load %arg19[%get3A_49, %get3A_50] {strides = array<i32>} : memref<2x128xf32, #tpu.memory_space<vmem>>, vector<16xf32>,
    %sub3A_52 = arith.subf %get3A_51, %get3A_17 : vector<16xf32>
    %get3A_53 = arith.constant 1 : i32
    %get3A_54 = arith.index_cast %get3A_53 : i32 to index
    %get3A_55 = arith.constant 64 : index
    %get3A_56 = tpu.vector_load %arg19[%get3A_54, %get3A_55] {strides = array<i32>} : memref<2x128xf32, #tpu.memory_space<vmem>>, vector<16xf32>,
    %sub3A_57 = arith.subf %get3A_56, %get3A_21 : vector<16xf32>
    %get3A_58 = arith.constant 1 : i32
    %get3A_59 = arith.index_cast %get3A_58 : i32 to index
    %get3A_60 = arith.constant 80 : index
    %get3A_61 = tpu.vector_load %arg19[%get3A_59, %get3A_60] {strides = array<i32>} : memref<2x128xf32, #tpu.memory_space<vmem>>, vector<16xf32>,
    %sub3A_62 = arith.subf %get3A_61, %get3A_25 : vector<16xf32>
    %get3A_63 = arith.constant 1 : i32
    %get3A_64 = arith.index_cast %get3A_63 : i32 to index
    %get3A_65 = arith.constant 96 : index
    %get3A_66 = tpu.vector_load %arg19[%get3A_64, %get3A_65] {strides = array<i32>} : memref<2x128xf32, #tpu.memory_space<vmem>>, vector<16xf32>,
    %sub3A_67 = arith.subf %get3A_66, %get3A_29 : vector<16xf32>
    %get3A_68 = arith.constant 1 : i32
    %get3A_69 = arith.index_cast %get3A_68 : i32 to index
    %get3A_70 = arith.constant 112 : index
    %get3A_71 = tpu.vector_load %arg19[%get3A_69, %get3A_70] {strides = array<i32>} : memref<2x128xf32, #tpu.memory_space<vmem>>, vector<16xf32>,
    %sub3A_72 = arith.subf %get3A_71, %get3A_33 : vector<16xf32>
    %scan3A = arith.constant 0 : i32
    %scan3A_73 = arith.constant 0 : i32
    %scan3A_74 = arith.constant 200 : i32
    %scan3A_75 = arith.addi %scan3A_73, %scan3A_74 : i32
    %scan3A_76 = arith.constant 1 : i32
    scf.for %scan3A_125 = %scan3A_73 to %scan3A_75 step %scan3A_76  : i32 {
      %get3A_126 = arith.index_cast %scan3A_125 : i32 to index
      %get3A_127 = arith.constant 0 : index
      %get3A_128 = tpu.vector_load %arg18[%get3A_126, %get3A_127] {strides = array<i32>} : memref<200x128xf32, #tpu.memory_space<vmem>>, vector<16xf32>,
      %add3A_129 = arith.addf %get3A_128, %get3A_5 : vector<16xf32>
      %swap3A = arith.index_cast %scan3A_125 : i32 to index
      %swap3A_130 = arith.constant 0 : index
      %swap3A_131 = tpu.vector_load %arg18[%swap3A, %swap3A_130] {strides = array<i32>} : memref<200x128xf32, #tpu.memory_space<vmem>>, vector<16xf32>,
      tpu.vector_store %arg18[%swap3A, %swap3A_130], %add3A_129 {strides = array<i32>} : memref<200x128xf32, #tpu.memory_space<vmem>>, vector<16xf32>,
      %get3A_132 = arith.index_cast %scan3A_125 : i32 to index
      %get3A_133 = arith.constant 16 : index
      %get3A_134 = tpu.vector_load %arg18[%get3A_132, %get3A_133] {strides = array<i32>} : memref<200x128xf32, #tpu.memory_space<vmem>>, vector<16xf32>,
      %add3A_135 = arith.addf %get3A_134, %get3A_9 : vector<16xf32>
      %swap3A_136 = arith.index_cast %scan3A_125 : i32 to index
      %swap3A_137 = arith.constant 16 : index
      %swap3A_138 = tpu.vector_load %arg18[%swap3A_136, %swap3A_137] {strides = array<i32>} : memref<200x128xf32, #tpu.memory_space<vmem>>, vector<16xf32>,
      tpu.vector_store %arg18[%swap3A_136, %swap3A_137], %add3A_135 {strides = array<i32>} : memref<200x128xf32, #tpu.memory_space<vmem>>, vector<16xf32>,
      %get3A_139 = arith.index_cast %scan3A_125 : i32 to index
      %get3A_140 = arith.constant 32 : index
      %get3A_141 = tpu.vector_load %arg18[%get3A_139, %get3A_140] {strides = array<i32>} : memref<200x128xf32, #tpu.memory_space<vmem>>, vector<16xf32>,
      %add3A_142 = arith.addf %get3A_141, %get3A_13 : vector<16xf32>
      %swap3A_143 = arith.index_cast %scan3A_125 : i32 to index
      %swap3A_144 = arith.constant 32 : index
      %swap3A_145 = tpu.vector_load %arg18[%swap3A_143, %swap3A_144] {strides = array<i32>} : memref<200x128xf32, #tpu.memory_space<vmem>>, vector<16xf32>,
      tpu.vector_store %arg18[%swap3A_143, %swap3A_144], %add3A_142 {strides = array<i32>} : memref<200x128xf32, #tpu.memory_space<vmem>>, vector<16xf32>,
      %get3A_146 = arith.index_cast %scan3A_125 : i32 to index
      %get3A_147 = arith.constant 48 : index
      %get3A_148 = tpu.vector_load %arg18[%get3A_146, %get3A_147] {strides = array<i32>} : memref<200x128xf32, #tpu.memory_space<vmem>>, vector<16xf32>,
      %add3A_149 = arith.addf %get3A_148, %get3A_17 : vector<16xf32>
      %swap3A_150 = arith.index_cast %scan3A_125 : i32 to index
      %swap3A_151 = arith.constant 48 : index
      %swap3A_152 = tpu.vector_load %arg18[%swap3A_150, %swap3A_151] {strides = array<i32>} : memref<200x128xf32, #tpu.memory_space<vmem>>, vector<16xf32>,
      tpu.vector_store %arg18[%swap3A_150, %swap3A_151], %add3A_149 {strides = array<i32>} : memref<200x128xf32, #tpu.memory_space<vmem>>, vector<16xf32>,
      %get3A_153 = arith.index_cast %scan3A_125 : i32 to index
      %get3A_154 = arith.constant 64 : index
      %get3A_155 = tpu.vector_load %arg18[%get3A_153, %get3A_154] {strides = array<i32>} : memref<200x128xf32, #tpu.memory_space<vmem>>, vector<16xf32>,
      %add3A_156 = arith.addf %get3A_155, %get3A_21 : vector<16xf32>
      %swap3A_157 = arith.index_cast %scan3A_125 : i32 to index
      %swap3A_158 = arith.constant 64 : index
      %swap3A_159 = tpu.vector_load %arg18[%swap3A_157, %swap3A_158] {strides = array<i32>} : memref<200x128xf32, #tpu.memory_space<vmem>>, vector<16xf32>,
      tpu.vector_store %arg18[%swap3A_157, %swap3A_158], %add3A_156 {strides = array<i32>} : memref<200x128xf32, #tpu.memory_space<vmem>>, vector<16xf32>,
      %get3A_160 = arith.index_cast %scan3A_125 : i32 to index
      %get3A_161 = arith.constant 80 : index
      %get3A_162 = tpu.vector_load %arg18[%get3A_160, %get3A_161] {strides = array<i32>} : memref<200x128xf32, #tpu.memory_space<vmem>>, vector<16xf32>,
      %add3A_163 = arith.addf %get3A_162, %get3A_25 : vector<16xf32>
      %swap3A_164 = arith.index_cast %scan3A_125 : i32 to index
      %swap3A_165 = arith.constant 80 : index
      %swap3A_166 = tpu.vector_load %arg18[%swap3A_164, %swap3A_165] {strides = array<i32>} : memref<200x128xf32, #tpu.memory_space<vmem>>, vector<16xf32>,
      tpu.vector_store %arg18[%swap3A_164, %swap3A_165], %add3A_163 {strides = array<i32>} : memref<200x128xf32, #tpu.memory_space<vmem>>, vector<16xf32>,
      %get3A_167 = arith.index_cast %scan3A_125 : i32 to index
      %get3A_168 = arith.constant 96 : index
      %get3A_169 = tpu.vector_load %arg18[%get3A_167, %get3A_168] {strides = array<i32>} : memref<200x128xf32, #tpu.memory_space<vmem>>, vector<16xf32>,
      %add3A_170 = arith.addf %get3A_169, %get3A_29 : vector<16xf32>
      %swap3A_171 = arith.index_cast %scan3A_125 : i32 to index
      %swap3A_172 = arith.constant 96 : index
      %swap3A_173 = tpu.vector_load %arg18[%swap3A_171, %swap3A_172] {strides = array<i32>} : memref<200x128xf32, #tpu.memory_space<vmem>>, vector<16xf32>,
      tpu.vector_store %arg18[%swap3A_171, %swap3A_172], %add3A_170 {strides = array<i32>} : memref<200x128xf32, #tpu.memory_space<vmem>>, vector<16xf32>,
      %get3A_174 = arith.index_cast %scan3A_125 : i32 to index
      %get3A_175 = arith.constant 112 : index
      %get3A_176 = tpu.vector_load %arg18[%get3A_174, %get3A_175] {strides = array<i32>} : memref<200x128xf32, #tpu.memory_space<vmem>>, vector<16xf32>,
      %add3A_177 = arith.addf %get3A_176, %get3A_33 : vector<16xf32>
      %swap3A_178 = arith.index_cast %scan3A_125 : i32 to index
      %swap3A_179 = arith.constant 112 : index
      %swap3A_180 = tpu.vector_load %arg18[%swap3A_178, %swap3A_179] {strides = array<i32>} : memref<200x128xf32, #tpu.memory_space<vmem>>, vector<16xf32>,
      tpu.vector_store %arg18[%swap3A_178, %swap3A_179], %add3A_177 {strides = array<i32>} : memref<200x128xf32, #tpu.memory_space<vmem>>, vector<16xf32>,
    }
    %scan3A_77 = arith.constant 200 : i32
    %get3A_78 = arith.constant 0 : index
    %get3A_79 = tpu.vector_load %arg20[%get3A_78] {strides = array<i32>} : memref<128xf32, #tpu.memory_space<vmem>>, vector<16xf32>,
    %get3A_80 = arith.constant 16 : index
    %get3A_81 = tpu.vector_load %arg20[%get3A_80] {strides = array<i32>} : memref<128xf32, #tpu.memory_space<vmem>>, vector<16xf32>,
    %get3A_82 = arith.constant 32 : index
    %get3A_83 = tpu.vector_load %arg20[%get3A_82] {strides = array<i32>} : memref<128xf32, #tpu.memory_space<vmem>>, vector<16xf32>,
    %get3A_84 = arith.constant 48 : index
    %get3A_85 = tpu.vector_load %arg20[%get3A_84] {strides = array<i32>} : memref<128xf32, #tpu.memory_space<vmem>>, vector<16xf32>,
    %get3A_86 = arith.constant 64 : index
    %get3A_87 = tpu.vector_load %arg20[%get3A_86] {strides = array<i32>} : memref<128xf32, #tpu.memory_space<vmem>>, vector<16xf32>,
    %get3A_88 = arith.constant 80 : index
    %get3A_89 = tpu.vector_load %arg20[%get3A_88] {strides = array<i32>} : memref<128xf32, #tpu.memory_space<vmem>>, vector<16xf32>,
    %get3A_90 = arith.constant 96 : index
    %get3A_91 = tpu.vector_load %arg20[%get3A_90] {strides = array<i32>} : memref<128xf32, #tpu.memory_space<vmem>>, vector<16xf32>,
    %get3A_92 = arith.constant 112 : index
    %get3A_93 = tpu.vector_load %arg20[%get3A_92] {strides = array<i32>} : memref<128xf32, #tpu.memory_space<vmem>>, vector<16xf32>,
    %get3A_94 = arith.constant 0 : index
    %get3A_95 = tpu.vector_load %arg21[%get3A_94] {strides = array<i32>} : memref<128xf32, #tpu.memory_space<vmem>>, vector<16xf32>,
    %get3A_96 = arith.constant 16 : index
    %get3A_97 = tpu.vector_load %arg21[%get3A_96] {strides = array<i32>} : memref<128xf32, #tpu.memory_space<vmem>>, vector<16xf32>,
    %get3A_98 = arith.constant 32 : index
    %get3A_99 = tpu.vector_load %arg21[%get3A_98] {strides = array<i32>} : memref<128xf32, #tpu.memory_space<vmem>>, vector<16xf32>,
    %get3A_100 = arith.constant 48 : index
    %get3A_101 = tpu.vector_load %arg21[%get3A_100] {strides = array<i32>} : memref<128xf32, #tpu.memory_space<vmem>>, vector<16xf32>,
    %get3A_102 = arith.constant 64 : index
    %get3A_103 = tpu.vector_load %arg21[%get3A_102] {strides = array<i32>} : memref<128xf32, #tpu.memory_space<vmem>>, vector<16xf32>,
    %get3A_104 = arith.constant 80 : index
    %get3A_105 = tpu.vector_load %arg21[%get3A_104] {strides = array<i32>} : memref<128xf32, #tpu.memory_space<vmem>>, vector<16xf32>,
    %get3A_106 = arith.constant 96 : index
    %get3A_107 = tpu.vector_load %arg21[%get3A_106] {strides = array<i32>} : memref<128xf32, #tpu.memory_space<vmem>>, vector<16xf32>,
    %get3A_108 = arith.constant 112 : index
    %get3A_109 = tpu.vector_load %arg21[%get3A_108] {strides = array<i32>} : memref<128xf32, #tpu.memory_space<vmem>>, vector<16xf32>,
    "tpu.region"() ({
      %run_scoped3A = tpu.sem_alloc : memref<!tpu.dma_semaphore, #tpu.memory_space<semaphore_mem>>
      %dma_start3A_125 = tpu.memref_slice %arg2[%mul3A_2] : memref<204800xi32, #tpu.memory_space<hbm>> -> memref<128xi32, #tpu.memory_space<hbm>>
      %dma_start3A_126 = tpu.memref_slice %arg2[%mul3A_2] : memref<204800xi32, #tpu.memory_space<hbm>> -> memref<128xi32, #tpu.memory_space<hbm>>
      tpu.enqueue_dma source(%dma_start3A_126 : memref<128xi32, #tpu.memory_space<hbm>>) target(%arg10 : memref<128xi32, #tpu.memory_space<vmem>>) target_semaphore(%run_scoped3A : memref<!tpu.dma_semaphore, #tpu.memory_space<semaphore_mem>>)
      %dma_wait3A_127 = tpu.memref_slice %arg2[%mul3A_2] : memref<204800xi32, #tpu.memory_space<hbm>> -> memref<128xi32, #tpu.memory_space<hbm>>
      %dma_wait3A_128 = tpu.memref_slice %arg2[%mul3A_2] : memref<204800xi32, #tpu.memory_space<hbm>> -> memref<128xi32, #tpu.memory_space<hbm>>
      tpu.wait_dma2 semaphore(%run_scoped3A : memref<!tpu.dma_semaphore, #tpu.memory_space<semaphore_mem>>) src(%dma_wait3A_128 : memref<128xi32, #tpu.memory_space<hbm>>) dst(%arg10 : memref<128xi32, #tpu.memory_space<vmem>>)
      tpu.yield
    }) : () -> ()
    "tpu.region"() ({
      %run_scoped3A = tpu.sem_alloc : memref<!tpu.dma_semaphore, #tpu.memory_space<semaphore_mem>>
      %dma_start3A_125 = tpu.memref_slice %arg3[%mul3A_2] : memref<204800xi32, #tpu.memory_space<hbm>> -> memref<128xi32, #tpu.memory_space<hbm>>
      %dma_start3A_126 = tpu.memref_slice %arg3[%mul3A_2] : memref<204800xi32, #tpu.memory_space<hbm>> -> memref<128xi32, #tpu.memory_space<hbm>>
      tpu.enqueue_dma source(%dma_start3A_126 : memref<128xi32, #tpu.memory_space<hbm>>) target(%arg12 : memref<128xi32, #tpu.memory_space<vmem>>) target_semaphore(%run_scoped3A : memref<!tpu.dma_semaphore, #tpu.memory_space<semaphore_mem>>)
      %dma_wait3A_127 = tpu.memref_slice %arg3[%mul3A_2] : memref<204800xi32, #tpu.memory_space<hbm>> -> memref<128xi32, #tpu.memory_space<hbm>>
      %dma_wait3A_128 = tpu.memref_slice %arg3[%mul3A_2] : memref<204800xi32, #tpu.memory_space<hbm>> -> memref<128xi32, #tpu.memory_space<hbm>>
      tpu.wait_dma2 semaphore(%run_scoped3A : memref<!tpu.dma_semaphore, #tpu.memory_space<semaphore_mem>>) src(%dma_wait3A_128 : memref<128xi32, #tpu.memory_space<hbm>>) dst(%arg12 : memref<128xi32, #tpu.memory_space<vmem>>)
      tpu.yield
    }) : () -> ()
    %dma_start3A = arith.constant 0 : i32
    %dma_start3A_110 = arith.constant 0 : i32
    %dma_start3A_111 = tpu.memref_slice %arg4[%dma_start3A, %dma_start3A_110] : memref<100000x128xf32, #tpu.memory_space<hbm>> -> memref<100000x128xf32, #tpu.memory_space<hbm>>
    tpu.enqueue_indirect_dma source(%dma_start3A_111 : memref<100000x128xf32, #tpu.memory_space<hbm>>) target(%arg14 : memref<128x128xf32, #tpu.memory_space<vmem>>) offsets(%arg10 : memref<128xi32, #tpu.memory_space<vmem>>) semaphore(%arg22 : memref<!tpu.dma_semaphore, #tpu.memory_space<semaphore_mem>>)
    %scan3A_112 = arith.constant 0 : i32
    %scan3A_113 = arith.constant 0 : i32
    %scan3A_114 = arith.constant 25 : i32
    %scan3A_115 = arith.addi %scan3A_113, %scan3A_114 : i32
    %scan3A_116 = arith.constant 1 : i32
    scf.for %scan3A_125 = %scan3A_113 to %scan3A_115 step %scan3A_116  : i32 {
      %mul3A_126 = arith.constant 2 : i32
      %mul3A_127 = arith.muli %mul3A_126, %scan3A_125 : i32
      %mul3A_128 = arith.constant 128 : i32
      %mul3A_129 = arith.muli %mul3A_127, %mul3A_128 : i32
      %add3A_130 = arith.addi %mul3A_2, %mul3A_129 : i32
      %dma_wait3A_131 = arith.constant 0 : i32
      %dma_wait3A_132 = arith.constant 0 : i32
      %dma_wait3A_133 = tpu.memref_slice %arg4[%dma_wait3A_131, %dma_wait3A_132] : memref<100000x128xf32, #tpu.memory_space<hbm>> -> memref<100000x128xf32, #tpu.memory_space<hbm>>
      tpu.wait_indirect_dma semaphore(%arg22 : memref<!tpu.dma_semaphore, #tpu.memory_space<semaphore_mem>>) src(%dma_wait3A_133 : memref<100000x128xf32, #tpu.memory_space<hbm>>) dst(%arg14 : memref<128x128xf32, #tpu.memory_space<vmem>>)
      %add3A_134 = arith.constant 1 : i32
      %add3A_135 = arith.addi %mul3A_127, %add3A_134 : i32
      %lt3A = arith.constant 50 : i32
      %lt3A_136 = arith.cmpi slt, %add3A_135, %lt3A : i32
      %convert_element_type3A = arith.extui %lt3A_136 : i1 to i32
      %cond3A = arith.constant 0 : i32
      %cond3A_137 = arith.cmpi ne, %convert_element_type3A, %cond3A : i32
      scf.if %cond3A_137 {
        %add3A_184 = arith.constant 128 : i32
        %add3A_185 = arith.addi %add3A_130, %add3A_184 : i32
        "tpu.region"() ({
          %run_scoped3A = tpu.sem_alloc : memref<!tpu.dma_semaphore, #tpu.memory_space<semaphore_mem>>
          %dma_start3A_189 = tpu.memref_slice %arg2[%add3A_185] : memref<204800xi32, #tpu.memory_space<hbm>> -> memref<128xi32, #tpu.memory_space<hbm>>
          %dma_start3A_190 = tpu.memref_slice %arg2[%add3A_185] : memref<204800xi32, #tpu.memory_space<hbm>> -> memref<128xi32, #tpu.memory_space<hbm>>
          tpu.enqueue_dma source(%dma_start3A_190 : memref<128xi32, #tpu.memory_space<hbm>>) target(%arg11 : memref<128xi32, #tpu.memory_space<vmem>>) target_semaphore(%run_scoped3A : memref<!tpu.dma_semaphore, #tpu.memory_space<semaphore_mem>>)
          %dma_wait3A_191 = tpu.memref_slice %arg2[%add3A_185] : memref<204800xi32, #tpu.memory_space<hbm>> -> memref<128xi32, #tpu.memory_space<hbm>>
          %dma_wait3A_192 = tpu.memref_slice %arg2[%add3A_185] : memref<204800xi32, #tpu.memory_space<hbm>> -> memref<128xi32, #tpu.memory_space<hbm>>
          tpu.wait_dma2 semaphore(%run_scoped3A : memref<!tpu.dma_semaphore, #tpu.memory_space<semaphore_mem>>) src(%dma_wait3A_192 : memref<128xi32, #tpu.memory_space<hbm>>) dst(%arg11 : memref<128xi32, #tpu.memory_space<vmem>>)
          tpu.yield
        }) : () -> ()
        "tpu.region"() ({
          %run_scoped3A = tpu.sem_alloc : memref<!tpu.dma_semaphore, #tpu.memory_space<semaphore_mem>>
          %dma_start3A_189 = tpu.memref_slice %arg3[%add3A_185] : memref<204800xi32, #tpu.memory_space<hbm>> -> memref<128xi32, #tpu.memory_space<hbm>>
          %dma_start3A_190 = tpu.memref_slice %arg3[%add3A_185] : memref<204800xi32, #tpu.memory_space<hbm>> -> memref<128xi32, #tpu.memory_space<hbm>>
          tpu.enqueue_dma source(%dma_start3A_190 : memref<128xi32, #tpu.memory_space<hbm>>) target(%arg13 : memref<128xi32, #tpu.memory_space<vmem>>) target_semaphore(%run_scoped3A : memref<!tpu.dma_semaphore, #tpu.memory_space<semaphore_mem>>)
          %dma_wait3A_191 = tpu.memref_slice %arg3[%add3A_185] : memref<204800xi32, #tpu.memory_space<hbm>> -> memref<128xi32, #tpu.memory_space<hbm>>
          %dma_wait3A_192 = tpu.memref_slice %arg3[%add3A_185] : memref<204800xi32, #tpu.memory_space<hbm>> -> memref<128xi32, #tpu.memory_space<hbm>>
          tpu.wait_dma2 semaphore(%run_scoped3A : memref<!tpu.dma_semaphore, #tpu.memory_space<semaphore_mem>>) src(%dma_wait3A_192 : memref<128xi32, #tpu.memory_space<hbm>>) dst(%arg13 : memref<128xi32, #tpu.memory_space<vmem>>)
          tpu.yield
        }) : () -> ()
        %dma_start3A_186 = arith.constant 0 : i32
        %dma_start3A_187 = arith.constant 0 : i32
        %dma_start3A_188 = tpu.memref_slice %arg4[%dma_start3A_186, %dma_start3A_187] : memref<100000x128xf32, #tpu.memory_space<hbm>> -> memref<100000x128xf32, #tpu.memory_space<hbm>>
        tpu.enqueue_indirect_dma source(%dma_start3A_188 : memref<100000x128xf32, #tpu.memory_space<hbm>>) target(%arg15 : memref<128x128xf32, #tpu.memory_space<vmem>>) offsets(%arg11 : memref<128xi32, #tpu.memory_space<vmem>>) semaphore(%arg23 : memref<!tpu.dma_semaphore, #tpu.memory_space<semaphore_mem>>)
      } else {
      }
      %ge3A = arith.constant 2 : i32
      %ge3A_138 = arith.cmpi sge, %mul3A_127, %ge3A : i32
      %convert_element_type3A_139 = arith.extui %ge3A_138 : i1 to i32
      %cond3A_140 = arith.constant 0 : i32
      %cond3A_141 = arith.cmpi ne, %convert_element_type3A_139, %cond3A_140 : i32
      scf.if %cond3A_141 {
        %dma_wait3A_184 = arith.constant 0 : i32
        %dma_wait3A_185 = tpu.memref_slice %arg9[%mul3A_2, %dma_wait3A_184] : memref<204800x128xf32, #tpu.memory_space<hbm>> -> memref<128x128xf32, #tpu.memory_space<hbm>>
        %dma_wait3A_186 = arith.constant 0 : i32
        %dma_wait3A_187 = tpu.memref_slice %arg9[%mul3A_2, %dma_wait3A_186] : memref<204800x128xf32, #tpu.memory_space<hbm>> -> memref<128x128xf32, #tpu.memory_space<hbm>>
        tpu.wait_dma2 semaphore(%arg24 : memref<!tpu.dma_semaphore, #tpu.memory_space<semaphore_mem>>) src(%arg16 : memref<128x128xf32, #tpu.memory_space<vmem>>) dst(%dma_wait3A_187 : memref<128x128xf32, #tpu.memory_space<hbm>>)
      } else {
      }
      %scan3A_142 = arith.constant 0 : i32
      %scan3A_143 = arith.constant 0 : i32
      %scan3A_144 = arith.constant 128 : i32
      %scan3A_145 = arith.addi %scan3A_143, %scan3A_144 : i32
      %scan3A_146 = arith.constant 8 : i32
      scf.for %scan3A_184 = %scan3A_143 to %scan3A_145 step %scan3A_146  : i32 {
        %mul3A_185 = arith.constant 128 : i32
        %mul3A_186 = arith.muli %mul3A_127, %mul3A_185 : i32
        %add3A_187 = arith.addi %mul3A_186, %scan3A_184 : i32
        %rem3A = arith.constant 200 : i32
        %rem3A_188 = arith.remsi %add3A_187, %rem3A : i32
        %broadcast_in_dim3A = vector.broadcast %scan3A_184 : i32 to vector<16xi32>
        %gather3A = tpu.vector_load_idx %arg12[%broadcast_in_dim3A] : memref<128xi32, #tpu.memory_space<vmem>>[vector<16xi32>], vector<16xi32>,
        %convert_element_type3A_189 = arith.sitofp %gather3A : vector<16xi32> to vector<16xf32>
        %get3A_190 = arith.index_cast %scan3A_184 : i32 to index
        %get3A_191 = arith.constant 0 : index
        %get3A_192 = tpu.vector_load %arg14[%get3A_190, %get3A_191] {strides = array<i32>} : memref<128x128xf32, #tpu.memory_space<vmem>>, vector<16xf32>,
        %get3A_193 = arith.index_cast %rem3A_188 : i32 to index
        %get3A_194 = arith.constant 0 : index
        %get3A_195 = tpu.vector_load %arg18[%get3A_193, %get3A_194] {strides = array<i32>} : memref<200x128xf32, #tpu.memory_space<vmem>>, vector<16xf32>,
        %add3A_196 = arith.addf %get3A_192, %get3A_195 : vector<16xf32>
        %mul3A_197 = arith.mulf %convert_element_type3A_189, %sub3A : vector<16xf32>
        %add3A_198 = arith.addf %add3A_196, %mul3A_197 : vector<16xf32>
        %get3A_199 = arith.index_cast %scan3A_184 : i32 to index
        %get3A_200 = arith.constant 16 : index
        %get3A_201 = tpu.vector_load %arg14[%get3A_199, %get3A_200] {strides = array<i32>} : memref<128x128xf32, #tpu.memory_space<vmem>>, vector<16xf32>,
        %get3A_202 = arith.index_cast %rem3A_188 : i32 to index
        %get3A_203 = arith.constant 16 : index
        %get3A_204 = tpu.vector_load %arg18[%get3A_202, %get3A_203] {strides = array<i32>} : memref<200x128xf32, #tpu.memory_space<vmem>>, vector<16xf32>,
        %add3A_205 = arith.addf %get3A_201, %get3A_204 : vector<16xf32>
        %mul3A_206 = arith.mulf %convert_element_type3A_189, %sub3A_42 : vector<16xf32>
        %add3A_207 = arith.addf %add3A_205, %mul3A_206 : vector<16xf32>
        %get3A_208 = arith.index_cast %scan3A_184 : i32 to index
        %get3A_209 = arith.constant 32 : index
        %get3A_210 = tpu.vector_load %arg14[%get3A_208, %get3A_209] {strides = array<i32>} : memref<128x128xf32, #tpu.memory_space<vmem>>, vector<16xf32>,
        %get3A_211 = arith.index_cast %rem3A_188 : i32 to index
        %get3A_212 = arith.constant 32 : index
        %get3A_213 = tpu.vector_load %arg18[%get3A_211, %get3A_212] {strides = array<i32>} : memref<200x128xf32, #tpu.memory_space<vmem>>, vector<16xf32>,
        %add3A_214 = arith.addf %get3A_210, %get3A_213 : vector<16xf32>
        %mul3A_215 = arith.mulf %convert_element_type3A_189, %sub3A_47 : vector<16xf32>
        %add3A_216 = arith.addf %add3A_214, %mul3A_215 : vector<16xf32>
        %get3A_217 = arith.index_cast %scan3A_184 : i32 to index
        %get3A_218 = arith.constant 48 : index
        %get3A_219 = tpu.vector_load %arg14[%get3A_217, %get3A_218] {strides = array<i32>} : memref<128x128xf32, #tpu.memory_space<vmem>>, vector<16xf32>,
        %get3A_220 = arith.index_cast %rem3A_188 : i32 to index
        %get3A_221 = arith.constant 48 : index
        %get3A_222 = tpu.vector_load %arg18[%get3A_220, %get3A_221] {strides = array<i32>} : memref<200x128xf32, #tpu.memory_space<vmem>>, vector<16xf32>,
        %add3A_223 = arith.addf %get3A_219, %get3A_222 : vector<16xf32>
        %mul3A_224 = arith.mulf %convert_element_type3A_189, %sub3A_52 : vector<16xf32>
        %add3A_225 = arith.addf %add3A_223, %mul3A_224 : vector<16xf32>
        %get3A_226 = arith.index_cast %scan3A_184 : i32 to index
        %get3A_227 = arith.constant 64 : index
        %get3A_228 = tpu.vector_load %arg14[%get3A_226, %get3A_227] {strides = array<i32>} : memref<128x128xf32, #tpu.memory_space<vmem>>, vector<16xf32>,
        %get3A_229 = arith.index_cast %rem3A_188 : i32 to index
        %get3A_230 = arith.constant 64 : index
        %get3A_231 = tpu.vector_load %arg18[%get3A_229, %get3A_230] {strides = array<i32>} : memref<200x128xf32, #tpu.memory_space<vmem>>, vector<16xf32>,
        %add3A_232 = arith.addf %get3A_228, %get3A_231 : vector<16xf32>
        %mul3A_233 = arith.mulf %convert_element_type3A_189, %sub3A_57 : vector<16xf32>
        %add3A_234 = arith.addf %add3A_232, %mul3A_233 : vector<16xf32>
        %get3A_235 = arith.index_cast %scan3A_184 : i32 to index
        %get3A_236 = arith.constant 80 : index
        %get3A_237 = tpu.vector_load %arg14[%get3A_235, %get3A_236] {strides = array<i32>} : memref<128x128xf32, #tpu.memory_space<vmem>>, vector<16xf32>,
        %get3A_238 = arith.index_cast %rem3A_188 : i32 to index
        %get3A_239 = arith.constant 80 : index
        %get3A_240 = tpu.vector_load %arg18[%get3A_238, %get3A_239] {strides = array<i32>} : memref<200x128xf32, #tpu.memory_space<vmem>>, vector<16xf32>,
        %add3A_241 = arith.addf %get3A_237, %get3A_240 : vector<16xf32>
        %mul3A_242 = arith.mulf %convert_element_type3A_189, %sub3A_62 : vector<16xf32>
        %add3A_243 = arith.addf %add3A_241, %mul3A_242 : vector<16xf32>
        %get3A_244 = arith.index_cast %scan3A_184 : i32 to index
        %get3A_245 = arith.constant 96 : index
        %get3A_246 = tpu.vector_load %arg14[%get3A_244, %get3A_245] {strides = array<i32>} : memref<128x128xf32, #tpu.memory_space<vmem>>, vector<16xf32>,
        %get3A_247 = arith.index_cast %rem3A_188 : i32 to index
        %get3A_248 = arith.constant 96 : index
        %get3A_249 = tpu.vector_load %arg18[%get3A_247, %get3A_248] {strides = array<i32>} : memref<200x128xf32, #tpu.memory_space<vmem>>, vector<16xf32>,
        %add3A_250 = arith.addf %get3A_246, %get3A_249 : vector<16xf32>
        %mul3A_251 = arith.mulf %convert_element_type3A_189, %sub3A_67 : vector<16xf32>
        %add3A_252 = arith.addf %add3A_250, %mul3A_251 : vector<16xf32>
        %get3A_253 = arith.index_cast %scan3A_184 : i32 to index
        %get3A_254 = arith.constant 112 : index
        %get3A_255 = tpu.vector_load %arg14[%get3A_253, %get3A_254] {strides = array<i32>} : memref<128x128xf32, #tpu.memory_space<vmem>>, vector<16xf32>,
        %get3A_256 = arith.index_cast %rem3A_188 : i32 to index
        %get3A_257 = arith.constant 112 : index
        %get3A_258 = tpu.vector_load %arg18[%get3A_256, %get3A_257] {strides = array<i32>} : memref<200x128xf32, #tpu.memory_space<vmem>>, vector<16xf32>,
        %add3A_259 = arith.addf %get3A_255, %get3A_258 : vector<16xf32>
        %mul3A_260 = arith.mulf %convert_element_type3A_189, %sub3A_72 : vector<16xf32>
        %add3A_261 = arith.addf %add3A_259, %mul3A_260 : vector<16xf32>
        %add3A_262 = arith.addf %add3A_198, %add3A_207 : vector<16xf32>
        %add3A_263 = arith.addf %add3A_216, %add3A_225 : vector<16xf32>
        %add3A_264 = arith.addf %add3A_234, %add3A_243 : vector<16xf32>
        %add3A_265 = arith.addf %add3A_252, %add3A_261 : vector<16xf32>
        %add3A_266 = arith.addf %add3A_262, %add3A_263 : vector<16xf32>
        %add3A_267 = arith.addf %add3A_264, %add3A_265 : vector<16xf32>
        %add3A_268 = arith.addf %add3A_266, %add3A_267 : vector<16xf32>
        %mul3A_269 = arith.mulf %add3A_198, %add3A_198 : vector<16xf32>
        %mul3A_270 = arith.mulf %add3A_207, %add3A_207 : vector<16xf32>
        %mul3A_271 = arith.mulf %add3A_216, %add3A_216 : vector<16xf32>
        %mul3A_272 = arith.mulf %add3A_225, %add3A_225 : vector<16xf32>
        %mul3A_273 = arith.mulf %add3A_234, %add3A_234 : vector<16xf32>
        %mul3A_274 = arith.mulf %add3A_243, %add3A_243 : vector<16xf32>
        %mul3A_275 = arith.mulf %add3A_252, %add3A_252 : vector<16xf32>
        %mul3A_276 = arith.mulf %add3A_261, %add3A_261 : vector<16xf32>
        %add3A_277 = arith.addf %mul3A_269, %mul3A_270 : vector<16xf32>
        %add3A_278 = arith.addf %mul3A_271, %mul3A_272 : vector<16xf32>
        %add3A_279 = arith.addf %mul3A_273, %mul3A_274 : vector<16xf32>
        %add3A_280 = arith.addf %mul3A_275, %mul3A_276 : vector<16xf32>
        %add3A_281 = arith.addf %add3A_277, %add3A_278 : vector<16xf32>
        %add3A_282 = arith.addf %add3A_279, %add3A_280 : vector<16xf32>
        %add3A_283 = arith.addf %add3A_281, %add3A_282 : vector<16xf32>
        %reduce_sum3A = arith.constant true
        %reduce_sum3A_284 = vector.broadcast %reduce_sum3A : i1 to vector<16xi1>
        %reduce_sum3A_285 = tpu.scan <sum>, %add3A_268 masked %reduce_sum3A_284 : vector<16xf32>, vector<16xi1> -> vector<16xf32>
        %reduce_sum3A_286 = vector.extract %reduce_sum3A_285[15] : f32 from vector<16xf32>
        %reduce_sum3A_287 = arith.constant true
        %reduce_sum3A_288 = vector.broadcast %reduce_sum3A_287 : i1 to vector<16xi1>
        %reduce_sum3A_289 = tpu.scan <sum>, %add3A_283 masked %reduce_sum3A_288 : vector<16xf32>, vector<16xi1> -> vector<16xf32>
        %reduce_sum3A_290 = vector.extract %reduce_sum3A_289[15] : f32 from vector<16xf32>
        %broadcast_in_dim3A_291 = vector.broadcast %reduce_sum3A_286 : f32 to vector<16xf32>
        %mul3A_292 = arith.constant 7.812500e-03 : f32
        %mul3A_293 = vector.broadcast %mul3A_292 : f32 to vector<16xf32>
        %mul3A_294 = arith.mulf %broadcast_in_dim3A_291, %mul3A_293 : vector<16xf32>
        %broadcast_in_dim3A_295 = vector.broadcast %reduce_sum3A_290 : f32 to vector<16xf32>
        %mul3A_296 = arith.constant 7.812500e-03 : f32
        %mul3A_297 = vector.broadcast %mul3A_296 : f32 to vector<16xf32>
        %mul3A_298 = arith.mulf %broadcast_in_dim3A_295, %mul3A_297 : vector<16xf32>
        %mul3A_299 = arith.mulf %mul3A_294, %mul3A_294 : vector<16xf32>
        %sub3A_300 = arith.subf %mul3A_298, %mul3A_299 : vector<16xf32>
        %max3A = arith.constant 0.000000e+00 : f32
        %max3A_301 = vector.broadcast %max3A : f32 to vector<16xf32>
        %max3A_302 = arith.maximumf %sub3A_300, %max3A_301 : vector<16xf32>
        %add3A_303 = arith.constant 9.99999996E-13 : f32
        %add3A_304 = vector.broadcast %add3A_303 : f32 to vector<16xf32>
        %add3A_305 = arith.addf %max3A_302, %add3A_304 : vector<16xf32>
        %bitcast_convert_type3A = tpu.bitcast %add3A_305 : vector<16xf32> -> vector<16xi32>
        %shift_right_logical3A = arith.constant 1 : i32
        %shift_right_logical3A_306 = vector.broadcast %shift_right_logical3A : i32 to vector<16xi32>
        %shift_right_logical3A_307 = arith.shrui %bitcast_convert_type3A, %shift_right_logical3A_306 : vector<16xi32>
        %sub3A_308 = arith.constant 1597463007 : i32
        %sub3A_309 = vector.broadcast %sub3A_308 : i32 to vector<16xi32>
        %sub3A_310 = arith.subi %sub3A_309, %shift_right_logical3A_307 : vector<16xi32>
        %bitcast_convert_type3A_311 = tpu.bitcast %sub3A_310 : vector<16xi32> -> vector<16xf32>
        %mul3A_312 = arith.constant 5.000000e-01 : f32
        %mul3A_313 = vector.broadcast %mul3A_312 : f32 to vector<16xf32>
        %mul3A_314 = arith.mulf %mul3A_313, %add3A_305 : vector<16xf32>
        %mul3A_315 = arith.mulf %mul3A_314, %bitcast_convert_type3A_311 : vector<16xf32>
        %mul3A_316 = arith.mulf %mul3A_315, %bitcast_convert_type3A_311 : vector<16xf32>
        %sub3A_317 = arith.constant 1.500000e+00 : f32
        %sub3A_318 = vector.broadcast %sub3A_317 : f32 to vector<16xf32>
        %sub3A_319 = arith.subf %sub3A_318, %mul3A_316 : vector<16xf32>
        %mul3A_320 = arith.mulf %bitcast_convert_type3A_311, %sub3A_319 : vector<16xf32>
        %mul3A_321 = arith.constant 5.000000e-01 : f32
        %mul3A_322 = vector.broadcast %mul3A_321 : f32 to vector<16xf32>
        %mul3A_323 = arith.mulf %mul3A_322, %add3A_305 : vector<16xf32>
        %mul3A_324 = arith.mulf %mul3A_323, %mul3A_320 : vector<16xf32>
        %mul3A_325 = arith.mulf %mul3A_324, %mul3A_320 : vector<16xf32>
        %sub3A_326 = arith.constant 1.500000e+00 : f32
        %sub3A_327 = vector.broadcast %sub3A_326 : f32 to vector<16xf32>
        %sub3A_328 = arith.subf %sub3A_327, %mul3A_325 : vector<16xf32>
        %mul3A_329 = arith.mulf %mul3A_320, %sub3A_328 : vector<16xf32>
        %mul3A_330 = arith.mulf %mul3A_329, %get3A_79 : vector<16xf32>
        %mul3A_331 = arith.mulf %add3A_198, %mul3A_330 : vector<16xf32>
        %mul3A_332 = arith.mulf %mul3A_294, %mul3A_330 : vector<16xf32>
        %sub3A_333 = arith.subf %get3A_95, %mul3A_332 : vector<16xf32>
        %add3A_334 = arith.addf %mul3A_331, %sub3A_333 : vector<16xf32>
        %swap3A = arith.index_cast %scan3A_184 : i32 to index
        %swap3A_335 = arith.constant 0 : index
        %swap3A_336 = tpu.vector_load %arg16[%swap3A, %swap3A_335] {strides = array<i32>} : memref<128x128xf32, #tpu.memory_space<vmem>>, vector<16xf32>,
        tpu.vector_store %arg16[%swap3A, %swap3A_335], %add3A_334 {strides = array<i32>} : memref<128x128xf32, #tpu.memory_space<vmem>>, vector<16xf32>,
        %mul3A_337 = arith.mulf %mul3A_329, %get3A_81 : vector<16xf32>
        %mul3A_338 = arith.mulf %add3A_207, %mul3A_337 : vector<16xf32>
        %mul3A_339 = arith.mulf %mul3A_294, %mul3A_337 : vector<16xf32>
        %sub3A_340 = arith.subf %get3A_97, %mul3A_339 : vector<16xf32>
        %add3A_341 = arith.addf %mul3A_338, %sub3A_340 : vector<16xf32>
        %swap3A_342 = arith.index_cast %scan3A_184 : i32 to index
        %swap3A_343 = arith.constant 16 : index
        %swap3A_344 = tpu.vector_load %arg16[%swap3A_342, %swap3A_343] {strides = array<i32>} : memref<128x128xf32, #tpu.memory_space<vmem>>, vector<16xf32>,
        tpu.vector_store %arg16[%swap3A_342, %swap3A_343], %add3A_341 {strides = array<i32>} : memref<128x128xf32, #tpu.memory_space<vmem>>, vector<16xf32>,
        %mul3A_345 = arith.mulf %mul3A_329, %get3A_83 : vector<16xf32>
        %mul3A_346 = arith.mulf %add3A_216, %mul3A_345 : vector<16xf32>
        %mul3A_347 = arith.mulf %mul3A_294, %mul3A_345 : vector<16xf32>
        %sub3A_348 = arith.subf %get3A_99, %mul3A_347 : vector<16xf32>
        %add3A_349 = arith.addf %mul3A_346, %sub3A_348 : vector<16xf32>
        %swap3A_350 = arith.index_cast %scan3A_184 : i32 to index
        %swap3A_351 = arith.constant 32 : index
        %swap3A_352 = tpu.vector_load %arg16[%swap3A_350, %swap3A_351] {strides = array<i32>} : memref<128x128xf32, #tpu.memory_space<vmem>>, vector<16xf32>,
        tpu.vector_store %arg16[%swap3A_350, %swap3A_351], %add3A_349 {strides = array<i32>} : memref<128x128xf32, #tpu.memory_space<vmem>>, vector<16xf32>,
        %mul3A_353 = arith.mulf %mul3A_329, %get3A_85 : vector<16xf32>
        %mul3A_354 = arith.mulf %add3A_225, %mul3A_353 : vector<16xf32>
        %mul3A_355 = arith.mulf %mul3A_294, %mul3A_353 : vector<16xf32>
        %sub3A_356 = arith.subf %get3A_101, %mul3A_355 : vector<16xf32>
        %add3A_357 = arith.addf %mul3A_354, %sub3A_356 : vector<16xf32>
        %swap3A_358 = arith.index_cast %scan3A_184 : i32 to index
        %swap3A_359 = arith.constant 48 : index
        %swap3A_360 = tpu.vector_load %arg16[%swap3A_358, %swap3A_359] {strides = array<i32>} : memref<128x128xf32, #tpu.memory_space<vmem>>, vector<16xf32>,
        tpu.vector_store %arg16[%swap3A_358, %swap3A_359], %add3A_357 {strides = array<i32>} : memref<128x128xf32, #tpu.memory_space<vmem>>, vector<16xf32>,
        %mul3A_361 = arith.mulf %mul3A_329, %get3A_87 : vector<16xf32>
        %mul3A_362 = arith.mulf %add3A_234, %mul3A_361 : vector<16xf32>
        %mul3A_363 = arith.mulf %mul3A_294, %mul3A_361 : vector<16xf32>
        %sub3A_364 = arith.subf %get3A_103, %mul3A_363 : vector<16xf32>
        %add3A_365 = arith.addf %mul3A_362, %sub3A_364 : vector<16xf32>
        %swap3A_366 = arith.index_cast %scan3A_184 : i32 to index
        %swap3A_367 = arith.constant 64 : index
        %swap3A_368 = tpu.vector_load %arg16[%swap3A_366, %swap3A_367] {strides = array<i32>} : memref<128x128xf32, #tpu.memory_space<vmem>>, vector<16xf32>,
        tpu.vector_store %arg16[%swap3A_366, %swap3A_367], %add3A_365 {strides = array<i32>} : memref<128x128xf32, #tpu.memory_space<vmem>>, vector<16xf32>,
        %mul3A_369 = arith.mulf %mul3A_329, %get3A_89 : vector<16xf32>
        %mul3A_370 = arith.mulf %add3A_243, %mul3A_369 : vector<16xf32>
        %mul3A_371 = arith.mulf %mul3A_294, %mul3A_369 : vector<16xf32>
        %sub3A_372 = arith.subf %get3A_105, %mul3A_371 : vector<16xf32>
        %add3A_373 = arith.addf %mul3A_370, %sub3A_372 : vector<16xf32>
        %swap3A_374 = arith.index_cast %scan3A_184 : i32 to index
        %swap3A_375 = arith.constant 80 : index
        %swap3A_376 = tpu.vector_load %arg16[%swap3A_374, %swap3A_375] {strides = array<i32>} : memref<128x128xf32, #tpu.memory_space<vmem>>, vector<16xf32>,
        tpu.vector_store %arg16[%swap3A_374, %swap3A_375], %add3A_373 {strides = array<i32>} : memref<128x128xf32, #tpu.memory_space<vmem>>, vector<16xf32>,
        %mul3A_377 = arith.mulf %mul3A_329, %get3A_91 : vector<16xf32>
        %mul3A_378 = arith.mulf %add3A_252, %mul3A_377 : vector<16xf32>
        %mul3A_379 = arith.mulf %mul3A_294, %mul3A_377 : vector<16xf32>
        %sub3A_380 = arith.subf %get3A_107, %mul3A_379 : vector<16xf32>
        %add3A_381 = arith.addf %mul3A_378, %sub3A_380 : vector<16xf32>
        %swap3A_382 = arith.index_cast %scan3A_184 : i32 to index
        %swap3A_383 = arith.constant 96 : index
        %swap3A_384 = tpu.vector_load %arg16[%swap3A_382, %swap3A_383] {strides = array<i32>} : memref<128x128xf32, #tpu.memory_space<vmem>>, vector<16xf32>,
        tpu.vector_store %arg16[%swap3A_382, %swap3A_383], %add3A_381 {strides = array<i32>} : memref<128x128xf32, #tpu.memory_space<vmem>>, vector<16xf32>,
        %mul3A_385 = arith.mulf %mul3A_329, %get3A_93 : vector<16xf32>
        %mul3A_386 = arith.mulf %add3A_261, %mul3A_385 : vector<16xf32>
        %mul3A_387 = arith.mulf %mul3A_294, %mul3A_385 : vector<16xf32>
        %sub3A_388 = arith.subf %get3A_109, %mul3A_387 : vector<16xf32>
        %add3A_389 = arith.addf %mul3A_386, %sub3A_388 : vector<16xf32>
        %swap3A_390 = arith.index_cast %scan3A_184 : i32 to index
        %swap3A_391 = arith.constant 112 : index
        %swap3A_392 = tpu.vector_load %arg16[%swap3A_390, %swap3A_391] {strides = array<i32>} : memref<128x128xf32, #tpu.memory_space<vmem>>, vector<16xf32>,
        tpu.vector_store %arg16[%swap3A_390, %swap3A_391], %add3A_389 {strides = array<i32>} : memref<128x128xf32, #tpu.memory_space<vmem>>, vector<16xf32>,
        %scan3A_393 = arith.constant 1 : i32
        %scan3A_394 = arith.addi %scan3A_184, %scan3A_393 : i32
        %mul3A_395 = arith.constant 128 : i32
        %mul3A_396 = arith.muli %mul3A_127, %mul3A_395 : i32
        %add3A_397 = arith.addi %mul3A_396, %scan3A_394 : i32
        %rem3A_398 = arith.constant 200 : i32
        %rem3A_399 = arith.remsi %add3A_397, %rem3A_398 : i32
        %broadcast_in_dim3A_400 = vector.broadcast %scan3A_394 : i32 to vector<16xi32>
        %gather3A_401 = tpu.vector_load_idx %arg12[%broadcast_in_dim3A_400] : memref<128xi32, #tpu.memory_space<vmem>>[vector<16xi32>], vector<16xi32>,
        %convert_element_type3A_402 = arith.sitofp %gather3A_401 : vector<16xi32> to vector<16xf32>
        %get3A_403 = arith.index_cast %scan3A_394 : i32 to index
        %get3A_404 = arith.constant 0 : index
        %get3A_405 = tpu.vector_load %arg14[%get3A_403, %get3A_404] {strides = array<i32>} : memref<128x128xf32, #tpu.memory_space<vmem>>, vector<16xf32>,
        %get3A_406 = arith.index_cast %rem3A_399 : i32 to index
        %get3A_407 = arith.constant 0 : index
        %get3A_408 = tpu.vector_load %arg18[%get3A_406, %get3A_407] {strides = array<i32>} : memref<200x128xf32, #tpu.memory_space<vmem>>, vector<16xf32>,
        %add3A_409 = arith.addf %get3A_405, %get3A_408 : vector<16xf32>
        %mul3A_410 = arith.mulf %convert_element_type3A_402, %sub3A : vector<16xf32>
        %add3A_411 = arith.addf %add3A_409, %mul3A_410 : vector<16xf32>
        %get3A_412 = arith.index_cast %scan3A_394 : i32 to index
        %get3A_413 = arith.constant 16 : index
        %get3A_414 = tpu.vector_load %arg14[%get3A_412, %get3A_413] {strides = array<i32>} : memref<128x128xf32, #tpu.memory_space<vmem>>, vector<16xf32>,
        %get3A_415 = arith.index_cast %rem3A_399 : i32 to index
        %get3A_416 = arith.constant 16 : index
        %get3A_417 = tpu.vector_load %arg18[%get3A_415, %get3A_416] {strides = array<i32>} : memref<200x128xf32, #tpu.memory_space<vmem>>, vector<16xf32>,
        %add3A_418 = arith.addf %get3A_414, %get3A_417 : vector<16xf32>
        %mul3A_419 = arith.mulf %convert_element_type3A_402, %sub3A_42 : vector<16xf32>
        %add3A_420 = arith.addf %add3A_418, %mul3A_419 : vector<16xf32>
        %get3A_421 = arith.index_cast %scan3A_394 : i32 to index
        %get3A_422 = arith.constant 32 : index
        %get3A_423 = tpu.vector_load %arg14[%get3A_421, %get3A_422] {strides = array<i32>} : memref<128x128xf32, #tpu.memory_space<vmem>>, vector<16xf32>,
        %get3A_424 = arith.index_cast %rem3A_399 : i32 to index
        %get3A_425 = arith.constant 32 : index
        %get3A_426 = tpu.vector_load %arg18[%get3A_424, %get3A_425] {strides = array<i32>} : memref<200x128xf32, #tpu.memory_space<vmem>>, vector<16xf32>,
        %add3A_427 = arith.addf %get3A_423, %get3A_426 : vector<16xf32>
        %mul3A_428 = arith.mulf %convert_element_type3A_402, %sub3A_47 : vector<16xf32>
        %add3A_429 = arith.addf %add3A_427, %mul3A_428 : vector<16xf32>
        %get3A_430 = arith.index_cast %scan3A_394 : i32 to index
        %get3A_431 = arith.constant 48 : index
        %get3A_432 = tpu.vector_load %arg14[%get3A_430, %get3A_431] {strides = array<i32>} : memref<128x128xf32, #tpu.memory_space<vmem>>, vector<16xf32>,
        %get3A_433 = arith.index_cast %rem3A_399 : i32 to index
        %get3A_434 = arith.constant 48 : index
        %get3A_435 = tpu.vector_load %arg18[%get3A_433, %get3A_434] {strides = array<i32>} : memref<200x128xf32, #tpu.memory_space<vmem>>, vector<16xf32>,
        %add3A_436 = arith.addf %get3A_432, %get3A_435 : vector<16xf32>
        %mul3A_437 = arith.mulf %convert_element_type3A_402, %sub3A_52 : vector<16xf32>
        %add3A_438 = arith.addf %add3A_436, %mul3A_437 : vector<16xf32>
        %get3A_439 = arith.index_cast %scan3A_394 : i32 to index
        %get3A_440 = arith.constant 64 : index
        %get3A_441 = tpu.vector_load %arg14[%get3A_439, %get3A_440] {strides = array<i32>} : memref<128x128xf32, #tpu.memory_space<vmem>>, vector<16xf32>,
        %get3A_442 = arith.index_cast %rem3A_399 : i32 to index
        %get3A_443 = arith.constant 64 : index
        %get3A_444 = tpu.vector_load %arg18[%get3A_442, %get3A_443] {strides = array<i32>} : memref<200x128xf32, #tpu.memory_space<vmem>>, vector<16xf32>,
        %add3A_445 = arith.addf %get3A_441, %get3A_444 : vector<16xf32>
        %mul3A_446 = arith.mulf %convert_element_type3A_402, %sub3A_57 : vector<16xf32>
        %add3A_447 = arith.addf %add3A_445, %mul3A_446 : vector<16xf32>
        %get3A_448 = arith.index_cast %scan3A_394 : i32 to index
        %get3A_449 = arith.constant 80 : index
        %get3A_450 = tpu.vector_load %arg14[%get3A_448, %get3A_449] {strides = array<i32>} : memref<128x128xf32, #tpu.memory_space<vmem>>, vector<16xf32>,
        %get3A_451 = arith.index_cast %rem3A_399 : i32 to index
        %get3A_452 = arith.constant 80 : index
        %get3A_453 = tpu.vector_load %arg18[%get3A_451, %get3A_452] {strides = array<i32>} : memref<200x128xf32, #tpu.memory_space<vmem>>, vector<16xf32>,
        %add3A_454 = arith.addf %get3A_450, %get3A_453 : vector<16xf32>
        %mul3A_455 = arith.mulf %convert_element_type3A_402, %sub3A_62 : vector<16xf32>
        %add3A_456 = arith.addf %add3A_454, %mul3A_455 : vector<16xf32>
        %get3A_457 = arith.index_cast %scan3A_394 : i32 to index
        %get3A_458 = arith.constant 96 : index
        %get3A_459 = tpu.vector_load %arg14[%get3A_457, %get3A_458] {strides = array<i32>} : memref<128x128xf32, #tpu.memory_space<vmem>>, vector<16xf32>,
        %get3A_460 = arith.index_cast %rem3A_399 : i32 to index
        %get3A_461 = arith.constant 96 : index
        %get3A_462 = tpu.vector_load %arg18[%get3A_460, %get3A_461] {strides = array<i32>} : memref<200x128xf32, #tpu.memory_space<vmem>>, vector<16xf32>,
        %add3A_463 = arith.addf %get3A_459, %get3A_462 : vector<16xf32>
        %mul3A_464 = arith.mulf %convert_element_type3A_402, %sub3A_67 : vector<16xf32>
        %add3A_465 = arith.addf %add3A_463, %mul3A_464 : vector<16xf32>
        %get3A_466 = arith.index_cast %scan3A_394 : i32 to index
        %get3A_467 = arith.constant 112 : index
        %get3A_468 = tpu.vector_load %arg14[%get3A_466, %get3A_467] {strides = array<i32>} : memref<128x128xf32, #tpu.memory_space<vmem>>, vector<16xf32>,
        %get3A_469 = arith.index_cast %rem3A_399 : i32 to index
        %get3A_470 = arith.constant 112 : index
        %get3A_471 = tpu.vector_load %arg18[%get3A_469, %get3A_470] {strides = array<i32>} : memref<200x128xf32, #tpu.memory_space<vmem>>, vector<16xf32>,
        %add3A_472 = arith.addf %get3A_468, %get3A_471 : vector<16xf32>
        %mul3A_473 = arith.mulf %convert_element_type3A_402, %sub3A_72 : vector<16xf32>
        %add3A_474 = arith.addf %add3A_472, %mul3A_473 : vector<16xf32>
        %add3A_475 = arith.addf %add3A_411, %add3A_420 : vector<16xf32>
        %add3A_476 = arith.addf %add3A_429, %add3A_438 : vector<16xf32>
        %add3A_477 = arith.addf %add3A_447, %add3A_456 : vector<16xf32>
        %add3A_478 = arith.addf %add3A_465, %add3A_474 : vector<16xf32>
        %add3A_479 = arith.addf %add3A_475, %add3A_476 : vector<16xf32>
        %add3A_480 = arith.addf %add3A_477, %add3A_478 : vector<16xf32>
        %add3A_481 = arith.addf %add3A_479, %add3A_480 : vector<16xf32>
        %mul3A_482 = arith.mulf %add3A_411, %add3A_411 : vector<16xf32>
        %mul3A_483 = arith.mulf %add3A_420, %add3A_420 : vector<16xf32>
        %mul3A_484 = arith.mulf %add3A_429, %add3A_429 : vector<16xf32>
        %mul3A_485 = arith.mulf %add3A_438, %add3A_438 : vector<16xf32>
        %mul3A_486 = arith.mulf %add3A_447, %add3A_447 : vector<16xf32>
        %mul3A_487 = arith.mulf %add3A_456, %add3A_456 : vector<16xf32>
        %mul3A_488 = arith.mulf %add3A_465, %add3A_465 : vector<16xf32>
        %mul3A_489 = arith.mulf %add3A_474, %add3A_474 : vector<16xf32>
        %add3A_490 = arith.addf %mul3A_482, %mul3A_483 : vector<16xf32>
        %add3A_491 = arith.addf %mul3A_484, %mul3A_485 : vector<16xf32>
        %add3A_492 = arith.addf %mul3A_486, %mul3A_487 : vector<16xf32>
        %add3A_493 = arith.addf %mul3A_488, %mul3A_489 : vector<16xf32>
        %add3A_494 = arith.addf %add3A_490, %add3A_491 : vector<16xf32>
        %add3A_495 = arith.addf %add3A_492, %add3A_493 : vector<16xf32>
        %add3A_496 = arith.addf %add3A_494, %add3A_495 : vector<16xf32>
        %reduce_sum3A_497 = arith.constant true
        %reduce_sum3A_498 = vector.broadcast %reduce_sum3A_497 : i1 to vector<16xi1>
        %reduce_sum3A_499 = tpu.scan <sum>, %add3A_481 masked %reduce_sum3A_498 : vector<16xf32>, vector<16xi1> -> vector<16xf32>
        %reduce_sum3A_500 = vector.extract %reduce_sum3A_499[15] : f32 from vector<16xf32>
        %reduce_sum3A_501 = arith.constant true
        %reduce_sum3A_502 = vector.broadcast %reduce_sum3A_501 : i1 to vector<16xi1>
        %reduce_sum3A_503 = tpu.scan <sum>, %add3A_496 masked %reduce_sum3A_502 : vector<16xf32>, vector<16xi1> -> vector<16xf32>
        %reduce_sum3A_504 = vector.extract %reduce_sum3A_503[15] : f32 from vector<16xf32>
        %broadcast_in_dim3A_505 = vector.broadcast %reduce_sum3A_500 : f32 to vector<16xf32>
        %mul3A_506 = arith.constant 7.812500e-03 : f32
        %mul3A_507 = vector.broadcast %mul3A_506 : f32 to vector<16xf32>
        %mul3A_508 = arith.mulf %broadcast_in_dim3A_505, %mul3A_507 : vector<16xf32>
        %broadcast_in_dim3A_509 = vector.broadcast %reduce_sum3A_504 : f32 to vector<16xf32>
        %mul3A_510 = arith.constant 7.812500e-03 : f32
        %mul3A_511 = vector.broadcast %mul3A_510 : f32 to vector<16xf32>
        %mul3A_512 = arith.mulf %broadcast_in_dim3A_509, %mul3A_511 : vector<16xf32>
        %mul3A_513 = arith.mulf %mul3A_508, %mul3A_508 : vector<16xf32>
        %sub3A_514 = arith.subf %mul3A_512, %mul3A_513 : vector<16xf32>
        %max3A_515 = arith.constant 0.000000e+00 : f32
        %max3A_516 = vector.broadcast %max3A_515 : f32 to vector<16xf32>
        %max3A_517 = arith.maximumf %sub3A_514, %max3A_516 : vector<16xf32>
        %add3A_518 = arith.constant 9.99999996E-13 : f32
        %add3A_519 = vector.broadcast %add3A_518 : f32 to vector<16xf32>
        %add3A_520 = arith.addf %max3A_517, %add3A_519 : vector<16xf32>
        %bitcast_convert_type3A_521 = tpu.bitcast %add3A_520 : vector<16xf32> -> vector<16xi32>
        %shift_right_logical3A_522 = arith.constant 1 : i32
        %shift_right_logical3A_523 = vector.broadcast %shift_right_logical3A_522 : i32 to vector<16xi32>
        %shift_right_logical3A_524 = arith.shrui %bitcast_convert_type3A_521, %shift_right_logical3A_523 : vector<16xi32>
        %sub3A_525 = arith.constant 1597463007 : i32
        %sub3A_526 = vector.broadcast %sub3A_525 : i32 to vector<16xi32>
        %sub3A_527 = arith.subi %sub3A_526, %shift_right_logical3A_524 : vector<16xi32>
        %bitcast_convert_type3A_528 = tpu.bitcast %sub3A_527 : vector<16xi32> -> vector<16xf32>
        %mul3A_529 = arith.constant 5.000000e-01 : f32
        %mul3A_530 = vector.broadcast %mul3A_529 : f32 to vector<16xf32>
        %mul3A_531 = arith.mulf %mul3A_530, %add3A_520 : vector<16xf32>
        %mul3A_532 = arith.mulf %mul3A_531, %bitcast_convert_type3A_528 : vector<16xf32>
        %mul3A_533 = arith.mulf %mul3A_532, %bitcast_convert_type3A_528 : vector<16xf32>
        %sub3A_534 = arith.constant 1.500000e+00 : f32
        %sub3A_535 = vector.broadcast %sub3A_534 : f32 to vector<16xf32>
        %sub3A_536 = arith.subf %sub3A_535, %mul3A_533 : vector<16xf32>
        %mul3A_537 = arith.mulf %bitcast_convert_type3A_528, %sub3A_536 : vector<16xf32>
        %mul3A_538 = arith.constant 5.000000e-01 : f32
        %mul3A_539 = vector.broadcast %mul3A_538 : f32 to vector<16xf32>
        %mul3A_540 = arith.mulf %mul3A_539, %add3A_520 : vector<16xf32>
        %mul3A_541 = arith.mulf %mul3A_540, %mul3A_537 : vector<16xf32>
        %mul3A_542 = arith.mulf %mul3A_541, %mul3A_537 : vector<16xf32>
        %sub3A_543 = arith.constant 1.500000e+00 : f32
        %sub3A_544 = vector.broadcast %sub3A_543 : f32 to vector<16xf32>
        %sub3A_545 = arith.subf %sub3A_544, %mul3A_542 : vector<16xf32>
        %mul3A_546 = arith.mulf %mul3A_537, %sub3A_545 : vector<16xf32>
        %mul3A_547 = arith.mulf %mul3A_546, %get3A_79 : vector<16xf32>
        %mul3A_548 = arith.mulf %add3A_411, %mul3A_547 : vector<16xf32>
        %mul3A_549 = arith.mulf %mul3A_508, %mul3A_547 : vector<16xf32>
        %sub3A_550 = arith.subf %get3A_95, %mul3A_549 : vector<16xf32>
        %add3A_551 = arith.addf %mul3A_548, %sub3A_550 : vector<16xf32>
        %swap3A_552 = arith.index_cast %scan3A_394 : i32 to index
        %swap3A_553 = arith.constant 0 : index
        %swap3A_554 = tpu.vector_load %arg16[%swap3A_552, %swap3A_553] {strides = array<i32>} : memref<128x128xf32, #tpu.memory_space<vmem>>, vector<16xf32>,
        tpu.vector_store %arg16[%swap3A_552, %swap3A_553], %add3A_551 {strides = array<i32>} : memref<128x128xf32, #tpu.memory_space<vmem>>, vector<16xf32>,
        %mul3A_555 = arith.mulf %mul3A_546, %get3A_81 : vector<16xf32>
        %mul3A_556 = arith.mulf %add3A_420, %mul3A_555 : vector<16xf32>
        %mul3A_557 = arith.mulf %mul3A_508, %mul3A_555 : vector<16xf32>
        %sub3A_558 = arith.subf %get3A_97, %mul3A_557 : vector<16xf32>
        %add3A_559 = arith.addf %mul3A_556, %sub3A_558 : vector<16xf32>
        %swap3A_560 = arith.index_cast %scan3A_394 : i32 to index
        %swap3A_561 = arith.constant 16 : index
        %swap3A_562 = tpu.vector_load %arg16[%swap3A_560, %swap3A_561] {strides = array<i32>} : memref<128x128xf32, #tpu.memory_space<vmem>>, vector<16xf32>,
        tpu.vector_store %arg16[%swap3A_560, %swap3A_561], %add3A_559 {strides = array<i32>} : memref<128x128xf32, #tpu.memory_space<vmem>>, vector<16xf32>,
        %mul3A_563 = arith.mulf %mul3A_546, %get3A_83 : vector<16xf32>
        %mul3A_564 = arith.mulf %add3A_429, %mul3A_563 : vector<16xf32>
        %mul3A_565 = arith.mulf %mul3A_508, %mul3A_563 : vector<16xf32>
        %sub3A_566 = arith.subf %get3A_99, %mul3A_565 : vector<16xf32>
        %add3A_567 = arith.addf %mul3A_564, %sub3A_566 : vector<16xf32>
        %swap3A_568 = arith.index_cast %scan3A_394 : i32 to index
        %swap3A_569 = arith.constant 32 : index
        %swap3A_570 = tpu.vector_load %arg16[%swap3A_568, %swap3A_569] {strides = array<i32>} : memref<128x128xf32, #tpu.memory_space<vmem>>, vector<16xf32>,
        tpu.vector_store %arg16[%swap3A_568, %swap3A_569], %add3A_567 {strides = array<i32>} : memref<128x128xf32, #tpu.memory_space<vmem>>, vector<16xf32>,
        %mul3A_571 = arith.mulf %mul3A_546, %get3A_85 : vector<16xf32>
        %mul3A_572 = arith.mulf %add3A_438, %mul3A_571 : vector<16xf32>
        %mul3A_573 = arith.mulf %mul3A_508, %mul3A_571 : vector<16xf32>
        %sub3A_574 = arith.subf %get3A_101, %mul3A_573 : vector<16xf32>
        %add3A_575 = arith.addf %mul3A_572, %sub3A_574 : vector<16xf32>
        %swap3A_576 = arith.index_cast %scan3A_394 : i32 to index
        %swap3A_577 = arith.constant 48 : index
        %swap3A_578 = tpu.vector_load %arg16[%swap3A_576, %swap3A_577] {strides = array<i32>} : memref<128x128xf32, #tpu.memory_space<vmem>>, vector<16xf32>,
        tpu.vector_store %arg16[%swap3A_576, %swap3A_577], %add3A_575 {strides = array<i32>} : memref<128x128xf32, #tpu.memory_space<vmem>>, vector<16xf32>,
        %mul3A_579 = arith.mulf %mul3A_546, %get3A_87 : vector<16xf32>
        %mul3A_580 = arith.mulf %add3A_447, %mul3A_579 : vector<16xf32>
        %mul3A_581 = arith.mulf %mul3A_508, %mul3A_579 : vector<16xf32>
        %sub3A_582 = arith.subf %get3A_103, %mul3A_581 : vector<16xf32>
        %add3A_583 = arith.addf %mul3A_580, %sub3A_582 : vector<16xf32>
        %swap3A_584 = arith.index_cast %scan3A_394 : i32 to index
        %swap3A_585 = arith.constant 64 : index
        %swap3A_586 = tpu.vector_load %arg16[%swap3A_584, %swap3A_585] {strides = array<i32>} : memref<128x128xf32, #tpu.memory_space<vmem>>, vector<16xf32>,
        tpu.vector_store %arg16[%swap3A_584, %swap3A_585], %add3A_583 {strides = array<i32>} : memref<128x128xf32, #tpu.memory_space<vmem>>, vector<16xf32>,
        %mul3A_587 = arith.mulf %mul3A_546, %get3A_89 : vector<16xf32>
        %mul3A_588 = arith.mulf %add3A_456, %mul3A_587 : vector<16xf32>
        %mul3A_589 = arith.mulf %mul3A_508, %mul3A_587 : vector<16xf32>
        %sub3A_590 = arith.subf %get3A_105, %mul3A_589 : vector<16xf32>
        %add3A_591 = arith.addf %mul3A_588, %sub3A_590 : vector<16xf32>
        %swap3A_592 = arith.index_cast %scan3A_394 : i32 to index
        %swap3A_593 = arith.constant 80 : index
        %swap3A_594 = tpu.vector_load %arg16[%swap3A_592, %swap3A_593] {strides = array<i32>} : memref<128x128xf32, #tpu.memory_space<vmem>>, vector<16xf32>,
        tpu.vector_store %arg16[%swap3A_592, %swap3A_593], %add3A_591 {strides = array<i32>} : memref<128x128xf32, #tpu.memory_space<vmem>>, vector<16xf32>,
        %mul3A_595 = arith.mulf %mul3A_546, %get3A_91 : vector<16xf32>
        %mul3A_596 = arith.mulf %add3A_465, %mul3A_595 : vector<16xf32>
        %mul3A_597 = arith.mulf %mul3A_508, %mul3A_595 : vector<16xf32>
        %sub3A_598 = arith.subf %get3A_107, %mul3A_597 : vector<16xf32>
        %add3A_599 = arith.addf %mul3A_596, %sub3A_598 : vector<16xf32>
        %swap3A_600 = arith.index_cast %scan3A_394 : i32 to index
        %swap3A_601 = arith.constant 96 : index
        %swap3A_602 = tpu.vector_load %arg16[%swap3A_600, %swap3A_601] {strides = array<i32>} : memref<128x128xf32, #tpu.memory_space<vmem>>, vector<16xf32>,
        tpu.vector_store %arg16[%swap3A_600, %swap3A_601], %add3A_599 {strides = array<i32>} : memref<128x128xf32, #tpu.memory_space<vmem>>, vector<16xf32>,
        %mul3A_603 = arith.mulf %mul3A_546, %get3A_93 : vector<16xf32>
        %mul3A_604 = arith.mulf %add3A_474, %mul3A_603 : vector<16xf32>
        %mul3A_605 = arith.mulf %mul3A_508, %mul3A_603 : vector<16xf32>
        %sub3A_606 = arith.subf %get3A_109, %mul3A_605 : vector<16xf32>
        %add3A_607 = arith.addf %mul3A_604, %sub3A_606 : vector<16xf32>
        %swap3A_608 = arith.index_cast %scan3A_394 : i32 to index
        %swap3A_609 = arith.constant 112 : index
        %swap3A_610 = tpu.vector_load %arg16[%swap3A_608, %swap3A_609] {strides = array<i32>} : memref<128x128xf32, #tpu.memory_space<vmem>>, vector<16xf32>,
        tpu.vector_store %arg16[%swap3A_608, %swap3A_609], %add3A_607 {strides = array<i32>} : memref<128x128xf32, #tpu.memory_space<vmem>>, vector<16xf32>,
        %scan3A_611 = arith.constant 2 : i32
        %scan3A_612 = arith.addi %scan3A_184, %scan3A_611 : i32
        %mul3A_613 = arith.constant 128 : i32
        %mul3A_614 = arith.muli %mul3A_127, %mul3A_613 : i32
        %add3A_615 = arith.addi %mul3A_614, %scan3A_612 : i32
        %rem3A_616 = arith.constant 200 : i32
        %rem3A_617 = arith.remsi %add3A_615, %rem3A_616 : i32
        %broadcast_in_dim3A_618 = vector.broadcast %scan3A_612 : i32 to vector<16xi32>
        %gather3A_619 = tpu.vector_load_idx %arg12[%broadcast_in_dim3A_618] : memref<128xi32, #tpu.memory_space<vmem>>[vector<16xi32>], vector<16xi32>,
        %convert_element_type3A_620 = arith.sitofp %gather3A_619 : vector<16xi32> to vector<16xf32>
        %get3A_621 = arith.index_cast %scan3A_612 : i32 to index
        %get3A_622 = arith.constant 0 : index
        %get3A_623 = tpu.vector_load %arg14[%get3A_621, %get3A_622] {strides = array<i32>} : memref<128x128xf32, #tpu.memory_space<vmem>>, vector<16xf32>,
        %get3A_624 = arith.index_cast %rem3A_617 : i32 to index
        %get3A_625 = arith.constant 0 : index
        %get3A_626 = tpu.vector_load %arg18[%get3A_624, %get3A_625] {strides = array<i32>} : memref<200x128xf32, #tpu.memory_space<vmem>>, vector<16xf32>,
        %add3A_627 = arith.addf %get3A_623, %get3A_626 : vector<16xf32>
        %mul3A_628 = arith.mulf %convert_element_type3A_620, %sub3A : vector<16xf32>
        %add3A_629 = arith.addf %add3A_627, %mul3A_628 : vector<16xf32>
        %get3A_630 = arith.index_cast %scan3A_612 : i32 to index
        %get3A_631 = arith.constant 16 : index
        %get3A_632 = tpu.vector_load %arg14[%get3A_630, %get3A_631] {strides = array<i32>} : memref<128x128xf32, #tpu.memory_space<vmem>>, vector<16xf32>,
        %get3A_633 = arith.index_cast %rem3A_617 : i32 to index
        %get3A_634 = arith.constant 16 : index
        %get3A_635 = tpu.vector_load %arg18[%get3A_633, %get3A_634] {strides = array<i32>} : memref<200x128xf32, #tpu.memory_space<vmem>>, vector<16xf32>,
        %add3A_636 = arith.addf %get3A_632, %get3A_635 : vector<16xf32>
        %mul3A_637 = arith.mulf %convert_element_type3A_620, %sub3A_42 : vector<16xf32>
        %add3A_638 = arith.addf %add3A_636, %mul3A_637 : vector<16xf32>
        %get3A_639 = arith.index_cast %scan3A_612 : i32 to index
        %get3A_640 = arith.constant 32 : index
        %get3A_641 = tpu.vector_load %arg14[%get3A_639, %get3A_640] {strides = array<i32>} : memref<128x128xf32, #tpu.memory_space<vmem>>, vector<16xf32>,
        %get3A_642 = arith.index_cast %rem3A_617 : i32 to index
        %get3A_643 = arith.constant 32 : index
        %get3A_644 = tpu.vector_load %arg18[%get3A_642, %get3A_643] {strides = array<i32>} : memref<200x128xf32, #tpu.memory_space<vmem>>, vector<16xf32>,
        %add3A_645 = arith.addf %get3A_641, %get3A_644 : vector<16xf32>
        %mul3A_646 = arith.mulf %convert_element_type3A_620, %sub3A_47 : vector<16xf32>
        %add3A_647 = arith.addf %add3A_645, %mul3A_646 : vector<16xf32>
        %get3A_648 = arith.index_cast %scan3A_612 : i32 to index
        %get3A_649 = arith.constant 48 : index
        %get3A_650 = tpu.vector_load %arg14[%get3A_648, %get3A_649] {strides = array<i32>} : memref<128x128xf32, #tpu.memory_space<vmem>>, vector<16xf32>,
        %get3A_651 = arith.index_cast %rem3A_617 : i32 to index
        %get3A_652 = arith.constant 48 : index
        %get3A_653 = tpu.vector_load %arg18[%get3A_651, %get3A_652] {strides = array<i32>} : memref<200x128xf32, #tpu.memory_space<vmem>>, vector<16xf32>,
        %add3A_654 = arith.addf %get3A_650, %get3A_653 : vector<16xf32>
        %mul3A_655 = arith.mulf %convert_element_type3A_620, %sub3A_52 : vector<16xf32>
        %add3A_656 = arith.addf %add3A_654, %mul3A_655 : vector<16xf32>
        %get3A_657 = arith.index_cast %scan3A_612 : i32 to index
        %get3A_658 = arith.constant 64 : index
        %get3A_659 = tpu.vector_load %arg14[%get3A_657, %get3A_658] {strides = array<i32>} : memref<128x128xf32, #tpu.memory_space<vmem>>, vector<16xf32>,
        %get3A_660 = arith.index_cast %rem3A_617 : i32 to index
        %get3A_661 = arith.constant 64 : index
        %get3A_662 = tpu.vector_load %arg18[%get3A_660, %get3A_661] {strides = array<i32>} : memref<200x128xf32, #tpu.memory_space<vmem>>, vector<16xf32>,
        %add3A_663 = arith.addf %get3A_659, %get3A_662 : vector<16xf32>
        %mul3A_664 = arith.mulf %convert_element_type3A_620, %sub3A_57 : vector<16xf32>
        %add3A_665 = arith.addf %add3A_663, %mul3A_664 : vector<16xf32>
        %get3A_666 = arith.index_cast %scan3A_612 : i32 to index
        %get3A_667 = arith.constant 80 : index
        %get3A_668 = tpu.vector_load %arg14[%get3A_666, %get3A_667] {strides = array<i32>} : memref<128x128xf32, #tpu.memory_space<vmem>>, vector<16xf32>,
        %get3A_669 = arith.index_cast %rem3A_617 : i32 to index
        %get3A_670 = arith.constant 80 : index
        %get3A_671 = tpu.vector_load %arg18[%get3A_669, %get3A_670] {strides = array<i32>} : memref<200x128xf32, #tpu.memory_space<vmem>>, vector<16xf32>,
        %add3A_672 = arith.addf %get3A_668, %get3A_671 : vector<16xf32>
        %mul3A_673 = arith.mulf %convert_element_type3A_620, %sub3A_62 : vector<16xf32>
        %add3A_674 = arith.addf %add3A_672, %mul3A_673 : vector<16xf32>
        %get3A_675 = arith.index_cast %scan3A_612 : i32 to index
        %get3A_676 = arith.constant 96 : index
        %get3A_677 = tpu.vector_load %arg14[%get3A_675, %get3A_676] {strides = array<i32>} : memref<128x128xf32, #tpu.memory_space<vmem>>, vector<16xf32>,
        %get3A_678 = arith.index_cast %rem3A_617 : i32 to index
        %get3A_679 = arith.constant 96 : index
        %get3A_680 = tpu.vector_load %arg18[%get3A_678, %get3A_679] {strides = array<i32>} : memref<200x128xf32, #tpu.memory_space<vmem>>, vector<16xf32>,
        %add3A_681 = arith.addf %get3A_677, %get3A_680 : vector<16xf32>
        %mul3A_682 = arith.mulf %convert_element_type3A_620, %sub3A_67 : vector<16xf32>
        %add3A_683 = arith.addf %add3A_681, %mul3A_682 : vector<16xf32>
        %get3A_684 = arith.index_cast %scan3A_612 : i32 to index
        %get3A_685 = arith.constant 112 : index
        %get3A_686 = tpu.vector_load %arg14[%get3A_684, %get3A_685] {strides = array<i32>} : memref<128x128xf32, #tpu.memory_space<vmem>>, vector<16xf32>,
        %get3A_687 = arith.index_cast %rem3A_617 : i32 to index
        %get3A_688 = arith.constant 112 : index
        %get3A_689 = tpu.vector_load %arg18[%get3A_687, %get3A_688] {strides = array<i32>} : memref<200x128xf32, #tpu.memory_space<vmem>>, vector<16xf32>,
        %add3A_690 = arith.addf %get3A_686, %get3A_689 : vector<16xf32>
        %mul3A_691 = arith.mulf %convert_element_type3A_620, %sub3A_72 : vector<16xf32>
        %add3A_692 = arith.addf %add3A_690, %mul3A_691 : vector<16xf32>
        %add3A_693 = arith.addf %add3A_629, %add3A_638 : vector<16xf32>
        %add3A_694 = arith.addf %add3A_647, %add3A_656 : vector<16xf32>
        %add3A_695 = arith.addf %add3A_665, %add3A_674 : vector<16xf32>
        %add3A_696 = arith.addf %add3A_683, %add3A_692 : vector<16xf32>
        %add3A_697 = arith.addf %add3A_693, %add3A_694 : vector<16xf32>
        %add3A_698 = arith.addf %add3A_695, %add3A_696 : vector<16xf32>
        %add3A_699 = arith.addf %add3A_697, %add3A_698 : vector<16xf32>
        %mul3A_700 = arith.mulf %add3A_629, %add3A_629 : vector<16xf32>
        %mul3A_701 = arith.mulf %add3A_638, %add3A_638 : vector<16xf32>
        %mul3A_702 = arith.mulf %add3A_647, %add3A_647 : vector<16xf32>
        %mul3A_703 = arith.mulf %add3A_656, %add3A_656 : vector<16xf32>
        %mul3A_704 = arith.mulf %add3A_665, %add3A_665 : vector<16xf32>
        %mul3A_705 = arith.mulf %add3A_674, %add3A_674 : vector<16xf32>
        %mul3A_706 = arith.mulf %add3A_683, %add3A_683 : vector<16xf32>
        %mul3A_707 = arith.mulf %add3A_692, %add3A_692 : vector<16xf32>
        %add3A_708 = arith.addf %mul3A_700, %mul3A_701 : vector<16xf32>
        %add3A_709 = arith.addf %mul3A_702, %mul3A_703 : vector<16xf32>
        %add3A_710 = arith.addf %mul3A_704, %mul3A_705 : vector<16xf32>
        %add3A_711 = arith.addf %mul3A_706, %mul3A_707 : vector<16xf32>
        %add3A_712 = arith.addf %add3A_708, %add3A_709 : vector<16xf32>
        %add3A_713 = arith.addf %add3A_710, %add3A_711 : vector<16xf32>
        %add3A_714 = arith.addf %add3A_712, %add3A_713 : vector<16xf32>
        %reduce_sum3A_715 = arith.constant true
        %reduce_sum3A_716 = vector.broadcast %reduce_sum3A_715 : i1 to vector<16xi1>
        %reduce_sum3A_717 = tpu.scan <sum>, %add3A_699 masked %reduce_sum3A_716 : vector<16xf32>, vector<16xi1> -> vector<16xf32>
        %reduce_sum3A_718 = vector.extract %reduce_sum3A_717[15] : f32 from vector<16xf32>
        %reduce_sum3A_719 = arith.constant true
        %reduce_sum3A_720 = vector.broadcast %reduce_sum3A_719 : i1 to vector<16xi1>
        %reduce_sum3A_721 = tpu.scan <sum>, %add3A_714 masked %reduce_sum3A_720 : vector<16xf32>, vector<16xi1> -> vector<16xf32>
        %reduce_sum3A_722 = vector.extract %reduce_sum3A_721[15] : f32 from vector<16xf32>
        %broadcast_in_dim3A_723 = vector.broadcast %reduce_sum3A_718 : f32 to vector<16xf32>
        %mul3A_724 = arith.constant 7.812500e-03 : f32
        %mul3A_725 = vector.broadcast %mul3A_724 : f32 to vector<16xf32>
        %mul3A_726 = arith.mulf %broadcast_in_dim3A_723, %mul3A_725 : vector<16xf32>
        %broadcast_in_dim3A_727 = vector.broadcast %reduce_sum3A_722 : f32 to vector<16xf32>
        %mul3A_728 = arith.constant 7.812500e-03 : f32
        %mul3A_729 = vector.broadcast %mul3A_728 : f32 to vector<16xf32>
        %mul3A_730 = arith.mulf %broadcast_in_dim3A_727, %mul3A_729 : vector<16xf32>
        %mul3A_731 = arith.mulf %mul3A_726, %mul3A_726 : vector<16xf32>
        %sub3A_732 = arith.subf %mul3A_730, %mul3A_731 : vector<16xf32>
        %max3A_733 = arith.constant 0.000000e+00 : f32
        %max3A_734 = vector.broadcast %max3A_733 : f32 to vector<16xf32>
        %max3A_735 = arith.maximumf %sub3A_732, %max3A_734 : vector<16xf32>
        %add3A_736 = arith.constant 9.99999996E-13 : f32
        %add3A_737 = vector.broadcast %add3A_736 : f32 to vector<16xf32>
        %add3A_738 = arith.addf %max3A_735, %add3A_737 : vector<16xf32>
        %bitcast_convert_type3A_739 = tpu.bitcast %add3A_738 : vector<16xf32> -> vector<16xi32>
        %shift_right_logical3A_740 = arith.constant 1 : i32
        %shift_right_logical3A_741 = vector.broadcast %shift_right_logical3A_740 : i32 to vector<16xi32>
        %shift_right_logical3A_742 = arith.shrui %bitcast_convert_type3A_739, %shift_right_logical3A_741 : vector<16xi32>
        %sub3A_743 = arith.constant 1597463007 : i32
        %sub3A_744 = vector.broadcast %sub3A_743 : i32 to vector<16xi32>
        %sub3A_745 = arith.subi %sub3A_744, %shift_right_logical3A_742 : vector<16xi32>
        %bitcast_convert_type3A_746 = tpu.bitcast %sub3A_745 : vector<16xi32> -> vector<16xf32>
        %mul3A_747 = arith.constant 5.000000e-01 : f32
        %mul3A_748 = vector.broadcast %mul3A_747 : f32 to vector<16xf32>
        %mul3A_749 = arith.mulf %mul3A_748, %add3A_738 : vector<16xf32>
        %mul3A_750 = arith.mulf %mul3A_749, %bitcast_convert_type3A_746 : vector<16xf32>
        %mul3A_751 = arith.mulf %mul3A_750, %bitcast_convert_type3A_746 : vector<16xf32>
        %sub3A_752 = arith.constant 1.500000e+00 : f32
        %sub3A_753 = vector.broadcast %sub3A_752 : f32 to vector<16xf32>
        %sub3A_754 = arith.subf %sub3A_753, %mul3A_751 : vector<16xf32>
        %mul3A_755 = arith.mulf %bitcast_convert_type3A_746, %sub3A_754 : vector<16xf32>
        %mul3A_756 = arith.constant 5.000000e-01 : f32
        %mul3A_757 = vector.broadcast %mul3A_756 : f32 to vector<16xf32>
        %mul3A_758 = arith.mulf %mul3A_757, %add3A_738 : vector<16xf32>
        %mul3A_759 = arith.mulf %mul3A_758, %mul3A_755 : vector<16xf32>
        %mul3A_760 = arith.mulf %mul3A_759, %mul3A_755 : vector<16xf32>
        %sub3A_761 = arith.constant 1.500000e+00 : f32
        %sub3A_762 = vector.broadcast %sub3A_761 : f32 to vector<16xf32>
        %sub3A_763 = arith.subf %sub3A_762, %mul3A_760 : vector<16xf32>
        %mul3A_764 = arith.mulf %mul3A_755, %sub3A_763 : vector<16xf32>
        %mul3A_765 = arith.mulf %mul3A_764, %get3A_79 : vector<16xf32>
        %mul3A_766 = arith.mulf %add3A_629, %mul3A_765 : vector<16xf32>
        %mul3A_767 = arith.mulf %mul3A_726, %mul3A_765 : vector<16xf32>
        %sub3A_768 = arith.subf %get3A_95, %mul3A_767 : vector<16xf32>
        %add3A_769 = arith.addf %mul3A_766, %sub3A_768 : vector<16xf32>
        %swap3A_770 = arith.index_cast %scan3A_612 : i32 to index
        %swap3A_771 = arith.constant 0 : index
        %swap3A_772 = tpu.vector_load %arg16[%swap3A_770, %swap3A_771] {strides = array<i32>} : memref<128x128xf32, #tpu.memory_space<vmem>>, vector<16xf32>,
        tpu.vector_store %arg16[%swap3A_770, %swap3A_771], %add3A_769 {strides = array<i32>} : memref<128x128xf32, #tpu.memory_space<vmem>>, vector<16xf32>,
        %mul3A_773 = arith.mulf %mul3A_764, %get3A_81 : vector<16xf32>
        %mul3A_774 = arith.mulf %add3A_638, %mul3A_773 : vector<16xf32>
        %mul3A_775 = arith.mulf %mul3A_726, %mul3A_773 : vector<16xf32>
        %sub3A_776 = arith.subf %get3A_97, %mul3A_775 : vector<16xf32>
        %add3A_777 = arith.addf %mul3A_774, %sub3A_776 : vector<16xf32>
        %swap3A_778 = arith.index_cast %scan3A_612 : i32 to index
        %swap3A_779 = arith.constant 16 : index
        %swap3A_780 = tpu.vector_load %arg16[%swap3A_778, %swap3A_779] {strides = array<i32>} : memref<128x128xf32, #tpu.memory_space<vmem>>, vector<16xf32>,
        tpu.vector_store %arg16[%swap3A_778, %swap3A_779], %add3A_777 {strides = array<i32>} : memref<128x128xf32, #tpu.memory_space<vmem>>, vector<16xf32>,
        %mul3A_781 = arith.mulf %mul3A_764, %get3A_83 : vector<16xf32>
        %mul3A_782 = arith.mulf %add3A_647, %mul3A_781 : vector<16xf32>
        %mul3A_783 = arith.mulf %mul3A_726, %mul3A_781 : vector<16xf32>
        %sub3A_784 = arith.subf %get3A_99, %mul3A_783 : vector<16xf32>
        %add3A_785 = arith.addf %mul3A_782, %sub3A_784 : vector<16xf32>
        %swap3A_786 = arith.index_cast %scan3A_612 : i32 to index
        %swap3A_787 = arith.constant 32 : index
        %swap3A_788 = tpu.vector_load %arg16[%swap3A_786, %swap3A_787] {strides = array<i32>} : memref<128x128xf32, #tpu.memory_space<vmem>>, vector<16xf32>,
        tpu.vector_store %arg16[%swap3A_786, %swap3A_787], %add3A_785 {strides = array<i32>} : memref<128x128xf32, #tpu.memory_space<vmem>>, vector<16xf32>,
        %mul3A_789 = arith.mulf %mul3A_764, %get3A_85 : vector<16xf32>
        %mul3A_790 = arith.mulf %add3A_656, %mul3A_789 : vector<16xf32>
        %mul3A_791 = arith.mulf %mul3A_726, %mul3A_789 : vector<16xf32>
        %sub3A_792 = arith.subf %get3A_101, %mul3A_791 : vector<16xf32>
        %add3A_793 = arith.addf %mul3A_790, %sub3A_792 : vector<16xf32>
        %swap3A_794 = arith.index_cast %scan3A_612 : i32 to index
        %swap3A_795 = arith.constant 48 : index
        %swap3A_796 = tpu.vector_load %arg16[%swap3A_794, %swap3A_795] {strides = array<i32>} : memref<128x128xf32, #tpu.memory_space<vmem>>, vector<16xf32>,
        tpu.vector_store %arg16[%swap3A_794, %swap3A_795], %add3A_793 {strides = array<i32>} : memref<128x128xf32, #tpu.memory_space<vmem>>, vector<16xf32>,
        %mul3A_797 = arith.mulf %mul3A_764, %get3A_87 : vector<16xf32>
        %mul3A_798 = arith.mulf %add3A_665, %mul3A_797 : vector<16xf32>
        %mul3A_799 = arith.mulf %mul3A_726, %mul3A_797 : vector<16xf32>
        %sub3A_800 = arith.subf %get3A_103, %mul3A_799 : vector<16xf32>
        %add3A_801 = arith.addf %mul3A_798, %sub3A_800 : vector<16xf32>
        %swap3A_802 = arith.index_cast %scan3A_612 : i32 to index
        %swap3A_803 = arith.constant 64 : index
        %swap3A_804 = tpu.vector_load %arg16[%swap3A_802, %swap3A_803] {strides = array<i32>} : memref<128x128xf32, #tpu.memory_space<vmem>>, vector<16xf32>,
        tpu.vector_store %arg16[%swap3A_802, %swap3A_803], %add3A_801 {strides = array<i32>} : memref<128x128xf32, #tpu.memory_space<vmem>>, vector<16xf32>,
        %mul3A_805 = arith.mulf %mul3A_764, %get3A_89 : vector<16xf32>
        %mul3A_806 = arith.mulf %add3A_674, %mul3A_805 : vector<16xf32>
        %mul3A_807 = arith.mulf %mul3A_726, %mul3A_805 : vector<16xf32>
        %sub3A_808 = arith.subf %get3A_105, %mul3A_807 : vector<16xf32>
        %add3A_809 = arith.addf %mul3A_806, %sub3A_808 : vector<16xf32>
        %swap3A_810 = arith.index_cast %scan3A_612 : i32 to index
        %swap3A_811 = arith.constant 80 : index
        %swap3A_812 = tpu.vector_load %arg16[%swap3A_810, %swap3A_811] {strides = array<i32>} : memref<128x128xf32, #tpu.memory_space<vmem>>, vector<16xf32>,
        tpu.vector_store %arg16[%swap3A_810, %swap3A_811], %add3A_809 {strides = array<i32>} : memref<128x128xf32, #tpu.memory_space<vmem>>, vector<16xf32>,
        %mul3A_813 = arith.mulf %mul3A_764, %get3A_91 : vector<16xf32>
        %mul3A_814 = arith.mulf %add3A_683, %mul3A_813 : vector<16xf32>
        %mul3A_815 = arith.mulf %mul3A_726, %mul3A_813 : vector<16xf32>
        %sub3A_816 = arith.subf %get3A_107, %mul3A_815 : vector<16xf32>
        %add3A_817 = arith.addf %mul3A_814, %sub3A_816 : vector<16xf32>
        %swap3A_818 = arith.index_cast %scan3A_612 : i32 to index
        %swap3A_819 = arith.constant 96 : index
        %swap3A_820 = tpu.vector_load %arg16[%swap3A_818, %swap3A_819] {strides = array<i32>} : memref<128x128xf32, #tpu.memory_space<vmem>>, vector<16xf32>,
        tpu.vector_store %arg16[%swap3A_818, %swap3A_819], %add3A_817 {strides = array<i32>} : memref<128x128xf32, #tpu.memory_space<vmem>>, vector<16xf32>,
        %mul3A_821 = arith.mulf %mul3A_764, %get3A_93 : vector<16xf32>
        %mul3A_822 = arith.mulf %add3A_692, %mul3A_821 : vector<16xf32>
        %mul3A_823 = arith.mulf %mul3A_726, %mul3A_821 : vector<16xf32>
        %sub3A_824 = arith.subf %get3A_109, %mul3A_823 : vector<16xf32>
        %add3A_825 = arith.addf %mul3A_822, %sub3A_824 : vector<16xf32>
        %swap3A_826 = arith.index_cast %scan3A_612 : i32 to index
        %swap3A_827 = arith.constant 112 : index
        %swap3A_828 = tpu.vector_load %arg16[%swap3A_826, %swap3A_827] {strides = array<i32>} : memref<128x128xf32, #tpu.memory_space<vmem>>, vector<16xf32>,
        tpu.vector_store %arg16[%swap3A_826, %swap3A_827], %add3A_825 {strides = array<i32>} : memref<128x128xf32, #tpu.memory_space<vmem>>, vector<16xf32>,
        %scan3A_829 = arith.constant 3 : i32
        %scan3A_830 = arith.addi %scan3A_184, %scan3A_829 : i32
        %mul3A_831 = arith.constant 128 : i32
        %mul3A_832 = arith.muli %mul3A_127, %mul3A_831 : i32
        %add3A_833 = arith.addi %mul3A_832, %scan3A_830 : i32
        %rem3A_834 = arith.constant 200 : i32
        %rem3A_835 = arith.remsi %add3A_833, %rem3A_834 : i32
        %broadcast_in_dim3A_836 = vector.broadcast %scan3A_830 : i32 to vector<16xi32>
        %gather3A_837 = tpu.vector_load_idx %arg12[%broadcast_in_dim3A_836] : memref<128xi32, #tpu.memory_space<vmem>>[vector<16xi32>], vector<16xi32>,
        %convert_element_type3A_838 = arith.sitofp %gather3A_837 : vector<16xi32> to vector<16xf32>
        %get3A_839 = arith.index_cast %scan3A_830 : i32 to index
        %get3A_840 = arith.constant 0 : index
        %get3A_841 = tpu.vector_load %arg14[%get3A_839, %get3A_840] {strides = array<i32>} : memref<128x128xf32, #tpu.memory_space<vmem>>, vector<16xf32>,
        %get3A_842 = arith.index_cast %rem3A_835 : i32 to index
        %get3A_843 = arith.constant 0 : index
        %get3A_844 = tpu.vector_load %arg18[%get3A_842, %get3A_843] {strides = array<i32>} : memref<200x128xf32, #tpu.memory_space<vmem>>, vector<16xf32>,
        %add3A_845 = arith.addf %get3A_841, %get3A_844 : vector<16xf32>
        %mul3A_846 = arith.mulf %convert_element_type3A_838, %sub3A : vector<16xf32>
        %add3A_847 = arith.addf %add3A_845, %mul3A_846 : vector<16xf32>
        %get3A_848 = arith.index_cast %scan3A_830 : i32 to index
        %get3A_849 = arith.constant 16 : index
        %get3A_850 = tpu.vector_load %arg14[%get3A_848, %get3A_849] {strides = array<i32>} : memref<128x128xf32, #tpu.memory_space<vmem>>, vector<16xf32>,
        %get3A_851 = arith.index_cast %rem3A_835 : i32 to index
        %get3A_852 = arith.constant 16 : index
        %get3A_853 = tpu.vector_load %arg18[%get3A_851, %get3A_852] {strides = array<i32>} : memref<200x128xf32, #tpu.memory_space<vmem>>, vector<16xf32>,
        %add3A_854 = arith.addf %get3A_850, %get3A_853 : vector<16xf32>
        %mul3A_855 = arith.mulf %convert_element_type3A_838, %sub3A_42 : vector<16xf32>
        %add3A_856 = arith.addf %add3A_854, %mul3A_855 : vector<16xf32>
        %get3A_857 = arith.index_cast %scan3A_830 : i32 to index
        %get3A_858 = arith.constant 32 : index
        %get3A_859 = tpu.vector_load %arg14[%get3A_857, %get3A_858] {strides = array<i32>} : memref<128x128xf32, #tpu.memory_space<vmem>>, vector<16xf32>,
        %get3A_860 = arith.index_cast %rem3A_835 : i32 to index
        %get3A_861 = arith.constant 32 : index
        %get3A_862 = tpu.vector_load %arg18[%get3A_860, %get3A_861] {strides = array<i32>} : memref<200x128xf32, #tpu.memory_space<vmem>>, vector<16xf32>,
        %add3A_863 = arith.addf %get3A_859, %get3A_862 : vector<16xf32>
        %mul3A_864 = arith.mulf %convert_element_type3A_838, %sub3A_47 : vector<16xf32>
        %add3A_865 = arith.addf %add3A_863, %mul3A_864 : vector<16xf32>
        %get3A_866 = arith.index_cast %scan3A_830 : i32 to index
        %get3A_867 = arith.constant 48 : index
        %get3A_868 = tpu.vector_load %arg14[%get3A_866, %get3A_867] {strides = array<i32>} : memref<128x128xf32, #tpu.memory_space<vmem>>, vector<16xf32>,
        %get3A_869 = arith.index_cast %rem3A_835 : i32 to index
        %get3A_870 = arith.constant 48 : index
        %get3A_871 = tpu.vector_load %arg18[%get3A_869, %get3A_870] {strides = array<i32>} : memref<200x128xf32, #tpu.memory_space<vmem>>, vector<16xf32>,
        %add3A_872 = arith.addf %get3A_868, %get3A_871 : vector<16xf32>
        %mul3A_873 = arith.mulf %convert_element_type3A_838, %sub3A_52 : vector<16xf32>
        %add3A_874 = arith.addf %add3A_872, %mul3A_873 : vector<16xf32>
        %get3A_875 = arith.index_cast %scan3A_830 : i32 to index
        %get3A_876 = arith.constant 64 : index
        %get3A_877 = tpu.vector_load %arg14[%get3A_875, %get3A_876] {strides = array<i32>} : memref<128x128xf32, #tpu.memory_space<vmem>>, vector<16xf32>,
        %get3A_878 = arith.index_cast %rem3A_835 : i32 to index
        %get3A_879 = arith.constant 64 : index
        %get3A_880 = tpu.vector_load %arg18[%get3A_878, %get3A_879] {strides = array<i32>} : memref<200x128xf32, #tpu.memory_space<vmem>>, vector<16xf32>,
        %add3A_881 = arith.addf %get3A_877, %get3A_880 : vector<16xf32>
        %mul3A_882 = arith.mulf %convert_element_type3A_838, %sub3A_57 : vector<16xf32>
        %add3A_883 = arith.addf %add3A_881, %mul3A_882 : vector<16xf32>
        %get3A_884 = arith.index_cast %scan3A_830 : i32 to index
        %get3A_885 = arith.constant 80 : index
        %get3A_886 = tpu.vector_load %arg14[%get3A_884, %get3A_885] {strides = array<i32>} : memref<128x128xf32, #tpu.memory_space<vmem>>, vector<16xf32>,
        %get3A_887 = arith.index_cast %rem3A_835 : i32 to index
        %get3A_888 = arith.constant 80 : index
        %get3A_889 = tpu.vector_load %arg18[%get3A_887, %get3A_888] {strides = array<i32>} : memref<200x128xf32, #tpu.memory_space<vmem>>, vector<16xf32>,
        %add3A_890 = arith.addf %get3A_886, %get3A_889 : vector<16xf32>
        %mul3A_891 = arith.mulf %convert_element_type3A_838, %sub3A_62 : vector<16xf32>
        %add3A_892 = arith.addf %add3A_890, %mul3A_891 : vector<16xf32>
        %get3A_893 = arith.index_cast %scan3A_830 : i32 to index
        %get3A_894 = arith.constant 96 : index
        %get3A_895 = tpu.vector_load %arg14[%get3A_893, %get3A_894] {strides = array<i32>} : memref<128x128xf32, #tpu.memory_space<vmem>>, vector<16xf32>,
        %get3A_896 = arith.index_cast %rem3A_835 : i32 to index
        %get3A_897 = arith.constant 96 : index
        %get3A_898 = tpu.vector_load %arg18[%get3A_896, %get3A_897] {strides = array<i32>} : memref<200x128xf32, #tpu.memory_space<vmem>>, vector<16xf32>,
        %add3A_899 = arith.addf %get3A_895, %get3A_898 : vector<16xf32>
        %mul3A_900 = arith.mulf %convert_element_type3A_838, %sub3A_67 : vector<16xf32>
        %add3A_901 = arith.addf %add3A_899, %mul3A_900 : vector<16xf32>
        %get3A_902 = arith.index_cast %scan3A_830 : i32 to index
        %get3A_903 = arith.constant 112 : index
        %get3A_904 = tpu.vector_load %arg14[%get3A_902, %get3A_903] {strides = array<i32>} : memref<128x128xf32, #tpu.memory_space<vmem>>, vector<16xf32>,
        %get3A_905 = arith.index_cast %rem3A_835 : i32 to index
        %get3A_906 = arith.constant 112 : index
        %get3A_907 = tpu.vector_load %arg18[%get3A_905, %get3A_906] {strides = array<i32>} : memref<200x128xf32, #tpu.memory_space<vmem>>, vector<16xf32>,
        %add3A_908 = arith.addf %get3A_904, %get3A_907 : vector<16xf32>
        %mul3A_909 = arith.mulf %convert_element_type3A_838, %sub3A_72 : vector<16xf32>
        %add3A_910 = arith.addf %add3A_908, %mul3A_909 : vector<16xf32>
        %add3A_911 = arith.addf %add3A_847, %add3A_856 : vector<16xf32>
        %add3A_912 = arith.addf %add3A_865, %add3A_874 : vector<16xf32>
        %add3A_913 = arith.addf %add3A_883, %add3A_892 : vector<16xf32>
        %add3A_914 = arith.addf %add3A_901, %add3A_910 : vector<16xf32>
        %add3A_915 = arith.addf %add3A_911, %add3A_912 : vector<16xf32>
        %add3A_916 = arith.addf %add3A_913, %add3A_914 : vector<16xf32>
        %add3A_917 = arith.addf %add3A_915, %add3A_916 : vector<16xf32>
        %mul3A_918 = arith.mulf %add3A_847, %add3A_847 : vector<16xf32>
        %mul3A_919 = arith.mulf %add3A_856, %add3A_856 : vector<16xf32>
        %mul3A_920 = arith.mulf %add3A_865, %add3A_865 : vector<16xf32>
        %mul3A_921 = arith.mulf %add3A_874, %add3A_874 : vector<16xf32>
        %mul3A_922 = arith.mulf %add3A_883, %add3A_883 : vector<16xf32>
        %mul3A_923 = arith.mulf %add3A_892, %add3A_892 : vector<16xf32>
        %mul3A_924 = arith.mulf %add3A_901, %add3A_901 : vector<16xf32>
        %mul3A_925 = arith.mulf %add3A_910, %add3A_910 : vector<16xf32>
        %add3A_926 = arith.addf %mul3A_918, %mul3A_919 : vector<16xf32>
        %add3A_927 = arith.addf %mul3A_920, %mul3A_921 : vector<16xf32>
        %add3A_928 = arith.addf %mul3A_922, %mul3A_923 : vector<16xf32>
        %add3A_929 = arith.addf %mul3A_924, %mul3A_925 : vector<16xf32>
        %add3A_930 = arith.addf %add3A_926, %add3A_927 : vector<16xf32>
        %add3A_931 = arith.addf %add3A_928, %add3A_929 : vector<16xf32>
        %add3A_932 = arith.addf %add3A_930, %add3A_931 : vector<16xf32>
        %reduce_sum3A_933 = arith.constant true
        %reduce_sum3A_934 = vector.broadcast %reduce_sum3A_933 : i1 to vector<16xi1>
        %reduce_sum3A_935 = tpu.scan <sum>, %add3A_917 masked %reduce_sum3A_934 : vector<16xf32>, vector<16xi1> -> vector<16xf32>
        %reduce_sum3A_936 = vector.extract %reduce_sum3A_935[15] : f32 from vector<16xf32>
        %reduce_sum3A_937 = arith.constant true
        %reduce_sum3A_938 = vector.broadcast %reduce_sum3A_937 : i1 to vector<16xi1>
        %reduce_sum3A_939 = tpu.scan <sum>, %add3A_932 masked %reduce_sum3A_938 : vector<16xf32>, vector<16xi1> -> vector<16xf32>
        %reduce_sum3A_940 = vector.extract %reduce_sum3A_939[15] : f32 from vector<16xf32>
        %broadcast_in_dim3A_941 = vector.broadcast %reduce_sum3A_936 : f32 to vector<16xf32>
        %mul3A_942 = arith.constant 7.812500e-03 : f32
        %mul3A_943 = vector.broadcast %mul3A_942 : f32 to vector<16xf32>
        %mul3A_944 = arith.mulf %broadcast_in_dim3A_941, %mul3A_943 : vector<16xf32>
        %broadcast_in_dim3A_945 = vector.broadcast %reduce_sum3A_940 : f32 to vector<16xf32>
        %mul3A_946 = arith.constant 7.812500e-03 : f32
        %mul3A_947 = vector.broadcast %mul3A_946 : f32 to vector<16xf32>
        %mul3A_948 = arith.mulf %broadcast_in_dim3A_945, %mul3A_947 : vector<16xf32>
        %mul3A_949 = arith.mulf %mul3A_944, %mul3A_944 : vector<16xf32>
        %sub3A_950 = arith.subf %mul3A_948, %mul3A_949 : vector<16xf32>
        %max3A_951 = arith.constant 0.000000e+00 : f32
        %max3A_952 = vector.broadcast %max3A_951 : f32 to vector<16xf32>
        %max3A_953 = arith.maximumf %sub3A_950, %max3A_952 : vector<16xf32>
        %add3A_954 = arith.constant 9.99999996E-13 : f32
        %add3A_955 = vector.broadcast %add3A_954 : f32 to vector<16xf32>
        %add3A_956 = arith.addf %max3A_953, %add3A_955 : vector<16xf32>
        %bitcast_convert_type3A_957 = tpu.bitcast %add3A_956 : vector<16xf32> -> vector<16xi32>
        %shift_right_logical3A_958 = arith.constant 1 : i32
        %shift_right_logical3A_959 = vector.broadcast %shift_right_logical3A_958 : i32 to vector<16xi32>
        %shift_right_logical3A_960 = arith.shrui %bitcast_convert_type3A_957, %shift_right_logical3A_959 : vector<16xi32>
        %sub3A_961 = arith.constant 1597463007 : i32
        %sub3A_962 = vector.broadcast %sub3A_961 : i32 to vector<16xi32>
        %sub3A_963 = arith.subi %sub3A_962, %shift_right_logical3A_960 : vector<16xi32>
        %bitcast_convert_type3A_964 = tpu.bitcast %sub3A_963 : vector<16xi32> -> vector<16xf32>
        %mul3A_965 = arith.constant 5.000000e-01 : f32
        %mul3A_966 = vector.broadcast %mul3A_965 : f32 to vector<16xf32>
        %mul3A_967 = arith.mulf %mul3A_966, %add3A_956 : vector<16xf32>
        %mul3A_968 = arith.mulf %mul3A_967, %bitcast_convert_type3A_964 : vector<16xf32>
        %mul3A_969 = arith.mulf %mul3A_968, %bitcast_convert_type3A_964 : vector<16xf32>
        %sub3A_970 = arith.constant 1.500000e+00 : f32
        %sub3A_971 = vector.broadcast %sub3A_970 : f32 to vector<16xf32>
        %sub3A_972 = arith.subf %sub3A_971, %mul3A_969 : vector<16xf32>
        %mul3A_973 = arith.mulf %bitcast_convert_type3A_964, %sub3A_972 : vector<16xf32>
        %mul3A_974 = arith.constant 5.000000e-01 : f32
        %mul3A_975 = vector.broadcast %mul3A_974 : f32 to vector<16xf32>
        %mul3A_976 = arith.mulf %mul3A_975, %add3A_956 : vector<16xf32>
        %mul3A_977 = arith.mulf %mul3A_976, %mul3A_973 : vector<16xf32>
        %mul3A_978 = arith.mulf %mul3A_977, %mul3A_973 : vector<16xf32>
        %sub3A_979 = arith.constant 1.500000e+00 : f32
        %sub3A_980 = vector.broadcast %sub3A_979 : f32 to vector<16xf32>
        %sub3A_981 = arith.subf %sub3A_980, %mul3A_978 : vector<16xf32>
        %mul3A_982 = arith.mulf %mul3A_973, %sub3A_981 : vector<16xf32>
        %mul3A_983 = arith.mulf %mul3A_982, %get3A_79 : vector<16xf32>
        %mul3A_984 = arith.mulf %add3A_847, %mul3A_983 : vector<16xf32>
        %mul3A_985 = arith.mulf %mul3A_944, %mul3A_983 : vector<16xf32>
        %sub3A_986 = arith.subf %get3A_95, %mul3A_985 : vector<16xf32>
        %add3A_987 = arith.addf %mul3A_984, %sub3A_986 : vector<16xf32>
        %swap3A_988 = arith.index_cast %scan3A_830 : i32 to index
        %swap3A_989 = arith.constant 0 : index
        %swap3A_990 = tpu.vector_load %arg16[%swap3A_988, %swap3A_989] {strides = array<i32>} : memref<128x128xf32, #tpu.memory_space<vmem>>, vector<16xf32>,
        tpu.vector_store %arg16[%swap3A_988, %swap3A_989], %add3A_987 {strides = array<i32>} : memref<128x128xf32, #tpu.memory_space<vmem>>, vector<16xf32>,
        %mul3A_991 = arith.mulf %mul3A_982, %get3A_81 : vector<16xf32>
        %mul3A_992 = arith.mulf %add3A_856, %mul3A_991 : vector<16xf32>
        %mul3A_993 = arith.mulf %mul3A_944, %mul3A_991 : vector<16xf32>
        %sub3A_994 = arith.subf %get3A_97, %mul3A_993 : vector<16xf32>
        %add3A_995 = arith.addf %mul3A_992, %sub3A_994 : vector<16xf32>
        %swap3A_996 = arith.index_cast %scan3A_830 : i32 to index
        %swap3A_997 = arith.constant 16 : index
        %swap3A_998 = tpu.vector_load %arg16[%swap3A_996, %swap3A_997] {strides = array<i32>} : memref<128x128xf32, #tpu.memory_space<vmem>>, vector<16xf32>,
        tpu.vector_store %arg16[%swap3A_996, %swap3A_997], %add3A_995 {strides = array<i32>} : memref<128x128xf32, #tpu.memory_space<vmem>>, vector<16xf32>,
        %mul3A_999 = arith.mulf %mul3A_982, %get3A_83 : vector<16xf32>
        %mul3A_1000 = arith.mulf %add3A_865, %mul3A_999 : vector<16xf32>
        %mul3A_1001 = arith.mulf %mul3A_944, %mul3A_999 : vector<16xf32>
        %sub3A_1002 = arith.subf %get3A_99, %mul3A_1001 : vector<16xf32>
        %add3A_1003 = arith.addf %mul3A_1000, %sub3A_1002 : vector<16xf32>
        %swap3A_1004 = arith.index_cast %scan3A_830 : i32 to index
        %swap3A_1005 = arith.constant 32 : index
        %swap3A_1006 = tpu.vector_load %arg16[%swap3A_1004, %swap3A_1005] {strides = array<i32>} : memref<128x128xf32, #tpu.memory_space<vmem>>, vector<16xf32>,
        tpu.vector_store %arg16[%swap3A_1004, %swap3A_1005], %add3A_1003 {strides = array<i32>} : memref<128x128xf32, #tpu.memory_space<vmem>>, vector<16xf32>,
        %mul3A_1007 = arith.mulf %mul3A_982, %get3A_85 : vector<16xf32>
        %mul3A_1008 = arith.mulf %add3A_874, %mul3A_1007 : vector<16xf32>
        %mul3A_1009 = arith.mulf %mul3A_944, %mul3A_1007 : vector<16xf32>
        %sub3A_1010 = arith.subf %get3A_101, %mul3A_1009 : vector<16xf32>
        %add3A_1011 = arith.addf %mul3A_1008, %sub3A_1010 : vector<16xf32>
        %swap3A_1012 = arith.index_cast %scan3A_830 : i32 to index
        %swap3A_1013 = arith.constant 48 : index
        %swap3A_1014 = tpu.vector_load %arg16[%swap3A_1012, %swap3A_1013] {strides = array<i32>} : memref<128x128xf32, #tpu.memory_space<vmem>>, vector<16xf32>,
        tpu.vector_store %arg16[%swap3A_1012, %swap3A_1013], %add3A_1011 {strides = array<i32>} : memref<128x128xf32, #tpu.memory_space<vmem>>, vector<16xf32>,
        %mul3A_1015 = arith.mulf %mul3A_982, %get3A_87 : vector<16xf32>
        %mul3A_1016 = arith.mulf %add3A_883, %mul3A_1015 : vector<16xf32>
        %mul3A_1017 = arith.mulf %mul3A_944, %mul3A_1015 : vector<16xf32>
        %sub3A_1018 = arith.subf %get3A_103, %mul3A_1017 : vector<16xf32>
        %add3A_1019 = arith.addf %mul3A_1016, %sub3A_1018 : vector<16xf32>
        %swap3A_1020 = arith.index_cast %scan3A_830 : i32 to index
        %swap3A_1021 = arith.constant 64 : index
        %swap3A_1022 = tpu.vector_load %arg16[%swap3A_1020, %swap3A_1021] {strides = array<i32>} : memref<128x128xf32, #tpu.memory_space<vmem>>, vector<16xf32>,
        tpu.vector_store %arg16[%swap3A_1020, %swap3A_1021], %add3A_1019 {strides = array<i32>} : memref<128x128xf32, #tpu.memory_space<vmem>>, vector<16xf32>,
        %mul3A_1023 = arith.mulf %mul3A_982, %get3A_89 : vector<16xf32>
        %mul3A_1024 = arith.mulf %add3A_892, %mul3A_1023 : vector<16xf32>
        %mul3A_1025 = arith.mulf %mul3A_944, %mul3A_1023 : vector<16xf32>
        %sub3A_1026 = arith.subf %get3A_105, %mul3A_1025 : vector<16xf32>
        %add3A_1027 = arith.addf %mul3A_1024, %sub3A_1026 : vector<16xf32>
        %swap3A_1028 = arith.index_cast %scan3A_830 : i32 to index
        %swap3A_1029 = arith.constant 80 : index
        %swap3A_1030 = tpu.vector_load %arg16[%swap3A_1028, %swap3A_1029] {strides = array<i32>} : memref<128x128xf32, #tpu.memory_space<vmem>>, vector<16xf32>,
        tpu.vector_store %arg16[%swap3A_1028, %swap3A_1029], %add3A_1027 {strides = array<i32>} : memref<128x128xf32, #tpu.memory_space<vmem>>, vector<16xf32>,
        %mul3A_1031 = arith.mulf %mul3A_982, %get3A_91 : vector<16xf32>
        %mul3A_1032 = arith.mulf %add3A_901, %mul3A_1031 : vector<16xf32>
        %mul3A_1033 = arith.mulf %mul3A_944, %mul3A_1031 : vector<16xf32>
        %sub3A_1034 = arith.subf %get3A_107, %mul3A_1033 : vector<16xf32>
        %add3A_1035 = arith.addf %mul3A_1032, %sub3A_1034 : vector<16xf32>
        %swap3A_1036 = arith.index_cast %scan3A_830 : i32 to index
        %swap3A_1037 = arith.constant 96 : index
        %swap3A_1038 = tpu.vector_load %arg16[%swap3A_1036, %swap3A_1037] {strides = array<i32>} : memref<128x128xf32, #tpu.memory_space<vmem>>, vector<16xf32>,
        tpu.vector_store %arg16[%swap3A_1036, %swap3A_1037], %add3A_1035 {strides = array<i32>} : memref<128x128xf32, #tpu.memory_space<vmem>>, vector<16xf32>,
        %mul3A_1039 = arith.mulf %mul3A_982, %get3A_93 : vector<16xf32>
        %mul3A_1040 = arith.mulf %add3A_910, %mul3A_1039 : vector<16xf32>
        %mul3A_1041 = arith.mulf %mul3A_944, %mul3A_1039 : vector<16xf32>
        %sub3A_1042 = arith.subf %get3A_109, %mul3A_1041 : vector<16xf32>
        %add3A_1043 = arith.addf %mul3A_1040, %sub3A_1042 : vector<16xf32>
        %swap3A_1044 = arith.index_cast %scan3A_830 : i32 to index
        %swap3A_1045 = arith.constant 112 : index
        %swap3A_1046 = tpu.vector_load %arg16[%swap3A_1044, %swap3A_1045] {strides = array<i32>} : memref<128x128xf32, #tpu.memory_space<vmem>>, vector<16xf32>,
        tpu.vector_store %arg16[%swap3A_1044, %swap3A_1045], %add3A_1043 {strides = array<i32>} : memref<128x128xf32, #tpu.memory_space<vmem>>, vector<16xf32>,
        %scan3A_1047 = arith.constant 4 : i32
        %scan3A_1048 = arith.addi %scan3A_184, %scan3A_1047 : i32
        %mul3A_1049 = arith.constant 128 : i32
        %mul3A_1050 = arith.muli %mul3A_127, %mul3A_1049 : i32
        %add3A_1051 = arith.addi %mul3A_1050, %scan3A_1048 : i32
        %rem3A_1052 = arith.constant 200 : i32
        %rem3A_1053 = arith.remsi %add3A_1051, %rem3A_1052 : i32
        %broadcast_in_dim3A_1054 = vector.broadcast %scan3A_1048 : i32 to vector<16xi32>
        %gather3A_1055 = tpu.vector_load_idx %arg12[%broadcast_in_dim3A_1054] : memref<128xi32, #tpu.memory_space<vmem>>[vector<16xi32>], vector<16xi32>,
        %convert_element_type3A_1056 = arith.sitofp %gather3A_1055 : vector<16xi32> to vector<16xf32>
        %get3A_1057 = arith.index_cast %scan3A_1048 : i32 to index
        %get3A_1058 = arith.constant 0 : index
        %get3A_1059 = tpu.vector_load %arg14[%get3A_1057, %get3A_1058] {strides = array<i32>} : memref<128x128xf32, #tpu.memory_space<vmem>>, vector<16xf32>,
        %get3A_1060 = arith.index_cast %rem3A_1053 : i32 to index
        %get3A_1061 = arith.constant 0 : index
        %get3A_1062 = tpu.vector_load %arg18[%get3A_1060, %get3A_1061] {strides = array<i32>} : memref<200x128xf32, #tpu.memory_space<vmem>>, vector<16xf32>,
        %add3A_1063 = arith.addf %get3A_1059, %get3A_1062 : vector<16xf32>
        %mul3A_1064 = arith.mulf %convert_element_type3A_1056, %sub3A : vector<16xf32>
        %add3A_1065 = arith.addf %add3A_1063, %mul3A_1064 : vector<16xf32>
        %get3A_1066 = arith.index_cast %scan3A_1048 : i32 to index
        %get3A_1067 = arith.constant 16 : index
        %get3A_1068 = tpu.vector_load %arg14[%get3A_1066, %get3A_1067] {strides = array<i32>} : memref<128x128xf32, #tpu.memory_space<vmem>>, vector<16xf32>,
        %get3A_1069 = arith.index_cast %rem3A_1053 : i32 to index
        %get3A_1070 = arith.constant 16 : index
        %get3A_1071 = tpu.vector_load %arg18[%get3A_1069, %get3A_1070] {strides = array<i32>} : memref<200x128xf32, #tpu.memory_space<vmem>>, vector<16xf32>,
        %add3A_1072 = arith.addf %get3A_1068, %get3A_1071 : vector<16xf32>
        %mul3A_1073 = arith.mulf %convert_element_type3A_1056, %sub3A_42 : vector<16xf32>
        %add3A_1074 = arith.addf %add3A_1072, %mul3A_1073 : vector<16xf32>
        %get3A_1075 = arith.index_cast %scan3A_1048 : i32 to index
        %get3A_1076 = arith.constant 32 : index
        %get3A_1077 = tpu.vector_load %arg14[%get3A_1075, %get3A_1076] {strides = array<i32>} : memref<128x128xf32, #tpu.memory_space<vmem>>, vector<16xf32>,
        %get3A_1078 = arith.index_cast %rem3A_1053 : i32 to index
        %get3A_1079 = arith.constant 32 : index
        %get3A_1080 = tpu.vector_load %arg18[%get3A_1078, %get3A_1079] {strides = array<i32>} : memref<200x128xf32, #tpu.memory_space<vmem>>, vector<16xf32>,
        %add3A_1081 = arith.addf %get3A_1077, %get3A_1080 : vector<16xf32>
        %mul3A_1082 = arith.mulf %convert_element_type3A_1056, %sub3A_47 : vector<16xf32>
        %add3A_1083 = arith.addf %add3A_1081, %mul3A_1082 : vector<16xf32>
        %get3A_1084 = arith.index_cast %scan3A_1048 : i32 to index
        %get3A_1085 = arith.constant 48 : index
        %get3A_1086 = tpu.vector_load %arg14[%get3A_1084, %get3A_1085] {strides = array<i32>} : memref<128x128xf32, #tpu.memory_space<vmem>>, vector<16xf32>,
        %get3A_1087 = arith.index_cast %rem3A_1053 : i32 to index
        %get3A_1088 = arith.constant 48 : index
        %get3A_1089 = tpu.vector_load %arg18[%get3A_1087, %get3A_1088] {strides = array<i32>} : memref<200x128xf32, #tpu.memory_space<vmem>>, vector<16xf32>,
        %add3A_1090 = arith.addf %get3A_1086, %get3A_1089 : vector<16xf32>
        %mul3A_1091 = arith.mulf %convert_element_type3A_1056, %sub3A_52 : vector<16xf32>
        %add3A_1092 = arith.addf %add3A_1090, %mul3A_1091 : vector<16xf32>
        %get3A_1093 = arith.index_cast %scan3A_1048 : i32 to index
        %get3A_1094 = arith.constant 64 : index
        %get3A_1095 = tpu.vector_load %arg14[%get3A_1093, %get3A_1094] {strides = array<i32>} : memref<128x128xf32, #tpu.memory_space<vmem>>, vector<16xf32>,
        %get3A_1096 = arith.index_cast %rem3A_1053 : i32 to index
        %get3A_1097 = arith.constant 64 : index
        %get3A_1098 = tpu.vector_load %arg18[%get3A_1096, %get3A_1097] {strides = array<i32>} : memref<200x128xf32, #tpu.memory_space<vmem>>, vector<16xf32>,
        %add3A_1099 = arith.addf %get3A_1095, %get3A_1098 : vector<16xf32>
        %mul3A_1100 = arith.mulf %convert_element_type3A_1056, %sub3A_57 : vector<16xf32>
        %add3A_1101 = arith.addf %add3A_1099, %mul3A_1100 : vector<16xf32>
        %get3A_1102 = arith.index_cast %scan3A_1048 : i32 to index
        %get3A_1103 = arith.constant 80 : index
        %get3A_1104 = tpu.vector_load %arg14[%get3A_1102, %get3A_1103] {strides = array<i32>} : memref<128x128xf32, #tpu.memory_space<vmem>>, vector<16xf32>,
        %get3A_1105 = arith.index_cast %rem3A_1053 : i32 to index
        %get3A_1106 = arith.constant 80 : index
        %get3A_1107 = tpu.vector_load %arg18[%get3A_1105, %get3A_1106] {strides = array<i32>} : memref<200x128xf32, #tpu.memory_space<vmem>>, vector<16xf32>,
        %add3A_1108 = arith.addf %get3A_1104, %get3A_1107 : vector<16xf32>
        %mul3A_1109 = arith.mulf %convert_element_type3A_1056, %sub3A_62 : vector<16xf32>
        %add3A_1110 = arith.addf %add3A_1108, %mul3A_1109 : vector<16xf32>
        %get3A_1111 = arith.index_cast %scan3A_1048 : i32 to index
        %get3A_1112 = arith.constant 96 : index
        %get3A_1113 = tpu.vector_load %arg14[%get3A_1111, %get3A_1112] {strides = array<i32>} : memref<128x128xf32, #tpu.memory_space<vmem>>, vector<16xf32>,
        %get3A_1114 = arith.index_cast %rem3A_1053 : i32 to index
        %get3A_1115 = arith.constant 96 : index
        %get3A_1116 = tpu.vector_load %arg18[%get3A_1114, %get3A_1115] {strides = array<i32>} : memref<200x128xf32, #tpu.memory_space<vmem>>, vector<16xf32>,
        %add3A_1117 = arith.addf %get3A_1113, %get3A_1116 : vector<16xf32>
        %mul3A_1118 = arith.mulf %convert_element_type3A_1056, %sub3A_67 : vector<16xf32>
        %add3A_1119 = arith.addf %add3A_1117, %mul3A_1118 : vector<16xf32>
        %get3A_1120 = arith.index_cast %scan3A_1048 : i32 to index
        %get3A_1121 = arith.constant 112 : index
        %get3A_1122 = tpu.vector_load %arg14[%get3A_1120, %get3A_1121] {strides = array<i32>} : memref<128x128xf32, #tpu.memory_space<vmem>>, vector<16xf32>,
        %get3A_1123 = arith.index_cast %rem3A_1053 : i32 to index
        %get3A_1124 = arith.constant 112 : index
        %get3A_1125 = tpu.vector_load %arg18[%get3A_1123, %get3A_1124] {strides = array<i32>} : memref<200x128xf32, #tpu.memory_space<vmem>>, vector<16xf32>,
        %add3A_1126 = arith.addf %get3A_1122, %get3A_1125 : vector<16xf32>
        %mul3A_1127 = arith.mulf %convert_element_type3A_1056, %sub3A_72 : vector<16xf32>
        %add3A_1128 = arith.addf %add3A_1126, %mul3A_1127 : vector<16xf32>
        %add3A_1129 = arith.addf %add3A_1065, %add3A_1074 : vector<16xf32>
        %add3A_1130 = arith.addf %add3A_1083, %add3A_1092 : vector<16xf32>
        %add3A_1131 = arith.addf %add3A_1101, %add3A_1110 : vector<16xf32>
        %add3A_1132 = arith.addf %add3A_1119, %add3A_1128 : vector<16xf32>
        %add3A_1133 = arith.addf %add3A_1129, %add3A_1130 : vector<16xf32>
        %add3A_1134 = arith.addf %add3A_1131, %add3A_1132 : vector<16xf32>
        %add3A_1135 = arith.addf %add3A_1133, %add3A_1134 : vector<16xf32>
        %mul3A_1136 = arith.mulf %add3A_1065, %add3A_1065 : vector<16xf32>
        %mul3A_1137 = arith.mulf %add3A_1074, %add3A_1074 : vector<16xf32>
        %mul3A_1138 = arith.mulf %add3A_1083, %add3A_1083 : vector<16xf32>
        %mul3A_1139 = arith.mulf %add3A_1092, %add3A_1092 : vector<16xf32>
        %mul3A_1140 = arith.mulf %add3A_1101, %add3A_1101 : vector<16xf32>
        %mul3A_1141 = arith.mulf %add3A_1110, %add3A_1110 : vector<16xf32>
        %mul3A_1142 = arith.mulf %add3A_1119, %add3A_1119 : vector<16xf32>
        %mul3A_1143 = arith.mulf %add3A_1128, %add3A_1128 : vector<16xf32>
        %add3A_1144 = arith.addf %mul3A_1136, %mul3A_1137 : vector<16xf32>
        %add3A_1145 = arith.addf %mul3A_1138, %mul3A_1139 : vector<16xf32>
        %add3A_1146 = arith.addf %mul3A_1140, %mul3A_1141 : vector<16xf32>
        %add3A_1147 = arith.addf %mul3A_1142, %mul3A_1143 : vector<16xf32>
        %add3A_1148 = arith.addf %add3A_1144, %add3A_1145 : vector<16xf32>
        %add3A_1149 = arith.addf %add3A_1146, %add3A_1147 : vector<16xf32>
        %add3A_1150 = arith.addf %add3A_1148, %add3A_1149 : vector<16xf32>
        %reduce_sum3A_1151 = arith.constant true
        %reduce_sum3A_1152 = vector.broadcast %reduce_sum3A_1151 : i1 to vector<16xi1>
        %reduce_sum3A_1153 = tpu.scan <sum>, %add3A_1135 masked %reduce_sum3A_1152 : vector<16xf32>, vector<16xi1> -> vector<16xf32>
        %reduce_sum3A_1154 = vector.extract %reduce_sum3A_1153[15] : f32 from vector<16xf32>
        %reduce_sum3A_1155 = arith.constant true
        %reduce_sum3A_1156 = vector.broadcast %reduce_sum3A_1155 : i1 to vector<16xi1>
        %reduce_sum3A_1157 = tpu.scan <sum>, %add3A_1150 masked %reduce_sum3A_1156 : vector<16xf32>, vector<16xi1> -> vector<16xf32>
        %reduce_sum3A_1158 = vector.extract %reduce_sum3A_1157[15] : f32 from vector<16xf32>
        %broadcast_in_dim3A_1159 = vector.broadcast %reduce_sum3A_1154 : f32 to vector<16xf32>
        %mul3A_1160 = arith.constant 7.812500e-03 : f32
        %mul3A_1161 = vector.broadcast %mul3A_1160 : f32 to vector<16xf32>
        %mul3A_1162 = arith.mulf %broadcast_in_dim3A_1159, %mul3A_1161 : vector<16xf32>
        %broadcast_in_dim3A_1163 = vector.broadcast %reduce_sum3A_1158 : f32 to vector<16xf32>
        %mul3A_1164 = arith.constant 7.812500e-03 : f32
        %mul3A_1165 = vector.broadcast %mul3A_1164 : f32 to vector<16xf32>
        %mul3A_1166 = arith.mulf %broadcast_in_dim3A_1163, %mul3A_1165 : vector<16xf32>
        %mul3A_1167 = arith.mulf %mul3A_1162, %mul3A_1162 : vector<16xf32>
        %sub3A_1168 = arith.subf %mul3A_1166, %mul3A_1167 : vector<16xf32>
        %max3A_1169 = arith.constant 0.000000e+00 : f32
        %max3A_1170 = vector.broadcast %max3A_1169 : f32 to vector<16xf32>
        %max3A_1171 = arith.maximumf %sub3A_1168, %max3A_1170 : vector<16xf32>
        %add3A_1172 = arith.constant 9.99999996E-13 : f32
        %add3A_1173 = vector.broadcast %add3A_1172 : f32 to vector<16xf32>
        %add3A_1174 = arith.addf %max3A_1171, %add3A_1173 : vector<16xf32>
        %bitcast_convert_type3A_1175 = tpu.bitcast %add3A_1174 : vector<16xf32> -> vector<16xi32>
        %shift_right_logical3A_1176 = arith.constant 1 : i32
        %shift_right_logical3A_1177 = vector.broadcast %shift_right_logical3A_1176 : i32 to vector<16xi32>
        %shift_right_logical3A_1178 = arith.shrui %bitcast_convert_type3A_1175, %shift_right_logical3A_1177 : vector<16xi32>
        %sub3A_1179 = arith.constant 1597463007 : i32
        %sub3A_1180 = vector.broadcast %sub3A_1179 : i32 to vector<16xi32>
        %sub3A_1181 = arith.subi %sub3A_1180, %shift_right_logical3A_1178 : vector<16xi32>
        %bitcast_convert_type3A_1182 = tpu.bitcast %sub3A_1181 : vector<16xi32> -> vector<16xf32>
        %mul3A_1183 = arith.constant 5.000000e-01 : f32
        %mul3A_1184 = vector.broadcast %mul3A_1183 : f32 to vector<16xf32>
        %mul3A_1185 = arith.mulf %mul3A_1184, %add3A_1174 : vector<16xf32>
        %mul3A_1186 = arith.mulf %mul3A_1185, %bitcast_convert_type3A_1182 : vector<16xf32>
        %mul3A_1187 = arith.mulf %mul3A_1186, %bitcast_convert_type3A_1182 : vector<16xf32>
        %sub3A_1188 = arith.constant 1.500000e+00 : f32
        %sub3A_1189 = vector.broadcast %sub3A_1188 : f32 to vector<16xf32>
        %sub3A_1190 = arith.subf %sub3A_1189, %mul3A_1187 : vector<16xf32>
        %mul3A_1191 = arith.mulf %bitcast_convert_type3A_1182, %sub3A_1190 : vector<16xf32>
        %mul3A_1192 = arith.constant 5.000000e-01 : f32
        %mul3A_1193 = vector.broadcast %mul3A_1192 : f32 to vector<16xf32>
        %mul3A_1194 = arith.mulf %mul3A_1193, %add3A_1174 : vector<16xf32>
        %mul3A_1195 = arith.mulf %mul3A_1194, %mul3A_1191 : vector<16xf32>
        %mul3A_1196 = arith.mulf %mul3A_1195, %mul3A_1191 : vector<16xf32>
        %sub3A_1197 = arith.constant 1.500000e+00 : f32
        %sub3A_1198 = vector.broadcast %sub3A_1197 : f32 to vector<16xf32>
        %sub3A_1199 = arith.subf %sub3A_1198, %mul3A_1196 : vector<16xf32>
        %mul3A_1200 = arith.mulf %mul3A_1191, %sub3A_1199 : vector<16xf32>
        %mul3A_1201 = arith.mulf %mul3A_1200, %get3A_79 : vector<16xf32>
        %mul3A_1202 = arith.mulf %add3A_1065, %mul3A_1201 : vector<16xf32>
        %mul3A_1203 = arith.mulf %mul3A_1162, %mul3A_1201 : vector<16xf32>
        %sub3A_1204 = arith.subf %get3A_95, %mul3A_1203 : vector<16xf32>
        %add3A_1205 = arith.addf %mul3A_1202, %sub3A_1204 : vector<16xf32>
        %swap3A_1206 = arith.index_cast %scan3A_1048 : i32 to index
        %swap3A_1207 = arith.constant 0 : index
        %swap3A_1208 = tpu.vector_load %arg16[%swap3A_1206, %swap3A_1207] {strides = array<i32>} : memref<128x128xf32, #tpu.memory_space<vmem>>, vector<16xf32>,
        tpu.vector_store %arg16[%swap3A_1206, %swap3A_1207], %add3A_1205 {strides = array<i32>} : memref<128x128xf32, #tpu.memory_space<vmem>>, vector<16xf32>,
        %mul3A_1209 = arith.mulf %mul3A_1200, %get3A_81 : vector<16xf32>
        %mul3A_1210 = arith.mulf %add3A_1074, %mul3A_1209 : vector<16xf32>
        %mul3A_1211 = arith.mulf %mul3A_1162, %mul3A_1209 : vector<16xf32>
        %sub3A_1212 = arith.subf %get3A_97, %mul3A_1211 : vector<16xf32>
        %add3A_1213 = arith.addf %mul3A_1210, %sub3A_1212 : vector<16xf32>
        %swap3A_1214 = arith.index_cast %scan3A_1048 : i32 to index
        %swap3A_1215 = arith.constant 16 : index
        %swap3A_1216 = tpu.vector_load %arg16[%swap3A_1214, %swap3A_1215] {strides = array<i32>} : memref<128x128xf32, #tpu.memory_space<vmem>>, vector<16xf32>,
        tpu.vector_store %arg16[%swap3A_1214, %swap3A_1215], %add3A_1213 {strides = array<i32>} : memref<128x128xf32, #tpu.memory_space<vmem>>, vector<16xf32>,
        %mul3A_1217 = arith.mulf %mul3A_1200, %get3A_83 : vector<16xf32>
        %mul3A_1218 = arith.mulf %add3A_1083, %mul3A_1217 : vector<16xf32>
        %mul3A_1219 = arith.mulf %mul3A_1162, %mul3A_1217 : vector<16xf32>
        %sub3A_1220 = arith.subf %get3A_99, %mul3A_1219 : vector<16xf32>
        %add3A_1221 = arith.addf %mul3A_1218, %sub3A_1220 : vector<16xf32>
        %swap3A_1222 = arith.index_cast %scan3A_1048 : i32 to index
        %swap3A_1223 = arith.constant 32 : index
        %swap3A_1224 = tpu.vector_load %arg16[%swap3A_1222, %swap3A_1223] {strides = array<i32>} : memref<128x128xf32, #tpu.memory_space<vmem>>, vector<16xf32>,
        tpu.vector_store %arg16[%swap3A_1222, %swap3A_1223], %add3A_1221 {strides = array<i32>} : memref<128x128xf32, #tpu.memory_space<vmem>>, vector<16xf32>,
        %mul3A_1225 = arith.mulf %mul3A_1200, %get3A_85 : vector<16xf32>
        %mul3A_1226 = arith.mulf %add3A_1092, %mul3A_1225 : vector<16xf32>
        %mul3A_1227 = arith.mulf %mul3A_1162, %mul3A_1225 : vector<16xf32>
        %sub3A_1228 = arith.subf %get3A_101, %mul3A_1227 : vector<16xf32>
        %add3A_1229 = arith.addf %mul3A_1226, %sub3A_1228 : vector<16xf32>
        %swap3A_1230 = arith.index_cast %scan3A_1048 : i32 to index
        %swap3A_1231 = arith.constant 48 : index
        %swap3A_1232 = tpu.vector_load %arg16[%swap3A_1230, %swap3A_1231] {strides = array<i32>} : memref<128x128xf32, #tpu.memory_space<vmem>>, vector<16xf32>,
        tpu.vector_store %arg16[%swap3A_1230, %swap3A_1231], %add3A_1229 {strides = array<i32>} : memref<128x128xf32, #tpu.memory_space<vmem>>, vector<16xf32>,
        %mul3A_1233 = arith.mulf %mul3A_1200, %get3A_87 : vector<16xf32>
        %mul3A_1234 = arith.mulf %add3A_1101, %mul3A_1233 : vector<16xf32>
        %mul3A_1235 = arith.mulf %mul3A_1162, %mul3A_1233 : vector<16xf32>
        %sub3A_1236 = arith.subf %get3A_103, %mul3A_1235 : vector<16xf32>
        %add3A_1237 = arith.addf %mul3A_1234, %sub3A_1236 : vector<16xf32>
        %swap3A_1238 = arith.index_cast %scan3A_1048 : i32 to index
        %swap3A_1239 = arith.constant 64 : index
        %swap3A_1240 = tpu.vector_load %arg16[%swap3A_1238, %swap3A_1239] {strides = array<i32>} : memref<128x128xf32, #tpu.memory_space<vmem>>, vector<16xf32>,
        tpu.vector_store %arg16[%swap3A_1238, %swap3A_1239], %add3A_1237 {strides = array<i32>} : memref<128x128xf32, #tpu.memory_space<vmem>>, vector<16xf32>,
        %mul3A_1241 = arith.mulf %mul3A_1200, %get3A_89 : vector<16xf32>
        %mul3A_1242 = arith.mulf %add3A_1110, %mul3A_1241 : vector<16xf32>
        %mul3A_1243 = arith.mulf %mul3A_1162, %mul3A_1241 : vector<16xf32>
        %sub3A_1244 = arith.subf %get3A_105, %mul3A_1243 : vector<16xf32>
        %add3A_1245 = arith.addf %mul3A_1242, %sub3A_1244 : vector<16xf32>
        %swap3A_1246 = arith.index_cast %scan3A_1048 : i32 to index
        %swap3A_1247 = arith.constant 80 : index
        %swap3A_1248 = tpu.vector_load %arg16[%swap3A_1246, %swap3A_1247] {strides = array<i32>} : memref<128x128xf32, #tpu.memory_space<vmem>>, vector<16xf32>,
        tpu.vector_store %arg16[%swap3A_1246, %swap3A_1247], %add3A_1245 {strides = array<i32>} : memref<128x128xf32, #tpu.memory_space<vmem>>, vector<16xf32>,
        %mul3A_1249 = arith.mulf %mul3A_1200, %get3A_91 : vector<16xf32>
        %mul3A_1250 = arith.mulf %add3A_1119, %mul3A_1249 : vector<16xf32>
        %mul3A_1251 = arith.mulf %mul3A_1162, %mul3A_1249 : vector<16xf32>
        %sub3A_1252 = arith.subf %get3A_107, %mul3A_1251 : vector<16xf32>
        %add3A_1253 = arith.addf %mul3A_1250, %sub3A_1252 : vector<16xf32>
        %swap3A_1254 = arith.index_cast %scan3A_1048 : i32 to index
        %swap3A_1255 = arith.constant 96 : index
        %swap3A_1256 = tpu.vector_load %arg16[%swap3A_1254, %swap3A_1255] {strides = array<i32>} : memref<128x128xf32, #tpu.memory_space<vmem>>, vector<16xf32>,
        tpu.vector_store %arg16[%swap3A_1254, %swap3A_1255], %add3A_1253 {strides = array<i32>} : memref<128x128xf32, #tpu.memory_space<vmem>>, vector<16xf32>,
        %mul3A_1257 = arith.mulf %mul3A_1200, %get3A_93 : vector<16xf32>
        %mul3A_1258 = arith.mulf %add3A_1128, %mul3A_1257 : vector<16xf32>
        %mul3A_1259 = arith.mulf %mul3A_1162, %mul3A_1257 : vector<16xf32>
        %sub3A_1260 = arith.subf %get3A_109, %mul3A_1259 : vector<16xf32>
        %add3A_1261 = arith.addf %mul3A_1258, %sub3A_1260 : vector<16xf32>
        %swap3A_1262 = arith.index_cast %scan3A_1048 : i32 to index
        %swap3A_1263 = arith.constant 112 : index
        %swap3A_1264 = tpu.vector_load %arg16[%swap3A_1262, %swap3A_1263] {strides = array<i32>} : memref<128x128xf32, #tpu.memory_space<vmem>>, vector<16xf32>,
        tpu.vector_store %arg16[%swap3A_1262, %swap3A_1263], %add3A_1261 {strides = array<i32>} : memref<128x128xf32, #tpu.memory_space<vmem>>, vector<16xf32>,
        %scan3A_1265 = arith.constant 5 : i32
        %scan3A_1266 = arith.addi %scan3A_184, %scan3A_1265 : i32
        %mul3A_1267 = arith.constant 128 : i32
        %mul3A_1268 = arith.muli %mul3A_127, %mul3A_1267 : i32
        %add3A_1269 = arith.addi %mul3A_1268, %scan3A_1266 : i32
        %rem3A_1270 = arith.constant 200 : i32
        %rem3A_1271 = arith.remsi %add3A_1269, %rem3A_1270 : i32
        %broadcast_in_dim3A_1272 = vector.broadcast %scan3A_1266 : i32 to vector<16xi32>
        %gather3A_1273 = tpu.vector_load_idx %arg12[%broadcast_in_dim3A_1272] : memref<128xi32, #tpu.memory_space<vmem>>[vector<16xi32>], vector<16xi32>,
        %convert_element_type3A_1274 = arith.sitofp %gather3A_1273 : vector<16xi32> to vector<16xf32>
        %get3A_1275 = arith.index_cast %scan3A_1266 : i32 to index
        %get3A_1276 = arith.constant 0 : index
        %get3A_1277 = tpu.vector_load %arg14[%get3A_1275, %get3A_1276] {strides = array<i32>} : memref<128x128xf32, #tpu.memory_space<vmem>>, vector<16xf32>,
        %get3A_1278 = arith.index_cast %rem3A_1271 : i32 to index
        %get3A_1279 = arith.constant 0 : index
        %get3A_1280 = tpu.vector_load %arg18[%get3A_1278, %get3A_1279] {strides = array<i32>} : memref<200x128xf32, #tpu.memory_space<vmem>>, vector<16xf32>,
        %add3A_1281 = arith.addf %get3A_1277, %get3A_1280 : vector<16xf32>
        %mul3A_1282 = arith.mulf %convert_element_type3A_1274, %sub3A : vector<16xf32>
        %add3A_1283 = arith.addf %add3A_1281, %mul3A_1282 : vector<16xf32>
        %get3A_1284 = arith.index_cast %scan3A_1266 : i32 to index
        %get3A_1285 = arith.constant 16 : index
        %get3A_1286 = tpu.vector_load %arg14[%get3A_1284, %get3A_1285] {strides = array<i32>} : memref<128x128xf32, #tpu.memory_space<vmem>>, vector<16xf32>,
        %get3A_1287 = arith.index_cast %rem3A_1271 : i32 to index
        %get3A_1288 = arith.constant 16 : index
        %get3A_1289 = tpu.vector_load %arg18[%get3A_1287, %get3A_1288] {strides = array<i32>} : memref<200x128xf32, #tpu.memory_space<vmem>>, vector<16xf32>,
        %add3A_1290 = arith.addf %get3A_1286, %get3A_1289 : vector<16xf32>
        %mul3A_1291 = arith.mulf %convert_element_type3A_1274, %sub3A_42 : vector<16xf32>
        %add3A_1292 = arith.addf %add3A_1290, %mul3A_1291 : vector<16xf32>
        %get3A_1293 = arith.index_cast %scan3A_1266 : i32 to index
        %get3A_1294 = arith.constant 32 : index
        %get3A_1295 = tpu.vector_load %arg14[%get3A_1293, %get3A_1294] {strides = array<i32>} : memref<128x128xf32, #tpu.memory_space<vmem>>, vector<16xf32>,
        %get3A_1296 = arith.index_cast %rem3A_1271 : i32 to index
        %get3A_1297 = arith.constant 32 : index
        %get3A_1298 = tpu.vector_load %arg18[%get3A_1296, %get3A_1297] {strides = array<i32>} : memref<200x128xf32, #tpu.memory_space<vmem>>, vector<16xf32>,
        %add3A_1299 = arith.addf %get3A_1295, %get3A_1298 : vector<16xf32>
        %mul3A_1300 = arith.mulf %convert_element_type3A_1274, %sub3A_47 : vector<16xf32>
        %add3A_1301 = arith.addf %add3A_1299, %mul3A_1300 : vector<16xf32>
        %get3A_1302 = arith.index_cast %scan3A_1266 : i32 to index
        %get3A_1303 = arith.constant 48 : index
        %get3A_1304 = tpu.vector_load %arg14[%get3A_1302, %get3A_1303] {strides = array<i32>} : memref<128x128xf32, #tpu.memory_space<vmem>>, vector<16xf32>,
        %get3A_1305 = arith.index_cast %rem3A_1271 : i32 to index
        %get3A_1306 = arith.constant 48 : index
        %get3A_1307 = tpu.vector_load %arg18[%get3A_1305, %get3A_1306] {strides = array<i32>} : memref<200x128xf32, #tpu.memory_space<vmem>>, vector<16xf32>,
        %add3A_1308 = arith.addf %get3A_1304, %get3A_1307 : vector<16xf32>
        %mul3A_1309 = arith.mulf %convert_element_type3A_1274, %sub3A_52 : vector<16xf32>
        %add3A_1310 = arith.addf %add3A_1308, %mul3A_1309 : vector<16xf32>
        %get3A_1311 = arith.index_cast %scan3A_1266 : i32 to index
        %get3A_1312 = arith.constant 64 : index
        %get3A_1313 = tpu.vector_load %arg14[%get3A_1311, %get3A_1312] {strides = array<i32>} : memref<128x128xf32, #tpu.memory_space<vmem>>, vector<16xf32>,
        %get3A_1314 = arith.index_cast %rem3A_1271 : i32 to index
        %get3A_1315 = arith.constant 64 : index
        %get3A_1316 = tpu.vector_load %arg18[%get3A_1314, %get3A_1315] {strides = array<i32>} : memref<200x128xf32, #tpu.memory_space<vmem>>, vector<16xf32>,
        %add3A_1317 = arith.addf %get3A_1313, %get3A_1316 : vector<16xf32>
        %mul3A_1318 = arith.mulf %convert_element_type3A_1274, %sub3A_57 : vector<16xf32>
        %add3A_1319 = arith.addf %add3A_1317, %mul3A_1318 : vector<16xf32>
        %get3A_1320 = arith.index_cast %scan3A_1266 : i32 to index
        %get3A_1321 = arith.constant 80 : index
        %get3A_1322 = tpu.vector_load %arg14[%get3A_1320, %get3A_1321] {strides = array<i32>} : memref<128x128xf32, #tpu.memory_space<vmem>>, vector<16xf32>,
        %get3A_1323 = arith.index_cast %rem3A_1271 : i32 to index
        %get3A_1324 = arith.constant 80 : index
        %get3A_1325 = tpu.vector_load %arg18[%get3A_1323, %get3A_1324] {strides = array<i32>} : memref<200x128xf32, #tpu.memory_space<vmem>>, vector<16xf32>,
        %add3A_1326 = arith.addf %get3A_1322, %get3A_1325 : vector<16xf32>
        %mul3A_1327 = arith.mulf %convert_element_type3A_1274, %sub3A_62 : vector<16xf32>
        %add3A_1328 = arith.addf %add3A_1326, %mul3A_1327 : vector<16xf32>
        %get3A_1329 = arith.index_cast %scan3A_1266 : i32 to index
        %get3A_1330 = arith.constant 96 : index
        %get3A_1331 = tpu.vector_load %arg14[%get3A_1329, %get3A_1330] {strides = array<i32>} : memref<128x128xf32, #tpu.memory_space<vmem>>, vector<16xf32>,
        %get3A_1332 = arith.index_cast %rem3A_1271 : i32 to index
        %get3A_1333 = arith.constant 96 : index
        %get3A_1334 = tpu.vector_load %arg18[%get3A_1332, %get3A_1333] {strides = array<i32>} : memref<200x128xf32, #tpu.memory_space<vmem>>, vector<16xf32>,
        %add3A_1335 = arith.addf %get3A_1331, %get3A_1334 : vector<16xf32>
        %mul3A_1336 = arith.mulf %convert_element_type3A_1274, %sub3A_67 : vector<16xf32>
        %add3A_1337 = arith.addf %add3A_1335, %mul3A_1336 : vector<16xf32>
        %get3A_1338 = arith.index_cast %scan3A_1266 : i32 to index
        %get3A_1339 = arith.constant 112 : index
        %get3A_1340 = tpu.vector_load %arg14[%get3A_1338, %get3A_1339] {strides = array<i32>} : memref<128x128xf32, #tpu.memory_space<vmem>>, vector<16xf32>,
        %get3A_1341 = arith.index_cast %rem3A_1271 : i32 to index
        %get3A_1342 = arith.constant 112 : index
        %get3A_1343 = tpu.vector_load %arg18[%get3A_1341, %get3A_1342] {strides = array<i32>} : memref<200x128xf32, #tpu.memory_space<vmem>>, vector<16xf32>,
        %add3A_1344 = arith.addf %get3A_1340, %get3A_1343 : vector<16xf32>
        %mul3A_1345 = arith.mulf %convert_element_type3A_1274, %sub3A_72 : vector<16xf32>
        %add3A_1346 = arith.addf %add3A_1344, %mul3A_1345 : vector<16xf32>
        %add3A_1347 = arith.addf %add3A_1283, %add3A_1292 : vector<16xf32>
        %add3A_1348 = arith.addf %add3A_1301, %add3A_1310 : vector<16xf32>
        %add3A_1349 = arith.addf %add3A_1319, %add3A_1328 : vector<16xf32>
        %add3A_1350 = arith.addf %add3A_1337, %add3A_1346 : vector<16xf32>
        %add3A_1351 = arith.addf %add3A_1347, %add3A_1348 : vector<16xf32>
        %add3A_1352 = arith.addf %add3A_1349, %add3A_1350 : vector<16xf32>
        %add3A_1353 = arith.addf %add3A_1351, %add3A_1352 : vector<16xf32>
        %mul3A_1354 = arith.mulf %add3A_1283, %add3A_1283 : vector<16xf32>
        %mul3A_1355 = arith.mulf %add3A_1292, %add3A_1292 : vector<16xf32>
        %mul3A_1356 = arith.mulf %add3A_1301, %add3A_1301 : vector<16xf32>
        %mul3A_1357 = arith.mulf %add3A_1310, %add3A_1310 : vector<16xf32>
        %mul3A_1358 = arith.mulf %add3A_1319, %add3A_1319 : vector<16xf32>
        %mul3A_1359 = arith.mulf %add3A_1328, %add3A_1328 : vector<16xf32>
        %mul3A_1360 = arith.mulf %add3A_1337, %add3A_1337 : vector<16xf32>
        %mul3A_1361 = arith.mulf %add3A_1346, %add3A_1346 : vector<16xf32>
        %add3A_1362 = arith.addf %mul3A_1354, %mul3A_1355 : vector<16xf32>
        %add3A_1363 = arith.addf %mul3A_1356, %mul3A_1357 : vector<16xf32>
        %add3A_1364 = arith.addf %mul3A_1358, %mul3A_1359 : vector<16xf32>
        %add3A_1365 = arith.addf %mul3A_1360, %mul3A_1361 : vector<16xf32>
        %add3A_1366 = arith.addf %add3A_1362, %add3A_1363 : vector<16xf32>
        %add3A_1367 = arith.addf %add3A_1364, %add3A_1365 : vector<16xf32>
        %add3A_1368 = arith.addf %add3A_1366, %add3A_1367 : vector<16xf32>
        %reduce_sum3A_1369 = arith.constant true
        %reduce_sum3A_1370 = vector.broadcast %reduce_sum3A_1369 : i1 to vector<16xi1>
        %reduce_sum3A_1371 = tpu.scan <sum>, %add3A_1353 masked %reduce_sum3A_1370 : vector<16xf32>, vector<16xi1> -> vector<16xf32>
        %reduce_sum3A_1372 = vector.extract %reduce_sum3A_1371[15] : f32 from vector<16xf32>
        %reduce_sum3A_1373 = arith.constant true
        %reduce_sum3A_1374 = vector.broadcast %reduce_sum3A_1373 : i1 to vector<16xi1>
        %reduce_sum3A_1375 = tpu.scan <sum>, %add3A_1368 masked %reduce_sum3A_1374 : vector<16xf32>, vector<16xi1> -> vector<16xf32>
        %reduce_sum3A_1376 = vector.extract %reduce_sum3A_1375[15] : f32 from vector<16xf32>
        %broadcast_in_dim3A_1377 = vector.broadcast %reduce_sum3A_1372 : f32 to vector<16xf32>
        %mul3A_1378 = arith.constant 7.812500e-03 : f32
        %mul3A_1379 = vector.broadcast %mul3A_1378 : f32 to vector<16xf32>
        %mul3A_1380 = arith.mulf %broadcast_in_dim3A_1377, %mul3A_1379 : vector<16xf32>
        %broadcast_in_dim3A_1381 = vector.broadcast %reduce_sum3A_1376 : f32 to vector<16xf32>
        %mul3A_1382 = arith.constant 7.812500e-03 : f32
        %mul3A_1383 = vector.broadcast %mul3A_1382 : f32 to vector<16xf32>
        %mul3A_1384 = arith.mulf %broadcast_in_dim3A_1381, %mul3A_1383 : vector<16xf32>
        %mul3A_1385 = arith.mulf %mul3A_1380, %mul3A_1380 : vector<16xf32>
        %sub3A_1386 = arith.subf %mul3A_1384, %mul3A_1385 : vector<16xf32>
        %max3A_1387 = arith.constant 0.000000e+00 : f32
        %max3A_1388 = vector.broadcast %max3A_1387 : f32 to vector<16xf32>
        %max3A_1389 = arith.maximumf %sub3A_1386, %max3A_1388 : vector<16xf32>
        %add3A_1390 = arith.constant 9.99999996E-13 : f32
        %add3A_1391 = vector.broadcast %add3A_1390 : f32 to vector<16xf32>
        %add3A_1392 = arith.addf %max3A_1389, %add3A_1391 : vector<16xf32>
        %bitcast_convert_type3A_1393 = tpu.bitcast %add3A_1392 : vector<16xf32> -> vector<16xi32>
        %shift_right_logical3A_1394 = arith.constant 1 : i32
        %shift_right_logical3A_1395 = vector.broadcast %shift_right_logical3A_1394 : i32 to vector<16xi32>
        %shift_right_logical3A_1396 = arith.shrui %bitcast_convert_type3A_1393, %shift_right_logical3A_1395 : vector<16xi32>
        %sub3A_1397 = arith.constant 1597463007 : i32
        %sub3A_1398 = vector.broadcast %sub3A_1397 : i32 to vector<16xi32>
        %sub3A_1399 = arith.subi %sub3A_1398, %shift_right_logical3A_1396 : vector<16xi32>
        %bitcast_convert_type3A_1400 = tpu.bitcast %sub3A_1399 : vector<16xi32> -> vector<16xf32>
        %mul3A_1401 = arith.constant 5.000000e-01 : f32
        %mul3A_1402 = vector.broadcast %mul3A_1401 : f32 to vector<16xf32>
        %mul3A_1403 = arith.mulf %mul3A_1402, %add3A_1392 : vector<16xf32>
        %mul3A_1404 = arith.mulf %mul3A_1403, %bitcast_convert_type3A_1400 : vector<16xf32>
        %mul3A_1405 = arith.mulf %mul3A_1404, %bitcast_convert_type3A_1400 : vector<16xf32>
        %sub3A_1406 = arith.constant 1.500000e+00 : f32
        %sub3A_1407 = vector.broadcast %sub3A_1406 : f32 to vector<16xf32>
        %sub3A_1408 = arith.subf %sub3A_1407, %mul3A_1405 : vector<16xf32>
        %mul3A_1409 = arith.mulf %bitcast_convert_type3A_1400, %sub3A_1408 : vector<16xf32>
        %mul3A_1410 = arith.constant 5.000000e-01 : f32
        %mul3A_1411 = vector.broadcast %mul3A_1410 : f32 to vector<16xf32>
        %mul3A_1412 = arith.mulf %mul3A_1411, %add3A_1392 : vector<16xf32>
        %mul3A_1413 = arith.mulf %mul3A_1412, %mul3A_1409 : vector<16xf32>
        %mul3A_1414 = arith.mulf %mul3A_1413, %mul3A_1409 : vector<16xf32>
        %sub3A_1415 = arith.constant 1.500000e+00 : f32
        %sub3A_1416 = vector.broadcast %sub3A_1415 : f32 to vector<16xf32>
        %sub3A_1417 = arith.subf %sub3A_1416, %mul3A_1414 : vector<16xf32>
        %mul3A_1418 = arith.mulf %mul3A_1409, %sub3A_1417 : vector<16xf32>
        %mul3A_1419 = arith.mulf %mul3A_1418, %get3A_79 : vector<16xf32>
        %mul3A_1420 = arith.mulf %add3A_1283, %mul3A_1419 : vector<16xf32>
        %mul3A_1421 = arith.mulf %mul3A_1380, %mul3A_1419 : vector<16xf32>
        %sub3A_1422 = arith.subf %get3A_95, %mul3A_1421 : vector<16xf32>
        %add3A_1423 = arith.addf %mul3A_1420, %sub3A_1422 : vector<16xf32>
        %swap3A_1424 = arith.index_cast %scan3A_1266 : i32 to index
        %swap3A_1425 = arith.constant 0 : index
        %swap3A_1426 = tpu.vector_load %arg16[%swap3A_1424, %swap3A_1425] {strides = array<i32>} : memref<128x128xf32, #tpu.memory_space<vmem>>, vector<16xf32>,
        tpu.vector_store %arg16[%swap3A_1424, %swap3A_1425], %add3A_1423 {strides = array<i32>} : memref<128x128xf32, #tpu.memory_space<vmem>>, vector<16xf32>,
        %mul3A_1427 = arith.mulf %mul3A_1418, %get3A_81 : vector<16xf32>
        %mul3A_1428 = arith.mulf %add3A_1292, %mul3A_1427 : vector<16xf32>
        %mul3A_1429 = arith.mulf %mul3A_1380, %mul3A_1427 : vector<16xf32>
        %sub3A_1430 = arith.subf %get3A_97, %mul3A_1429 : vector<16xf32>
        %add3A_1431 = arith.addf %mul3A_1428, %sub3A_1430 : vector<16xf32>
        %swap3A_1432 = arith.index_cast %scan3A_1266 : i32 to index
        %swap3A_1433 = arith.constant 16 : index
        %swap3A_1434 = tpu.vector_load %arg16[%swap3A_1432, %swap3A_1433] {strides = array<i32>} : memref<128x128xf32, #tpu.memory_space<vmem>>, vector<16xf32>,
        tpu.vector_store %arg16[%swap3A_1432, %swap3A_1433], %add3A_1431 {strides = array<i32>} : memref<128x128xf32, #tpu.memory_space<vmem>>, vector<16xf32>,
        %mul3A_1435 = arith.mulf %mul3A_1418, %get3A_83 : vector<16xf32>
        %mul3A_1436 = arith.mulf %add3A_1301, %mul3A_1435 : vector<16xf32>
        %mul3A_1437 = arith.mulf %mul3A_1380, %mul3A_1435 : vector<16xf32>
        %sub3A_1438 = arith.subf %get3A_99, %mul3A_1437 : vector<16xf32>
        %add3A_1439 = arith.addf %mul3A_1436, %sub3A_1438 : vector<16xf32>
        %swap3A_1440 = arith.index_cast %scan3A_1266 : i32 to index
        %swap3A_1441 = arith.constant 32 : index
        %swap3A_1442 = tpu.vector_load %arg16[%swap3A_1440, %swap3A_1441] {strides = array<i32>} : memref<128x128xf32, #tpu.memory_space<vmem>>, vector<16xf32>,
        tpu.vector_store %arg16[%swap3A_1440, %swap3A_1441], %add3A_1439 {strides = array<i32>} : memref<128x128xf32, #tpu.memory_space<vmem>>, vector<16xf32>,
        %mul3A_1443 = arith.mulf %mul3A_1418, %get3A_85 : vector<16xf32>
        %mul3A_1444 = arith.mulf %add3A_1310, %mul3A_1443 : vector<16xf32>
        %mul3A_1445 = arith.mulf %mul3A_1380, %mul3A_1443 : vector<16xf32>
        %sub3A_1446 = arith.subf %get3A_101, %mul3A_1445 : vector<16xf32>
        %add3A_1447 = arith.addf %mul3A_1444, %sub3A_1446 : vector<16xf32>
        %swap3A_1448 = arith.index_cast %scan3A_1266 : i32 to index
        %swap3A_1449 = arith.constant 48 : index
        %swap3A_1450 = tpu.vector_load %arg16[%swap3A_1448, %swap3A_1449] {strides = array<i32>} : memref<128x128xf32, #tpu.memory_space<vmem>>, vector<16xf32>,
        tpu.vector_store %arg16[%swap3A_1448, %swap3A_1449], %add3A_1447 {strides = array<i32>} : memref<128x128xf32, #tpu.memory_space<vmem>>, vector<16xf32>,
        %mul3A_1451 = arith.mulf %mul3A_1418, %get3A_87 : vector<16xf32>
        %mul3A_1452 = arith.mulf %add3A_1319, %mul3A_1451 : vector<16xf32>
        %mul3A_1453 = arith.mulf %mul3A_1380, %mul3A_1451 : vector<16xf32>
        %sub3A_1454 = arith.subf %get3A_103, %mul3A_1453 : vector<16xf32>
        %add3A_1455 = arith.addf %mul3A_1452, %sub3A_1454 : vector<16xf32>
        %swap3A_1456 = arith.index_cast %scan3A_1266 : i32 to index
        %swap3A_1457 = arith.constant 64 : index
        %swap3A_1458 = tpu.vector_load %arg16[%swap3A_1456, %swap3A_1457] {strides = array<i32>} : memref<128x128xf32, #tpu.memory_space<vmem>>, vector<16xf32>,
        tpu.vector_store %arg16[%swap3A_1456, %swap3A_1457], %add3A_1455 {strides = array<i32>} : memref<128x128xf32, #tpu.memory_space<vmem>>, vector<16xf32>,
        %mul3A_1459 = arith.mulf %mul3A_1418, %get3A_89 : vector<16xf32>
        %mul3A_1460 = arith.mulf %add3A_1328, %mul3A_1459 : vector<16xf32>
        %mul3A_1461 = arith.mulf %mul3A_1380, %mul3A_1459 : vector<16xf32>
        %sub3A_1462 = arith.subf %get3A_105, %mul3A_1461 : vector<16xf32>
        %add3A_1463 = arith.addf %mul3A_1460, %sub3A_1462 : vector<16xf32>
        %swap3A_1464 = arith.index_cast %scan3A_1266 : i32 to index
        %swap3A_1465 = arith.constant 80 : index
        %swap3A_1466 = tpu.vector_load %arg16[%swap3A_1464, %swap3A_1465] {strides = array<i32>} : memref<128x128xf32, #tpu.memory_space<vmem>>, vector<16xf32>,
        tpu.vector_store %arg16[%swap3A_1464, %swap3A_1465], %add3A_1463 {strides = array<i32>} : memref<128x128xf32, #tpu.memory_space<vmem>>, vector<16xf32>,
        %mul3A_1467 = arith.mulf %mul3A_1418, %get3A_91 : vector<16xf32>
        %mul3A_1468 = arith.mulf %add3A_1337, %mul3A_1467 : vector<16xf32>
        %mul3A_1469 = arith.mulf %mul3A_1380, %mul3A_1467 : vector<16xf32>
        %sub3A_1470 = arith.subf %get3A_107, %mul3A_1469 : vector<16xf32>
        %add3A_1471 = arith.addf %mul3A_1468, %sub3A_1470 : vector<16xf32>
        %swap3A_1472 = arith.index_cast %scan3A_1266 : i32 to index
        %swap3A_1473 = arith.constant 96 : index
        %swap3A_1474 = tpu.vector_load %arg16[%swap3A_1472, %swap3A_1473] {strides = array<i32>} : memref<128x128xf32, #tpu.memory_space<vmem>>, vector<16xf32>,
        tpu.vector_store %arg16[%swap3A_1472, %swap3A_1473], %add3A_1471 {strides = array<i32>} : memref<128x128xf32, #tpu.memory_space<vmem>>, vector<16xf32>,
        %mul3A_1475 = arith.mulf %mul3A_1418, %get3A_93 : vector<16xf32>
        %mul3A_1476 = arith.mulf %add3A_1346, %mul3A_1475 : vector<16xf32>
        %mul3A_1477 = arith.mulf %mul3A_1380, %mul3A_1475 : vector<16xf32>
        %sub3A_1478 = arith.subf %get3A_109, %mul3A_1477 : vector<16xf32>
        %add3A_1479 = arith.addf %mul3A_1476, %sub3A_1478 : vector<16xf32>
        %swap3A_1480 = arith.index_cast %scan3A_1266 : i32 to index
        %swap3A_1481 = arith.constant 112 : index
        %swap3A_1482 = tpu.vector_load %arg16[%swap3A_1480, %swap3A_1481] {strides = array<i32>} : memref<128x128xf32, #tpu.memory_space<vmem>>, vector<16xf32>,
        tpu.vector_store %arg16[%swap3A_1480, %swap3A_1481], %add3A_1479 {strides = array<i32>} : memref<128x128xf32, #tpu.memory_space<vmem>>, vector<16xf32>,
        %scan3A_1483 = arith.constant 6 : i32
        %scan3A_1484 = arith.addi %scan3A_184, %scan3A_1483 : i32
        %mul3A_1485 = arith.constant 128 : i32
        %mul3A_1486 = arith.muli %mul3A_127, %mul3A_1485 : i32
        %add3A_1487 = arith.addi %mul3A_1486, %scan3A_1484 : i32
        %rem3A_1488 = arith.constant 200 : i32
        %rem3A_1489 = arith.remsi %add3A_1487, %rem3A_1488 : i32
        %broadcast_in_dim3A_1490 = vector.broadcast %scan3A_1484 : i32 to vector<16xi32>
        %gather3A_1491 = tpu.vector_load_idx %arg12[%broadcast_in_dim3A_1490] : memref<128xi32, #tpu.memory_space<vmem>>[vector<16xi32>], vector<16xi32>,
        %convert_element_type3A_1492 = arith.sitofp %gather3A_1491 : vector<16xi32> to vector<16xf32>
        %get3A_1493 = arith.index_cast %scan3A_1484 : i32 to index
        %get3A_1494 = arith.constant 0 : index
        %get3A_1495 = tpu.vector_load %arg14[%get3A_1493, %get3A_1494] {strides = array<i32>} : memref<128x128xf32, #tpu.memory_space<vmem>>, vector<16xf32>,
        %get3A_1496 = arith.index_cast %rem3A_1489 : i32 to index
        %get3A_1497 = arith.constant 0 : index
        %get3A_1498 = tpu.vector_load %arg18[%get3A_1496, %get3A_1497] {strides = array<i32>} : memref<200x128xf32, #tpu.memory_space<vmem>>, vector<16xf32>,
        %add3A_1499 = arith.addf %get3A_1495, %get3A_1498 : vector<16xf32>
        %mul3A_1500 = arith.mulf %convert_element_type3A_1492, %sub3A : vector<16xf32>
        %add3A_1501 = arith.addf %add3A_1499, %mul3A_1500 : vector<16xf32>
        %get3A_1502 = arith.index_cast %scan3A_1484 : i32 to index
        %get3A_1503 = arith.constant 16 : index
        %get3A_1504 = tpu.vector_load %arg14[%get3A_1502, %get3A_1503] {strides = array<i32>} : memref<128x128xf32, #tpu.memory_space<vmem>>, vector<16xf32>,
        %get3A_1505 = arith.index_cast %rem3A_1489 : i32 to index
        %get3A_1506 = arith.constant 16 : index
        %get3A_1507 = tpu.vector_load %arg18[%get3A_1505, %get3A_1506] {strides = array<i32>} : memref<200x128xf32, #tpu.memory_space<vmem>>, vector<16xf32>,
        %add3A_1508 = arith.addf %get3A_1504, %get3A_1507 : vector<16xf32>
        %mul3A_1509 = arith.mulf %convert_element_type3A_1492, %sub3A_42 : vector<16xf32>
        %add3A_1510 = arith.addf %add3A_1508, %mul3A_1509 : vector<16xf32>
        %get3A_1511 = arith.index_cast %scan3A_1484 : i32 to index
        %get3A_1512 = arith.constant 32 : index
        %get3A_1513 = tpu.vector_load %arg14[%get3A_1511, %get3A_1512] {strides = array<i32>} : memref<128x128xf32, #tpu.memory_space<vmem>>, vector<16xf32>,
        %get3A_1514 = arith.index_cast %rem3A_1489 : i32 to index
        %get3A_1515 = arith.constant 32 : index
        %get3A_1516 = tpu.vector_load %arg18[%get3A_1514, %get3A_1515] {strides = array<i32>} : memref<200x128xf32, #tpu.memory_space<vmem>>, vector<16xf32>,
        %add3A_1517 = arith.addf %get3A_1513, %get3A_1516 : vector<16xf32>
        %mul3A_1518 = arith.mulf %convert_element_type3A_1492, %sub3A_47 : vector<16xf32>
        %add3A_1519 = arith.addf %add3A_1517, %mul3A_1518 : vector<16xf32>
        %get3A_1520 = arith.index_cast %scan3A_1484 : i32 to index
        %get3A_1521 = arith.constant 48 : index
        %get3A_1522 = tpu.vector_load %arg14[%get3A_1520, %get3A_1521] {strides = array<i32>} : memref<128x128xf32, #tpu.memory_space<vmem>>, vector<16xf32>,
        %get3A_1523 = arith.index_cast %rem3A_1489 : i32 to index
        %get3A_1524 = arith.constant 48 : index
        %get3A_1525 = tpu.vector_load %arg18[%get3A_1523, %get3A_1524] {strides = array<i32>} : memref<200x128xf32, #tpu.memory_space<vmem>>, vector<16xf32>,
        %add3A_1526 = arith.addf %get3A_1522, %get3A_1525 : vector<16xf32>
        %mul3A_1527 = arith.mulf %convert_element_type3A_1492, %sub3A_52 : vector<16xf32>
        %add3A_1528 = arith.addf %add3A_1526, %mul3A_1527 : vector<16xf32>
        %get3A_1529 = arith.index_cast %scan3A_1484 : i32 to index
        %get3A_1530 = arith.constant 64 : index
        %get3A_1531 = tpu.vector_load %arg14[%get3A_1529, %get3A_1530] {strides = array<i32>} : memref<128x128xf32, #tpu.memory_space<vmem>>, vector<16xf32>,
        %get3A_1532 = arith.index_cast %rem3A_1489 : i32 to index
        %get3A_1533 = arith.constant 64 : index
        %get3A_1534 = tpu.vector_load %arg18[%get3A_1532, %get3A_1533] {strides = array<i32>} : memref<200x128xf32, #tpu.memory_space<vmem>>, vector<16xf32>,
        %add3A_1535 = arith.addf %get3A_1531, %get3A_1534 : vector<16xf32>
        %mul3A_1536 = arith.mulf %convert_element_type3A_1492, %sub3A_57 : vector<16xf32>
        %add3A_1537 = arith.addf %add3A_1535, %mul3A_1536 : vector<16xf32>
        %get3A_1538 = arith.index_cast %scan3A_1484 : i32 to index
        %get3A_1539 = arith.constant 80 : index
        %get3A_1540 = tpu.vector_load %arg14[%get3A_1538, %get3A_1539] {strides = array<i32>} : memref<128x128xf32, #tpu.memory_space<vmem>>, vector<16xf32>,
        %get3A_1541 = arith.index_cast %rem3A_1489 : i32 to index
        %get3A_1542 = arith.constant 80 : index
        %get3A_1543 = tpu.vector_load %arg18[%get3A_1541, %get3A_1542] {strides = array<i32>} : memref<200x128xf32, #tpu.memory_space<vmem>>, vector<16xf32>,
        %add3A_1544 = arith.addf %get3A_1540, %get3A_1543 : vector<16xf32>
        %mul3A_1545 = arith.mulf %convert_element_type3A_1492, %sub3A_62 : vector<16xf32>
        %add3A_1546 = arith.addf %add3A_1544, %mul3A_1545 : vector<16xf32>
        %get3A_1547 = arith.index_cast %scan3A_1484 : i32 to index
        %get3A_1548 = arith.constant 96 : index
        %get3A_1549 = tpu.vector_load %arg14[%get3A_1547, %get3A_1548] {strides = array<i32>} : memref<128x128xf32, #tpu.memory_space<vmem>>, vector<16xf32>,
        %get3A_1550 = arith.index_cast %rem3A_1489 : i32 to index
        %get3A_1551 = arith.constant 96 : index
        %get3A_1552 = tpu.vector_load %arg18[%get3A_1550, %get3A_1551] {strides = array<i32>} : memref<200x128xf32, #tpu.memory_space<vmem>>, vector<16xf32>,
        %add3A_1553 = arith.addf %get3A_1549, %get3A_1552 : vector<16xf32>
        %mul3A_1554 = arith.mulf %convert_element_type3A_1492, %sub3A_67 : vector<16xf32>
        %add3A_1555 = arith.addf %add3A_1553, %mul3A_1554 : vector<16xf32>
        %get3A_1556 = arith.index_cast %scan3A_1484 : i32 to index
        %get3A_1557 = arith.constant 112 : index
        %get3A_1558 = tpu.vector_load %arg14[%get3A_1556, %get3A_1557] {strides = array<i32>} : memref<128x128xf32, #tpu.memory_space<vmem>>, vector<16xf32>,
        %get3A_1559 = arith.index_cast %rem3A_1489 : i32 to index
        %get3A_1560 = arith.constant 112 : index
        %get3A_1561 = tpu.vector_load %arg18[%get3A_1559, %get3A_1560] {strides = array<i32>} : memref<200x128xf32, #tpu.memory_space<vmem>>, vector<16xf32>,
        %add3A_1562 = arith.addf %get3A_1558, %get3A_1561 : vector<16xf32>
        %mul3A_1563 = arith.mulf %convert_element_type3A_1492, %sub3A_72 : vector<16xf32>
        %add3A_1564 = arith.addf %add3A_1562, %mul3A_1563 : vector<16xf32>
        %add3A_1565 = arith.addf %add3A_1501, %add3A_1510 : vector<16xf32>
        %add3A_1566 = arith.addf %add3A_1519, %add3A_1528 : vector<16xf32>
        %add3A_1567 = arith.addf %add3A_1537, %add3A_1546 : vector<16xf32>
        %add3A_1568 = arith.addf %add3A_1555, %add3A_1564 : vector<16xf32>
        %add3A_1569 = arith.addf %add3A_1565, %add3A_1566 : vector<16xf32>
        %add3A_1570 = arith.addf %add3A_1567, %add3A_1568 : vector<16xf32>
        %add3A_1571 = arith.addf %add3A_1569, %add3A_1570 : vector<16xf32>
        %mul3A_1572 = arith.mulf %add3A_1501, %add3A_1501 : vector<16xf32>
        %mul3A_1573 = arith.mulf %add3A_1510, %add3A_1510 : vector<16xf32>
        %mul3A_1574 = arith.mulf %add3A_1519, %add3A_1519 : vector<16xf32>
        %mul3A_1575 = arith.mulf %add3A_1528, %add3A_1528 : vector<16xf32>
        %mul3A_1576 = arith.mulf %add3A_1537, %add3A_1537 : vector<16xf32>
        %mul3A_1577 = arith.mulf %add3A_1546, %add3A_1546 : vector<16xf32>
        %mul3A_1578 = arith.mulf %add3A_1555, %add3A_1555 : vector<16xf32>
        %mul3A_1579 = arith.mulf %add3A_1564, %add3A_1564 : vector<16xf32>
        %add3A_1580 = arith.addf %mul3A_1572, %mul3A_1573 : vector<16xf32>
        %add3A_1581 = arith.addf %mul3A_1574, %mul3A_1575 : vector<16xf32>
        %add3A_1582 = arith.addf %mul3A_1576, %mul3A_1577 : vector<16xf32>
        %add3A_1583 = arith.addf %mul3A_1578, %mul3A_1579 : vector<16xf32>
        %add3A_1584 = arith.addf %add3A_1580, %add3A_1581 : vector<16xf32>
        %add3A_1585 = arith.addf %add3A_1582, %add3A_1583 : vector<16xf32>
        %add3A_1586 = arith.addf %add3A_1584, %add3A_1585 : vector<16xf32>
        %reduce_sum3A_1587 = arith.constant true
        %reduce_sum3A_1588 = vector.broadcast %reduce_sum3A_1587 : i1 to vector<16xi1>
        %reduce_sum3A_1589 = tpu.scan <sum>, %add3A_1571 masked %reduce_sum3A_1588 : vector<16xf32>, vector<16xi1> -> vector<16xf32>
        %reduce_sum3A_1590 = vector.extract %reduce_sum3A_1589[15] : f32 from vector<16xf32>
        %reduce_sum3A_1591 = arith.constant true
        %reduce_sum3A_1592 = vector.broadcast %reduce_sum3A_1591 : i1 to vector<16xi1>
        %reduce_sum3A_1593 = tpu.scan <sum>, %add3A_1586 masked %reduce_sum3A_1592 : vector<16xf32>, vector<16xi1> -> vector<16xf32>
        %reduce_sum3A_1594 = vector.extract %reduce_sum3A_1593[15] : f32 from vector<16xf32>
        %broadcast_in_dim3A_1595 = vector.broadcast %reduce_sum3A_1590 : f32 to vector<16xf32>
        %mul3A_1596 = arith.constant 7.812500e-03 : f32
        %mul3A_1597 = vector.broadcast %mul3A_1596 : f32 to vector<16xf32>
        %mul3A_1598 = arith.mulf %broadcast_in_dim3A_1595, %mul3A_1597 : vector<16xf32>
        %broadcast_in_dim3A_1599 = vector.broadcast %reduce_sum3A_1594 : f32 to vector<16xf32>
        %mul3A_1600 = arith.constant 7.812500e-03 : f32
        %mul3A_1601 = vector.broadcast %mul3A_1600 : f32 to vector<16xf32>
        %mul3A_1602 = arith.mulf %broadcast_in_dim3A_1599, %mul3A_1601 : vector<16xf32>
        %mul3A_1603 = arith.mulf %mul3A_1598, %mul3A_1598 : vector<16xf32>
        %sub3A_1604 = arith.subf %mul3A_1602, %mul3A_1603 : vector<16xf32>
        %max3A_1605 = arith.constant 0.000000e+00 : f32
        %max3A_1606 = vector.broadcast %max3A_1605 : f32 to vector<16xf32>
        %max3A_1607 = arith.maximumf %sub3A_1604, %max3A_1606 : vector<16xf32>
        %add3A_1608 = arith.constant 9.99999996E-13 : f32
        %add3A_1609 = vector.broadcast %add3A_1608 : f32 to vector<16xf32>
        %add3A_1610 = arith.addf %max3A_1607, %add3A_1609 : vector<16xf32>
        %bitcast_convert_type3A_1611 = tpu.bitcast %add3A_1610 : vector<16xf32> -> vector<16xi32>
        %shift_right_logical3A_1612 = arith.constant 1 : i32
        %shift_right_logical3A_1613 = vector.broadcast %shift_right_logical3A_1612 : i32 to vector<16xi32>
        %shift_right_logical3A_1614 = arith.shrui %bitcast_convert_type3A_1611, %shift_right_logical3A_1613 : vector<16xi32>
        %sub3A_1615 = arith.constant 1597463007 : i32
        %sub3A_1616 = vector.broadcast %sub3A_1615 : i32 to vector<16xi32>
        %sub3A_1617 = arith.subi %sub3A_1616, %shift_right_logical3A_1614 : vector<16xi32>
        %bitcast_convert_type3A_1618 = tpu.bitcast %sub3A_1617 : vector<16xi32> -> vector<16xf32>
        %mul3A_1619 = arith.constant 5.000000e-01 : f32
        %mul3A_1620 = vector.broadcast %mul3A_1619 : f32 to vector<16xf32>
        %mul3A_1621 = arith.mulf %mul3A_1620, %add3A_1610 : vector<16xf32>
        %mul3A_1622 = arith.mulf %mul3A_1621, %bitcast_convert_type3A_1618 : vector<16xf32>
        %mul3A_1623 = arith.mulf %mul3A_1622, %bitcast_convert_type3A_1618 : vector<16xf32>
        %sub3A_1624 = arith.constant 1.500000e+00 : f32
        %sub3A_1625 = vector.broadcast %sub3A_1624 : f32 to vector<16xf32>
        %sub3A_1626 = arith.subf %sub3A_1625, %mul3A_1623 : vector<16xf32>
        %mul3A_1627 = arith.mulf %bitcast_convert_type3A_1618, %sub3A_1626 : vector<16xf32>
        %mul3A_1628 = arith.constant 5.000000e-01 : f32
        %mul3A_1629 = vector.broadcast %mul3A_1628 : f32 to vector<16xf32>
        %mul3A_1630 = arith.mulf %mul3A_1629, %add3A_1610 : vector<16xf32>
        %mul3A_1631 = arith.mulf %mul3A_1630, %mul3A_1627 : vector<16xf32>
        %mul3A_1632 = arith.mulf %mul3A_1631, %mul3A_1627 : vector<16xf32>
        %sub3A_1633 = arith.constant 1.500000e+00 : f32
        %sub3A_1634 = vector.broadcast %sub3A_1633 : f32 to vector<16xf32>
        %sub3A_1635 = arith.subf %sub3A_1634, %mul3A_1632 : vector<16xf32>
        %mul3A_1636 = arith.mulf %mul3A_1627, %sub3A_1635 : vector<16xf32>
        %mul3A_1637 = arith.mulf %mul3A_1636, %get3A_79 : vector<16xf32>
        %mul3A_1638 = arith.mulf %add3A_1501, %mul3A_1637 : vector<16xf32>
        %mul3A_1639 = arith.mulf %mul3A_1598, %mul3A_1637 : vector<16xf32>
        %sub3A_1640 = arith.subf %get3A_95, %mul3A_1639 : vector<16xf32>
        %add3A_1641 = arith.addf %mul3A_1638, %sub3A_1640 : vector<16xf32>
        %swap3A_1642 = arith.index_cast %scan3A_1484 : i32 to index
        %swap3A_1643 = arith.constant 0 : index
        %swap3A_1644 = tpu.vector_load %arg16[%swap3A_1642, %swap3A_1643] {strides = array<i32>} : memref<128x128xf32, #tpu.memory_space<vmem>>, vector<16xf32>,
        tpu.vector_store %arg16[%swap3A_1642, %swap3A_1643], %add3A_1641 {strides = array<i32>} : memref<128x128xf32, #tpu.memory_space<vmem>>, vector<16xf32>,
        %mul3A_1645 = arith.mulf %mul3A_1636, %get3A_81 : vector<16xf32>
        %mul3A_1646 = arith.mulf %add3A_1510, %mul3A_1645 : vector<16xf32>
        %mul3A_1647 = arith.mulf %mul3A_1598, %mul3A_1645 : vector<16xf32>
        %sub3A_1648 = arith.subf %get3A_97, %mul3A_1647 : vector<16xf32>
        %add3A_1649 = arith.addf %mul3A_1646, %sub3A_1648 : vector<16xf32>
        %swap3A_1650 = arith.index_cast %scan3A_1484 : i32 to index
        %swap3A_1651 = arith.constant 16 : index
        %swap3A_1652 = tpu.vector_load %arg16[%swap3A_1650, %swap3A_1651] {strides = array<i32>} : memref<128x128xf32, #tpu.memory_space<vmem>>, vector<16xf32>,
        tpu.vector_store %arg16[%swap3A_1650, %swap3A_1651], %add3A_1649 {strides = array<i32>} : memref<128x128xf32, #tpu.memory_space<vmem>>, vector<16xf32>,
        %mul3A_1653 = arith.mulf %mul3A_1636, %get3A_83 : vector<16xf32>
        %mul3A_1654 = arith.mulf %add3A_1519, %mul3A_1653 : vector<16xf32>
        %mul3A_1655 = arith.mulf %mul3A_1598, %mul3A_1653 : vector<16xf32>
        %sub3A_1656 = arith.subf %get3A_99, %mul3A_1655 : vector<16xf32>
        %add3A_1657 = arith.addf %mul3A_1654, %sub3A_1656 : vector<16xf32>
        %swap3A_1658 = arith.index_cast %scan3A_1484 : i32 to index
        %swap3A_1659 = arith.constant 32 : index
        %swap3A_1660 = tpu.vector_load %arg16[%swap3A_1658, %swap3A_1659] {strides = array<i32>} : memref<128x128xf32, #tpu.memory_space<vmem>>, vector<16xf32>,
        tpu.vector_store %arg16[%swap3A_1658, %swap3A_1659], %add3A_1657 {strides = array<i32>} : memref<128x128xf32, #tpu.memory_space<vmem>>, vector<16xf32>,
        %mul3A_1661 = arith.mulf %mul3A_1636, %get3A_85 : vector<16xf32>
        %mul3A_1662 = arith.mulf %add3A_1528, %mul3A_1661 : vector<16xf32>
        %mul3A_1663 = arith.mulf %mul3A_1598, %mul3A_1661 : vector<16xf32>
        %sub3A_1664 = arith.subf %get3A_101, %mul3A_1663 : vector<16xf32>
        %add3A_1665 = arith.addf %mul3A_1662, %sub3A_1664 : vector<16xf32>
        %swap3A_1666 = arith.index_cast %scan3A_1484 : i32 to index
        %swap3A_1667 = arith.constant 48 : index
        %swap3A_1668 = tpu.vector_load %arg16[%swap3A_1666, %swap3A_1667] {strides = array<i32>} : memref<128x128xf32, #tpu.memory_space<vmem>>, vector<16xf32>,
        tpu.vector_store %arg16[%swap3A_1666, %swap3A_1667], %add3A_1665 {strides = array<i32>} : memref<128x128xf32, #tpu.memory_space<vmem>>, vector<16xf32>,
        %mul3A_1669 = arith.mulf %mul3A_1636, %get3A_87 : vector<16xf32>
        %mul3A_1670 = arith.mulf %add3A_1537, %mul3A_1669 : vector<16xf32>
        %mul3A_1671 = arith.mulf %mul3A_1598, %mul3A_1669 : vector<16xf32>
        %sub3A_1672 = arith.subf %get3A_103, %mul3A_1671 : vector<16xf32>
        %add3A_1673 = arith.addf %mul3A_1670, %sub3A_1672 : vector<16xf32>
        %swap3A_1674 = arith.index_cast %scan3A_1484 : i32 to index
        %swap3A_1675 = arith.constant 64 : index
        %swap3A_1676 = tpu.vector_load %arg16[%swap3A_1674, %swap3A_1675] {strides = array<i32>} : memref<128x128xf32, #tpu.memory_space<vmem>>, vector<16xf32>,
        tpu.vector_store %arg16[%swap3A_1674, %swap3A_1675], %add3A_1673 {strides = array<i32>} : memref<128x128xf32, #tpu.memory_space<vmem>>, vector<16xf32>,
        %mul3A_1677 = arith.mulf %mul3A_1636, %get3A_89 : vector<16xf32>
        %mul3A_1678 = arith.mulf %add3A_1546, %mul3A_1677 : vector<16xf32>
        %mul3A_1679 = arith.mulf %mul3A_1598, %mul3A_1677 : vector<16xf32>
        %sub3A_1680 = arith.subf %get3A_105, %mul3A_1679 : vector<16xf32>
        %add3A_1681 = arith.addf %mul3A_1678, %sub3A_1680 : vector<16xf32>
        %swap3A_1682 = arith.index_cast %scan3A_1484 : i32 to index
        %swap3A_1683 = arith.constant 80 : index
        %swap3A_1684 = tpu.vector_load %arg16[%swap3A_1682, %swap3A_1683] {strides = array<i32>} : memref<128x128xf32, #tpu.memory_space<vmem>>, vector<16xf32>,
        tpu.vector_store %arg16[%swap3A_1682, %swap3A_1683], %add3A_1681 {strides = array<i32>} : memref<128x128xf32, #tpu.memory_space<vmem>>, vector<16xf32>,
        %mul3A_1685 = arith.mulf %mul3A_1636, %get3A_91 : vector<16xf32>
        %mul3A_1686 = arith.mulf %add3A_1555, %mul3A_1685 : vector<16xf32>
        %mul3A_1687 = arith.mulf %mul3A_1598, %mul3A_1685 : vector<16xf32>
        %sub3A_1688 = arith.subf %get3A_107, %mul3A_1687 : vector<16xf32>
        %add3A_1689 = arith.addf %mul3A_1686, %sub3A_1688 : vector<16xf32>
        %swap3A_1690 = arith.index_cast %scan3A_1484 : i32 to index
        %swap3A_1691 = arith.constant 96 : index
        %swap3A_1692 = tpu.vector_load %arg16[%swap3A_1690, %swap3A_1691] {strides = array<i32>} : memref<128x128xf32, #tpu.memory_space<vmem>>, vector<16xf32>,
        tpu.vector_store %arg16[%swap3A_1690, %swap3A_1691], %add3A_1689 {strides = array<i32>} : memref<128x128xf32, #tpu.memory_space<vmem>>, vector<16xf32>,
        %mul3A_1693 = arith.mulf %mul3A_1636, %get3A_93 : vector<16xf32>
        %mul3A_1694 = arith.mulf %add3A_1564, %mul3A_1693 : vector<16xf32>
        %mul3A_1695 = arith.mulf %mul3A_1598, %mul3A_1693 : vector<16xf32>
        %sub3A_1696 = arith.subf %get3A_109, %mul3A_1695 : vector<16xf32>
        %add3A_1697 = arith.addf %mul3A_1694, %sub3A_1696 : vector<16xf32>
        %swap3A_1698 = arith.index_cast %scan3A_1484 : i32 to index
        %swap3A_1699 = arith.constant 112 : index
        %swap3A_1700 = tpu.vector_load %arg16[%swap3A_1698, %swap3A_1699] {strides = array<i32>} : memref<128x128xf32, #tpu.memory_space<vmem>>, vector<16xf32>,
        tpu.vector_store %arg16[%swap3A_1698, %swap3A_1699], %add3A_1697 {strides = array<i32>} : memref<128x128xf32, #tpu.memory_space<vmem>>, vector<16xf32>,
        %scan3A_1701 = arith.constant 7 : i32
        %scan3A_1702 = arith.addi %scan3A_184, %scan3A_1701 : i32
        %mul3A_1703 = arith.constant 128 : i32
        %mul3A_1704 = arith.muli %mul3A_127, %mul3A_1703 : i32
        %add3A_1705 = arith.addi %mul3A_1704, %scan3A_1702 : i32
        %rem3A_1706 = arith.constant 200 : i32
        %rem3A_1707 = arith.remsi %add3A_1705, %rem3A_1706 : i32
        %broadcast_in_dim3A_1708 = vector.broadcast %scan3A_1702 : i32 to vector<16xi32>
        %gather3A_1709 = tpu.vector_load_idx %arg12[%broadcast_in_dim3A_1708] : memref<128xi32, #tpu.memory_space<vmem>>[vector<16xi32>], vector<16xi32>,
        %convert_element_type3A_1710 = arith.sitofp %gather3A_1709 : vector<16xi32> to vector<16xf32>
        %get3A_1711 = arith.index_cast %scan3A_1702 : i32 to index
        %get3A_1712 = arith.constant 0 : index
        %get3A_1713 = tpu.vector_load %arg14[%get3A_1711, %get3A_1712] {strides = array<i32>} : memref<128x128xf32, #tpu.memory_space<vmem>>, vector<16xf32>,
        %get3A_1714 = arith.index_cast %rem3A_1707 : i32 to index
        %get3A_1715 = arith.constant 0 : index
        %get3A_1716 = tpu.vector_load %arg18[%get3A_1714, %get3A_1715] {strides = array<i32>} : memref<200x128xf32, #tpu.memory_space<vmem>>, vector<16xf32>,
        %add3A_1717 = arith.addf %get3A_1713, %get3A_1716 : vector<16xf32>
        %mul3A_1718 = arith.mulf %convert_element_type3A_1710, %sub3A : vector<16xf32>
        %add3A_1719 = arith.addf %add3A_1717, %mul3A_1718 : vector<16xf32>
        %get3A_1720 = arith.index_cast %scan3A_1702 : i32 to index
        %get3A_1721 = arith.constant 16 : index
        %get3A_1722 = tpu.vector_load %arg14[%get3A_1720, %get3A_1721] {strides = array<i32>} : memref<128x128xf32, #tpu.memory_space<vmem>>, vector<16xf32>,
        %get3A_1723 = arith.index_cast %rem3A_1707 : i32 to index
        %get3A_1724 = arith.constant 16 : index
        %get3A_1725 = tpu.vector_load %arg18[%get3A_1723, %get3A_1724] {strides = array<i32>} : memref<200x128xf32, #tpu.memory_space<vmem>>, vector<16xf32>,
        %add3A_1726 = arith.addf %get3A_1722, %get3A_1725 : vector<16xf32>
        %mul3A_1727 = arith.mulf %convert_element_type3A_1710, %sub3A_42 : vector<16xf32>
        %add3A_1728 = arith.addf %add3A_1726, %mul3A_1727 : vector<16xf32>
        %get3A_1729 = arith.index_cast %scan3A_1702 : i32 to index
        %get3A_1730 = arith.constant 32 : index
        %get3A_1731 = tpu.vector_load %arg14[%get3A_1729, %get3A_1730] {strides = array<i32>} : memref<128x128xf32, #tpu.memory_space<vmem>>, vector<16xf32>,
        %get3A_1732 = arith.index_cast %rem3A_1707 : i32 to index
        %get3A_1733 = arith.constant 32 : index
        %get3A_1734 = tpu.vector_load %arg18[%get3A_1732, %get3A_1733] {strides = array<i32>} : memref<200x128xf32, #tpu.memory_space<vmem>>, vector<16xf32>,
        %add3A_1735 = arith.addf %get3A_1731, %get3A_1734 : vector<16xf32>
        %mul3A_1736 = arith.mulf %convert_element_type3A_1710, %sub3A_47 : vector<16xf32>
        %add3A_1737 = arith.addf %add3A_1735, %mul3A_1736 : vector<16xf32>
        %get3A_1738 = arith.index_cast %scan3A_1702 : i32 to index
        %get3A_1739 = arith.constant 48 : index
        %get3A_1740 = tpu.vector_load %arg14[%get3A_1738, %get3A_1739] {strides = array<i32>} : memref<128x128xf32, #tpu.memory_space<vmem>>, vector<16xf32>,
        %get3A_1741 = arith.index_cast %rem3A_1707 : i32 to index
        %get3A_1742 = arith.constant 48 : index
        %get3A_1743 = tpu.vector_load %arg18[%get3A_1741, %get3A_1742] {strides = array<i32>} : memref<200x128xf32, #tpu.memory_space<vmem>>, vector<16xf32>,
        %add3A_1744 = arith.addf %get3A_1740, %get3A_1743 : vector<16xf32>
        %mul3A_1745 = arith.mulf %convert_element_type3A_1710, %sub3A_52 : vector<16xf32>
        %add3A_1746 = arith.addf %add3A_1744, %mul3A_1745 : vector<16xf32>
        %get3A_1747 = arith.index_cast %scan3A_1702 : i32 to index
        %get3A_1748 = arith.constant 64 : index
        %get3A_1749 = tpu.vector_load %arg14[%get3A_1747, %get3A_1748] {strides = array<i32>} : memref<128x128xf32, #tpu.memory_space<vmem>>, vector<16xf32>,
        %get3A_1750 = arith.index_cast %rem3A_1707 : i32 to index
        %get3A_1751 = arith.constant 64 : index
        %get3A_1752 = tpu.vector_load %arg18[%get3A_1750, %get3A_1751] {strides = array<i32>} : memref<200x128xf32, #tpu.memory_space<vmem>>, vector<16xf32>,
        %add3A_1753 = arith.addf %get3A_1749, %get3A_1752 : vector<16xf32>
        %mul3A_1754 = arith.mulf %convert_element_type3A_1710, %sub3A_57 : vector<16xf32>
        %add3A_1755 = arith.addf %add3A_1753, %mul3A_1754 : vector<16xf32>
        %get3A_1756 = arith.index_cast %scan3A_1702 : i32 to index
        %get3A_1757 = arith.constant 80 : index
        %get3A_1758 = tpu.vector_load %arg14[%get3A_1756, %get3A_1757] {strides = array<i32>} : memref<128x128xf32, #tpu.memory_space<vmem>>, vector<16xf32>,
        %get3A_1759 = arith.index_cast %rem3A_1707 : i32 to index
        %get3A_1760 = arith.constant 80 : index
        %get3A_1761 = tpu.vector_load %arg18[%get3A_1759, %get3A_1760] {strides = array<i32>} : memref<200x128xf32, #tpu.memory_space<vmem>>, vector<16xf32>,
        %add3A_1762 = arith.addf %get3A_1758, %get3A_1761 : vector<16xf32>
        %mul3A_1763 = arith.mulf %convert_element_type3A_1710, %sub3A_62 : vector<16xf32>
        %add3A_1764 = arith.addf %add3A_1762, %mul3A_1763 : vector<16xf32>
        %get3A_1765 = arith.index_cast %scan3A_1702 : i32 to index
        %get3A_1766 = arith.constant 96 : index
        %get3A_1767 = tpu.vector_load %arg14[%get3A_1765, %get3A_1766] {strides = array<i32>} : memref<128x128xf32, #tpu.memory_space<vmem>>, vector<16xf32>,
        %get3A_1768 = arith.index_cast %rem3A_1707 : i32 to index
        %get3A_1769 = arith.constant 96 : index
        %get3A_1770 = tpu.vector_load %arg18[%get3A_1768, %get3A_1769] {strides = array<i32>} : memref<200x128xf32, #tpu.memory_space<vmem>>, vector<16xf32>,
        %add3A_1771 = arith.addf %get3A_1767, %get3A_1770 : vector<16xf32>
        %mul3A_1772 = arith.mulf %convert_element_type3A_1710, %sub3A_67 : vector<16xf32>
        %add3A_1773 = arith.addf %add3A_1771, %mul3A_1772 : vector<16xf32>
        %get3A_1774 = arith.index_cast %scan3A_1702 : i32 to index
        %get3A_1775 = arith.constant 112 : index
        %get3A_1776 = tpu.vector_load %arg14[%get3A_1774, %get3A_1775] {strides = array<i32>} : memref<128x128xf32, #tpu.memory_space<vmem>>, vector<16xf32>,
        %get3A_1777 = arith.index_cast %rem3A_1707 : i32 to index
        %get3A_1778 = arith.constant 112 : index
        %get3A_1779 = tpu.vector_load %arg18[%get3A_1777, %get3A_1778] {strides = array<i32>} : memref<200x128xf32, #tpu.memory_space<vmem>>, vector<16xf32>,
        %add3A_1780 = arith.addf %get3A_1776, %get3A_1779 : vector<16xf32>
        %mul3A_1781 = arith.mulf %convert_element_type3A_1710, %sub3A_72 : vector<16xf32>
        %add3A_1782 = arith.addf %add3A_1780, %mul3A_1781 : vector<16xf32>
        %add3A_1783 = arith.addf %add3A_1719, %add3A_1728 : vector<16xf32>
        %add3A_1784 = arith.addf %add3A_1737, %add3A_1746 : vector<16xf32>
        %add3A_1785 = arith.addf %add3A_1755, %add3A_1764 : vector<16xf32>
        %add3A_1786 = arith.addf %add3A_1773, %add3A_1782 : vector<16xf32>
        %add3A_1787 = arith.addf %add3A_1783, %add3A_1784 : vector<16xf32>
        %add3A_1788 = arith.addf %add3A_1785, %add3A_1786 : vector<16xf32>
        %add3A_1789 = arith.addf %add3A_1787, %add3A_1788 : vector<16xf32>
        %mul3A_1790 = arith.mulf %add3A_1719, %add3A_1719 : vector<16xf32>
        %mul3A_1791 = arith.mulf %add3A_1728, %add3A_1728 : vector<16xf32>
        %mul3A_1792 = arith.mulf %add3A_1737, %add3A_1737 : vector<16xf32>
        %mul3A_1793 = arith.mulf %add3A_1746, %add3A_1746 : vector<16xf32>
        %mul3A_1794 = arith.mulf %add3A_1755, %add3A_1755 : vector<16xf32>
        %mul3A_1795 = arith.mulf %add3A_1764, %add3A_1764 : vector<16xf32>
        %mul3A_1796 = arith.mulf %add3A_1773, %add3A_1773 : vector<16xf32>
        %mul3A_1797 = arith.mulf %add3A_1782, %add3A_1782 : vector<16xf32>
        %add3A_1798 = arith.addf %mul3A_1790, %mul3A_1791 : vector<16xf32>
        %add3A_1799 = arith.addf %mul3A_1792, %mul3A_1793 : vector<16xf32>
        %add3A_1800 = arith.addf %mul3A_1794, %mul3A_1795 : vector<16xf32>
        %add3A_1801 = arith.addf %mul3A_1796, %mul3A_1797 : vector<16xf32>
        %add3A_1802 = arith.addf %add3A_1798, %add3A_1799 : vector<16xf32>
        %add3A_1803 = arith.addf %add3A_1800, %add3A_1801 : vector<16xf32>
        %add3A_1804 = arith.addf %add3A_1802, %add3A_1803 : vector<16xf32>
        %reduce_sum3A_1805 = arith.constant true
        %reduce_sum3A_1806 = vector.broadcast %reduce_sum3A_1805 : i1 to vector<16xi1>
        %reduce_sum3A_1807 = tpu.scan <sum>, %add3A_1789 masked %reduce_sum3A_1806 : vector<16xf32>, vector<16xi1> -> vector<16xf32>
        %reduce_sum3A_1808 = vector.extract %reduce_sum3A_1807[15] : f32 from vector<16xf32>
        %reduce_sum3A_1809 = arith.constant true
        %reduce_sum3A_1810 = vector.broadcast %reduce_sum3A_1809 : i1 to vector<16xi1>
        %reduce_sum3A_1811 = tpu.scan <sum>, %add3A_1804 masked %reduce_sum3A_1810 : vector<16xf32>, vector<16xi1> -> vector<16xf32>
        %reduce_sum3A_1812 = vector.extract %reduce_sum3A_1811[15] : f32 from vector<16xf32>
        %broadcast_in_dim3A_1813 = vector.broadcast %reduce_sum3A_1808 : f32 to vector<16xf32>
        %mul3A_1814 = arith.constant 7.812500e-03 : f32
        %mul3A_1815 = vector.broadcast %mul3A_1814 : f32 to vector<16xf32>
        %mul3A_1816 = arith.mulf %broadcast_in_dim3A_1813, %mul3A_1815 : vector<16xf32>
        %broadcast_in_dim3A_1817 = vector.broadcast %reduce_sum3A_1812 : f32 to vector<16xf32>
        %mul3A_1818 = arith.constant 7.812500e-03 : f32
        %mul3A_1819 = vector.broadcast %mul3A_1818 : f32 to vector<16xf32>
        %mul3A_1820 = arith.mulf %broadcast_in_dim3A_1817, %mul3A_1819 : vector<16xf32>
        %mul3A_1821 = arith.mulf %mul3A_1816, %mul3A_1816 : vector<16xf32>
        %sub3A_1822 = arith.subf %mul3A_1820, %mul3A_1821 : vector<16xf32>
        %max3A_1823 = arith.constant 0.000000e+00 : f32
        %max3A_1824 = vector.broadcast %max3A_1823 : f32 to vector<16xf32>
        %max3A_1825 = arith.maximumf %sub3A_1822, %max3A_1824 : vector<16xf32>
        %add3A_1826 = arith.constant 9.99999996E-13 : f32
        %add3A_1827 = vector.broadcast %add3A_1826 : f32 to vector<16xf32>
        %add3A_1828 = arith.addf %max3A_1825, %add3A_1827 : vector<16xf32>
        %bitcast_convert_type3A_1829 = tpu.bitcast %add3A_1828 : vector<16xf32> -> vector<16xi32>
        %shift_right_logical3A_1830 = arith.constant 1 : i32
        %shift_right_logical3A_1831 = vector.broadcast %shift_right_logical3A_1830 : i32 to vector<16xi32>
        %shift_right_logical3A_1832 = arith.shrui %bitcast_convert_type3A_1829, %shift_right_logical3A_1831 : vector<16xi32>
        %sub3A_1833 = arith.constant 1597463007 : i32
        %sub3A_1834 = vector.broadcast %sub3A_1833 : i32 to vector<16xi32>
        %sub3A_1835 = arith.subi %sub3A_1834, %shift_right_logical3A_1832 : vector<16xi32>
        %bitcast_convert_type3A_1836 = tpu.bitcast %sub3A_1835 : vector<16xi32> -> vector<16xf32>
        %mul3A_1837 = arith.constant 5.000000e-01 : f32
        %mul3A_1838 = vector.broadcast %mul3A_1837 : f32 to vector<16xf32>
        %mul3A_1839 = arith.mulf %mul3A_1838, %add3A_1828 : vector<16xf32>
        %mul3A_1840 = arith.mulf %mul3A_1839, %bitcast_convert_type3A_1836 : vector<16xf32>
        %mul3A_1841 = arith.mulf %mul3A_1840, %bitcast_convert_type3A_1836 : vector<16xf32>
        %sub3A_1842 = arith.constant 1.500000e+00 : f32
        %sub3A_1843 = vector.broadcast %sub3A_1842 : f32 to vector<16xf32>
        %sub3A_1844 = arith.subf %sub3A_1843, %mul3A_1841 : vector<16xf32>
        %mul3A_1845 = arith.mulf %bitcast_convert_type3A_1836, %sub3A_1844 : vector<16xf32>
        %mul3A_1846 = arith.constant 5.000000e-01 : f32
        %mul3A_1847 = vector.broadcast %mul3A_1846 : f32 to vector<16xf32>
        %mul3A_1848 = arith.mulf %mul3A_1847, %add3A_1828 : vector<16xf32>
        %mul3A_1849 = arith.mulf %mul3A_1848, %mul3A_1845 : vector<16xf32>
        %mul3A_1850 = arith.mulf %mul3A_1849, %mul3A_1845 : vector<16xf32>
        %sub3A_1851 = arith.constant 1.500000e+00 : f32
        %sub3A_1852 = vector.broadcast %sub3A_1851 : f32 to vector<16xf32>
        %sub3A_1853 = arith.subf %sub3A_1852, %mul3A_1850 : vector<16xf32>
        %mul3A_1854 = arith.mulf %mul3A_1845, %sub3A_1853 : vector<16xf32>
        %mul3A_1855 = arith.mulf %mul3A_1854, %get3A_79 : vector<16xf32>
        %mul3A_1856 = arith.mulf %add3A_1719, %mul3A_1855 : vector<16xf32>
        %mul3A_1857 = arith.mulf %mul3A_1816, %mul3A_1855 : vector<16xf32>
        %sub3A_1858 = arith.subf %get3A_95, %mul3A_1857 : vector<16xf32>
        %add3A_1859 = arith.addf %mul3A_1856, %sub3A_1858 : vector<16xf32>
        %swap3A_1860 = arith.index_cast %scan3A_1702 : i32 to index
        %swap3A_1861 = arith.constant 0 : index
        %swap3A_1862 = tpu.vector_load %arg16[%swap3A_1860, %swap3A_1861] {strides = array<i32>} : memref<128x128xf32, #tpu.memory_space<vmem>>, vector<16xf32>,
        tpu.vector_store %arg16[%swap3A_1860, %swap3A_1861], %add3A_1859 {strides = array<i32>} : memref<128x128xf32, #tpu.memory_space<vmem>>, vector<16xf32>,
        %mul3A_1863 = arith.mulf %mul3A_1854, %get3A_81 : vector<16xf32>
        %mul3A_1864 = arith.mulf %add3A_1728, %mul3A_1863 : vector<16xf32>
        %mul3A_1865 = arith.mulf %mul3A_1816, %mul3A_1863 : vector<16xf32>
        %sub3A_1866 = arith.subf %get3A_97, %mul3A_1865 : vector<16xf32>
        %add3A_1867 = arith.addf %mul3A_1864, %sub3A_1866 : vector<16xf32>
        %swap3A_1868 = arith.index_cast %scan3A_1702 : i32 to index
        %swap3A_1869 = arith.constant 16 : index
        %swap3A_1870 = tpu.vector_load %arg16[%swap3A_1868, %swap3A_1869] {strides = array<i32>} : memref<128x128xf32, #tpu.memory_space<vmem>>, vector<16xf32>,
        tpu.vector_store %arg16[%swap3A_1868, %swap3A_1869], %add3A_1867 {strides = array<i32>} : memref<128x128xf32, #tpu.memory_space<vmem>>, vector<16xf32>,
        %mul3A_1871 = arith.mulf %mul3A_1854, %get3A_83 : vector<16xf32>
        %mul3A_1872 = arith.mulf %add3A_1737, %mul3A_1871 : vector<16xf32>
        %mul3A_1873 = arith.mulf %mul3A_1816, %mul3A_1871 : vector<16xf32>
        %sub3A_1874 = arith.subf %get3A_99, %mul3A_1873 : vector<16xf32>
        %add3A_1875 = arith.addf %mul3A_1872, %sub3A_1874 : vector<16xf32>
        %swap3A_1876 = arith.index_cast %scan3A_1702 : i32 to index
        %swap3A_1877 = arith.constant 32 : index
        %swap3A_1878 = tpu.vector_load %arg16[%swap3A_1876, %swap3A_1877] {strides = array<i32>} : memref<128x128xf32, #tpu.memory_space<vmem>>, vector<16xf32>,
        tpu.vector_store %arg16[%swap3A_1876, %swap3A_1877], %add3A_1875 {strides = array<i32>} : memref<128x128xf32, #tpu.memory_space<vmem>>, vector<16xf32>,
        %mul3A_1879 = arith.mulf %mul3A_1854, %get3A_85 : vector<16xf32>
        %mul3A_1880 = arith.mulf %add3A_1746, %mul3A_1879 : vector<16xf32>
        %mul3A_1881 = arith.mulf %mul3A_1816, %mul3A_1879 : vector<16xf32>
        %sub3A_1882 = arith.subf %get3A_101, %mul3A_1881 : vector<16xf32>
        %add3A_1883 = arith.addf %mul3A_1880, %sub3A_1882 : vector<16xf32>
        %swap3A_1884 = arith.index_cast %scan3A_1702 : i32 to index
        %swap3A_1885 = arith.constant 48 : index
        %swap3A_1886 = tpu.vector_load %arg16[%swap3A_1884, %swap3A_1885] {strides = array<i32>} : memref<128x128xf32, #tpu.memory_space<vmem>>, vector<16xf32>,
        tpu.vector_store %arg16[%swap3A_1884, %swap3A_1885], %add3A_1883 {strides = array<i32>} : memref<128x128xf32, #tpu.memory_space<vmem>>, vector<16xf32>,
        %mul3A_1887 = arith.mulf %mul3A_1854, %get3A_87 : vector<16xf32>
        %mul3A_1888 = arith.mulf %add3A_1755, %mul3A_1887 : vector<16xf32>
        %mul3A_1889 = arith.mulf %mul3A_1816, %mul3A_1887 : vector<16xf32>
        %sub3A_1890 = arith.subf %get3A_103, %mul3A_1889 : vector<16xf32>
        %add3A_1891 = arith.addf %mul3A_1888, %sub3A_1890 : vector<16xf32>
        %swap3A_1892 = arith.index_cast %scan3A_1702 : i32 to index
        %swap3A_1893 = arith.constant 64 : index
        %swap3A_1894 = tpu.vector_load %arg16[%swap3A_1892, %swap3A_1893] {strides = array<i32>} : memref<128x128xf32, #tpu.memory_space<vmem>>, vector<16xf32>,
        tpu.vector_store %arg16[%swap3A_1892, %swap3A_1893], %add3A_1891 {strides = array<i32>} : memref<128x128xf32, #tpu.memory_space<vmem>>, vector<16xf32>,
        %mul3A_1895 = arith.mulf %mul3A_1854, %get3A_89 : vector<16xf32>
        %mul3A_1896 = arith.mulf %add3A_1764, %mul3A_1895 : vector<16xf32>
        %mul3A_1897 = arith.mulf %mul3A_1816, %mul3A_1895 : vector<16xf32>
        %sub3A_1898 = arith.subf %get3A_105, %mul3A_1897 : vector<16xf32>
        %add3A_1899 = arith.addf %mul3A_1896, %sub3A_1898 : vector<16xf32>
        %swap3A_1900 = arith.index_cast %scan3A_1702 : i32 to index
        %swap3A_1901 = arith.constant 80 : index
        %swap3A_1902 = tpu.vector_load %arg16[%swap3A_1900, %swap3A_1901] {strides = array<i32>} : memref<128x128xf32, #tpu.memory_space<vmem>>, vector<16xf32>,
        tpu.vector_store %arg16[%swap3A_1900, %swap3A_1901], %add3A_1899 {strides = array<i32>} : memref<128x128xf32, #tpu.memory_space<vmem>>, vector<16xf32>,
        %mul3A_1903 = arith.mulf %mul3A_1854, %get3A_91 : vector<16xf32>
        %mul3A_1904 = arith.mulf %add3A_1773, %mul3A_1903 : vector<16xf32>
        %mul3A_1905 = arith.mulf %mul3A_1816, %mul3A_1903 : vector<16xf32>
        %sub3A_1906 = arith.subf %get3A_107, %mul3A_1905 : vector<16xf32>
        %add3A_1907 = arith.addf %mul3A_1904, %sub3A_1906 : vector<16xf32>
        %swap3A_1908 = arith.index_cast %scan3A_1702 : i32 to index
        %swap3A_1909 = arith.constant 96 : index
        %swap3A_1910 = tpu.vector_load %arg16[%swap3A_1908, %swap3A_1909] {strides = array<i32>} : memref<128x128xf32, #tpu.memory_space<vmem>>, vector<16xf32>,
        tpu.vector_store %arg16[%swap3A_1908, %swap3A_1909], %add3A_1907 {strides = array<i32>} : memref<128x128xf32, #tpu.memory_space<vmem>>, vector<16xf32>,
        %mul3A_1911 = arith.mulf %mul3A_1854, %get3A_93 : vector<16xf32>
        %mul3A_1912 = arith.mulf %add3A_1782, %mul3A_1911 : vector<16xf32>
        %mul3A_1913 = arith.mulf %mul3A_1816, %mul3A_1911 : vector<16xf32>
        %sub3A_1914 = arith.subf %get3A_109, %mul3A_1913 : vector<16xf32>
        %add3A_1915 = arith.addf %mul3A_1912, %sub3A_1914 : vector<16xf32>
        %swap3A_1916 = arith.index_cast %scan3A_1702 : i32 to index
        %swap3A_1917 = arith.constant 112 : index
        %swap3A_1918 = tpu.vector_load %arg16[%swap3A_1916, %swap3A_1917] {strides = array<i32>} : memref<128x128xf32, #tpu.memory_space<vmem>>, vector<16xf32>,
        tpu.vector_store %arg16[%swap3A_1916, %swap3A_1917], %add3A_1915 {strides = array<i32>} : memref<128x128xf32, #tpu.memory_space<vmem>>, vector<16xf32>,
      }
      %scan3A_147 = arith.constant 128 : i32
      %dma_start3A_148 = arith.constant 0 : i32
      %dma_start3A_149 = tpu.memref_slice %arg9[%add3A_130, %dma_start3A_148] : memref<204800x128xf32, #tpu.memory_space<hbm>> -> memref<128x128xf32, #tpu.memory_space<hbm>>
      %dma_start3A_150 = arith.constant 0 : i32
      %dma_start3A_151 = tpu.memref_slice %arg9[%add3A_130, %dma_start3A_150] : memref<204800x128xf32, #tpu.memory_space<hbm>> -> memref<128x128xf32, #tpu.memory_space<hbm>>
      tpu.enqueue_dma source(%arg16 : memref<128x128xf32, #tpu.memory_space<vmem>>) target(%dma_start3A_151 : memref<128x128xf32, #tpu.memory_space<hbm>>) target_semaphore(%arg24 : memref<!tpu.dma_semaphore, #tpu.memory_space<semaphore_mem>>)
      %mul3A_152 = arith.constant 2 : i32
      %mul3A_153 = arith.muli %mul3A_152, %scan3A_125 : i32
      %add3A_154 = arith.constant 1 : i32
      %add3A_155 = arith.addi %mul3A_153, %add3A_154 : i32
      %mul3A_156 = arith.constant 128 : i32
      %mul3A_157 = arith.muli %add3A_155, %mul3A_156 : i32
      %add3A_158 = arith.addi %mul3A_2, %mul3A_157 : i32
      %dma_wait3A_159 = arith.constant 0 : i32
      %dma_wait3A_160 = arith.constant 0 : i32
      %dma_wait3A_161 = tpu.memref_slice %arg4[%dma_wait3A_159, %dma_wait3A_160] : memref<100000x128xf32, #tpu.memory_space<hbm>> -> memref<100000x128xf32, #tpu.memory_space<hbm>>
      tpu.wait_indirect_dma semaphore(%arg23 : memref<!tpu.dma_semaphore, #tpu.memory_space<semaphore_mem>>) src(%dma_wait3A_161 : memref<100000x128xf32, #tpu.memory_space<hbm>>) dst(%arg15 : memref<128x128xf32, #tpu.memory_space<vmem>>)
      %add3A_162 = arith.constant 1 : i32
      %add3A_163 = arith.addi %add3A_155, %add3A_162 : i32
      %lt3A_164 = arith.constant 50 : i32
      %lt3A_165 = arith.cmpi slt, %add3A_163, %lt3A_164 : i32
      %convert_element_type3A_166 = arith.extui %lt3A_165 : i1 to i32
      %cond3A_167 = arith.constant 0 : i32
      %cond3A_168 = arith.cmpi ne, %convert_element_type3A_166, %cond3A_167 : i32
      scf.if %cond3A_168 {
        %add3A_184 = arith.constant 128 : i32
        %add3A_185 = arith.addi %add3A_158, %add3A_184 : i32
        "tpu.region"() ({
          %run_scoped3A = tpu.sem_alloc : memref<!tpu.dma_semaphore, #tpu.memory_space<semaphore_mem>>
          %dma_start3A_189 = tpu.memref_slice %arg2[%add3A_185] : memref<204800xi32, #tpu.memory_space<hbm>> -> memref<128xi32, #tpu.memory_space<hbm>>
          %dma_start3A_190 = tpu.memref_slice %arg2[%add3A_185] : memref<204800xi32, #tpu.memory_space<hbm>> -> memref<128xi32, #tpu.memory_space<hbm>>
          tpu.enqueue_dma source(%dma_start3A_190 : memref<128xi32, #tpu.memory_space<hbm>>) target(%arg10 : memref<128xi32, #tpu.memory_space<vmem>>) target_semaphore(%run_scoped3A : memref<!tpu.dma_semaphore, #tpu.memory_space<semaphore_mem>>)
          %dma_wait3A_191 = tpu.memref_slice %arg2[%add3A_185] : memref<204800xi32, #tpu.memory_space<hbm>> -> memref<128xi32, #tpu.memory_space<hbm>>
          %dma_wait3A_192 = tpu.memref_slice %arg2[%add3A_185] : memref<204800xi32, #tpu.memory_space<hbm>> -> memref<128xi32, #tpu.memory_space<hbm>>
          tpu.wait_dma2 semaphore(%run_scoped3A : memref<!tpu.dma_semaphore, #tpu.memory_space<semaphore_mem>>) src(%dma_wait3A_192 : memref<128xi32, #tpu.memory_space<hbm>>) dst(%arg10 : memref<128xi32, #tpu.memory_space<vmem>>)
          tpu.yield
        }) : () -> ()
        "tpu.region"() ({
          %run_scoped3A = tpu.sem_alloc : memref<!tpu.dma_semaphore, #tpu.memory_space<semaphore_mem>>
          %dma_start3A_189 = tpu.memref_slice %arg3[%add3A_185] : memref<204800xi32, #tpu.memory_space<hbm>> -> memref<128xi32, #tpu.memory_space<hbm>>
          %dma_start3A_190 = tpu.memref_slice %arg3[%add3A_185] : memref<204800xi32, #tpu.memory_space<hbm>> -> memref<128xi32, #tpu.memory_space<hbm>>
          tpu.enqueue_dma source(%dma_start3A_190 : memref<128xi32, #tpu.memory_space<hbm>>) target(%arg12 : memref<128xi32, #tpu.memory_space<vmem>>) target_semaphore(%run_scoped3A : memref<!tpu.dma_semaphore, #tpu.memory_space<semaphore_mem>>)
          %dma_wait3A_191 = tpu.memref_slice %arg3[%add3A_185] : memref<204800xi32, #tpu.memory_space<hbm>> -> memref<128xi32, #tpu.memory_space<hbm>>
          %dma_wait3A_192 = tpu.memref_slice %arg3[%add3A_185] : memref<204800xi32, #tpu.memory_space<hbm>> -> memref<128xi32, #tpu.memory_space<hbm>>
          tpu.wait_dma2 semaphore(%run_scoped3A : memref<!tpu.dma_semaphore, #tpu.memory_space<semaphore_mem>>) src(%dma_wait3A_192 : memref<128xi32, #tpu.memory_space<hbm>>) dst(%arg12 : memref<128xi32, #tpu.memory_space<vmem>>)
          tpu.yield
        }) : () -> ()
        %dma_start3A_186 = arith.constant 0 : i32
        %dma_start3A_187 = arith.constant 0 : i32
        %dma_start3A_188 = tpu.memref_slice %arg4[%dma_start3A_186, %dma_start3A_187] : memref<100000x128xf32, #tpu.memory_space<hbm>> -> memref<100000x128xf32, #tpu.memory_space<hbm>>
        tpu.enqueue_indirect_dma source(%dma_start3A_188 : memref<100000x128xf32, #tpu.memory_space<hbm>>) target(%arg14 : memref<128x128xf32, #tpu.memory_space<vmem>>) offsets(%arg10 : memref<128xi32, #tpu.memory_space<vmem>>) semaphore(%arg22 : memref<!tpu.dma_semaphore, #tpu.memory_space<semaphore_mem>>)
      } else {
      }
      %ge3A_169 = arith.constant 2 : i32
      %ge3A_170 = arith.cmpi sge, %add3A_155, %ge3A_169 : i32
      %convert_element_type3A_171 = arith.extui %ge3A_170 : i1 to i32
      %cond3A_172 = arith.constant 0 : i32
      %cond3A_173 = arith.cmpi ne, %convert_element_type3A_171, %cond3A_172 : i32
      scf.if %cond3A_173 {
        %dma_wait3A_184 = arith.constant 0 : i32
        %dma_wait3A_185 = tpu.memref_slice %arg9[%mul3A_2, %dma_wait3A_184] : memref<204800x128xf32, #tpu.memory_space<hbm>> -> memref<128x128xf32, #tpu.memory_space<hbm>>
        %dma_wait3A_186 = arith.constant 0 : i32
        %dma_wait3A_187 = tpu.memref_slice %arg9[%mul3A_2, %dma_wait3A_186] : memref<204800x128xf32, #tpu.memory_space<hbm>> -> memref<128x128xf32, #tpu.memory_space<hbm>>
        tpu.wait_dma2 semaphore(%arg25 : memref<!tpu.dma_semaphore, #tpu.memory_space<semaphore_mem>>) src(%arg17 : memref<128x128xf32, #tpu.memory_space<vmem>>) dst(%dma_wait3A_187 : memref<128x128xf32, #tpu.memory_space<hbm>>)
      } else {
      }
      %scan3A_174 = arith.constant 0 : i32
      %scan3A_175 = arith.constant 0 : i32
      %scan3A_176 = arith.constant 128 : i32
      %scan3A_177 = arith.addi %scan3A_175, %scan3A_176 : i32
      %scan3A_178 = arith.constant 8 : i32
      scf.for %scan3A_184 = %scan3A_175 to %scan3A_177 step %scan3A_178  : i32 {
        %mul3A_185 = arith.constant 128 : i32
        %mul3A_186 = arith.muli %add3A_155, %mul3A_185 : i32
        %add3A_187 = arith.addi %mul3A_186, %scan3A_184 : i32
        %rem3A = arith.constant 200 : i32
        %rem3A_188 = arith.remsi %add3A_187, %rem3A : i32
        %broadcast_in_dim3A = vector.broadcast %scan3A_184 : i32 to vector<16xi32>
        %gather3A = tpu.vector_load_idx %arg13[%broadcast_in_dim3A] : memref<128xi32, #tpu.memory_space<vmem>>[vector<16xi32>], vector<16xi32>,
        %convert_element_type3A_189 = arith.sitofp %gather3A : vector<16xi32> to vector<16xf32>
        %get3A_190 = arith.index_cast %scan3A_184 : i32 to index
        %get3A_191 = arith.constant 0 : index
        %get3A_192 = tpu.vector_load %arg15[%get3A_190, %get3A_191] {strides = array<i32>} : memref<128x128xf32, #tpu.memory_space<vmem>>, vector<16xf32>,
        %get3A_193 = arith.index_cast %rem3A_188 : i32 to index
        %get3A_194 = arith.constant 0 : index
        %get3A_195 = tpu.vector_load %arg18[%get3A_193, %get3A_194] {strides = array<i32>} : memref<200x128xf32, #tpu.memory_space<vmem>>, vector<16xf32>,
        %add3A_196 = arith.addf %get3A_192, %get3A_195 : vector<16xf32>
        %mul3A_197 = arith.mulf %convert_element_type3A_189, %sub3A : vector<16xf32>
        %add3A_198 = arith.addf %add3A_196, %mul3A_197 : vector<16xf32>
        %get3A_199 = arith.index_cast %scan3A_184 : i32 to index
        %get3A_200 = arith.constant 16 : index
        %get3A_201 = tpu.vector_load %arg15[%get3A_199, %get3A_200] {strides = array<i32>} : memref<128x128xf32, #tpu.memory_space<vmem>>, vector<16xf32>,
        %get3A_202 = arith.index_cast %rem3A_188 : i32 to index
        %get3A_203 = arith.constant 16 : index
        %get3A_204 = tpu.vector_load %arg18[%get3A_202, %get3A_203] {strides = array<i32>} : memref<200x128xf32, #tpu.memory_space<vmem>>, vector<16xf32>,
        %add3A_205 = arith.addf %get3A_201, %get3A_204 : vector<16xf32>
        %mul3A_206 = arith.mulf %convert_element_type3A_189, %sub3A_42 : vector<16xf32>
        %add3A_207 = arith.addf %add3A_205, %mul3A_206 : vector<16xf32>
        %get3A_208 = arith.index_cast %scan3A_184 : i32 to index
        %get3A_209 = arith.constant 32 : index
        %get3A_210 = tpu.vector_load %arg15[%get3A_208, %get3A_209] {strides = array<i32>} : memref<128x128xf32, #tpu.memory_space<vmem>>, vector<16xf32>,
        %get3A_211 = arith.index_cast %rem3A_188 : i32 to index
        %get3A_212 = arith.constant 32 : index
        %get3A_213 = tpu.vector_load %arg18[%get3A_211, %get3A_212] {strides = array<i32>} : memref<200x128xf32, #tpu.memory_space<vmem>>, vector<16xf32>,
        %add3A_214 = arith.addf %get3A_210, %get3A_213 : vector<16xf32>
        %mul3A_215 = arith.mulf %convert_element_type3A_189, %sub3A_47 : vector<16xf32>
        %add3A_216 = arith.addf %add3A_214, %mul3A_215 : vector<16xf32>
        %get3A_217 = arith.index_cast %scan3A_184 : i32 to index
        %get3A_218 = arith.constant 48 : index
        %get3A_219 = tpu.vector_load %arg15[%get3A_217, %get3A_218] {strides = array<i32>} : memref<128x128xf32, #tpu.memory_space<vmem>>, vector<16xf32>,
        %get3A_220 = arith.index_cast %rem3A_188 : i32 to index
        %get3A_221 = arith.constant 48 : index
        %get3A_222 = tpu.vector_load %arg18[%get3A_220, %get3A_221] {strides = array<i32>} : memref<200x128xf32, #tpu.memory_space<vmem>>, vector<16xf32>,
        %add3A_223 = arith.addf %get3A_219, %get3A_222 : vector<16xf32>
        %mul3A_224 = arith.mulf %convert_element_type3A_189, %sub3A_52 : vector<16xf32>
        %add3A_225 = arith.addf %add3A_223, %mul3A_224 : vector<16xf32>
        %get3A_226 = arith.index_cast %scan3A_184 : i32 to index
        %get3A_227 = arith.constant 64 : index
        %get3A_228 = tpu.vector_load %arg15[%get3A_226, %get3A_227] {strides = array<i32>} : memref<128x128xf32, #tpu.memory_space<vmem>>, vector<16xf32>,
        %get3A_229 = arith.index_cast %rem3A_188 : i32 to index
        %get3A_230 = arith.constant 64 : index
        %get3A_231 = tpu.vector_load %arg18[%get3A_229, %get3A_230] {strides = array<i32>} : memref<200x128xf32, #tpu.memory_space<vmem>>, vector<16xf32>,
        %add3A_232 = arith.addf %get3A_228, %get3A_231 : vector<16xf32>
        %mul3A_233 = arith.mulf %convert_element_type3A_189, %sub3A_57 : vector<16xf32>
        %add3A_234 = arith.addf %add3A_232, %mul3A_233 : vector<16xf32>
        %get3A_235 = arith.index_cast %scan3A_184 : i32 to index
        %get3A_236 = arith.constant 80 : index
        %get3A_237 = tpu.vector_load %arg15[%get3A_235, %get3A_236] {strides = array<i32>} : memref<128x128xf32, #tpu.memory_space<vmem>>, vector<16xf32>,
        %get3A_238 = arith.index_cast %rem3A_188 : i32 to index
        %get3A_239 = arith.constant 80 : index
        %get3A_240 = tpu.vector_load %arg18[%get3A_238, %get3A_239] {strides = array<i32>} : memref<200x128xf32, #tpu.memory_space<vmem>>, vector<16xf32>,
        %add3A_241 = arith.addf %get3A_237, %get3A_240 : vector<16xf32>
        %mul3A_242 = arith.mulf %convert_element_type3A_189, %sub3A_62 : vector<16xf32>
        %add3A_243 = arith.addf %add3A_241, %mul3A_242 : vector<16xf32>
        %get3A_244 = arith.index_cast %scan3A_184 : i32 to index
        %get3A_245 = arith.constant 96 : index
        %get3A_246 = tpu.vector_load %arg15[%get3A_244, %get3A_245] {strides = array<i32>} : memref<128x128xf32, #tpu.memory_space<vmem>>, vector<16xf32>,
        %get3A_247 = arith.index_cast %rem3A_188 : i32 to index
        %get3A_248 = arith.constant 96 : index
        %get3A_249 = tpu.vector_load %arg18[%get3A_247, %get3A_248] {strides = array<i32>} : memref<200x128xf32, #tpu.memory_space<vmem>>, vector<16xf32>,
        %add3A_250 = arith.addf %get3A_246, %get3A_249 : vector<16xf32>
        %mul3A_251 = arith.mulf %convert_element_type3A_189, %sub3A_67 : vector<16xf32>
        %add3A_252 = arith.addf %add3A_250, %mul3A_251 : vector<16xf32>
        %get3A_253 = arith.index_cast %scan3A_184 : i32 to index
        %get3A_254 = arith.constant 112 : index
        %get3A_255 = tpu.vector_load %arg15[%get3A_253, %get3A_254] {strides = array<i32>} : memref<128x128xf32, #tpu.memory_space<vmem>>, vector<16xf32>,
        %get3A_256 = arith.index_cast %rem3A_188 : i32 to index
        %get3A_257 = arith.constant 112 : index
        %get3A_258 = tpu.vector_load %arg18[%get3A_256, %get3A_257] {strides = array<i32>} : memref<200x128xf32, #tpu.memory_space<vmem>>, vector<16xf32>,
        %add3A_259 = arith.addf %get3A_255, %get3A_258 : vector<16xf32>
        %mul3A_260 = arith.mulf %convert_element_type3A_189, %sub3A_72 : vector<16xf32>
        %add3A_261 = arith.addf %add3A_259, %mul3A_260 : vector<16xf32>
        %add3A_262 = arith.addf %add3A_198, %add3A_207 : vector<16xf32>
        %add3A_263 = arith.addf %add3A_216, %add3A_225 : vector<16xf32>
        %add3A_264 = arith.addf %add3A_234, %add3A_243 : vector<16xf32>
        %add3A_265 = arith.addf %add3A_252, %add3A_261 : vector<16xf32>
        %add3A_266 = arith.addf %add3A_262, %add3A_263 : vector<16xf32>
        %add3A_267 = arith.addf %add3A_264, %add3A_265 : vector<16xf32>
        %add3A_268 = arith.addf %add3A_266, %add3A_267 : vector<16xf32>
        %mul3A_269 = arith.mulf %add3A_198, %add3A_198 : vector<16xf32>
        %mul3A_270 = arith.mulf %add3A_207, %add3A_207 : vector<16xf32>
        %mul3A_271 = arith.mulf %add3A_216, %add3A_216 : vector<16xf32>
        %mul3A_272 = arith.mulf %add3A_225, %add3A_225 : vector<16xf32>
        %mul3A_273 = arith.mulf %add3A_234, %add3A_234 : vector<16xf32>
        %mul3A_274 = arith.mulf %add3A_243, %add3A_243 : vector<16xf32>
        %mul3A_275 = arith.mulf %add3A_252, %add3A_252 : vector<16xf32>
        %mul3A_276 = arith.mulf %add3A_261, %add3A_261 : vector<16xf32>
        %add3A_277 = arith.addf %mul3A_269, %mul3A_270 : vector<16xf32>
        %add3A_278 = arith.addf %mul3A_271, %mul3A_272 : vector<16xf32>
        %add3A_279 = arith.addf %mul3A_273, %mul3A_274 : vector<16xf32>
        %add3A_280 = arith.addf %mul3A_275, %mul3A_276 : vector<16xf32>
        %add3A_281 = arith.addf %add3A_277, %add3A_278 : vector<16xf32>
        %add3A_282 = arith.addf %add3A_279, %add3A_280 : vector<16xf32>
        %add3A_283 = arith.addf %add3A_281, %add3A_282 : vector<16xf32>
        %reduce_sum3A = arith.constant true
        %reduce_sum3A_284 = vector.broadcast %reduce_sum3A : i1 to vector<16xi1>
        %reduce_sum3A_285 = tpu.scan <sum>, %add3A_268 masked %reduce_sum3A_284 : vector<16xf32>, vector<16xi1> -> vector<16xf32>
        %reduce_sum3A_286 = vector.extract %reduce_sum3A_285[15] : f32 from vector<16xf32>
        %reduce_sum3A_287 = arith.constant true
        %reduce_sum3A_288 = vector.broadcast %reduce_sum3A_287 : i1 to vector<16xi1>
        %reduce_sum3A_289 = tpu.scan <sum>, %add3A_283 masked %reduce_sum3A_288 : vector<16xf32>, vector<16xi1> -> vector<16xf32>
        %reduce_sum3A_290 = vector.extract %reduce_sum3A_289[15] : f32 from vector<16xf32>
        %broadcast_in_dim3A_291 = vector.broadcast %reduce_sum3A_286 : f32 to vector<16xf32>
        %mul3A_292 = arith.constant 7.812500e-03 : f32
        %mul3A_293 = vector.broadcast %mul3A_292 : f32 to vector<16xf32>
        %mul3A_294 = arith.mulf %broadcast_in_dim3A_291, %mul3A_293 : vector<16xf32>
        %broadcast_in_dim3A_295 = vector.broadcast %reduce_sum3A_290 : f32 to vector<16xf32>
        %mul3A_296 = arith.constant 7.812500e-03 : f32
        %mul3A_297 = vector.broadcast %mul3A_296 : f32 to vector<16xf32>
        %mul3A_298 = arith.mulf %broadcast_in_dim3A_295, %mul3A_297 : vector<16xf32>
        %mul3A_299 = arith.mulf %mul3A_294, %mul3A_294 : vector<16xf32>
        %sub3A_300 = arith.subf %mul3A_298, %mul3A_299 : vector<16xf32>
        %max3A = arith.constant 0.000000e+00 : f32
        %max3A_301 = vector.broadcast %max3A : f32 to vector<16xf32>
        %max3A_302 = arith.maximumf %sub3A_300, %max3A_301 : vector<16xf32>
        %add3A_303 = arith.constant 9.99999996E-13 : f32
        %add3A_304 = vector.broadcast %add3A_303 : f32 to vector<16xf32>
        %add3A_305 = arith.addf %max3A_302, %add3A_304 : vector<16xf32>
        %bitcast_convert_type3A = tpu.bitcast %add3A_305 : vector<16xf32> -> vector<16xi32>
        %shift_right_logical3A = arith.constant 1 : i32
        %shift_right_logical3A_306 = vector.broadcast %shift_right_logical3A : i32 to vector<16xi32>
        %shift_right_logical3A_307 = arith.shrui %bitcast_convert_type3A, %shift_right_logical3A_306 : vector<16xi32>
        %sub3A_308 = arith.constant 1597463007 : i32
        %sub3A_309 = vector.broadcast %sub3A_308 : i32 to vector<16xi32>
        %sub3A_310 = arith.subi %sub3A_309, %shift_right_logical3A_307 : vector<16xi32>
        %bitcast_convert_type3A_311 = tpu.bitcast %sub3A_310 : vector<16xi32> -> vector<16xf32>
        %mul3A_312 = arith.constant 5.000000e-01 : f32
        %mul3A_313 = vector.broadcast %mul3A_312 : f32 to vector<16xf32>
        %mul3A_314 = arith.mulf %mul3A_313, %add3A_305 : vector<16xf32>
        %mul3A_315 = arith.mulf %mul3A_314, %bitcast_convert_type3A_311 : vector<16xf32>
        %mul3A_316 = arith.mulf %mul3A_315, %bitcast_convert_type3A_311 : vector<16xf32>
        %sub3A_317 = arith.constant 1.500000e+00 : f32
        %sub3A_318 = vector.broadcast %sub3A_317 : f32 to vector<16xf32>
        %sub3A_319 = arith.subf %sub3A_318, %mul3A_316 : vector<16xf32>
        %mul3A_320 = arith.mulf %bitcast_convert_type3A_311, %sub3A_319 : vector<16xf32>
        %mul3A_321 = arith.constant 5.000000e-01 : f32
        %mul3A_322 = vector.broadcast %mul3A_321 : f32 to vector<16xf32>
        %mul3A_323 = arith.mulf %mul3A_322, %add3A_305 : vector<16xf32>
        %mul3A_324 = arith.mulf %mul3A_323, %mul3A_320 : vector<16xf32>
        %mul3A_325 = arith.mulf %mul3A_324, %mul3A_320 : vector<16xf32>
        %sub3A_326 = arith.constant 1.500000e+00 : f32
        %sub3A_327 = vector.broadcast %sub3A_326 : f32 to vector<16xf32>
        %sub3A_328 = arith.subf %sub3A_327, %mul3A_325 : vector<16xf32>
        %mul3A_329 = arith.mulf %mul3A_320, %sub3A_328 : vector<16xf32>
        %mul3A_330 = arith.mulf %mul3A_329, %get3A_79 : vector<16xf32>
        %mul3A_331 = arith.mulf %add3A_198, %mul3A_330 : vector<16xf32>
        %mul3A_332 = arith.mulf %mul3A_294, %mul3A_330 : vector<16xf32>
        %sub3A_333 = arith.subf %get3A_95, %mul3A_332 : vector<16xf32>
        %add3A_334 = arith.addf %mul3A_331, %sub3A_333 : vector<16xf32>
        %swap3A = arith.index_cast %scan3A_184 : i32 to index
        %swap3A_335 = arith.constant 0 : index
        %swap3A_336 = tpu.vector_load %arg17[%swap3A, %swap3A_335] {strides = array<i32>} : memref<128x128xf32, #tpu.memory_space<vmem>>, vector<16xf32>,
        tpu.vector_store %arg17[%swap3A, %swap3A_335], %add3A_334 {strides = array<i32>} : memref<128x128xf32, #tpu.memory_space<vmem>>, vector<16xf32>,
        %mul3A_337 = arith.mulf %mul3A_329, %get3A_81 : vector<16xf32>
        %mul3A_338 = arith.mulf %add3A_207, %mul3A_337 : vector<16xf32>
        %mul3A_339 = arith.mulf %mul3A_294, %mul3A_337 : vector<16xf32>
        %sub3A_340 = arith.subf %get3A_97, %mul3A_339 : vector<16xf32>
        %add3A_341 = arith.addf %mul3A_338, %sub3A_340 : vector<16xf32>
        %swap3A_342 = arith.index_cast %scan3A_184 : i32 to index
        %swap3A_343 = arith.constant 16 : index
        %swap3A_344 = tpu.vector_load %arg17[%swap3A_342, %swap3A_343] {strides = array<i32>} : memref<128x128xf32, #tpu.memory_space<vmem>>, vector<16xf32>,
        tpu.vector_store %arg17[%swap3A_342, %swap3A_343], %add3A_341 {strides = array<i32>} : memref<128x128xf32, #tpu.memory_space<vmem>>, vector<16xf32>,
        %mul3A_345 = arith.mulf %mul3A_329, %get3A_83 : vector<16xf32>
        %mul3A_346 = arith.mulf %add3A_216, %mul3A_345 : vector<16xf32>
        %mul3A_347 = arith.mulf %mul3A_294, %mul3A_345 : vector<16xf32>
        %sub3A_348 = arith.subf %get3A_99, %mul3A_347 : vector<16xf32>
        %add3A_349 = arith.addf %mul3A_346, %sub3A_348 : vector<16xf32>
        %swap3A_350 = arith.index_cast %scan3A_184 : i32 to index
        %swap3A_351 = arith.constant 32 : index
        %swap3A_352 = tpu.vector_load %arg17[%swap3A_350, %swap3A_351] {strides = array<i32>} : memref<128x128xf32, #tpu.memory_space<vmem>>, vector<16xf32>,
        tpu.vector_store %arg17[%swap3A_350, %swap3A_351], %add3A_349 {strides = array<i32>} : memref<128x128xf32, #tpu.memory_space<vmem>>, vector<16xf32>,
        %mul3A_353 = arith.mulf %mul3A_329, %get3A_85 : vector<16xf32>
        %mul3A_354 = arith.mulf %add3A_225, %mul3A_353 : vector<16xf32>
        %mul3A_355 = arith.mulf %mul3A_294, %mul3A_353 : vector<16xf32>
        %sub3A_356 = arith.subf %get3A_101, %mul3A_355 : vector<16xf32>
        %add3A_357 = arith.addf %mul3A_354, %sub3A_356 : vector<16xf32>
        %swap3A_358 = arith.index_cast %scan3A_184 : i32 to index
        %swap3A_359 = arith.constant 48 : index
        %swap3A_360 = tpu.vector_load %arg17[%swap3A_358, %swap3A_359] {strides = array<i32>} : memref<128x128xf32, #tpu.memory_space<vmem>>, vector<16xf32>,
        tpu.vector_store %arg17[%swap3A_358, %swap3A_359], %add3A_357 {strides = array<i32>} : memref<128x128xf32, #tpu.memory_space<vmem>>, vector<16xf32>,
        %mul3A_361 = arith.mulf %mul3A_329, %get3A_87 : vector<16xf32>
        %mul3A_362 = arith.mulf %add3A_234, %mul3A_361 : vector<16xf32>
        %mul3A_363 = arith.mulf %mul3A_294, %mul3A_361 : vector<16xf32>
        %sub3A_364 = arith.subf %get3A_103, %mul3A_363 : vector<16xf32>
        %add3A_365 = arith.addf %mul3A_362, %sub3A_364 : vector<16xf32>
        %swap3A_366 = arith.index_cast %scan3A_184 : i32 to index
        %swap3A_367 = arith.constant 64 : index
        %swap3A_368 = tpu.vector_load %arg17[%swap3A_366, %swap3A_367] {strides = array<i32>} : memref<128x128xf32, #tpu.memory_space<vmem>>, vector<16xf32>,
        tpu.vector_store %arg17[%swap3A_366, %swap3A_367], %add3A_365 {strides = array<i32>} : memref<128x128xf32, #tpu.memory_space<vmem>>, vector<16xf32>,
        %mul3A_369 = arith.mulf %mul3A_329, %get3A_89 : vector<16xf32>
        %mul3A_370 = arith.mulf %add3A_243, %mul3A_369 : vector<16xf32>
        %mul3A_371 = arith.mulf %mul3A_294, %mul3A_369 : vector<16xf32>
        %sub3A_372 = arith.subf %get3A_105, %mul3A_371 : vector<16xf32>
        %add3A_373 = arith.addf %mul3A_370, %sub3A_372 : vector<16xf32>
        %swap3A_374 = arith.index_cast %scan3A_184 : i32 to index
        %swap3A_375 = arith.constant 80 : index
        %swap3A_376 = tpu.vector_load %arg17[%swap3A_374, %swap3A_375] {strides = array<i32>} : memref<128x128xf32, #tpu.memory_space<vmem>>, vector<16xf32>,
        tpu.vector_store %arg17[%swap3A_374, %swap3A_375], %add3A_373 {strides = array<i32>} : memref<128x128xf32, #tpu.memory_space<vmem>>, vector<16xf32>,
        %mul3A_377 = arith.mulf %mul3A_329, %get3A_91 : vector<16xf32>
        %mul3A_378 = arith.mulf %add3A_252, %mul3A_377 : vector<16xf32>
        %mul3A_379 = arith.mulf %mul3A_294, %mul3A_377 : vector<16xf32>
        %sub3A_380 = arith.subf %get3A_107, %mul3A_379 : vector<16xf32>
        %add3A_381 = arith.addf %mul3A_378, %sub3A_380 : vector<16xf32>
        %swap3A_382 = arith.index_cast %scan3A_184 : i32 to index
        %swap3A_383 = arith.constant 96 : index
        %swap3A_384 = tpu.vector_load %arg17[%swap3A_382, %swap3A_383] {strides = array<i32>} : memref<128x128xf32, #tpu.memory_space<vmem>>, vector<16xf32>,
        tpu.vector_store %arg17[%swap3A_382, %swap3A_383], %add3A_381 {strides = array<i32>} : memref<128x128xf32, #tpu.memory_space<vmem>>, vector<16xf32>,
        %mul3A_385 = arith.mulf %mul3A_329, %get3A_93 : vector<16xf32>
        %mul3A_386 = arith.mulf %add3A_261, %mul3A_385 : vector<16xf32>
        %mul3A_387 = arith.mulf %mul3A_294, %mul3A_385 : vector<16xf32>
        %sub3A_388 = arith.subf %get3A_109, %mul3A_387 : vector<16xf32>
        %add3A_389 = arith.addf %mul3A_386, %sub3A_388 : vector<16xf32>
        %swap3A_390 = arith.index_cast %scan3A_184 : i32 to index
        %swap3A_391 = arith.constant 112 : index
        %swap3A_392 = tpu.vector_load %arg17[%swap3A_390, %swap3A_391] {strides = array<i32>} : memref<128x128xf32, #tpu.memory_space<vmem>>, vector<16xf32>,
        tpu.vector_store %arg17[%swap3A_390, %swap3A_391], %add3A_389 {strides = array<i32>} : memref<128x128xf32, #tpu.memory_space<vmem>>, vector<16xf32>,
        %scan3A_393 = arith.constant 1 : i32
        %scan3A_394 = arith.addi %scan3A_184, %scan3A_393 : i32
        %mul3A_395 = arith.constant 128 : i32
        %mul3A_396 = arith.muli %add3A_155, %mul3A_395 : i32
        %add3A_397 = arith.addi %mul3A_396, %scan3A_394 : i32
        %rem3A_398 = arith.constant 200 : i32
        %rem3A_399 = arith.remsi %add3A_397, %rem3A_398 : i32
        %broadcast_in_dim3A_400 = vector.broadcast %scan3A_394 : i32 to vector<16xi32>
        %gather3A_401 = tpu.vector_load_idx %arg13[%broadcast_in_dim3A_400] : memref<128xi32, #tpu.memory_space<vmem>>[vector<16xi32>], vector<16xi32>,
        %convert_element_type3A_402 = arith.sitofp %gather3A_401 : vector<16xi32> to vector<16xf32>
        %get3A_403 = arith.index_cast %scan3A_394 : i32 to index
        %get3A_404 = arith.constant 0 : index
        %get3A_405 = tpu.vector_load %arg15[%get3A_403, %get3A_404] {strides = array<i32>} : memref<128x128xf32, #tpu.memory_space<vmem>>, vector<16xf32>,
        %get3A_406 = arith.index_cast %rem3A_399 : i32 to index
        %get3A_407 = arith.constant 0 : index
        %get3A_408 = tpu.vector_load %arg18[%get3A_406, %get3A_407] {strides = array<i32>} : memref<200x128xf32, #tpu.memory_space<vmem>>, vector<16xf32>,
        %add3A_409 = arith.addf %get3A_405, %get3A_408 : vector<16xf32>
        %mul3A_410 = arith.mulf %convert_element_type3A_402, %sub3A : vector<16xf32>
        %add3A_411 = arith.addf %add3A_409, %mul3A_410 : vector<16xf32>
        %get3A_412 = arith.index_cast %scan3A_394 : i32 to index
        %get3A_413 = arith.constant 16 : index
        %get3A_414 = tpu.vector_load %arg15[%get3A_412, %get3A_413] {strides = array<i32>} : memref<128x128xf32, #tpu.memory_space<vmem>>, vector<16xf32>,
        %get3A_415 = arith.index_cast %rem3A_399 : i32 to index
        %get3A_416 = arith.constant 16 : index
        %get3A_417 = tpu.vector_load %arg18[%get3A_415, %get3A_416] {strides = array<i32>} : memref<200x128xf32, #tpu.memory_space<vmem>>, vector<16xf32>,
        %add3A_418 = arith.addf %get3A_414, %get3A_417 : vector<16xf32>
        %mul3A_419 = arith.mulf %convert_element_type3A_402, %sub3A_42 : vector<16xf32>
        %add3A_420 = arith.addf %add3A_418, %mul3A_419 : vector<16xf32>
        %get3A_421 = arith.index_cast %scan3A_394 : i32 to index
        %get3A_422 = arith.constant 32 : index
        %get3A_423 = tpu.vector_load %arg15[%get3A_421, %get3A_422] {strides = array<i32>} : memref<128x128xf32, #tpu.memory_space<vmem>>, vector<16xf32>,
        %get3A_424 = arith.index_cast %rem3A_399 : i32 to index
        %get3A_425 = arith.constant 32 : index
        %get3A_426 = tpu.vector_load %arg18[%get3A_424, %get3A_425] {strides = array<i32>} : memref<200x128xf32, #tpu.memory_space<vmem>>, vector<16xf32>,
        %add3A_427 = arith.addf %get3A_423, %get3A_426 : vector<16xf32>
        %mul3A_428 = arith.mulf %convert_element_type3A_402, %sub3A_47 : vector<16xf32>
        %add3A_429 = arith.addf %add3A_427, %mul3A_428 : vector<16xf32>
        %get3A_430 = arith.index_cast %scan3A_394 : i32 to index
        %get3A_431 = arith.constant 48 : index
        %get3A_432 = tpu.vector_load %arg15[%get3A_430, %get3A_431] {strides = array<i32>} : memref<128x128xf32, #tpu.memory_space<vmem>>, vector<16xf32>,
        %get3A_433 = arith.index_cast %rem3A_399 : i32 to index
        %get3A_434 = arith.constant 48 : index
        %get3A_435 = tpu.vector_load %arg18[%get3A_433, %get3A_434] {strides = array<i32>} : memref<200x128xf32, #tpu.memory_space<vmem>>, vector<16xf32>,
        %add3A_436 = arith.addf %get3A_432, %get3A_435 : vector<16xf32>
        %mul3A_437 = arith.mulf %convert_element_type3A_402, %sub3A_52 : vector<16xf32>
        %add3A_438 = arith.addf %add3A_436, %mul3A_437 : vector<16xf32>
        %get3A_439 = arith.index_cast %scan3A_394 : i32 to index
        %get3A_440 = arith.constant 64 : index
        %get3A_441 = tpu.vector_load %arg15[%get3A_439, %get3A_440] {strides = array<i32>} : memref<128x128xf32, #tpu.memory_space<vmem>>, vector<16xf32>,
        %get3A_442 = arith.index_cast %rem3A_399 : i32 to index
        %get3A_443 = arith.constant 64 : index
        %get3A_444 = tpu.vector_load %arg18[%get3A_442, %get3A_443] {strides = array<i32>} : memref<200x128xf32, #tpu.memory_space<vmem>>, vector<16xf32>,
        %add3A_445 = arith.addf %get3A_441, %get3A_444 : vector<16xf32>
        %mul3A_446 = arith.mulf %convert_element_type3A_402, %sub3A_57 : vector<16xf32>
        %add3A_447 = arith.addf %add3A_445, %mul3A_446 : vector<16xf32>
        %get3A_448 = arith.index_cast %scan3A_394 : i32 to index
        %get3A_449 = arith.constant 80 : index
        %get3A_450 = tpu.vector_load %arg15[%get3A_448, %get3A_449] {strides = array<i32>} : memref<128x128xf32, #tpu.memory_space<vmem>>, vector<16xf32>,
        %get3A_451 = arith.index_cast %rem3A_399 : i32 to index
        %get3A_452 = arith.constant 80 : index
        %get3A_453 = tpu.vector_load %arg18[%get3A_451, %get3A_452] {strides = array<i32>} : memref<200x128xf32, #tpu.memory_space<vmem>>, vector<16xf32>,
        %add3A_454 = arith.addf %get3A_450, %get3A_453 : vector<16xf32>
        %mul3A_455 = arith.mulf %convert_element_type3A_402, %sub3A_62 : vector<16xf32>
        %add3A_456 = arith.addf %add3A_454, %mul3A_455 : vector<16xf32>
        %get3A_457 = arith.index_cast %scan3A_394 : i32 to index
        %get3A_458 = arith.constant 96 : index
        %get3A_459 = tpu.vector_load %arg15[%get3A_457, %get3A_458] {strides = array<i32>} : memref<128x128xf32, #tpu.memory_space<vmem>>, vector<16xf32>,
        %get3A_460 = arith.index_cast %rem3A_399 : i32 to index
        %get3A_461 = arith.constant 96 : index
        %get3A_462 = tpu.vector_load %arg18[%get3A_460, %get3A_461] {strides = array<i32>} : memref<200x128xf32, #tpu.memory_space<vmem>>, vector<16xf32>,
        %add3A_463 = arith.addf %get3A_459, %get3A_462 : vector<16xf32>
        %mul3A_464 = arith.mulf %convert_element_type3A_402, %sub3A_67 : vector<16xf32>
        %add3A_465 = arith.addf %add3A_463, %mul3A_464 : vector<16xf32>
        %get3A_466 = arith.index_cast %scan3A_394 : i32 to index
        %get3A_467 = arith.constant 112 : index
        %get3A_468 = tpu.vector_load %arg15[%get3A_466, %get3A_467] {strides = array<i32>} : memref<128x128xf32, #tpu.memory_space<vmem>>, vector<16xf32>,
        %get3A_469 = arith.index_cast %rem3A_399 : i32 to index
        %get3A_470 = arith.constant 112 : index
        %get3A_471 = tpu.vector_load %arg18[%get3A_469, %get3A_470] {strides = array<i32>} : memref<200x128xf32, #tpu.memory_space<vmem>>, vector<16xf32>,
        %add3A_472 = arith.addf %get3A_468, %get3A_471 : vector<16xf32>
        %mul3A_473 = arith.mulf %convert_element_type3A_402, %sub3A_72 : vector<16xf32>
        %add3A_474 = arith.addf %add3A_472, %mul3A_473 : vector<16xf32>
        %add3A_475 = arith.addf %add3A_411, %add3A_420 : vector<16xf32>
        %add3A_476 = arith.addf %add3A_429, %add3A_438 : vector<16xf32>
        %add3A_477 = arith.addf %add3A_447, %add3A_456 : vector<16xf32>
        %add3A_478 = arith.addf %add3A_465, %add3A_474 : vector<16xf32>
        %add3A_479 = arith.addf %add3A_475, %add3A_476 : vector<16xf32>
        %add3A_480 = arith.addf %add3A_477, %add3A_478 : vector<16xf32>
        %add3A_481 = arith.addf %add3A_479, %add3A_480 : vector<16xf32>
        %mul3A_482 = arith.mulf %add3A_411, %add3A_411 : vector<16xf32>
        %mul3A_483 = arith.mulf %add3A_420, %add3A_420 : vector<16xf32>
        %mul3A_484 = arith.mulf %add3A_429, %add3A_429 : vector<16xf32>
        %mul3A_485 = arith.mulf %add3A_438, %add3A_438 : vector<16xf32>
        %mul3A_486 = arith.mulf %add3A_447, %add3A_447 : vector<16xf32>
        %mul3A_487 = arith.mulf %add3A_456, %add3A_456 : vector<16xf32>
        %mul3A_488 = arith.mulf %add3A_465, %add3A_465 : vector<16xf32>
        %mul3A_489 = arith.mulf %add3A_474, %add3A_474 : vector<16xf32>
        %add3A_490 = arith.addf %mul3A_482, %mul3A_483 : vector<16xf32>
        %add3A_491 = arith.addf %mul3A_484, %mul3A_485 : vector<16xf32>
        %add3A_492 = arith.addf %mul3A_486, %mul3A_487 : vector<16xf32>
        %add3A_493 = arith.addf %mul3A_488, %mul3A_489 : vector<16xf32>
        %add3A_494 = arith.addf %add3A_490, %add3A_491 : vector<16xf32>
        %add3A_495 = arith.addf %add3A_492, %add3A_493 : vector<16xf32>
        %add3A_496 = arith.addf %add3A_494, %add3A_495 : vector<16xf32>
        %reduce_sum3A_497 = arith.constant true
        %reduce_sum3A_498 = vector.broadcast %reduce_sum3A_497 : i1 to vector<16xi1>
        %reduce_sum3A_499 = tpu.scan <sum>, %add3A_481 masked %reduce_sum3A_498 : vector<16xf32>, vector<16xi1> -> vector<16xf32>
        %reduce_sum3A_500 = vector.extract %reduce_sum3A_499[15] : f32 from vector<16xf32>
        %reduce_sum3A_501 = arith.constant true
        %reduce_sum3A_502 = vector.broadcast %reduce_sum3A_501 : i1 to vector<16xi1>
        %reduce_sum3A_503 = tpu.scan <sum>, %add3A_496 masked %reduce_sum3A_502 : vector<16xf32>, vector<16xi1> -> vector<16xf32>
        %reduce_sum3A_504 = vector.extract %reduce_sum3A_503[15] : f32 from vector<16xf32>
        %broadcast_in_dim3A_505 = vector.broadcast %reduce_sum3A_500 : f32 to vector<16xf32>
        %mul3A_506 = arith.constant 7.812500e-03 : f32
        %mul3A_507 = vector.broadcast %mul3A_506 : f32 to vector<16xf32>
        %mul3A_508 = arith.mulf %broadcast_in_dim3A_505, %mul3A_507 : vector<16xf32>
        %broadcast_in_dim3A_509 = vector.broadcast %reduce_sum3A_504 : f32 to vector<16xf32>
        %mul3A_510 = arith.constant 7.812500e-03 : f32
        %mul3A_511 = vector.broadcast %mul3A_510 : f32 to vector<16xf32>
        %mul3A_512 = arith.mulf %broadcast_in_dim3A_509, %mul3A_511 : vector<16xf32>
        %mul3A_513 = arith.mulf %mul3A_508, %mul3A_508 : vector<16xf32>
        %sub3A_514 = arith.subf %mul3A_512, %mul3A_513 : vector<16xf32>
        %max3A_515 = arith.constant 0.000000e+00 : f32
        %max3A_516 = vector.broadcast %max3A_515 : f32 to vector<16xf32>
        %max3A_517 = arith.maximumf %sub3A_514, %max3A_516 : vector<16xf32>
        %add3A_518 = arith.constant 9.99999996E-13 : f32
        %add3A_519 = vector.broadcast %add3A_518 : f32 to vector<16xf32>
        %add3A_520 = arith.addf %max3A_517, %add3A_519 : vector<16xf32>
        %bitcast_convert_type3A_521 = tpu.bitcast %add3A_520 : vector<16xf32> -> vector<16xi32>
        %shift_right_logical3A_522 = arith.constant 1 : i32
        %shift_right_logical3A_523 = vector.broadcast %shift_right_logical3A_522 : i32 to vector<16xi32>
        %shift_right_logical3A_524 = arith.shrui %bitcast_convert_type3A_521, %shift_right_logical3A_523 : vector<16xi32>
        %sub3A_525 = arith.constant 1597463007 : i32
        %sub3A_526 = vector.broadcast %sub3A_525 : i32 to vector<16xi32>
        %sub3A_527 = arith.subi %sub3A_526, %shift_right_logical3A_524 : vector<16xi32>
        %bitcast_convert_type3A_528 = tpu.bitcast %sub3A_527 : vector<16xi32> -> vector<16xf32>
        %mul3A_529 = arith.constant 5.000000e-01 : f32
        %mul3A_530 = vector.broadcast %mul3A_529 : f32 to vector<16xf32>
        %mul3A_531 = arith.mulf %mul3A_530, %add3A_520 : vector<16xf32>
        %mul3A_532 = arith.mulf %mul3A_531, %bitcast_convert_type3A_528 : vector<16xf32>
        %mul3A_533 = arith.mulf %mul3A_532, %bitcast_convert_type3A_528 : vector<16xf32>
        %sub3A_534 = arith.constant 1.500000e+00 : f32
        %sub3A_535 = vector.broadcast %sub3A_534 : f32 to vector<16xf32>
        %sub3A_536 = arith.subf %sub3A_535, %mul3A_533 : vector<16xf32>
        %mul3A_537 = arith.mulf %bitcast_convert_type3A_528, %sub3A_536 : vector<16xf32>
        %mul3A_538 = arith.constant 5.000000e-01 : f32
        %mul3A_539 = vector.broadcast %mul3A_538 : f32 to vector<16xf32>
        %mul3A_540 = arith.mulf %mul3A_539, %add3A_520 : vector<16xf32>
        %mul3A_541 = arith.mulf %mul3A_540, %mul3A_537 : vector<16xf32>
        %mul3A_542 = arith.mulf %mul3A_541, %mul3A_537 : vector<16xf32>
        %sub3A_543 = arith.constant 1.500000e+00 : f32
        %sub3A_544 = vector.broadcast %sub3A_543 : f32 to vector<16xf32>
        %sub3A_545 = arith.subf %sub3A_544, %mul3A_542 : vector<16xf32>
        %mul3A_546 = arith.mulf %mul3A_537, %sub3A_545 : vector<16xf32>
        %mul3A_547 = arith.mulf %mul3A_546, %get3A_79 : vector<16xf32>
        %mul3A_548 = arith.mulf %add3A_411, %mul3A_547 : vector<16xf32>
        %mul3A_549 = arith.mulf %mul3A_508, %mul3A_547 : vector<16xf32>
        %sub3A_550 = arith.subf %get3A_95, %mul3A_549 : vector<16xf32>
        %add3A_551 = arith.addf %mul3A_548, %sub3A_550 : vector<16xf32>
        %swap3A_552 = arith.index_cast %scan3A_394 : i32 to index
        %swap3A_553 = arith.constant 0 : index
        %swap3A_554 = tpu.vector_load %arg17[%swap3A_552, %swap3A_553] {strides = array<i32>} : memref<128x128xf32, #tpu.memory_space<vmem>>, vector<16xf32>,
        tpu.vector_store %arg17[%swap3A_552, %swap3A_553], %add3A_551 {strides = array<i32>} : memref<128x128xf32, #tpu.memory_space<vmem>>, vector<16xf32>,
        %mul3A_555 = arith.mulf %mul3A_546, %get3A_81 : vector<16xf32>
        %mul3A_556 = arith.mulf %add3A_420, %mul3A_555 : vector<16xf32>
        %mul3A_557 = arith.mulf %mul3A_508, %mul3A_555 : vector<16xf32>
        %sub3A_558 = arith.subf %get3A_97, %mul3A_557 : vector<16xf32>
        %add3A_559 = arith.addf %mul3A_556, %sub3A_558 : vector<16xf32>
        %swap3A_560 = arith.index_cast %scan3A_394 : i32 to index
        %swap3A_561 = arith.constant 16 : index
        %swap3A_562 = tpu.vector_load %arg17[%swap3A_560, %swap3A_561] {strides = array<i32>} : memref<128x128xf32, #tpu.memory_space<vmem>>, vector<16xf32>,
        tpu.vector_store %arg17[%swap3A_560, %swap3A_561], %add3A_559 {strides = array<i32>} : memref<128x128xf32, #tpu.memory_space<vmem>>, vector<16xf32>,
        %mul3A_563 = arith.mulf %mul3A_546, %get3A_83 : vector<16xf32>
        %mul3A_564 = arith.mulf %add3A_429, %mul3A_563 : vector<16xf32>
        %mul3A_565 = arith.mulf %mul3A_508, %mul3A_563 : vector<16xf32>
        %sub3A_566 = arith.subf %get3A_99, %mul3A_565 : vector<16xf32>
        %add3A_567 = arith.addf %mul3A_564, %sub3A_566 : vector<16xf32>
        %swap3A_568 = arith.index_cast %scan3A_394 : i32 to index
        %swap3A_569 = arith.constant 32 : index
        %swap3A_570 = tpu.vector_load %arg17[%swap3A_568, %swap3A_569] {strides = array<i32>} : memref<128x128xf32, #tpu.memory_space<vmem>>, vector<16xf32>,
        tpu.vector_store %arg17[%swap3A_568, %swap3A_569], %add3A_567 {strides = array<i32>} : memref<128x128xf32, #tpu.memory_space<vmem>>, vector<16xf32>,
        %mul3A_571 = arith.mulf %mul3A_546, %get3A_85 : vector<16xf32>
        %mul3A_572 = arith.mulf %add3A_438, %mul3A_571 : vector<16xf32>
        %mul3A_573 = arith.mulf %mul3A_508, %mul3A_571 : vector<16xf32>
        %sub3A_574 = arith.subf %get3A_101, %mul3A_573 : vector<16xf32>
        %add3A_575 = arith.addf %mul3A_572, %sub3A_574 : vector<16xf32>
        %swap3A_576 = arith.index_cast %scan3A_394 : i32 to index
        %swap3A_577 = arith.constant 48 : index
        %swap3A_578 = tpu.vector_load %arg17[%swap3A_576, %swap3A_577] {strides = array<i32>} : memref<128x128xf32, #tpu.memory_space<vmem>>, vector<16xf32>,
        tpu.vector_store %arg17[%swap3A_576, %swap3A_577], %add3A_575 {strides = array<i32>} : memref<128x128xf32, #tpu.memory_space<vmem>>, vector<16xf32>,
        %mul3A_579 = arith.mulf %mul3A_546, %get3A_87 : vector<16xf32>
        %mul3A_580 = arith.mulf %add3A_447, %mul3A_579 : vector<16xf32>
        %mul3A_581 = arith.mulf %mul3A_508, %mul3A_579 : vector<16xf32>
        %sub3A_582 = arith.subf %get3A_103, %mul3A_581 : vector<16xf32>
        %add3A_583 = arith.addf %mul3A_580, %sub3A_582 : vector<16xf32>
        %swap3A_584 = arith.index_cast %scan3A_394 : i32 to index
        %swap3A_585 = arith.constant 64 : index
        %swap3A_586 = tpu.vector_load %arg17[%swap3A_584, %swap3A_585] {strides = array<i32>} : memref<128x128xf32, #tpu.memory_space<vmem>>, vector<16xf32>,
        tpu.vector_store %arg17[%swap3A_584, %swap3A_585], %add3A_583 {strides = array<i32>} : memref<128x128xf32, #tpu.memory_space<vmem>>, vector<16xf32>,
        %mul3A_587 = arith.mulf %mul3A_546, %get3A_89 : vector<16xf32>
        %mul3A_588 = arith.mulf %add3A_456, %mul3A_587 : vector<16xf32>
        %mul3A_589 = arith.mulf %mul3A_508, %mul3A_587 : vector<16xf32>
        %sub3A_590 = arith.subf %get3A_105, %mul3A_589 : vector<16xf32>
        %add3A_591 = arith.addf %mul3A_588, %sub3A_590 : vector<16xf32>
        %swap3A_592 = arith.index_cast %scan3A_394 : i32 to index
        %swap3A_593 = arith.constant 80 : index
        %swap3A_594 = tpu.vector_load %arg17[%swap3A_592, %swap3A_593] {strides = array<i32>} : memref<128x128xf32, #tpu.memory_space<vmem>>, vector<16xf32>,
        tpu.vector_store %arg17[%swap3A_592, %swap3A_593], %add3A_591 {strides = array<i32>} : memref<128x128xf32, #tpu.memory_space<vmem>>, vector<16xf32>,
        %mul3A_595 = arith.mulf %mul3A_546, %get3A_91 : vector<16xf32>
        %mul3A_596 = arith.mulf %add3A_465, %mul3A_595 : vector<16xf32>
        %mul3A_597 = arith.mulf %mul3A_508, %mul3A_595 : vector<16xf32>
        %sub3A_598 = arith.subf %get3A_107, %mul3A_597 : vector<16xf32>
        %add3A_599 = arith.addf %mul3A_596, %sub3A_598 : vector<16xf32>
        %swap3A_600 = arith.index_cast %scan3A_394 : i32 to index
        %swap3A_601 = arith.constant 96 : index
        %swap3A_602 = tpu.vector_load %arg17[%swap3A_600, %swap3A_601] {strides = array<i32>} : memref<128x128xf32, #tpu.memory_space<vmem>>, vector<16xf32>,
        tpu.vector_store %arg17[%swap3A_600, %swap3A_601], %add3A_599 {strides = array<i32>} : memref<128x128xf32, #tpu.memory_space<vmem>>, vector<16xf32>,
        %mul3A_603 = arith.mulf %mul3A_546, %get3A_93 : vector<16xf32>
        %mul3A_604 = arith.mulf %add3A_474, %mul3A_603 : vector<16xf32>
        %mul3A_605 = arith.mulf %mul3A_508, %mul3A_603 : vector<16xf32>
        %sub3A_606 = arith.subf %get3A_109, %mul3A_605 : vector<16xf32>
        %add3A_607 = arith.addf %mul3A_604, %sub3A_606 : vector<16xf32>
        %swap3A_608 = arith.index_cast %scan3A_394 : i32 to index
        %swap3A_609 = arith.constant 112 : index
        %swap3A_610 = tpu.vector_load %arg17[%swap3A_608, %swap3A_609] {strides = array<i32>} : memref<128x128xf32, #tpu.memory_space<vmem>>, vector<16xf32>,
        tpu.vector_store %arg17[%swap3A_608, %swap3A_609], %add3A_607 {strides = array<i32>} : memref<128x128xf32, #tpu.memory_space<vmem>>, vector<16xf32>,
        %scan3A_611 = arith.constant 2 : i32
        %scan3A_612 = arith.addi %scan3A_184, %scan3A_611 : i32
        %mul3A_613 = arith.constant 128 : i32
        %mul3A_614 = arith.muli %add3A_155, %mul3A_613 : i32
        %add3A_615 = arith.addi %mul3A_614, %scan3A_612 : i32
        %rem3A_616 = arith.constant 200 : i32
        %rem3A_617 = arith.remsi %add3A_615, %rem3A_616 : i32
        %broadcast_in_dim3A_618 = vector.broadcast %scan3A_612 : i32 to vector<16xi32>
        %gather3A_619 = tpu.vector_load_idx %arg13[%broadcast_in_dim3A_618] : memref<128xi32, #tpu.memory_space<vmem>>[vector<16xi32>], vector<16xi32>,
        %convert_element_type3A_620 = arith.sitofp %gather3A_619 : vector<16xi32> to vector<16xf32>
        %get3A_621 = arith.index_cast %scan3A_612 : i32 to index
        %get3A_622 = arith.constant 0 : index
        %get3A_623 = tpu.vector_load %arg15[%get3A_621, %get3A_622] {strides = array<i32>} : memref<128x128xf32, #tpu.memory_space<vmem>>, vector<16xf32>,
        %get3A_624 = arith.index_cast %rem3A_617 : i32 to index
        %get3A_625 = arith.constant 0 : index
        %get3A_626 = tpu.vector_load %arg18[%get3A_624, %get3A_625] {strides = array<i32>} : memref<200x128xf32, #tpu.memory_space<vmem>>, vector<16xf32>,
        %add3A_627 = arith.addf %get3A_623, %get3A_626 : vector<16xf32>
        %mul3A_628 = arith.mulf %convert_element_type3A_620, %sub3A : vector<16xf32>
        %add3A_629 = arith.addf %add3A_627, %mul3A_628 : vector<16xf32>
        %get3A_630 = arith.index_cast %scan3A_612 : i32 to index
        %get3A_631 = arith.constant 16 : index
        %get3A_632 = tpu.vector_load %arg15[%get3A_630, %get3A_631] {strides = array<i32>} : memref<128x128xf32, #tpu.memory_space<vmem>>, vector<16xf32>,
        %get3A_633 = arith.index_cast %rem3A_617 : i32 to index
        %get3A_634 = arith.constant 16 : index
        %get3A_635 = tpu.vector_load %arg18[%get3A_633, %get3A_634] {strides = array<i32>} : memref<200x128xf32, #tpu.memory_space<vmem>>, vector<16xf32>,
        %add3A_636 = arith.addf %get3A_632, %get3A_635 : vector<16xf32>
        %mul3A_637 = arith.mulf %convert_element_type3A_620, %sub3A_42 : vector<16xf32>
        %add3A_638 = arith.addf %add3A_636, %mul3A_637 : vector<16xf32>
        %get3A_639 = arith.index_cast %scan3A_612 : i32 to index
        %get3A_640 = arith.constant 32 : index
        %get3A_641 = tpu.vector_load %arg15[%get3A_639, %get3A_640] {strides = array<i32>} : memref<128x128xf32, #tpu.memory_space<vmem>>, vector<16xf32>,
        %get3A_642 = arith.index_cast %rem3A_617 : i32 to index
        %get3A_643 = arith.constant 32 : index
        %get3A_644 = tpu.vector_load %arg18[%get3A_642, %get3A_643] {strides = array<i32>} : memref<200x128xf32, #tpu.memory_space<vmem>>, vector<16xf32>,
        %add3A_645 = arith.addf %get3A_641, %get3A_644 : vector<16xf32>
        %mul3A_646 = arith.mulf %convert_element_type3A_620, %sub3A_47 : vector<16xf32>
        %add3A_647 = arith.addf %add3A_645, %mul3A_646 : vector<16xf32>
        %get3A_648 = arith.index_cast %scan3A_612 : i32 to index
        %get3A_649 = arith.constant 48 : index
        %get3A_650 = tpu.vector_load %arg15[%get3A_648, %get3A_649] {strides = array<i32>} : memref<128x128xf32, #tpu.memory_space<vmem>>, vector<16xf32>,
        %get3A_651 = arith.index_cast %rem3A_617 : i32 to index
        %get3A_652 = arith.constant 48 : index
        %get3A_653 = tpu.vector_load %arg18[%get3A_651, %get3A_652] {strides = array<i32>} : memref<200x128xf32, #tpu.memory_space<vmem>>, vector<16xf32>,
        %add3A_654 = arith.addf %get3A_650, %get3A_653 : vector<16xf32>
        %mul3A_655 = arith.mulf %convert_element_type3A_620, %sub3A_52 : vector<16xf32>
        %add3A_656 = arith.addf %add3A_654, %mul3A_655 : vector<16xf32>
        %get3A_657 = arith.index_cast %scan3A_612 : i32 to index
        %get3A_658 = arith.constant 64 : index
        %get3A_659 = tpu.vector_load %arg15[%get3A_657, %get3A_658] {strides = array<i32>} : memref<128x128xf32, #tpu.memory_space<vmem>>, vector<16xf32>,
        %get3A_660 = arith.index_cast %rem3A_617 : i32 to index
        %get3A_661 = arith.constant 64 : index
        %get3A_662 = tpu.vector_load %arg18[%get3A_660, %get3A_661] {strides = array<i32>} : memref<200x128xf32, #tpu.memory_space<vmem>>, vector<16xf32>,
        %add3A_663 = arith.addf %get3A_659, %get3A_662 : vector<16xf32>
        %mul3A_664 = arith.mulf %convert_element_type3A_620, %sub3A_57 : vector<16xf32>
        %add3A_665 = arith.addf %add3A_663, %mul3A_664 : vector<16xf32>
        %get3A_666 = arith.index_cast %scan3A_612 : i32 to index
        %get3A_667 = arith.constant 80 : index
        %get3A_668 = tpu.vector_load %arg15[%get3A_666, %get3A_667] {strides = array<i32>} : memref<128x128xf32, #tpu.memory_space<vmem>>, vector<16xf32>,
        %get3A_669 = arith.index_cast %rem3A_617 : i32 to index
        %get3A_670 = arith.constant 80 : index
        %get3A_671 = tpu.vector_load %arg18[%get3A_669, %get3A_670] {strides = array<i32>} : memref<200x128xf32, #tpu.memory_space<vmem>>, vector<16xf32>,
        %add3A_672 = arith.addf %get3A_668, %get3A_671 : vector<16xf32>
        %mul3A_673 = arith.mulf %convert_element_type3A_620, %sub3A_62 : vector<16xf32>
        %add3A_674 = arith.addf %add3A_672, %mul3A_673 : vector<16xf32>
        %get3A_675 = arith.index_cast %scan3A_612 : i32 to index
        %get3A_676 = arith.constant 96 : index
        %get3A_677 = tpu.vector_load %arg15[%get3A_675, %get3A_676] {strides = array<i32>} : memref<128x128xf32, #tpu.memory_space<vmem>>, vector<16xf32>,
        %get3A_678 = arith.index_cast %rem3A_617 : i32 to index
        %get3A_679 = arith.constant 96 : index
        %get3A_680 = tpu.vector_load %arg18[%get3A_678, %get3A_679] {strides = array<i32>} : memref<200x128xf32, #tpu.memory_space<vmem>>, vector<16xf32>,
        %add3A_681 = arith.addf %get3A_677, %get3A_680 : vector<16xf32>
        %mul3A_682 = arith.mulf %convert_element_type3A_620, %sub3A_67 : vector<16xf32>
        %add3A_683 = arith.addf %add3A_681, %mul3A_682 : vector<16xf32>
        %get3A_684 = arith.index_cast %scan3A_612 : i32 to index
        %get3A_685 = arith.constant 112 : index
        %get3A_686 = tpu.vector_load %arg15[%get3A_684, %get3A_685] {strides = array<i32>} : memref<128x128xf32, #tpu.memory_space<vmem>>, vector<16xf32>,
        %get3A_687 = arith.index_cast %rem3A_617 : i32 to index
        %get3A_688 = arith.constant 112 : index
        %get3A_689 = tpu.vector_load %arg18[%get3A_687, %get3A_688] {strides = array<i32>} : memref<200x128xf32, #tpu.memory_space<vmem>>, vector<16xf32>,
        %add3A_690 = arith.addf %get3A_686, %get3A_689 : vector<16xf32>
        %mul3A_691 = arith.mulf %convert_element_type3A_620, %sub3A_72 : vector<16xf32>
        %add3A_692 = arith.addf %add3A_690, %mul3A_691 : vector<16xf32>
        %add3A_693 = arith.addf %add3A_629, %add3A_638 : vector<16xf32>
        %add3A_694 = arith.addf %add3A_647, %add3A_656 : vector<16xf32>
        %add3A_695 = arith.addf %add3A_665, %add3A_674 : vector<16xf32>
        %add3A_696 = arith.addf %add3A_683, %add3A_692 : vector<16xf32>
        %add3A_697 = arith.addf %add3A_693, %add3A_694 : vector<16xf32>
        %add3A_698 = arith.addf %add3A_695, %add3A_696 : vector<16xf32>
        %add3A_699 = arith.addf %add3A_697, %add3A_698 : vector<16xf32>
        %mul3A_700 = arith.mulf %add3A_629, %add3A_629 : vector<16xf32>
        %mul3A_701 = arith.mulf %add3A_638, %add3A_638 : vector<16xf32>
        %mul3A_702 = arith.mulf %add3A_647, %add3A_647 : vector<16xf32>
        %mul3A_703 = arith.mulf %add3A_656, %add3A_656 : vector<16xf32>
        %mul3A_704 = arith.mulf %add3A_665, %add3A_665 : vector<16xf32>
        %mul3A_705 = arith.mulf %add3A_674, %add3A_674 : vector<16xf32>
        %mul3A_706 = arith.mulf %add3A_683, %add3A_683 : vector<16xf32>
        %mul3A_707 = arith.mulf %add3A_692, %add3A_692 : vector<16xf32>
        %add3A_708 = arith.addf %mul3A_700, %mul3A_701 : vector<16xf32>
        %add3A_709 = arith.addf %mul3A_702, %mul3A_703 : vector<16xf32>
        %add3A_710 = arith.addf %mul3A_704, %mul3A_705 : vector<16xf32>
        %add3A_711 = arith.addf %mul3A_706, %mul3A_707 : vector<16xf32>
        %add3A_712 = arith.addf %add3A_708, %add3A_709 : vector<16xf32>
        %add3A_713 = arith.addf %add3A_710, %add3A_711 : vector<16xf32>
        %add3A_714 = arith.addf %add3A_712, %add3A_713 : vector<16xf32>
        %reduce_sum3A_715 = arith.constant true
        %reduce_sum3A_716 = vector.broadcast %reduce_sum3A_715 : i1 to vector<16xi1>
        %reduce_sum3A_717 = tpu.scan <sum>, %add3A_699 masked %reduce_sum3A_716 : vector<16xf32>, vector<16xi1> -> vector<16xf32>
        %reduce_sum3A_718 = vector.extract %reduce_sum3A_717[15] : f32 from vector<16xf32>
        %reduce_sum3A_719 = arith.constant true
        %reduce_sum3A_720 = vector.broadcast %reduce_sum3A_719 : i1 to vector<16xi1>
        %reduce_sum3A_721 = tpu.scan <sum>, %add3A_714 masked %reduce_sum3A_720 : vector<16xf32>, vector<16xi1> -> vector<16xf32>
        %reduce_sum3A_722 = vector.extract %reduce_sum3A_721[15] : f32 from vector<16xf32>
        %broadcast_in_dim3A_723 = vector.broadcast %reduce_sum3A_718 : f32 to vector<16xf32>
        %mul3A_724 = arith.constant 7.812500e-03 : f32
        %mul3A_725 = vector.broadcast %mul3A_724 : f32 to vector<16xf32>
        %mul3A_726 = arith.mulf %broadcast_in_dim3A_723, %mul3A_725 : vector<16xf32>
        %broadcast_in_dim3A_727 = vector.broadcast %reduce_sum3A_722 : f32 to vector<16xf32>
        %mul3A_728 = arith.constant 7.812500e-03 : f32
        %mul3A_729 = vector.broadcast %mul3A_728 : f32 to vector<16xf32>
        %mul3A_730 = arith.mulf %broadcast_in_dim3A_727, %mul3A_729 : vector<16xf32>
        %mul3A_731 = arith.mulf %mul3A_726, %mul3A_726 : vector<16xf32>
        %sub3A_732 = arith.subf %mul3A_730, %mul3A_731 : vector<16xf32>
        %max3A_733 = arith.constant 0.000000e+00 : f32
        %max3A_734 = vector.broadcast %max3A_733 : f32 to vector<16xf32>
        %max3A_735 = arith.maximumf %sub3A_732, %max3A_734 : vector<16xf32>
        %add3A_736 = arith.constant 9.99999996E-13 : f32
        %add3A_737 = vector.broadcast %add3A_736 : f32 to vector<16xf32>
        %add3A_738 = arith.addf %max3A_735, %add3A_737 : vector<16xf32>
        %bitcast_convert_type3A_739 = tpu.bitcast %add3A_738 : vector<16xf32> -> vector<16xi32>
        %shift_right_logical3A_740 = arith.constant 1 : i32
        %shift_right_logical3A_741 = vector.broadcast %shift_right_logical3A_740 : i32 to vector<16xi32>
        %shift_right_logical3A_742 = arith.shrui %bitcast_convert_type3A_739, %shift_right_logical3A_741 : vector<16xi32>
        %sub3A_743 = arith.constant 1597463007 : i32
        %sub3A_744 = vector.broadcast %sub3A_743 : i32 to vector<16xi32>
        %sub3A_745 = arith.subi %sub3A_744, %shift_right_logical3A_742 : vector<16xi32>
        %bitcast_convert_type3A_746 = tpu.bitcast %sub3A_745 : vector<16xi32> -> vector<16xf32>
        %mul3A_747 = arith.constant 5.000000e-01 : f32
        %mul3A_748 = vector.broadcast %mul3A_747 : f32 to vector<16xf32>
        %mul3A_749 = arith.mulf %mul3A_748, %add3A_738 : vector<16xf32>
        %mul3A_750 = arith.mulf %mul3A_749, %bitcast_convert_type3A_746 : vector<16xf32>
        %mul3A_751 = arith.mulf %mul3A_750, %bitcast_convert_type3A_746 : vector<16xf32>
        %sub3A_752 = arith.constant 1.500000e+00 : f32
        %sub3A_753 = vector.broadcast %sub3A_752 : f32 to vector<16xf32>
        %sub3A_754 = arith.subf %sub3A_753, %mul3A_751 : vector<16xf32>
        %mul3A_755 = arith.mulf %bitcast_convert_type3A_746, %sub3A_754 : vector<16xf32>
        %mul3A_756 = arith.constant 5.000000e-01 : f32
        %mul3A_757 = vector.broadcast %mul3A_756 : f32 to vector<16xf32>
        %mul3A_758 = arith.mulf %mul3A_757, %add3A_738 : vector<16xf32>
        %mul3A_759 = arith.mulf %mul3A_758, %mul3A_755 : vector<16xf32>
        %mul3A_760 = arith.mulf %mul3A_759, %mul3A_755 : vector<16xf32>
        %sub3A_761 = arith.constant 1.500000e+00 : f32
        %sub3A_762 = vector.broadcast %sub3A_761 : f32 to vector<16xf32>
        %sub3A_763 = arith.subf %sub3A_762, %mul3A_760 : vector<16xf32>
        %mul3A_764 = arith.mulf %mul3A_755, %sub3A_763 : vector<16xf32>
        %mul3A_765 = arith.mulf %mul3A_764, %get3A_79 : vector<16xf32>
        %mul3A_766 = arith.mulf %add3A_629, %mul3A_765 : vector<16xf32>
        %mul3A_767 = arith.mulf %mul3A_726, %mul3A_765 : vector<16xf32>
        %sub3A_768 = arith.subf %get3A_95, %mul3A_767 : vector<16xf32>
        %add3A_769 = arith.addf %mul3A_766, %sub3A_768 : vector<16xf32>
        %swap3A_770 = arith.index_cast %scan3A_612 : i32 to index
        %swap3A_771 = arith.constant 0 : index
        %swap3A_772 = tpu.vector_load %arg17[%swap3A_770, %swap3A_771] {strides = array<i32>} : memref<128x128xf32, #tpu.memory_space<vmem>>, vector<16xf32>,
        tpu.vector_store %arg17[%swap3A_770, %swap3A_771], %add3A_769 {strides = array<i32>} : memref<128x128xf32, #tpu.memory_space<vmem>>, vector<16xf32>,
        %mul3A_773 = arith.mulf %mul3A_764, %get3A_81 : vector<16xf32>
        %mul3A_774 = arith.mulf %add3A_638, %mul3A_773 : vector<16xf32>
        %mul3A_775 = arith.mulf %mul3A_726, %mul3A_773 : vector<16xf32>
        %sub3A_776 = arith.subf %get3A_97, %mul3A_775 : vector<16xf32>
        %add3A_777 = arith.addf %mul3A_774, %sub3A_776 : vector<16xf32>
        %swap3A_778 = arith.index_cast %scan3A_612 : i32 to index
        %swap3A_779 = arith.constant 16 : index
        %swap3A_780 = tpu.vector_load %arg17[%swap3A_778, %swap3A_779] {strides = array<i32>} : memref<128x128xf32, #tpu.memory_space<vmem>>, vector<16xf32>,
        tpu.vector_store %arg17[%swap3A_778, %swap3A_779], %add3A_777 {strides = array<i32>} : memref<128x128xf32, #tpu.memory_space<vmem>>, vector<16xf32>,
        %mul3A_781 = arith.mulf %mul3A_764, %get3A_83 : vector<16xf32>
        %mul3A_782 = arith.mulf %add3A_647, %mul3A_781 : vector<16xf32>
        %mul3A_783 = arith.mulf %mul3A_726, %mul3A_781 : vector<16xf32>
        %sub3A_784 = arith.subf %get3A_99, %mul3A_783 : vector<16xf32>
        %add3A_785 = arith.addf %mul3A_782, %sub3A_784 : vector<16xf32>
        %swap3A_786 = arith.index_cast %scan3A_612 : i32 to index
        %swap3A_787 = arith.constant 32 : index
        %swap3A_788 = tpu.vector_load %arg17[%swap3A_786, %swap3A_787] {strides = array<i32>} : memref<128x128xf32, #tpu.memory_space<vmem>>, vector<16xf32>,
        tpu.vector_store %arg17[%swap3A_786, %swap3A_787], %add3A_785 {strides = array<i32>} : memref<128x128xf32, #tpu.memory_space<vmem>>, vector<16xf32>,
        %mul3A_789 = arith.mulf %mul3A_764, %get3A_85 : vector<16xf32>
        %mul3A_790 = arith.mulf %add3A_656, %mul3A_789 : vector<16xf32>
        %mul3A_791 = arith.mulf %mul3A_726, %mul3A_789 : vector<16xf32>
        %sub3A_792 = arith.subf %get3A_101, %mul3A_791 : vector<16xf32>
        %add3A_793 = arith.addf %mul3A_790, %sub3A_792 : vector<16xf32>
        %swap3A_794 = arith.index_cast %scan3A_612 : i32 to index
        %swap3A_795 = arith.constant 48 : index
        %swap3A_796 = tpu.vector_load %arg17[%swap3A_794, %swap3A_795] {strides = array<i32>} : memref<128x128xf32, #tpu.memory_space<vmem>>, vector<16xf32>,
        tpu.vector_store %arg17[%swap3A_794, %swap3A_795], %add3A_793 {strides = array<i32>} : memref<128x128xf32, #tpu.memory_space<vmem>>, vector<16xf32>,
        %mul3A_797 = arith.mulf %mul3A_764, %get3A_87 : vector<16xf32>
        %mul3A_798 = arith.mulf %add3A_665, %mul3A_797 : vector<16xf32>
        %mul3A_799 = arith.mulf %mul3A_726, %mul3A_797 : vector<16xf32>
        %sub3A_800 = arith.subf %get3A_103, %mul3A_799 : vector<16xf32>
        %add3A_801 = arith.addf %mul3A_798, %sub3A_800 : vector<16xf32>
        %swap3A_802 = arith.index_cast %scan3A_612 : i32 to index
        %swap3A_803 = arith.constant 64 : index
        %swap3A_804 = tpu.vector_load %arg17[%swap3A_802, %swap3A_803] {strides = array<i32>} : memref<128x128xf32, #tpu.memory_space<vmem>>, vector<16xf32>,
        tpu.vector_store %arg17[%swap3A_802, %swap3A_803], %add3A_801 {strides = array<i32>} : memref<128x128xf32, #tpu.memory_space<vmem>>, vector<16xf32>,
        %mul3A_805 = arith.mulf %mul3A_764, %get3A_89 : vector<16xf32>
        %mul3A_806 = arith.mulf %add3A_674, %mul3A_805 : vector<16xf32>
        %mul3A_807 = arith.mulf %mul3A_726, %mul3A_805 : vector<16xf32>
        %sub3A_808 = arith.subf %get3A_105, %mul3A_807 : vector<16xf32>
        %add3A_809 = arith.addf %mul3A_806, %sub3A_808 : vector<16xf32>
        %swap3A_810 = arith.index_cast %scan3A_612 : i32 to index
        %swap3A_811 = arith.constant 80 : index
        %swap3A_812 = tpu.vector_load %arg17[%swap3A_810, %swap3A_811] {strides = array<i32>} : memref<128x128xf32, #tpu.memory_space<vmem>>, vector<16xf32>,
        tpu.vector_store %arg17[%swap3A_810, %swap3A_811], %add3A_809 {strides = array<i32>} : memref<128x128xf32, #tpu.memory_space<vmem>>, vector<16xf32>,
        %mul3A_813 = arith.mulf %mul3A_764, %get3A_91 : vector<16xf32>
        %mul3A_814 = arith.mulf %add3A_683, %mul3A_813 : vector<16xf32>
        %mul3A_815 = arith.mulf %mul3A_726, %mul3A_813 : vector<16xf32>
        %sub3A_816 = arith.subf %get3A_107, %mul3A_815 : vector<16xf32>
        %add3A_817 = arith.addf %mul3A_814, %sub3A_816 : vector<16xf32>
        %swap3A_818 = arith.index_cast %scan3A_612 : i32 to index
        %swap3A_819 = arith.constant 96 : index
        %swap3A_820 = tpu.vector_load %arg17[%swap3A_818, %swap3A_819] {strides = array<i32>} : memref<128x128xf32, #tpu.memory_space<vmem>>, vector<16xf32>,
        tpu.vector_store %arg17[%swap3A_818, %swap3A_819], %add3A_817 {strides = array<i32>} : memref<128x128xf32, #tpu.memory_space<vmem>>, vector<16xf32>,
        %mul3A_821 = arith.mulf %mul3A_764, %get3A_93 : vector<16xf32>
        %mul3A_822 = arith.mulf %add3A_692, %mul3A_821 : vector<16xf32>
        %mul3A_823 = arith.mulf %mul3A_726, %mul3A_821 : vector<16xf32>
        %sub3A_824 = arith.subf %get3A_109, %mul3A_823 : vector<16xf32>
        %add3A_825 = arith.addf %mul3A_822, %sub3A_824 : vector<16xf32>
        %swap3A_826 = arith.index_cast %scan3A_612 : i32 to index
        %swap3A_827 = arith.constant 112 : index
        %swap3A_828 = tpu.vector_load %arg17[%swap3A_826, %swap3A_827] {strides = array<i32>} : memref<128x128xf32, #tpu.memory_space<vmem>>, vector<16xf32>,
        tpu.vector_store %arg17[%swap3A_826, %swap3A_827], %add3A_825 {strides = array<i32>} : memref<128x128xf32, #tpu.memory_space<vmem>>, vector<16xf32>,
        %scan3A_829 = arith.constant 3 : i32
        %scan3A_830 = arith.addi %scan3A_184, %scan3A_829 : i32
        %mul3A_831 = arith.constant 128 : i32
        %mul3A_832 = arith.muli %add3A_155, %mul3A_831 : i32
        %add3A_833 = arith.addi %mul3A_832, %scan3A_830 : i32
        %rem3A_834 = arith.constant 200 : i32
        %rem3A_835 = arith.remsi %add3A_833, %rem3A_834 : i32
        %broadcast_in_dim3A_836 = vector.broadcast %scan3A_830 : i32 to vector<16xi32>
        %gather3A_837 = tpu.vector_load_idx %arg13[%broadcast_in_dim3A_836] : memref<128xi32, #tpu.memory_space<vmem>>[vector<16xi32>], vector<16xi32>,
        %convert_element_type3A_838 = arith.sitofp %gather3A_837 : vector<16xi32> to vector<16xf32>
        %get3A_839 = arith.index_cast %scan3A_830 : i32 to index
        %get3A_840 = arith.constant 0 : index
        %get3A_841 = tpu.vector_load %arg15[%get3A_839, %get3A_840] {strides = array<i32>} : memref<128x128xf32, #tpu.memory_space<vmem>>, vector<16xf32>,
        %get3A_842 = arith.index_cast %rem3A_835 : i32 to index
        %get3A_843 = arith.constant 0 : index
        %get3A_844 = tpu.vector_load %arg18[%get3A_842, %get3A_843] {strides = array<i32>} : memref<200x128xf32, #tpu.memory_space<vmem>>, vector<16xf32>,
        %add3A_845 = arith.addf %get3A_841, %get3A_844 : vector<16xf32>
        %mul3A_846 = arith.mulf %convert_element_type3A_838, %sub3A : vector<16xf32>
        %add3A_847 = arith.addf %add3A_845, %mul3A_846 : vector<16xf32>
        %get3A_848 = arith.index_cast %scan3A_830 : i32 to index
        %get3A_849 = arith.constant 16 : index
        %get3A_850 = tpu.vector_load %arg15[%get3A_848, %get3A_849] {strides = array<i32>} : memref<128x128xf32, #tpu.memory_space<vmem>>, vector<16xf32>,
        %get3A_851 = arith.index_cast %rem3A_835 : i32 to index
        %get3A_852 = arith.constant 16 : index
        %get3A_853 = tpu.vector_load %arg18[%get3A_851, %get3A_852] {strides = array<i32>} : memref<200x128xf32, #tpu.memory_space<vmem>>, vector<16xf32>,
        %add3A_854 = arith.addf %get3A_850, %get3A_853 : vector<16xf32>
        %mul3A_855 = arith.mulf %convert_element_type3A_838, %sub3A_42 : vector<16xf32>
        %add3A_856 = arith.addf %add3A_854, %mul3A_855 : vector<16xf32>
        %get3A_857 = arith.index_cast %scan3A_830 : i32 to index
        %get3A_858 = arith.constant 32 : index
        %get3A_859 = tpu.vector_load %arg15[%get3A_857, %get3A_858] {strides = array<i32>} : memref<128x128xf32, #tpu.memory_space<vmem>>, vector<16xf32>,
        %get3A_860 = arith.index_cast %rem3A_835 : i32 to index
        %get3A_861 = arith.constant 32 : index
        %get3A_862 = tpu.vector_load %arg18[%get3A_860, %get3A_861] {strides = array<i32>} : memref<200x128xf32, #tpu.memory_space<vmem>>, vector<16xf32>,
        %add3A_863 = arith.addf %get3A_859, %get3A_862 : vector<16xf32>
        %mul3A_864 = arith.mulf %convert_element_type3A_838, %sub3A_47 : vector<16xf32>
        %add3A_865 = arith.addf %add3A_863, %mul3A_864 : vector<16xf32>
        %get3A_866 = arith.index_cast %scan3A_830 : i32 to index
        %get3A_867 = arith.constant 48 : index
        %get3A_868 = tpu.vector_load %arg15[%get3A_866, %get3A_867] {strides = array<i32>} : memref<128x128xf32, #tpu.memory_space<vmem>>, vector<16xf32>,
        %get3A_869 = arith.index_cast %rem3A_835 : i32 to index
        %get3A_870 = arith.constant 48 : index
        %get3A_871 = tpu.vector_load %arg18[%get3A_869, %get3A_870] {strides = array<i32>} : memref<200x128xf32, #tpu.memory_space<vmem>>, vector<16xf32>,
        %add3A_872 = arith.addf %get3A_868, %get3A_871 : vector<16xf32>
        %mul3A_873 = arith.mulf %convert_element_type3A_838, %sub3A_52 : vector<16xf32>
        %add3A_874 = arith.addf %add3A_872, %mul3A_873 : vector<16xf32>
        %get3A_875 = arith.index_cast %scan3A_830 : i32 to index
        %get3A_876 = arith.constant 64 : index
        %get3A_877 = tpu.vector_load %arg15[%get3A_875, %get3A_876] {strides = array<i32>} : memref<128x128xf32, #tpu.memory_space<vmem>>, vector<16xf32>,
        %get3A_878 = arith.index_cast %rem3A_835 : i32 to index
        %get3A_879 = arith.constant 64 : index
        %get3A_880 = tpu.vector_load %arg18[%get3A_878, %get3A_879] {strides = array<i32>} : memref<200x128xf32, #tpu.memory_space<vmem>>, vector<16xf32>,
        %add3A_881 = arith.addf %get3A_877, %get3A_880 : vector<16xf32>
        %mul3A_882 = arith.mulf %convert_element_type3A_838, %sub3A_57 : vector<16xf32>
        %add3A_883 = arith.addf %add3A_881, %mul3A_882 : vector<16xf32>
        %get3A_884 = arith.index_cast %scan3A_830 : i32 to index
        %get3A_885 = arith.constant 80 : index
        %get3A_886 = tpu.vector_load %arg15[%get3A_884, %get3A_885] {strides = array<i32>} : memref<128x128xf32, #tpu.memory_space<vmem>>, vector<16xf32>,
        %get3A_887 = arith.index_cast %rem3A_835 : i32 to index
        %get3A_888 = arith.constant 80 : index
        %get3A_889 = tpu.vector_load %arg18[%get3A_887, %get3A_888] {strides = array<i32>} : memref<200x128xf32, #tpu.memory_space<vmem>>, vector<16xf32>,
        %add3A_890 = arith.addf %get3A_886, %get3A_889 : vector<16xf32>
        %mul3A_891 = arith.mulf %convert_element_type3A_838, %sub3A_62 : vector<16xf32>
        %add3A_892 = arith.addf %add3A_890, %mul3A_891 : vector<16xf32>
        %get3A_893 = arith.index_cast %scan3A_830 : i32 to index
        %get3A_894 = arith.constant 96 : index
        %get3A_895 = tpu.vector_load %arg15[%get3A_893, %get3A_894] {strides = array<i32>} : memref<128x128xf32, #tpu.memory_space<vmem>>, vector<16xf32>,
        %get3A_896 = arith.index_cast %rem3A_835 : i32 to index
        %get3A_897 = arith.constant 96 : index
        %get3A_898 = tpu.vector_load %arg18[%get3A_896, %get3A_897] {strides = array<i32>} : memref<200x128xf32, #tpu.memory_space<vmem>>, vector<16xf32>,
        %add3A_899 = arith.addf %get3A_895, %get3A_898 : vector<16xf32>
        %mul3A_900 = arith.mulf %convert_element_type3A_838, %sub3A_67 : vector<16xf32>
        %add3A_901 = arith.addf %add3A_899, %mul3A_900 : vector<16xf32>
        %get3A_902 = arith.index_cast %scan3A_830 : i32 to index
        %get3A_903 = arith.constant 112 : index
        %get3A_904 = tpu.vector_load %arg15[%get3A_902, %get3A_903] {strides = array<i32>} : memref<128x128xf32, #tpu.memory_space<vmem>>, vector<16xf32>,
        %get3A_905 = arith.index_cast %rem3A_835 : i32 to index
        %get3A_906 = arith.constant 112 : index
        %get3A_907 = tpu.vector_load %arg18[%get3A_905, %get3A_906] {strides = array<i32>} : memref<200x128xf32, #tpu.memory_space<vmem>>, vector<16xf32>,
        %add3A_908 = arith.addf %get3A_904, %get3A_907 : vector<16xf32>
        %mul3A_909 = arith.mulf %convert_element_type3A_838, %sub3A_72 : vector<16xf32>
        %add3A_910 = arith.addf %add3A_908, %mul3A_909 : vector<16xf32>
        %add3A_911 = arith.addf %add3A_847, %add3A_856 : vector<16xf32>
        %add3A_912 = arith.addf %add3A_865, %add3A_874 : vector<16xf32>
        %add3A_913 = arith.addf %add3A_883, %add3A_892 : vector<16xf32>
        %add3A_914 = arith.addf %add3A_901, %add3A_910 : vector<16xf32>
        %add3A_915 = arith.addf %add3A_911, %add3A_912 : vector<16xf32>
        %add3A_916 = arith.addf %add3A_913, %add3A_914 : vector<16xf32>
        %add3A_917 = arith.addf %add3A_915, %add3A_916 : vector<16xf32>
        %mul3A_918 = arith.mulf %add3A_847, %add3A_847 : vector<16xf32>
        %mul3A_919 = arith.mulf %add3A_856, %add3A_856 : vector<16xf32>
        %mul3A_920 = arith.mulf %add3A_865, %add3A_865 : vector<16xf32>
        %mul3A_921 = arith.mulf %add3A_874, %add3A_874 : vector<16xf32>
        %mul3A_922 = arith.mulf %add3A_883, %add3A_883 : vector<16xf32>
        %mul3A_923 = arith.mulf %add3A_892, %add3A_892 : vector<16xf32>
        %mul3A_924 = arith.mulf %add3A_901, %add3A_901 : vector<16xf32>
        %mul3A_925 = arith.mulf %add3A_910, %add3A_910 : vector<16xf32>
        %add3A_926 = arith.addf %mul3A_918, %mul3A_919 : vector<16xf32>
        %add3A_927 = arith.addf %mul3A_920, %mul3A_921 : vector<16xf32>
        %add3A_928 = arith.addf %mul3A_922, %mul3A_923 : vector<16xf32>
        %add3A_929 = arith.addf %mul3A_924, %mul3A_925 : vector<16xf32>
        %add3A_930 = arith.addf %add3A_926, %add3A_927 : vector<16xf32>
        %add3A_931 = arith.addf %add3A_928, %add3A_929 : vector<16xf32>
        %add3A_932 = arith.addf %add3A_930, %add3A_931 : vector<16xf32>
        %reduce_sum3A_933 = arith.constant true
        %reduce_sum3A_934 = vector.broadcast %reduce_sum3A_933 : i1 to vector<16xi1>
        %reduce_sum3A_935 = tpu.scan <sum>, %add3A_917 masked %reduce_sum3A_934 : vector<16xf32>, vector<16xi1> -> vector<16xf32>
        %reduce_sum3A_936 = vector.extract %reduce_sum3A_935[15] : f32 from vector<16xf32>
        %reduce_sum3A_937 = arith.constant true
        %reduce_sum3A_938 = vector.broadcast %reduce_sum3A_937 : i1 to vector<16xi1>
        %reduce_sum3A_939 = tpu.scan <sum>, %add3A_932 masked %reduce_sum3A_938 : vector<16xf32>, vector<16xi1> -> vector<16xf32>
        %reduce_sum3A_940 = vector.extract %reduce_sum3A_939[15] : f32 from vector<16xf32>
        %broadcast_in_dim3A_941 = vector.broadcast %reduce_sum3A_936 : f32 to vector<16xf32>
        %mul3A_942 = arith.constant 7.812500e-03 : f32
        %mul3A_943 = vector.broadcast %mul3A_942 : f32 to vector<16xf32>
        %mul3A_944 = arith.mulf %broadcast_in_dim3A_941, %mul3A_943 : vector<16xf32>
        %broadcast_in_dim3A_945 = vector.broadcast %reduce_sum3A_940 : f32 to vector<16xf32>
        %mul3A_946 = arith.constant 7.812500e-03 : f32
        %mul3A_947 = vector.broadcast %mul3A_946 : f32 to vector<16xf32>
        %mul3A_948 = arith.mulf %broadcast_in_dim3A_945, %mul3A_947 : vector<16xf32>
        %mul3A_949 = arith.mulf %mul3A_944, %mul3A_944 : vector<16xf32>
        %sub3A_950 = arith.subf %mul3A_948, %mul3A_949 : vector<16xf32>
        %max3A_951 = arith.constant 0.000000e+00 : f32
        %max3A_952 = vector.broadcast %max3A_951 : f32 to vector<16xf32>
        %max3A_953 = arith.maximumf %sub3A_950, %max3A_952 : vector<16xf32>
        %add3A_954 = arith.constant 9.99999996E-13 : f32
        %add3A_955 = vector.broadcast %add3A_954 : f32 to vector<16xf32>
        %add3A_956 = arith.addf %max3A_953, %add3A_955 : vector<16xf32>
        %bitcast_convert_type3A_957 = tpu.bitcast %add3A_956 : vector<16xf32> -> vector<16xi32>
        %shift_right_logical3A_958 = arith.constant 1 : i32
        %shift_right_logical3A_959 = vector.broadcast %shift_right_logical3A_958 : i32 to vector<16xi32>
        %shift_right_logical3A_960 = arith.shrui %bitcast_convert_type3A_957, %shift_right_logical3A_959 : vector<16xi32>
        %sub3A_961 = arith.constant 1597463007 : i32
        %sub3A_962 = vector.broadcast %sub3A_961 : i32 to vector<16xi32>
        %sub3A_963 = arith.subi %sub3A_962, %shift_right_logical3A_960 : vector<16xi32>
        %bitcast_convert_type3A_964 = tpu.bitcast %sub3A_963 : vector<16xi32> -> vector<16xf32>
        %mul3A_965 = arith.constant 5.000000e-01 : f32
        %mul3A_966 = vector.broadcast %mul3A_965 : f32 to vector<16xf32>
        %mul3A_967 = arith.mulf %mul3A_966, %add3A_956 : vector<16xf32>
        %mul3A_968 = arith.mulf %mul3A_967, %bitcast_convert_type3A_964 : vector<16xf32>
        %mul3A_969 = arith.mulf %mul3A_968, %bitcast_convert_type3A_964 : vector<16xf32>
        %sub3A_970 = arith.constant 1.500000e+00 : f32
        %sub3A_971 = vector.broadcast %sub3A_970 : f32 to vector<16xf32>
        %sub3A_972 = arith.subf %sub3A_971, %mul3A_969 : vector<16xf32>
        %mul3A_973 = arith.mulf %bitcast_convert_type3A_964, %sub3A_972 : vector<16xf32>
        %mul3A_974 = arith.constant 5.000000e-01 : f32
        %mul3A_975 = vector.broadcast %mul3A_974 : f32 to vector<16xf32>
        %mul3A_976 = arith.mulf %mul3A_975, %add3A_956 : vector<16xf32>
        %mul3A_977 = arith.mulf %mul3A_976, %mul3A_973 : vector<16xf32>
        %mul3A_978 = arith.mulf %mul3A_977, %mul3A_973 : vector<16xf32>
        %sub3A_979 = arith.constant 1.500000e+00 : f32
        %sub3A_980 = vector.broadcast %sub3A_979 : f32 to vector<16xf32>
        %sub3A_981 = arith.subf %sub3A_980, %mul3A_978 : vector<16xf32>
        %mul3A_982 = arith.mulf %mul3A_973, %sub3A_981 : vector<16xf32>
        %mul3A_983 = arith.mulf %mul3A_982, %get3A_79 : vector<16xf32>
        %mul3A_984 = arith.mulf %add3A_847, %mul3A_983 : vector<16xf32>
        %mul3A_985 = arith.mulf %mul3A_944, %mul3A_983 : vector<16xf32>
        %sub3A_986 = arith.subf %get3A_95, %mul3A_985 : vector<16xf32>
        %add3A_987 = arith.addf %mul3A_984, %sub3A_986 : vector<16xf32>
        %swap3A_988 = arith.index_cast %scan3A_830 : i32 to index
        %swap3A_989 = arith.constant 0 : index
        %swap3A_990 = tpu.vector_load %arg17[%swap3A_988, %swap3A_989] {strides = array<i32>} : memref<128x128xf32, #tpu.memory_space<vmem>>, vector<16xf32>,
        tpu.vector_store %arg17[%swap3A_988, %swap3A_989], %add3A_987 {strides = array<i32>} : memref<128x128xf32, #tpu.memory_space<vmem>>, vector<16xf32>,
        %mul3A_991 = arith.mulf %mul3A_982, %get3A_81 : vector<16xf32>
        %mul3A_992 = arith.mulf %add3A_856, %mul3A_991 : vector<16xf32>
        %mul3A_993 = arith.mulf %mul3A_944, %mul3A_991 : vector<16xf32>
        %sub3A_994 = arith.subf %get3A_97, %mul3A_993 : vector<16xf32>
        %add3A_995 = arith.addf %mul3A_992, %sub3A_994 : vector<16xf32>
        %swap3A_996 = arith.index_cast %scan3A_830 : i32 to index
        %swap3A_997 = arith.constant 16 : index
        %swap3A_998 = tpu.vector_load %arg17[%swap3A_996, %swap3A_997] {strides = array<i32>} : memref<128x128xf32, #tpu.memory_space<vmem>>, vector<16xf32>,
        tpu.vector_store %arg17[%swap3A_996, %swap3A_997], %add3A_995 {strides = array<i32>} : memref<128x128xf32, #tpu.memory_space<vmem>>, vector<16xf32>,
        %mul3A_999 = arith.mulf %mul3A_982, %get3A_83 : vector<16xf32>
        %mul3A_1000 = arith.mulf %add3A_865, %mul3A_999 : vector<16xf32>
        %mul3A_1001 = arith.mulf %mul3A_944, %mul3A_999 : vector<16xf32>
        %sub3A_1002 = arith.subf %get3A_99, %mul3A_1001 : vector<16xf32>
        %add3A_1003 = arith.addf %mul3A_1000, %sub3A_1002 : vector<16xf32>
        %swap3A_1004 = arith.index_cast %scan3A_830 : i32 to index
        %swap3A_1005 = arith.constant 32 : index
        %swap3A_1006 = tpu.vector_load %arg17[%swap3A_1004, %swap3A_1005] {strides = array<i32>} : memref<128x128xf32, #tpu.memory_space<vmem>>, vector<16xf32>,
        tpu.vector_store %arg17[%swap3A_1004, %swap3A_1005], %add3A_1003 {strides = array<i32>} : memref<128x128xf32, #tpu.memory_space<vmem>>, vector<16xf32>,
        %mul3A_1007 = arith.mulf %mul3A_982, %get3A_85 : vector<16xf32>
        %mul3A_1008 = arith.mulf %add3A_874, %mul3A_1007 : vector<16xf32>
        %mul3A_1009 = arith.mulf %mul3A_944, %mul3A_1007 : vector<16xf32>
        %sub3A_1010 = arith.subf %get3A_101, %mul3A_1009 : vector<16xf32>
        %add3A_1011 = arith.addf %mul3A_1008, %sub3A_1010 : vector<16xf32>
        %swap3A_1012 = arith.index_cast %scan3A_830 : i32 to index
        %swap3A_1013 = arith.constant 48 : index
        %swap3A_1014 = tpu.vector_load %arg17[%swap3A_1012, %swap3A_1013] {strides = array<i32>} : memref<128x128xf32, #tpu.memory_space<vmem>>, vector<16xf32>,
        tpu.vector_store %arg17[%swap3A_1012, %swap3A_1013], %add3A_1011 {strides = array<i32>} : memref<128x128xf32, #tpu.memory_space<vmem>>, vector<16xf32>,
        %mul3A_1015 = arith.mulf %mul3A_982, %get3A_87 : vector<16xf32>
        %mul3A_1016 = arith.mulf %add3A_883, %mul3A_1015 : vector<16xf32>
        %mul3A_1017 = arith.mulf %mul3A_944, %mul3A_1015 : vector<16xf32>
        %sub3A_1018 = arith.subf %get3A_103, %mul3A_1017 : vector<16xf32>
        %add3A_1019 = arith.addf %mul3A_1016, %sub3A_1018 : vector<16xf32>
        %swap3A_1020 = arith.index_cast %scan3A_830 : i32 to index
        %swap3A_1021 = arith.constant 64 : index
        %swap3A_1022 = tpu.vector_load %arg17[%swap3A_1020, %swap3A_1021] {strides = array<i32>} : memref<128x128xf32, #tpu.memory_space<vmem>>, vector<16xf32>,
        tpu.vector_store %arg17[%swap3A_1020, %swap3A_1021], %add3A_1019 {strides = array<i32>} : memref<128x128xf32, #tpu.memory_space<vmem>>, vector<16xf32>,
        %mul3A_1023 = arith.mulf %mul3A_982, %get3A_89 : vector<16xf32>
        %mul3A_1024 = arith.mulf %add3A_892, %mul3A_1023 : vector<16xf32>
        %mul3A_1025 = arith.mulf %mul3A_944, %mul3A_1023 : vector<16xf32>
        %sub3A_1026 = arith.subf %get3A_105, %mul3A_1025 : vector<16xf32>
        %add3A_1027 = arith.addf %mul3A_1024, %sub3A_1026 : vector<16xf32>
        %swap3A_1028 = arith.index_cast %scan3A_830 : i32 to index
        %swap3A_1029 = arith.constant 80 : index
        %swap3A_1030 = tpu.vector_load %arg17[%swap3A_1028, %swap3A_1029] {strides = array<i32>} : memref<128x128xf32, #tpu.memory_space<vmem>>, vector<16xf32>,
        tpu.vector_store %arg17[%swap3A_1028, %swap3A_1029], %add3A_1027 {strides = array<i32>} : memref<128x128xf32, #tpu.memory_space<vmem>>, vector<16xf32>,
        %mul3A_1031 = arith.mulf %mul3A_982, %get3A_91 : vector<16xf32>
        %mul3A_1032 = arith.mulf %add3A_901, %mul3A_1031 : vector<16xf32>
        %mul3A_1033 = arith.mulf %mul3A_944, %mul3A_1031 : vector<16xf32>
        %sub3A_1034 = arith.subf %get3A_107, %mul3A_1033 : vector<16xf32>
        %add3A_1035 = arith.addf %mul3A_1032, %sub3A_1034 : vector<16xf32>
        %swap3A_1036 = arith.index_cast %scan3A_830 : i32 to index
        %swap3A_1037 = arith.constant 96 : index
        %swap3A_1038 = tpu.vector_load %arg17[%swap3A_1036, %swap3A_1037] {strides = array<i32>} : memref<128x128xf32, #tpu.memory_space<vmem>>, vector<16xf32>,
        tpu.vector_store %arg17[%swap3A_1036, %swap3A_1037], %add3A_1035 {strides = array<i32>} : memref<128x128xf32, #tpu.memory_space<vmem>>, vector<16xf32>,
        %mul3A_1039 = arith.mulf %mul3A_982, %get3A_93 : vector<16xf32>
        %mul3A_1040 = arith.mulf %add3A_910, %mul3A_1039 : vector<16xf32>
        %mul3A_1041 = arith.mulf %mul3A_944, %mul3A_1039 : vector<16xf32>
        %sub3A_1042 = arith.subf %get3A_109, %mul3A_1041 : vector<16xf32>
        %add3A_1043 = arith.addf %mul3A_1040, %sub3A_1042 : vector<16xf32>
        %swap3A_1044 = arith.index_cast %scan3A_830 : i32 to index
        %swap3A_1045 = arith.constant 112 : index
        %swap3A_1046 = tpu.vector_load %arg17[%swap3A_1044, %swap3A_1045] {strides = array<i32>} : memref<128x128xf32, #tpu.memory_space<vmem>>, vector<16xf32>,
        tpu.vector_store %arg17[%swap3A_1044, %swap3A_1045], %add3A_1043 {strides = array<i32>} : memref<128x128xf32, #tpu.memory_space<vmem>>, vector<16xf32>,
        %scan3A_1047 = arith.constant 4 : i32
        %scan3A_1048 = arith.addi %scan3A_184, %scan3A_1047 : i32
        %mul3A_1049 = arith.constant 128 : i32
        %mul3A_1050 = arith.muli %add3A_155, %mul3A_1049 : i32
        %add3A_1051 = arith.addi %mul3A_1050, %scan3A_1048 : i32
        %rem3A_1052 = arith.constant 200 : i32
        %rem3A_1053 = arith.remsi %add3A_1051, %rem3A_1052 : i32
        %broadcast_in_dim3A_1054 = vector.broadcast %scan3A_1048 : i32 to vector<16xi32>
        %gather3A_1055 = tpu.vector_load_idx %arg13[%broadcast_in_dim3A_1054] : memref<128xi32, #tpu.memory_space<vmem>>[vector<16xi32>], vector<16xi32>,
        %convert_element_type3A_1056 = arith.sitofp %gather3A_1055 : vector<16xi32> to vector<16xf32>
        %get3A_1057 = arith.index_cast %scan3A_1048 : i32 to index
        %get3A_1058 = arith.constant 0 : index
        %get3A_1059 = tpu.vector_load %arg15[%get3A_1057, %get3A_1058] {strides = array<i32>} : memref<128x128xf32, #tpu.memory_space<vmem>>, vector<16xf32>,
        %get3A_1060 = arith.index_cast %rem3A_1053 : i32 to index
        %get3A_1061 = arith.constant 0 : index
        %get3A_1062 = tpu.vector_load %arg18[%get3A_1060, %get3A_1061] {strides = array<i32>} : memref<200x128xf32, #tpu.memory_space<vmem>>, vector<16xf32>,
        %add3A_1063 = arith.addf %get3A_1059, %get3A_1062 : vector<16xf32>
        %mul3A_1064 = arith.mulf %convert_element_type3A_1056, %sub3A : vector<16xf32>
        %add3A_1065 = arith.addf %add3A_1063, %mul3A_1064 : vector<16xf32>
        %get3A_1066 = arith.index_cast %scan3A_1048 : i32 to index
        %get3A_1067 = arith.constant 16 : index
        %get3A_1068 = tpu.vector_load %arg15[%get3A_1066, %get3A_1067] {strides = array<i32>} : memref<128x128xf32, #tpu.memory_space<vmem>>, vector<16xf32>,
        %get3A_1069 = arith.index_cast %rem3A_1053 : i32 to index
        %get3A_1070 = arith.constant 16 : index
        %get3A_1071 = tpu.vector_load %arg18[%get3A_1069, %get3A_1070] {strides = array<i32>} : memref<200x128xf32, #tpu.memory_space<vmem>>, vector<16xf32>,
        %add3A_1072 = arith.addf %get3A_1068, %get3A_1071 : vector<16xf32>
        %mul3A_1073 = arith.mulf %convert_element_type3A_1056, %sub3A_42 : vector<16xf32>
        %add3A_1074 = arith.addf %add3A_1072, %mul3A_1073 : vector<16xf32>
        %get3A_1075 = arith.index_cast %scan3A_1048 : i32 to index
        %get3A_1076 = arith.constant 32 : index
        %get3A_1077 = tpu.vector_load %arg15[%get3A_1075, %get3A_1076] {strides = array<i32>} : memref<128x128xf32, #tpu.memory_space<vmem>>, vector<16xf32>,
        %get3A_1078 = arith.index_cast %rem3A_1053 : i32 to index
        %get3A_1079 = arith.constant 32 : index
        %get3A_1080 = tpu.vector_load %arg18[%get3A_1078, %get3A_1079] {strides = array<i32>} : memref<200x128xf32, #tpu.memory_space<vmem>>, vector<16xf32>,
        %add3A_1081 = arith.addf %get3A_1077, %get3A_1080 : vector<16xf32>
        %mul3A_1082 = arith.mulf %convert_element_type3A_1056, %sub3A_47 : vector<16xf32>
        %add3A_1083 = arith.addf %add3A_1081, %mul3A_1082 : vector<16xf32>
        %get3A_1084 = arith.index_cast %scan3A_1048 : i32 to index
        %get3A_1085 = arith.constant 48 : index
        %get3A_1086 = tpu.vector_load %arg15[%get3A_1084, %get3A_1085] {strides = array<i32>} : memref<128x128xf32, #tpu.memory_space<vmem>>, vector<16xf32>,
        %get3A_1087 = arith.index_cast %rem3A_1053 : i32 to index
        %get3A_1088 = arith.constant 48 : index
        %get3A_1089 = tpu.vector_load %arg18[%get3A_1087, %get3A_1088] {strides = array<i32>} : memref<200x128xf32, #tpu.memory_space<vmem>>, vector<16xf32>,
        %add3A_1090 = arith.addf %get3A_1086, %get3A_1089 : vector<16xf32>
        %mul3A_1091 = arith.mulf %convert_element_type3A_1056, %sub3A_52 : vector<16xf32>
        %add3A_1092 = arith.addf %add3A_1090, %mul3A_1091 : vector<16xf32>
        %get3A_1093 = arith.index_cast %scan3A_1048 : i32 to index
        %get3A_1094 = arith.constant 64 : index
        %get3A_1095 = tpu.vector_load %arg15[%get3A_1093, %get3A_1094] {strides = array<i32>} : memref<128x128xf32, #tpu.memory_space<vmem>>, vector<16xf32>,
        %get3A_1096 = arith.index_cast %rem3A_1053 : i32 to index
        %get3A_1097 = arith.constant 64 : index
        %get3A_1098 = tpu.vector_load %arg18[%get3A_1096, %get3A_1097] {strides = array<i32>} : memref<200x128xf32, #tpu.memory_space<vmem>>, vector<16xf32>,
        %add3A_1099 = arith.addf %get3A_1095, %get3A_1098 : vector<16xf32>
        %mul3A_1100 = arith.mulf %convert_element_type3A_1056, %sub3A_57 : vector<16xf32>
        %add3A_1101 = arith.addf %add3A_1099, %mul3A_1100 : vector<16xf32>
        %get3A_1102 = arith.index_cast %scan3A_1048 : i32 to index
        %get3A_1103 = arith.constant 80 : index
        %get3A_1104 = tpu.vector_load %arg15[%get3A_1102, %get3A_1103] {strides = array<i32>} : memref<128x128xf32, #tpu.memory_space<vmem>>, vector<16xf32>,
        %get3A_1105 = arith.index_cast %rem3A_1053 : i32 to index
        %get3A_1106 = arith.constant 80 : index
        %get3A_1107 = tpu.vector_load %arg18[%get3A_1105, %get3A_1106] {strides = array<i32>} : memref<200x128xf32, #tpu.memory_space<vmem>>, vector<16xf32>,
        %add3A_1108 = arith.addf %get3A_1104, %get3A_1107 : vector<16xf32>
        %mul3A_1109 = arith.mulf %convert_element_type3A_1056, %sub3A_62 : vector<16xf32>
        %add3A_1110 = arith.addf %add3A_1108, %mul3A_1109 : vector<16xf32>
        %get3A_1111 = arith.index_cast %scan3A_1048 : i32 to index
        %get3A_1112 = arith.constant 96 : index
        %get3A_1113 = tpu.vector_load %arg15[%get3A_1111, %get3A_1112] {strides = array<i32>} : memref<128x128xf32, #tpu.memory_space<vmem>>, vector<16xf32>,
        %get3A_1114 = arith.index_cast %rem3A_1053 : i32 to index
        %get3A_1115 = arith.constant 96 : index
        %get3A_1116 = tpu.vector_load %arg18[%get3A_1114, %get3A_1115] {strides = array<i32>} : memref<200x128xf32, #tpu.memory_space<vmem>>, vector<16xf32>,
        %add3A_1117 = arith.addf %get3A_1113, %get3A_1116 : vector<16xf32>
        %mul3A_1118 = arith.mulf %convert_element_type3A_1056, %sub3A_67 : vector<16xf32>
        %add3A_1119 = arith.addf %add3A_1117, %mul3A_1118 : vector<16xf32>
        %get3A_1120 = arith.index_cast %scan3A_1048 : i32 to index
        %get3A_1121 = arith.constant 112 : index
        %get3A_1122 = tpu.vector_load %arg15[%get3A_1120, %get3A_1121] {strides = array<i32>} : memref<128x128xf32, #tpu.memory_space<vmem>>, vector<16xf32>,
        %get3A_1123 = arith.index_cast %rem3A_1053 : i32 to index
        %get3A_1124 = arith.constant 112 : index
        %get3A_1125 = tpu.vector_load %arg18[%get3A_1123, %get3A_1124] {strides = array<i32>} : memref<200x128xf32, #tpu.memory_space<vmem>>, vector<16xf32>,
        %add3A_1126 = arith.addf %get3A_1122, %get3A_1125 : vector<16xf32>
        %mul3A_1127 = arith.mulf %convert_element_type3A_1056, %sub3A_72 : vector<16xf32>
        %add3A_1128 = arith.addf %add3A_1126, %mul3A_1127 : vector<16xf32>
        %add3A_1129 = arith.addf %add3A_1065, %add3A_1074 : vector<16xf32>
        %add3A_1130 = arith.addf %add3A_1083, %add3A_1092 : vector<16xf32>
        %add3A_1131 = arith.addf %add3A_1101, %add3A_1110 : vector<16xf32>
        %add3A_1132 = arith.addf %add3A_1119, %add3A_1128 : vector<16xf32>
        %add3A_1133 = arith.addf %add3A_1129, %add3A_1130 : vector<16xf32>
        %add3A_1134 = arith.addf %add3A_1131, %add3A_1132 : vector<16xf32>
        %add3A_1135 = arith.addf %add3A_1133, %add3A_1134 : vector<16xf32>
        %mul3A_1136 = arith.mulf %add3A_1065, %add3A_1065 : vector<16xf32>
        %mul3A_1137 = arith.mulf %add3A_1074, %add3A_1074 : vector<16xf32>
        %mul3A_1138 = arith.mulf %add3A_1083, %add3A_1083 : vector<16xf32>
        %mul3A_1139 = arith.mulf %add3A_1092, %add3A_1092 : vector<16xf32>
        %mul3A_1140 = arith.mulf %add3A_1101, %add3A_1101 : vector<16xf32>
        %mul3A_1141 = arith.mulf %add3A_1110, %add3A_1110 : vector<16xf32>
        %mul3A_1142 = arith.mulf %add3A_1119, %add3A_1119 : vector<16xf32>
        %mul3A_1143 = arith.mulf %add3A_1128, %add3A_1128 : vector<16xf32>
        %add3A_1144 = arith.addf %mul3A_1136, %mul3A_1137 : vector<16xf32>
        %add3A_1145 = arith.addf %mul3A_1138, %mul3A_1139 : vector<16xf32>
        %add3A_1146 = arith.addf %mul3A_1140, %mul3A_1141 : vector<16xf32>
        %add3A_1147 = arith.addf %mul3A_1142, %mul3A_1143 : vector<16xf32>
        %add3A_1148 = arith.addf %add3A_1144, %add3A_1145 : vector<16xf32>
        %add3A_1149 = arith.addf %add3A_1146, %add3A_1147 : vector<16xf32>
        %add3A_1150 = arith.addf %add3A_1148, %add3A_1149 : vector<16xf32>
        %reduce_sum3A_1151 = arith.constant true
        %reduce_sum3A_1152 = vector.broadcast %reduce_sum3A_1151 : i1 to vector<16xi1>
        %reduce_sum3A_1153 = tpu.scan <sum>, %add3A_1135 masked %reduce_sum3A_1152 : vector<16xf32>, vector<16xi1> -> vector<16xf32>
        %reduce_sum3A_1154 = vector.extract %reduce_sum3A_1153[15] : f32 from vector<16xf32>
        %reduce_sum3A_1155 = arith.constant true
        %reduce_sum3A_1156 = vector.broadcast %reduce_sum3A_1155 : i1 to vector<16xi1>
        %reduce_sum3A_1157 = tpu.scan <sum>, %add3A_1150 masked %reduce_sum3A_1156 : vector<16xf32>, vector<16xi1> -> vector<16xf32>
        %reduce_sum3A_1158 = vector.extract %reduce_sum3A_1157[15] : f32 from vector<16xf32>
        %broadcast_in_dim3A_1159 = vector.broadcast %reduce_sum3A_1154 : f32 to vector<16xf32>
        %mul3A_1160 = arith.constant 7.812500e-03 : f32
        %mul3A_1161 = vector.broadcast %mul3A_1160 : f32 to vector<16xf32>
        %mul3A_1162 = arith.mulf %broadcast_in_dim3A_1159, %mul3A_1161 : vector<16xf32>
        %broadcast_in_dim3A_1163 = vector.broadcast %reduce_sum3A_1158 : f32 to vector<16xf32>
        %mul3A_1164 = arith.constant 7.812500e-03 : f32
        %mul3A_1165 = vector.broadcast %mul3A_1164 : f32 to vector<16xf32>
        %mul3A_1166 = arith.mulf %broadcast_in_dim3A_1163, %mul3A_1165 : vector<16xf32>
        %mul3A_1167 = arith.mulf %mul3A_1162, %mul3A_1162 : vector<16xf32>
        %sub3A_1168 = arith.subf %mul3A_1166, %mul3A_1167 : vector<16xf32>
        %max3A_1169 = arith.constant 0.000000e+00 : f32
        %max3A_1170 = vector.broadcast %max3A_1169 : f32 to vector<16xf32>
        %max3A_1171 = arith.maximumf %sub3A_1168, %max3A_1170 : vector<16xf32>
        %add3A_1172 = arith.constant 9.99999996E-13 : f32
        %add3A_1173 = vector.broadcast %add3A_1172 : f32 to vector<16xf32>
        %add3A_1174 = arith.addf %max3A_1171, %add3A_1173 : vector<16xf32>
        %bitcast_convert_type3A_1175 = tpu.bitcast %add3A_1174 : vector<16xf32> -> vector<16xi32>
        %shift_right_logical3A_1176 = arith.constant 1 : i32
        %shift_right_logical3A_1177 = vector.broadcast %shift_right_logical3A_1176 : i32 to vector<16xi32>
        %shift_right_logical3A_1178 = arith.shrui %bitcast_convert_type3A_1175, %shift_right_logical3A_1177 : vector<16xi32>
        %sub3A_1179 = arith.constant 1597463007 : i32
        %sub3A_1180 = vector.broadcast %sub3A_1179 : i32 to vector<16xi32>
        %sub3A_1181 = arith.subi %sub3A_1180, %shift_right_logical3A_1178 : vector<16xi32>
        %bitcast_convert_type3A_1182 = tpu.bitcast %sub3A_1181 : vector<16xi32> -> vector<16xf32>
        %mul3A_1183 = arith.constant 5.000000e-01 : f32
        %mul3A_1184 = vector.broadcast %mul3A_1183 : f32 to vector<16xf32>
        %mul3A_1185 = arith.mulf %mul3A_1184, %add3A_1174 : vector<16xf32>
        %mul3A_1186 = arith.mulf %mul3A_1185, %bitcast_convert_type3A_1182 : vector<16xf32>
        %mul3A_1187 = arith.mulf %mul3A_1186, %bitcast_convert_type3A_1182 : vector<16xf32>
        %sub3A_1188 = arith.constant 1.500000e+00 : f32
        %sub3A_1189 = vector.broadcast %sub3A_1188 : f32 to vector<16xf32>
        %sub3A_1190 = arith.subf %sub3A_1189, %mul3A_1187 : vector<16xf32>
        %mul3A_1191 = arith.mulf %bitcast_convert_type3A_1182, %sub3A_1190 : vector<16xf32>
        %mul3A_1192 = arith.constant 5.000000e-01 : f32
        %mul3A_1193 = vector.broadcast %mul3A_1192 : f32 to vector<16xf32>
        %mul3A_1194 = arith.mulf %mul3A_1193, %add3A_1174 : vector<16xf32>
        %mul3A_1195 = arith.mulf %mul3A_1194, %mul3A_1191 : vector<16xf32>
        %mul3A_1196 = arith.mulf %mul3A_1195, %mul3A_1191 : vector<16xf32>
        %sub3A_1197 = arith.constant 1.500000e+00 : f32
        %sub3A_1198 = vector.broadcast %sub3A_1197 : f32 to vector<16xf32>
        %sub3A_1199 = arith.subf %sub3A_1198, %mul3A_1196 : vector<16xf32>
        %mul3A_1200 = arith.mulf %mul3A_1191, %sub3A_1199 : vector<16xf32>
        %mul3A_1201 = arith.mulf %mul3A_1200, %get3A_79 : vector<16xf32>
        %mul3A_1202 = arith.mulf %add3A_1065, %mul3A_1201 : vector<16xf32>
        %mul3A_1203 = arith.mulf %mul3A_1162, %mul3A_1201 : vector<16xf32>
        %sub3A_1204 = arith.subf %get3A_95, %mul3A_1203 : vector<16xf32>
        %add3A_1205 = arith.addf %mul3A_1202, %sub3A_1204 : vector<16xf32>
        %swap3A_1206 = arith.index_cast %scan3A_1048 : i32 to index
        %swap3A_1207 = arith.constant 0 : index
        %swap3A_1208 = tpu.vector_load %arg17[%swap3A_1206, %swap3A_1207] {strides = array<i32>} : memref<128x128xf32, #tpu.memory_space<vmem>>, vector<16xf32>,
        tpu.vector_store %arg17[%swap3A_1206, %swap3A_1207], %add3A_1205 {strides = array<i32>} : memref<128x128xf32, #tpu.memory_space<vmem>>, vector<16xf32>,
        %mul3A_1209 = arith.mulf %mul3A_1200, %get3A_81 : vector<16xf32>
        %mul3A_1210 = arith.mulf %add3A_1074, %mul3A_1209 : vector<16xf32>
        %mul3A_1211 = arith.mulf %mul3A_1162, %mul3A_1209 : vector<16xf32>
        %sub3A_1212 = arith.subf %get3A_97, %mul3A_1211 : vector<16xf32>
        %add3A_1213 = arith.addf %mul3A_1210, %sub3A_1212 : vector<16xf32>
        %swap3A_1214 = arith.index_cast %scan3A_1048 : i32 to index
        %swap3A_1215 = arith.constant 16 : index
        %swap3A_1216 = tpu.vector_load %arg17[%swap3A_1214, %swap3A_1215] {strides = array<i32>} : memref<128x128xf32, #tpu.memory_space<vmem>>, vector<16xf32>,
        tpu.vector_store %arg17[%swap3A_1214, %swap3A_1215], %add3A_1213 {strides = array<i32>} : memref<128x128xf32, #tpu.memory_space<vmem>>, vector<16xf32>,
        %mul3A_1217 = arith.mulf %mul3A_1200, %get3A_83 : vector<16xf32>
        %mul3A_1218 = arith.mulf %add3A_1083, %mul3A_1217 : vector<16xf32>
        %mul3A_1219 = arith.mulf %mul3A_1162, %mul3A_1217 : vector<16xf32>
        %sub3A_1220 = arith.subf %get3A_99, %mul3A_1219 : vector<16xf32>
        %add3A_1221 = arith.addf %mul3A_1218, %sub3A_1220 : vector<16xf32>
        %swap3A_1222 = arith.index_cast %scan3A_1048 : i32 to index
        %swap3A_1223 = arith.constant 32 : index
        %swap3A_1224 = tpu.vector_load %arg17[%swap3A_1222, %swap3A_1223] {strides = array<i32>} : memref<128x128xf32, #tpu.memory_space<vmem>>, vector<16xf32>,
        tpu.vector_store %arg17[%swap3A_1222, %swap3A_1223], %add3A_1221 {strides = array<i32>} : memref<128x128xf32, #tpu.memory_space<vmem>>, vector<16xf32>,
        %mul3A_1225 = arith.mulf %mul3A_1200, %get3A_85 : vector<16xf32>
        %mul3A_1226 = arith.mulf %add3A_1092, %mul3A_1225 : vector<16xf32>
        %mul3A_1227 = arith.mulf %mul3A_1162, %mul3A_1225 : vector<16xf32>
        %sub3A_1228 = arith.subf %get3A_101, %mul3A_1227 : vector<16xf32>
        %add3A_1229 = arith.addf %mul3A_1226, %sub3A_1228 : vector<16xf32>
        %swap3A_1230 = arith.index_cast %scan3A_1048 : i32 to index
        %swap3A_1231 = arith.constant 48 : index
        %swap3A_1232 = tpu.vector_load %arg17[%swap3A_1230, %swap3A_1231] {strides = array<i32>} : memref<128x128xf32, #tpu.memory_space<vmem>>, vector<16xf32>,
        tpu.vector_store %arg17[%swap3A_1230, %swap3A_1231], %add3A_1229 {strides = array<i32>} : memref<128x128xf32, #tpu.memory_space<vmem>>, vector<16xf32>,
        %mul3A_1233 = arith.mulf %mul3A_1200, %get3A_87 : vector<16xf32>
        %mul3A_1234 = arith.mulf %add3A_1101, %mul3A_1233 : vector<16xf32>
        %mul3A_1235 = arith.mulf %mul3A_1162, %mul3A_1233 : vector<16xf32>
        %sub3A_1236 = arith.subf %get3A_103, %mul3A_1235 : vector<16xf32>
        %add3A_1237 = arith.addf %mul3A_1234, %sub3A_1236 : vector<16xf32>
        %swap3A_1238 = arith.index_cast %scan3A_1048 : i32 to index
        %swap3A_1239 = arith.constant 64 : index
        %swap3A_1240 = tpu.vector_load %arg17[%swap3A_1238, %swap3A_1239] {strides = array<i32>} : memref<128x128xf32, #tpu.memory_space<vmem>>, vector<16xf32>,
        tpu.vector_store %arg17[%swap3A_1238, %swap3A_1239], %add3A_1237 {strides = array<i32>} : memref<128x128xf32, #tpu.memory_space<vmem>>, vector<16xf32>,
        %mul3A_1241 = arith.mulf %mul3A_1200, %get3A_89 : vector<16xf32>
        %mul3A_1242 = arith.mulf %add3A_1110, %mul3A_1241 : vector<16xf32>
        %mul3A_1243 = arith.mulf %mul3A_1162, %mul3A_1241 : vector<16xf32>
        %sub3A_1244 = arith.subf %get3A_105, %mul3A_1243 : vector<16xf32>
        %add3A_1245 = arith.addf %mul3A_1242, %sub3A_1244 : vector<16xf32>
        %swap3A_1246 = arith.index_cast %scan3A_1048 : i32 to index
        %swap3A_1247 = arith.constant 80 : index
        %swap3A_1248 = tpu.vector_load %arg17[%swap3A_1246, %swap3A_1247] {strides = array<i32>} : memref<128x128xf32, #tpu.memory_space<vmem>>, vector<16xf32>,
        tpu.vector_store %arg17[%swap3A_1246, %swap3A_1247], %add3A_1245 {strides = array<i32>} : memref<128x128xf32, #tpu.memory_space<vmem>>, vector<16xf32>,
        %mul3A_1249 = arith.mulf %mul3A_1200, %get3A_91 : vector<16xf32>
        %mul3A_1250 = arith.mulf %add3A_1119, %mul3A_1249 : vector<16xf32>
        %mul3A_1251 = arith.mulf %mul3A_1162, %mul3A_1249 : vector<16xf32>
        %sub3A_1252 = arith.subf %get3A_107, %mul3A_1251 : vector<16xf32>
        %add3A_1253 = arith.addf %mul3A_1250, %sub3A_1252 : vector<16xf32>
        %swap3A_1254 = arith.index_cast %scan3A_1048 : i32 to index
        %swap3A_1255 = arith.constant 96 : index
        %swap3A_1256 = tpu.vector_load %arg17[%swap3A_1254, %swap3A_1255] {strides = array<i32>} : memref<128x128xf32, #tpu.memory_space<vmem>>, vector<16xf32>,
        tpu.vector_store %arg17[%swap3A_1254, %swap3A_1255], %add3A_1253 {strides = array<i32>} : memref<128x128xf32, #tpu.memory_space<vmem>>, vector<16xf32>,
        %mul3A_1257 = arith.mulf %mul3A_1200, %get3A_93 : vector<16xf32>
        %mul3A_1258 = arith.mulf %add3A_1128, %mul3A_1257 : vector<16xf32>
        %mul3A_1259 = arith.mulf %mul3A_1162, %mul3A_1257 : vector<16xf32>
        %sub3A_1260 = arith.subf %get3A_109, %mul3A_1259 : vector<16xf32>
        %add3A_1261 = arith.addf %mul3A_1258, %sub3A_1260 : vector<16xf32>
        %swap3A_1262 = arith.index_cast %scan3A_1048 : i32 to index
        %swap3A_1263 = arith.constant 112 : index
        %swap3A_1264 = tpu.vector_load %arg17[%swap3A_1262, %swap3A_1263] {strides = array<i32>} : memref<128x128xf32, #tpu.memory_space<vmem>>, vector<16xf32>,
        tpu.vector_store %arg17[%swap3A_1262, %swap3A_1263], %add3A_1261 {strides = array<i32>} : memref<128x128xf32, #tpu.memory_space<vmem>>, vector<16xf32>,
        %scan3A_1265 = arith.constant 5 : i32
        %scan3A_1266 = arith.addi %scan3A_184, %scan3A_1265 : i32
        %mul3A_1267 = arith.constant 128 : i32
        %mul3A_1268 = arith.muli %add3A_155, %mul3A_1267 : i32
        %add3A_1269 = arith.addi %mul3A_1268, %scan3A_1266 : i32
        %rem3A_1270 = arith.constant 200 : i32
        %rem3A_1271 = arith.remsi %add3A_1269, %rem3A_1270 : i32
        %broadcast_in_dim3A_1272 = vector.broadcast %scan3A_1266 : i32 to vector<16xi32>
        %gather3A_1273 = tpu.vector_load_idx %arg13[%broadcast_in_dim3A_1272] : memref<128xi32, #tpu.memory_space<vmem>>[vector<16xi32>], vector<16xi32>,
        %convert_element_type3A_1274 = arith.sitofp %gather3A_1273 : vector<16xi32> to vector<16xf32>
        %get3A_1275 = arith.index_cast %scan3A_1266 : i32 to index
        %get3A_1276 = arith.constant 0 : index
        %get3A_1277 = tpu.vector_load %arg15[%get3A_1275, %get3A_1276] {strides = array<i32>} : memref<128x128xf32, #tpu.memory_space<vmem>>, vector<16xf32>,
        %get3A_1278 = arith.index_cast %rem3A_1271 : i32 to index
        %get3A_1279 = arith.constant 0 : index
        %get3A_1280 = tpu.vector_load %arg18[%get3A_1278, %get3A_1279] {strides = array<i32>} : memref<200x128xf32, #tpu.memory_space<vmem>>, vector<16xf32>,
        %add3A_1281 = arith.addf %get3A_1277, %get3A_1280 : vector<16xf32>
        %mul3A_1282 = arith.mulf %convert_element_type3A_1274, %sub3A : vector<16xf32>
        %add3A_1283 = arith.addf %add3A_1281, %mul3A_1282 : vector<16xf32>
        %get3A_1284 = arith.index_cast %scan3A_1266 : i32 to index
        %get3A_1285 = arith.constant 16 : index
        %get3A_1286 = tpu.vector_load %arg15[%get3A_1284, %get3A_1285] {strides = array<i32>} : memref<128x128xf32, #tpu.memory_space<vmem>>, vector<16xf32>,
        %get3A_1287 = arith.index_cast %rem3A_1271 : i32 to index
        %get3A_1288 = arith.constant 16 : index
        %get3A_1289 = tpu.vector_load %arg18[%get3A_1287, %get3A_1288] {strides = array<i32>} : memref<200x128xf32, #tpu.memory_space<vmem>>, vector<16xf32>,
        %add3A_1290 = arith.addf %get3A_1286, %get3A_1289 : vector<16xf32>
        %mul3A_1291 = arith.mulf %convert_element_type3A_1274, %sub3A_42 : vector<16xf32>
        %add3A_1292 = arith.addf %add3A_1290, %mul3A_1291 : vector<16xf32>
        %get3A_1293 = arith.index_cast %scan3A_1266 : i32 to index
        %get3A_1294 = arith.constant 32 : index
        %get3A_1295 = tpu.vector_load %arg15[%get3A_1293, %get3A_1294] {strides = array<i32>} : memref<128x128xf32, #tpu.memory_space<vmem>>, vector<16xf32>,
        %get3A_1296 = arith.index_cast %rem3A_1271 : i32 to index
        %get3A_1297 = arith.constant 32 : index
        %get3A_1298 = tpu.vector_load %arg18[%get3A_1296, %get3A_1297] {strides = array<i32>} : memref<200x128xf32, #tpu.memory_space<vmem>>, vector<16xf32>,
        %add3A_1299 = arith.addf %get3A_1295, %get3A_1298 : vector<16xf32>
        %mul3A_1300 = arith.mulf %convert_element_type3A_1274, %sub3A_47 : vector<16xf32>
        %add3A_1301 = arith.addf %add3A_1299, %mul3A_1300 : vector<16xf32>
        %get3A_1302 = arith.index_cast %scan3A_1266 : i32 to index
        %get3A_1303 = arith.constant 48 : index
        %get3A_1304 = tpu.vector_load %arg15[%get3A_1302, %get3A_1303] {strides = array<i32>} : memref<128x128xf32, #tpu.memory_space<vmem>>, vector<16xf32>,
        %get3A_1305 = arith.index_cast %rem3A_1271 : i32 to index
        %get3A_1306 = arith.constant 48 : index
        %get3A_1307 = tpu.vector_load %arg18[%get3A_1305, %get3A_1306] {strides = array<i32>} : memref<200x128xf32, #tpu.memory_space<vmem>>, vector<16xf32>,
        %add3A_1308 = arith.addf %get3A_1304, %get3A_1307 : vector<16xf32>
        %mul3A_1309 = arith.mulf %convert_element_type3A_1274, %sub3A_52 : vector<16xf32>
        %add3A_1310 = arith.addf %add3A_1308, %mul3A_1309 : vector<16xf32>
        %get3A_1311 = arith.index_cast %scan3A_1266 : i32 to index
        %get3A_1312 = arith.constant 64 : index
        %get3A_1313 = tpu.vector_load %arg15[%get3A_1311, %get3A_1312] {strides = array<i32>} : memref<128x128xf32, #tpu.memory_space<vmem>>, vector<16xf32>,
        %get3A_1314 = arith.index_cast %rem3A_1271 : i32 to index
        %get3A_1315 = arith.constant 64 : index
        %get3A_1316 = tpu.vector_load %arg18[%get3A_1314, %get3A_1315] {strides = array<i32>} : memref<200x128xf32, #tpu.memory_space<vmem>>, vector<16xf32>,
        %add3A_1317 = arith.addf %get3A_1313, %get3A_1316 : vector<16xf32>
        %mul3A_1318 = arith.mulf %convert_element_type3A_1274, %sub3A_57 : vector<16xf32>
        %add3A_1319 = arith.addf %add3A_1317, %mul3A_1318 : vector<16xf32>
        %get3A_1320 = arith.index_cast %scan3A_1266 : i32 to index
        %get3A_1321 = arith.constant 80 : index
        %get3A_1322 = tpu.vector_load %arg15[%get3A_1320, %get3A_1321] {strides = array<i32>} : memref<128x128xf32, #tpu.memory_space<vmem>>, vector<16xf32>,
        %get3A_1323 = arith.index_cast %rem3A_1271 : i32 to index
        %get3A_1324 = arith.constant 80 : index
        %get3A_1325 = tpu.vector_load %arg18[%get3A_1323, %get3A_1324] {strides = array<i32>} : memref<200x128xf32, #tpu.memory_space<vmem>>, vector<16xf32>,
        %add3A_1326 = arith.addf %get3A_1322, %get3A_1325 : vector<16xf32>
        %mul3A_1327 = arith.mulf %convert_element_type3A_1274, %sub3A_62 : vector<16xf32>
        %add3A_1328 = arith.addf %add3A_1326, %mul3A_1327 : vector<16xf32>
        %get3A_1329 = arith.index_cast %scan3A_1266 : i32 to index
        %get3A_1330 = arith.constant 96 : index
        %get3A_1331 = tpu.vector_load %arg15[%get3A_1329, %get3A_1330] {strides = array<i32>} : memref<128x128xf32, #tpu.memory_space<vmem>>, vector<16xf32>,
        %get3A_1332 = arith.index_cast %rem3A_1271 : i32 to index
        %get3A_1333 = arith.constant 96 : index
        %get3A_1334 = tpu.vector_load %arg18[%get3A_1332, %get3A_1333] {strides = array<i32>} : memref<200x128xf32, #tpu.memory_space<vmem>>, vector<16xf32>,
        %add3A_1335 = arith.addf %get3A_1331, %get3A_1334 : vector<16xf32>
        %mul3A_1336 = arith.mulf %convert_element_type3A_1274, %sub3A_67 : vector<16xf32>
        %add3A_1337 = arith.addf %add3A_1335, %mul3A_1336 : vector<16xf32>
        %get3A_1338 = arith.index_cast %scan3A_1266 : i32 to index
        %get3A_1339 = arith.constant 112 : index
        %get3A_1340 = tpu.vector_load %arg15[%get3A_1338, %get3A_1339] {strides = array<i32>} : memref<128x128xf32, #tpu.memory_space<vmem>>, vector<16xf32>,
        %get3A_1341 = arith.index_cast %rem3A_1271 : i32 to index
        %get3A_1342 = arith.constant 112 : index
        %get3A_1343 = tpu.vector_load %arg18[%get3A_1341, %get3A_1342] {strides = array<i32>} : memref<200x128xf32, #tpu.memory_space<vmem>>, vector<16xf32>,
        %add3A_1344 = arith.addf %get3A_1340, %get3A_1343 : vector<16xf32>
        %mul3A_1345 = arith.mulf %convert_element_type3A_1274, %sub3A_72 : vector<16xf32>
        %add3A_1346 = arith.addf %add3A_1344, %mul3A_1345 : vector<16xf32>
        %add3A_1347 = arith.addf %add3A_1283, %add3A_1292 : vector<16xf32>
        %add3A_1348 = arith.addf %add3A_1301, %add3A_1310 : vector<16xf32>
        %add3A_1349 = arith.addf %add3A_1319, %add3A_1328 : vector<16xf32>
        %add3A_1350 = arith.addf %add3A_1337, %add3A_1346 : vector<16xf32>
        %add3A_1351 = arith.addf %add3A_1347, %add3A_1348 : vector<16xf32>
        %add3A_1352 = arith.addf %add3A_1349, %add3A_1350 : vector<16xf32>
        %add3A_1353 = arith.addf %add3A_1351, %add3A_1352 : vector<16xf32>
        %mul3A_1354 = arith.mulf %add3A_1283, %add3A_1283 : vector<16xf32>
        %mul3A_1355 = arith.mulf %add3A_1292, %add3A_1292 : vector<16xf32>
        %mul3A_1356 = arith.mulf %add3A_1301, %add3A_1301 : vector<16xf32>
        %mul3A_1357 = arith.mulf %add3A_1310, %add3A_1310 : vector<16xf32>
        %mul3A_1358 = arith.mulf %add3A_1319, %add3A_1319 : vector<16xf32>
        %mul3A_1359 = arith.mulf %add3A_1328, %add3A_1328 : vector<16xf32>
        %mul3A_1360 = arith.mulf %add3A_1337, %add3A_1337 : vector<16xf32>
        %mul3A_1361 = arith.mulf %add3A_1346, %add3A_1346 : vector<16xf32>
        %add3A_1362 = arith.addf %mul3A_1354, %mul3A_1355 : vector<16xf32>
        %add3A_1363 = arith.addf %mul3A_1356, %mul3A_1357 : vector<16xf32>
        %add3A_1364 = arith.addf %mul3A_1358, %mul3A_1359 : vector<16xf32>
        %add3A_1365 = arith.addf %mul3A_1360, %mul3A_1361 : vector<16xf32>
        %add3A_1366 = arith.addf %add3A_1362, %add3A_1363 : vector<16xf32>
        %add3A_1367 = arith.addf %add3A_1364, %add3A_1365 : vector<16xf32>
        %add3A_1368 = arith.addf %add3A_1366, %add3A_1367 : vector<16xf32>
        %reduce_sum3A_1369 = arith.constant true
        %reduce_sum3A_1370 = vector.broadcast %reduce_sum3A_1369 : i1 to vector<16xi1>
        %reduce_sum3A_1371 = tpu.scan <sum>, %add3A_1353 masked %reduce_sum3A_1370 : vector<16xf32>, vector<16xi1> -> vector<16xf32>
        %reduce_sum3A_1372 = vector.extract %reduce_sum3A_1371[15] : f32 from vector<16xf32>
        %reduce_sum3A_1373 = arith.constant true
        %reduce_sum3A_1374 = vector.broadcast %reduce_sum3A_1373 : i1 to vector<16xi1>
        %reduce_sum3A_1375 = tpu.scan <sum>, %add3A_1368 masked %reduce_sum3A_1374 : vector<16xf32>, vector<16xi1> -> vector<16xf32>
        %reduce_sum3A_1376 = vector.extract %reduce_sum3A_1375[15] : f32 from vector<16xf32>
        %broadcast_in_dim3A_1377 = vector.broadcast %reduce_sum3A_1372 : f32 to vector<16xf32>
        %mul3A_1378 = arith.constant 7.812500e-03 : f32
        %mul3A_1379 = vector.broadcast %mul3A_1378 : f32 to vector<16xf32>
        %mul3A_1380 = arith.mulf %broadcast_in_dim3A_1377, %mul3A_1379 : vector<16xf32>
        %broadcast_in_dim3A_1381 = vector.broadcast %reduce_sum3A_1376 : f32 to vector<16xf32>
        %mul3A_1382 = arith.constant 7.812500e-03 : f32
        %mul3A_1383 = vector.broadcast %mul3A_1382 : f32 to vector<16xf32>
        %mul3A_1384 = arith.mulf %broadcast_in_dim3A_1381, %mul3A_1383 : vector<16xf32>
        %mul3A_1385 = arith.mulf %mul3A_1380, %mul3A_1380 : vector<16xf32>
        %sub3A_1386 = arith.subf %mul3A_1384, %mul3A_1385 : vector<16xf32>
        %max3A_1387 = arith.constant 0.000000e+00 : f32
        %max3A_1388 = vector.broadcast %max3A_1387 : f32 to vector<16xf32>
        %max3A_1389 = arith.maximumf %sub3A_1386, %max3A_1388 : vector<16xf32>
        %add3A_1390 = arith.constant 9.99999996E-13 : f32
        %add3A_1391 = vector.broadcast %add3A_1390 : f32 to vector<16xf32>
        %add3A_1392 = arith.addf %max3A_1389, %add3A_1391 : vector<16xf32>
        %bitcast_convert_type3A_1393 = tpu.bitcast %add3A_1392 : vector<16xf32> -> vector<16xi32>
        %shift_right_logical3A_1394 = arith.constant 1 : i32
        %shift_right_logical3A_1395 = vector.broadcast %shift_right_logical3A_1394 : i32 to vector<16xi32>
        %shift_right_logical3A_1396 = arith.shrui %bitcast_convert_type3A_1393, %shift_right_logical3A_1395 : vector<16xi32>
        %sub3A_1397 = arith.constant 1597463007 : i32
        %sub3A_1398 = vector.broadcast %sub3A_1397 : i32 to vector<16xi32>
        %sub3A_1399 = arith.subi %sub3A_1398, %shift_right_logical3A_1396 : vector<16xi32>
        %bitcast_convert_type3A_1400 = tpu.bitcast %sub3A_1399 : vector<16xi32> -> vector<16xf32>
        %mul3A_1401 = arith.constant 5.000000e-01 : f32
        %mul3A_1402 = vector.broadcast %mul3A_1401 : f32 to vector<16xf32>
        %mul3A_1403 = arith.mulf %mul3A_1402, %add3A_1392 : vector<16xf32>
        %mul3A_1404 = arith.mulf %mul3A_1403, %bitcast_convert_type3A_1400 : vector<16xf32>
        %mul3A_1405 = arith.mulf %mul3A_1404, %bitcast_convert_type3A_1400 : vector<16xf32>
        %sub3A_1406 = arith.constant 1.500000e+00 : f32
        %sub3A_1407 = vector.broadcast %sub3A_1406 : f32 to vector<16xf32>
        %sub3A_1408 = arith.subf %sub3A_1407, %mul3A_1405 : vector<16xf32>
        %mul3A_1409 = arith.mulf %bitcast_convert_type3A_1400, %sub3A_1408 : vector<16xf32>
        %mul3A_1410 = arith.constant 5.000000e-01 : f32
        %mul3A_1411 = vector.broadcast %mul3A_1410 : f32 to vector<16xf32>
        %mul3A_1412 = arith.mulf %mul3A_1411, %add3A_1392 : vector<16xf32>
        %mul3A_1413 = arith.mulf %mul3A_1412, %mul3A_1409 : vector<16xf32>
        %mul3A_1414 = arith.mulf %mul3A_1413, %mul3A_1409 : vector<16xf32>
        %sub3A_1415 = arith.constant 1.500000e+00 : f32
        %sub3A_1416 = vector.broadcast %sub3A_1415 : f32 to vector<16xf32>
        %sub3A_1417 = arith.subf %sub3A_1416, %mul3A_1414 : vector<16xf32>
        %mul3A_1418 = arith.mulf %mul3A_1409, %sub3A_1417 : vector<16xf32>
        %mul3A_1419 = arith.mulf %mul3A_1418, %get3A_79 : vector<16xf32>
        %mul3A_1420 = arith.mulf %add3A_1283, %mul3A_1419 : vector<16xf32>
        %mul3A_1421 = arith.mulf %mul3A_1380, %mul3A_1419 : vector<16xf32>
        %sub3A_1422 = arith.subf %get3A_95, %mul3A_1421 : vector<16xf32>
        %add3A_1423 = arith.addf %mul3A_1420, %sub3A_1422 : vector<16xf32>
        %swap3A_1424 = arith.index_cast %scan3A_1266 : i32 to index
        %swap3A_1425 = arith.constant 0 : index
        %swap3A_1426 = tpu.vector_load %arg17[%swap3A_1424, %swap3A_1425] {strides = array<i32>} : memref<128x128xf32, #tpu.memory_space<vmem>>, vector<16xf32>,
        tpu.vector_store %arg17[%swap3A_1424, %swap3A_1425], %add3A_1423 {strides = array<i32>} : memref<128x128xf32, #tpu.memory_space<vmem>>, vector<16xf32>,
        %mul3A_1427 = arith.mulf %mul3A_1418, %get3A_81 : vector<16xf32>
        %mul3A_1428 = arith.mulf %add3A_1292, %mul3A_1427 : vector<16xf32>
        %mul3A_1429 = arith.mulf %mul3A_1380, %mul3A_1427 : vector<16xf32>
        %sub3A_1430 = arith.subf %get3A_97, %mul3A_1429 : vector<16xf32>
        %add3A_1431 = arith.addf %mul3A_1428, %sub3A_1430 : vector<16xf32>
        %swap3A_1432 = arith.index_cast %scan3A_1266 : i32 to index
        %swap3A_1433 = arith.constant 16 : index
        %swap3A_1434 = tpu.vector_load %arg17[%swap3A_1432, %swap3A_1433] {strides = array<i32>} : memref<128x128xf32, #tpu.memory_space<vmem>>, vector<16xf32>,
        tpu.vector_store %arg17[%swap3A_1432, %swap3A_1433], %add3A_1431 {strides = array<i32>} : memref<128x128xf32, #tpu.memory_space<vmem>>, vector<16xf32>,
        %mul3A_1435 = arith.mulf %mul3A_1418, %get3A_83 : vector<16xf32>
        %mul3A_1436 = arith.mulf %add3A_1301, %mul3A_1435 : vector<16xf32>
        %mul3A_1437 = arith.mulf %mul3A_1380, %mul3A_1435 : vector<16xf32>
        %sub3A_1438 = arith.subf %get3A_99, %mul3A_1437 : vector<16xf32>
        %add3A_1439 = arith.addf %mul3A_1436, %sub3A_1438 : vector<16xf32>
        %swap3A_1440 = arith.index_cast %scan3A_1266 : i32 to index
        %swap3A_1441 = arith.constant 32 : index
        %swap3A_1442 = tpu.vector_load %arg17[%swap3A_1440, %swap3A_1441] {strides = array<i32>} : memref<128x128xf32, #tpu.memory_space<vmem>>, vector<16xf32>,
        tpu.vector_store %arg17[%swap3A_1440, %swap3A_1441], %add3A_1439 {strides = array<i32>} : memref<128x128xf32, #tpu.memory_space<vmem>>, vector<16xf32>,
        %mul3A_1443 = arith.mulf %mul3A_1418, %get3A_85 : vector<16xf32>
        %mul3A_1444 = arith.mulf %add3A_1310, %mul3A_1443 : vector<16xf32>
        %mul3A_1445 = arith.mulf %mul3A_1380, %mul3A_1443 : vector<16xf32>
        %sub3A_1446 = arith.subf %get3A_101, %mul3A_1445 : vector<16xf32>
        %add3A_1447 = arith.addf %mul3A_1444, %sub3A_1446 : vector<16xf32>
        %swap3A_1448 = arith.index_cast %scan3A_1266 : i32 to index
        %swap3A_1449 = arith.constant 48 : index
        %swap3A_1450 = tpu.vector_load %arg17[%swap3A_1448, %swap3A_1449] {strides = array<i32>} : memref<128x128xf32, #tpu.memory_space<vmem>>, vector<16xf32>,
        tpu.vector_store %arg17[%swap3A_1448, %swap3A_1449], %add3A_1447 {strides = array<i32>} : memref<128x128xf32, #tpu.memory_space<vmem>>, vector<16xf32>,
        %mul3A_1451 = arith.mulf %mul3A_1418, %get3A_87 : vector<16xf32>
        %mul3A_1452 = arith.mulf %add3A_1319, %mul3A_1451 : vector<16xf32>
        %mul3A_1453 = arith.mulf %mul3A_1380, %mul3A_1451 : vector<16xf32>
        %sub3A_1454 = arith.subf %get3A_103, %mul3A_1453 : vector<16xf32>
        %add3A_1455 = arith.addf %mul3A_1452, %sub3A_1454 : vector<16xf32>
        %swap3A_1456 = arith.index_cast %scan3A_1266 : i32 to index
        %swap3A_1457 = arith.constant 64 : index
        %swap3A_1458 = tpu.vector_load %arg17[%swap3A_1456, %swap3A_1457] {strides = array<i32>} : memref<128x128xf32, #tpu.memory_space<vmem>>, vector<16xf32>,
        tpu.vector_store %arg17[%swap3A_1456, %swap3A_1457], %add3A_1455 {strides = array<i32>} : memref<128x128xf32, #tpu.memory_space<vmem>>, vector<16xf32>,
        %mul3A_1459 = arith.mulf %mul3A_1418, %get3A_89 : vector<16xf32>
        %mul3A_1460 = arith.mulf %add3A_1328, %mul3A_1459 : vector<16xf32>
        %mul3A_1461 = arith.mulf %mul3A_1380, %mul3A_1459 : vector<16xf32>
        %sub3A_1462 = arith.subf %get3A_105, %mul3A_1461 : vector<16xf32>
        %add3A_1463 = arith.addf %mul3A_1460, %sub3A_1462 : vector<16xf32>
        %swap3A_1464 = arith.index_cast %scan3A_1266 : i32 to index
        %swap3A_1465 = arith.constant 80 : index
        %swap3A_1466 = tpu.vector_load %arg17[%swap3A_1464, %swap3A_1465] {strides = array<i32>} : memref<128x128xf32, #tpu.memory_space<vmem>>, vector<16xf32>,
        tpu.vector_store %arg17[%swap3A_1464, %swap3A_1465], %add3A_1463 {strides = array<i32>} : memref<128x128xf32, #tpu.memory_space<vmem>>, vector<16xf32>,
        %mul3A_1467 = arith.mulf %mul3A_1418, %get3A_91 : vector<16xf32>
        %mul3A_1468 = arith.mulf %add3A_1337, %mul3A_1467 : vector<16xf32>
        %mul3A_1469 = arith.mulf %mul3A_1380, %mul3A_1467 : vector<16xf32>
        %sub3A_1470 = arith.subf %get3A_107, %mul3A_1469 : vector<16xf32>
        %add3A_1471 = arith.addf %mul3A_1468, %sub3A_1470 : vector<16xf32>
        %swap3A_1472 = arith.index_cast %scan3A_1266 : i32 to index
        %swap3A_1473 = arith.constant 96 : index
        %swap3A_1474 = tpu.vector_load %arg17[%swap3A_1472, %swap3A_1473] {strides = array<i32>} : memref<128x128xf32, #tpu.memory_space<vmem>>, vector<16xf32>,
        tpu.vector_store %arg17[%swap3A_1472, %swap3A_1473], %add3A_1471 {strides = array<i32>} : memref<128x128xf32, #tpu.memory_space<vmem>>, vector<16xf32>,
        %mul3A_1475 = arith.mulf %mul3A_1418, %get3A_93 : vector<16xf32>
        %mul3A_1476 = arith.mulf %add3A_1346, %mul3A_1475 : vector<16xf32>
        %mul3A_1477 = arith.mulf %mul3A_1380, %mul3A_1475 : vector<16xf32>
        %sub3A_1478 = arith.subf %get3A_109, %mul3A_1477 : vector<16xf32>
        %add3A_1479 = arith.addf %mul3A_1476, %sub3A_1478 : vector<16xf32>
        %swap3A_1480 = arith.index_cast %scan3A_1266 : i32 to index
        %swap3A_1481 = arith.constant 112 : index
        %swap3A_1482 = tpu.vector_load %arg17[%swap3A_1480, %swap3A_1481] {strides = array<i32>} : memref<128x128xf32, #tpu.memory_space<vmem>>, vector<16xf32>,
        tpu.vector_store %arg17[%swap3A_1480, %swap3A_1481], %add3A_1479 {strides = array<i32>} : memref<128x128xf32, #tpu.memory_space<vmem>>, vector<16xf32>,
        %scan3A_1483 = arith.constant 6 : i32
        %scan3A_1484 = arith.addi %scan3A_184, %scan3A_1483 : i32
        %mul3A_1485 = arith.constant 128 : i32
        %mul3A_1486 = arith.muli %add3A_155, %mul3A_1485 : i32
        %add3A_1487 = arith.addi %mul3A_1486, %scan3A_1484 : i32
        %rem3A_1488 = arith.constant 200 : i32
        %rem3A_1489 = arith.remsi %add3A_1487, %rem3A_1488 : i32
        %broadcast_in_dim3A_1490 = vector.broadcast %scan3A_1484 : i32 to vector<16xi32>
        %gather3A_1491 = tpu.vector_load_idx %arg13[%broadcast_in_dim3A_1490] : memref<128xi32, #tpu.memory_space<vmem>>[vector<16xi32>], vector<16xi32>,
        %convert_element_type3A_1492 = arith.sitofp %gather3A_1491 : vector<16xi32> to vector<16xf32>
        %get3A_1493 = arith.index_cast %scan3A_1484 : i32 to index
        %get3A_1494 = arith.constant 0 : index
        %get3A_1495 = tpu.vector_load %arg15[%get3A_1493, %get3A_1494] {strides = array<i32>} : memref<128x128xf32, #tpu.memory_space<vmem>>, vector<16xf32>,
        %get3A_1496 = arith.index_cast %rem3A_1489 : i32 to index
        %get3A_1497 = arith.constant 0 : index
        %get3A_1498 = tpu.vector_load %arg18[%get3A_1496, %get3A_1497] {strides = array<i32>} : memref<200x128xf32, #tpu.memory_space<vmem>>, vector<16xf32>,
        %add3A_1499 = arith.addf %get3A_1495, %get3A_1498 : vector<16xf32>
        %mul3A_1500 = arith.mulf %convert_element_type3A_1492, %sub3A : vector<16xf32>
        %add3A_1501 = arith.addf %add3A_1499, %mul3A_1500 : vector<16xf32>
        %get3A_1502 = arith.index_cast %scan3A_1484 : i32 to index
        %get3A_1503 = arith.constant 16 : index
        %get3A_1504 = tpu.vector_load %arg15[%get3A_1502, %get3A_1503] {strides = array<i32>} : memref<128x128xf32, #tpu.memory_space<vmem>>, vector<16xf32>,
        %get3A_1505 = arith.index_cast %rem3A_1489 : i32 to index
        %get3A_1506 = arith.constant 16 : index
        %get3A_1507 = tpu.vector_load %arg18[%get3A_1505, %get3A_1506] {strides = array<i32>} : memref<200x128xf32, #tpu.memory_space<vmem>>, vector<16xf32>,
        %add3A_1508 = arith.addf %get3A_1504, %get3A_1507 : vector<16xf32>
        %mul3A_1509 = arith.mulf %convert_element_type3A_1492, %sub3A_42 : vector<16xf32>
        %add3A_1510 = arith.addf %add3A_1508, %mul3A_1509 : vector<16xf32>
        %get3A_1511 = arith.index_cast %scan3A_1484 : i32 to index
        %get3A_1512 = arith.constant 32 : index
        %get3A_1513 = tpu.vector_load %arg15[%get3A_1511, %get3A_1512] {strides = array<i32>} : memref<128x128xf32, #tpu.memory_space<vmem>>, vector<16xf32>,
        %get3A_1514 = arith.index_cast %rem3A_1489 : i32 to index
        %get3A_1515 = arith.constant 32 : index
        %get3A_1516 = tpu.vector_load %arg18[%get3A_1514, %get3A_1515] {strides = array<i32>} : memref<200x128xf32, #tpu.memory_space<vmem>>, vector<16xf32>,
        %add3A_1517 = arith.addf %get3A_1513, %get3A_1516 : vector<16xf32>
        %mul3A_1518 = arith.mulf %convert_element_type3A_1492, %sub3A_47 : vector<16xf32>
        %add3A_1519 = arith.addf %add3A_1517, %mul3A_1518 : vector<16xf32>
        %get3A_1520 = arith.index_cast %scan3A_1484 : i32 to index
        %get3A_1521 = arith.constant 48 : index
        %get3A_1522 = tpu.vector_load %arg15[%get3A_1520, %get3A_1521] {strides = array<i32>} : memref<128x128xf32, #tpu.memory_space<vmem>>, vector<16xf32>,
        %get3A_1523 = arith.index_cast %rem3A_1489 : i32 to index
        %get3A_1524 = arith.constant 48 : index
        %get3A_1525 = tpu.vector_load %arg18[%get3A_1523, %get3A_1524] {strides = array<i32>} : memref<200x128xf32, #tpu.memory_space<vmem>>, vector<16xf32>,
        %add3A_1526 = arith.addf %get3A_1522, %get3A_1525 : vector<16xf32>
        %mul3A_1527 = arith.mulf %convert_element_type3A_1492, %sub3A_52 : vector<16xf32>
        %add3A_1528 = arith.addf %add3A_1526, %mul3A_1527 : vector<16xf32>
        %get3A_1529 = arith.index_cast %scan3A_1484 : i32 to index
        %get3A_1530 = arith.constant 64 : index
        %get3A_1531 = tpu.vector_load %arg15[%get3A_1529, %get3A_1530] {strides = array<i32>} : memref<128x128xf32, #tpu.memory_space<vmem>>, vector<16xf32>,
        %get3A_1532 = arith.index_cast %rem3A_1489 : i32 to index
        %get3A_1533 = arith.constant 64 : index
        %get3A_1534 = tpu.vector_load %arg18[%get3A_1532, %get3A_1533] {strides = array<i32>} : memref<200x128xf32, #tpu.memory_space<vmem>>, vector<16xf32>,
        %add3A_1535 = arith.addf %get3A_1531, %get3A_1534 : vector<16xf32>
        %mul3A_1536 = arith.mulf %convert_element_type3A_1492, %sub3A_57 : vector<16xf32>
        %add3A_1537 = arith.addf %add3A_1535, %mul3A_1536 : vector<16xf32>
        %get3A_1538 = arith.index_cast %scan3A_1484 : i32 to index
        %get3A_1539 = arith.constant 80 : index
        %get3A_1540 = tpu.vector_load %arg15[%get3A_1538, %get3A_1539] {strides = array<i32>} : memref<128x128xf32, #tpu.memory_space<vmem>>, vector<16xf32>,
        %get3A_1541 = arith.index_cast %rem3A_1489 : i32 to index
        %get3A_1542 = arith.constant 80 : index
        %get3A_1543 = tpu.vector_load %arg18[%get3A_1541, %get3A_1542] {strides = array<i32>} : memref<200x128xf32, #tpu.memory_space<vmem>>, vector<16xf32>,
        %add3A_1544 = arith.addf %get3A_1540, %get3A_1543 : vector<16xf32>
        %mul3A_1545 = arith.mulf %convert_element_type3A_1492, %sub3A_62 : vector<16xf32>
        %add3A_1546 = arith.addf %add3A_1544, %mul3A_1545 : vector<16xf32>
        %get3A_1547 = arith.index_cast %scan3A_1484 : i32 to index
        %get3A_1548 = arith.constant 96 : index
        %get3A_1549 = tpu.vector_load %arg15[%get3A_1547, %get3A_1548] {strides = array<i32>} : memref<128x128xf32, #tpu.memory_space<vmem>>, vector<16xf32>,
        %get3A_1550 = arith.index_cast %rem3A_1489 : i32 to index
        %get3A_1551 = arith.constant 96 : index
        %get3A_1552 = tpu.vector_load %arg18[%get3A_1550, %get3A_1551] {strides = array<i32>} : memref<200x128xf32, #tpu.memory_space<vmem>>, vector<16xf32>,
        %add3A_1553 = arith.addf %get3A_1549, %get3A_1552 : vector<16xf32>
        %mul3A_1554 = arith.mulf %convert_element_type3A_1492, %sub3A_67 : vector<16xf32>
        %add3A_1555 = arith.addf %add3A_1553, %mul3A_1554 : vector<16xf32>
        %get3A_1556 = arith.index_cast %scan3A_1484 : i32 to index
        %get3A_1557 = arith.constant 112 : index
        %get3A_1558 = tpu.vector_load %arg15[%get3A_1556, %get3A_1557] {strides = array<i32>} : memref<128x128xf32, #tpu.memory_space<vmem>>, vector<16xf32>,
        %get3A_1559 = arith.index_cast %rem3A_1489 : i32 to index
        %get3A_1560 = arith.constant 112 : index
        %get3A_1561 = tpu.vector_load %arg18[%get3A_1559, %get3A_1560] {strides = array<i32>} : memref<200x128xf32, #tpu.memory_space<vmem>>, vector<16xf32>,
        %add3A_1562 = arith.addf %get3A_1558, %get3A_1561 : vector<16xf32>
        %mul3A_1563 = arith.mulf %convert_element_type3A_1492, %sub3A_72 : vector<16xf32>
        %add3A_1564 = arith.addf %add3A_1562, %mul3A_1563 : vector<16xf32>
        %add3A_1565 = arith.addf %add3A_1501, %add3A_1510 : vector<16xf32>
        %add3A_1566 = arith.addf %add3A_1519, %add3A_1528 : vector<16xf32>
        %add3A_1567 = arith.addf %add3A_1537, %add3A_1546 : vector<16xf32>
        %add3A_1568 = arith.addf %add3A_1555, %add3A_1564 : vector<16xf32>
        %add3A_1569 = arith.addf %add3A_1565, %add3A_1566 : vector<16xf32>
        %add3A_1570 = arith.addf %add3A_1567, %add3A_1568 : vector<16xf32>
        %add3A_1571 = arith.addf %add3A_1569, %add3A_1570 : vector<16xf32>
        %mul3A_1572 = arith.mulf %add3A_1501, %add3A_1501 : vector<16xf32>
        %mul3A_1573 = arith.mulf %add3A_1510, %add3A_1510 : vector<16xf32>
        %mul3A_1574 = arith.mulf %add3A_1519, %add3A_1519 : vector<16xf32>
        %mul3A_1575 = arith.mulf %add3A_1528, %add3A_1528 : vector<16xf32>
        %mul3A_1576 = arith.mulf %add3A_1537, %add3A_1537 : vector<16xf32>
        %mul3A_1577 = arith.mulf %add3A_1546, %add3A_1546 : vector<16xf32>
        %mul3A_1578 = arith.mulf %add3A_1555, %add3A_1555 : vector<16xf32>
        %mul3A_1579 = arith.mulf %add3A_1564, %add3A_1564 : vector<16xf32>
        %add3A_1580 = arith.addf %mul3A_1572, %mul3A_1573 : vector<16xf32>
        %add3A_1581 = arith.addf %mul3A_1574, %mul3A_1575 : vector<16xf32>
        %add3A_1582 = arith.addf %mul3A_1576, %mul3A_1577 : vector<16xf32>
        %add3A_1583 = arith.addf %mul3A_1578, %mul3A_1579 : vector<16xf32>
        %add3A_1584 = arith.addf %add3A_1580, %add3A_1581 : vector<16xf32>
        %add3A_1585 = arith.addf %add3A_1582, %add3A_1583 : vector<16xf32>
        %add3A_1586 = arith.addf %add3A_1584, %add3A_1585 : vector<16xf32>
        %reduce_sum3A_1587 = arith.constant true
        %reduce_sum3A_1588 = vector.broadcast %reduce_sum3A_1587 : i1 to vector<16xi1>
        %reduce_sum3A_1589 = tpu.scan <sum>, %add3A_1571 masked %reduce_sum3A_1588 : vector<16xf32>, vector<16xi1> -> vector<16xf32>
        %reduce_sum3A_1590 = vector.extract %reduce_sum3A_1589[15] : f32 from vector<16xf32>
        %reduce_sum3A_1591 = arith.constant true
        %reduce_sum3A_1592 = vector.broadcast %reduce_sum3A_1591 : i1 to vector<16xi1>
        %reduce_sum3A_1593 = tpu.scan <sum>, %add3A_1586 masked %reduce_sum3A_1592 : vector<16xf32>, vector<16xi1> -> vector<16xf32>
        %reduce_sum3A_1594 = vector.extract %reduce_sum3A_1593[15] : f32 from vector<16xf32>
        %broadcast_in_dim3A_1595 = vector.broadcast %reduce_sum3A_1590 : f32 to vector<16xf32>
        %mul3A_1596 = arith.constant 7.812500e-03 : f32
        %mul3A_1597 = vector.broadcast %mul3A_1596 : f32 to vector<16xf32>
        %mul3A_1598 = arith.mulf %broadcast_in_dim3A_1595, %mul3A_1597 : vector<16xf32>
        %broadcast_in_dim3A_1599 = vector.broadcast %reduce_sum3A_1594 : f32 to vector<16xf32>
        %mul3A_1600 = arith.constant 7.812500e-03 : f32
        %mul3A_1601 = vector.broadcast %mul3A_1600 : f32 to vector<16xf32>
        %mul3A_1602 = arith.mulf %broadcast_in_dim3A_1599, %mul3A_1601 : vector<16xf32>
        %mul3A_1603 = arith.mulf %mul3A_1598, %mul3A_1598 : vector<16xf32>
        %sub3A_1604 = arith.subf %mul3A_1602, %mul3A_1603 : vector<16xf32>
        %max3A_1605 = arith.constant 0.000000e+00 : f32
        %max3A_1606 = vector.broadcast %max3A_1605 : f32 to vector<16xf32>
        %max3A_1607 = arith.maximumf %sub3A_1604, %max3A_1606 : vector<16xf32>
        %add3A_1608 = arith.constant 9.99999996E-13 : f32
        %add3A_1609 = vector.broadcast %add3A_1608 : f32 to vector<16xf32>
        %add3A_1610 = arith.addf %max3A_1607, %add3A_1609 : vector<16xf32>
        %bitcast_convert_type3A_1611 = tpu.bitcast %add3A_1610 : vector<16xf32> -> vector<16xi32>
        %shift_right_logical3A_1612 = arith.constant 1 : i32
        %shift_right_logical3A_1613 = vector.broadcast %shift_right_logical3A_1612 : i32 to vector<16xi32>
        %shift_right_logical3A_1614 = arith.shrui %bitcast_convert_type3A_1611, %shift_right_logical3A_1613 : vector<16xi32>
        %sub3A_1615 = arith.constant 1597463007 : i32
        %sub3A_1616 = vector.broadcast %sub3A_1615 : i32 to vector<16xi32>
        %sub3A_1617 = arith.subi %sub3A_1616, %shift_right_logical3A_1614 : vector<16xi32>
        %bitcast_convert_type3A_1618 = tpu.bitcast %sub3A_1617 : vector<16xi32> -> vector<16xf32>
        %mul3A_1619 = arith.constant 5.000000e-01 : f32
        %mul3A_1620 = vector.broadcast %mul3A_1619 : f32 to vector<16xf32>
        %mul3A_1621 = arith.mulf %mul3A_1620, %add3A_1610 : vector<16xf32>
        %mul3A_1622 = arith.mulf %mul3A_1621, %bitcast_convert_type3A_1618 : vector<16xf32>
        %mul3A_1623 = arith.mulf %mul3A_1622, %bitcast_convert_type3A_1618 : vector<16xf32>
        %sub3A_1624 = arith.constant 1.500000e+00 : f32
        %sub3A_1625 = vector.broadcast %sub3A_1624 : f32 to vector<16xf32>
        %sub3A_1626 = arith.subf %sub3A_1625, %mul3A_1623 : vector<16xf32>
        %mul3A_1627 = arith.mulf %bitcast_convert_type3A_1618, %sub3A_1626 : vector<16xf32>
        %mul3A_1628 = arith.constant 5.000000e-01 : f32
        %mul3A_1629 = vector.broadcast %mul3A_1628 : f32 to vector<16xf32>
        %mul3A_1630 = arith.mulf %mul3A_1629, %add3A_1610 : vector<16xf32>
        %mul3A_1631 = arith.mulf %mul3A_1630, %mul3A_1627 : vector<16xf32>
        %mul3A_1632 = arith.mulf %mul3A_1631, %mul3A_1627 : vector<16xf32>
        %sub3A_1633 = arith.constant 1.500000e+00 : f32
        %sub3A_1634 = vector.broadcast %sub3A_1633 : f32 to vector<16xf32>
        %sub3A_1635 = arith.subf %sub3A_1634, %mul3A_1632 : vector<16xf32>
        %mul3A_1636 = arith.mulf %mul3A_1627, %sub3A_1635 : vector<16xf32>
        %mul3A_1637 = arith.mulf %mul3A_1636, %get3A_79 : vector<16xf32>
        %mul3A_1638 = arith.mulf %add3A_1501, %mul3A_1637 : vector<16xf32>
        %mul3A_1639 = arith.mulf %mul3A_1598, %mul3A_1637 : vector<16xf32>
        %sub3A_1640 = arith.subf %get3A_95, %mul3A_1639 : vector<16xf32>
        %add3A_1641 = arith.addf %mul3A_1638, %sub3A_1640 : vector<16xf32>
        %swap3A_1642 = arith.index_cast %scan3A_1484 : i32 to index
        %swap3A_1643 = arith.constant 0 : index
        %swap3A_1644 = tpu.vector_load %arg17[%swap3A_1642, %swap3A_1643] {strides = array<i32>} : memref<128x128xf32, #tpu.memory_space<vmem>>, vector<16xf32>,
        tpu.vector_store %arg17[%swap3A_1642, %swap3A_1643], %add3A_1641 {strides = array<i32>} : memref<128x128xf32, #tpu.memory_space<vmem>>, vector<16xf32>,
        %mul3A_1645 = arith.mulf %mul3A_1636, %get3A_81 : vector<16xf32>
        %mul3A_1646 = arith.mulf %add3A_1510, %mul3A_1645 : vector<16xf32>
        %mul3A_1647 = arith.mulf %mul3A_1598, %mul3A_1645 : vector<16xf32>
        %sub3A_1648 = arith.subf %get3A_97, %mul3A_1647 : vector<16xf32>
        %add3A_1649 = arith.addf %mul3A_1646, %sub3A_1648 : vector<16xf32>
        %swap3A_1650 = arith.index_cast %scan3A_1484 : i32 to index
        %swap3A_1651 = arith.constant 16 : index
        %swap3A_1652 = tpu.vector_load %arg17[%swap3A_1650, %swap3A_1651] {strides = array<i32>} : memref<128x128xf32, #tpu.memory_space<vmem>>, vector<16xf32>,
        tpu.vector_store %arg17[%swap3A_1650, %swap3A_1651], %add3A_1649 {strides = array<i32>} : memref<128x128xf32, #tpu.memory_space<vmem>>, vector<16xf32>,
        %mul3A_1653 = arith.mulf %mul3A_1636, %get3A_83 : vector<16xf32>
        %mul3A_1654 = arith.mulf %add3A_1519, %mul3A_1653 : vector<16xf32>
        %mul3A_1655 = arith.mulf %mul3A_1598, %mul3A_1653 : vector<16xf32>
        %sub3A_1656 = arith.subf %get3A_99, %mul3A_1655 : vector<16xf32>
        %add3A_1657 = arith.addf %mul3A_1654, %sub3A_1656 : vector<16xf32>
        %swap3A_1658 = arith.index_cast %scan3A_1484 : i32 to index
        %swap3A_1659 = arith.constant 32 : index
        %swap3A_1660 = tpu.vector_load %arg17[%swap3A_1658, %swap3A_1659] {strides = array<i32>} : memref<128x128xf32, #tpu.memory_space<vmem>>, vector<16xf32>,
        tpu.vector_store %arg17[%swap3A_1658, %swap3A_1659], %add3A_1657 {strides = array<i32>} : memref<128x128xf32, #tpu.memory_space<vmem>>, vector<16xf32>,
        %mul3A_1661 = arith.mulf %mul3A_1636, %get3A_85 : vector<16xf32>
        %mul3A_1662 = arith.mulf %add3A_1528, %mul3A_1661 : vector<16xf32>
        %mul3A_1663 = arith.mulf %mul3A_1598, %mul3A_1661 : vector<16xf32>
        %sub3A_1664 = arith.subf %get3A_101, %mul3A_1663 : vector<16xf32>
        %add3A_1665 = arith.addf %mul3A_1662, %sub3A_1664 : vector<16xf32>
        %swap3A_1666 = arith.index_cast %scan3A_1484 : i32 to index
        %swap3A_1667 = arith.constant 48 : index
        %swap3A_1668 = tpu.vector_load %arg17[%swap3A_1666, %swap3A_1667] {strides = array<i32>} : memref<128x128xf32, #tpu.memory_space<vmem>>, vector<16xf32>,
        tpu.vector_store %arg17[%swap3A_1666, %swap3A_1667], %add3A_1665 {strides = array<i32>} : memref<128x128xf32, #tpu.memory_space<vmem>>, vector<16xf32>,
        %mul3A_1669 = arith.mulf %mul3A_1636, %get3A_87 : vector<16xf32>
        %mul3A_1670 = arith.mulf %add3A_1537, %mul3A_1669 : vector<16xf32>
        %mul3A_1671 = arith.mulf %mul3A_1598, %mul3A_1669 : vector<16xf32>
        %sub3A_1672 = arith.subf %get3A_103, %mul3A_1671 : vector<16xf32>
        %add3A_1673 = arith.addf %mul3A_1670, %sub3A_1672 : vector<16xf32>
        %swap3A_1674 = arith.index_cast %scan3A_1484 : i32 to index
        %swap3A_1675 = arith.constant 64 : index
        %swap3A_1676 = tpu.vector_load %arg17[%swap3A_1674, %swap3A_1675] {strides = array<i32>} : memref<128x128xf32, #tpu.memory_space<vmem>>, vector<16xf32>,
        tpu.vector_store %arg17[%swap3A_1674, %swap3A_1675], %add3A_1673 {strides = array<i32>} : memref<128x128xf32, #tpu.memory_space<vmem>>, vector<16xf32>,
        %mul3A_1677 = arith.mulf %mul3A_1636, %get3A_89 : vector<16xf32>
        %mul3A_1678 = arith.mulf %add3A_1546, %mul3A_1677 : vector<16xf32>
        %mul3A_1679 = arith.mulf %mul3A_1598, %mul3A_1677 : vector<16xf32>
        %sub3A_1680 = arith.subf %get3A_105, %mul3A_1679 : vector<16xf32>
        %add3A_1681 = arith.addf %mul3A_1678, %sub3A_1680 : vector<16xf32>
        %swap3A_1682 = arith.index_cast %scan3A_1484 : i32 to index
        %swap3A_1683 = arith.constant 80 : index
        %swap3A_1684 = tpu.vector_load %arg17[%swap3A_1682, %swap3A_1683] {strides = array<i32>} : memref<128x128xf32, #tpu.memory_space<vmem>>, vector<16xf32>,
        tpu.vector_store %arg17[%swap3A_1682, %swap3A_1683], %add3A_1681 {strides = array<i32>} : memref<128x128xf32, #tpu.memory_space<vmem>>, vector<16xf32>,
        %mul3A_1685 = arith.mulf %mul3A_1636, %get3A_91 : vector<16xf32>
        %mul3A_1686 = arith.mulf %add3A_1555, %mul3A_1685 : vector<16xf32>
        %mul3A_1687 = arith.mulf %mul3A_1598, %mul3A_1685 : vector<16xf32>
        %sub3A_1688 = arith.subf %get3A_107, %mul3A_1687 : vector<16xf32>
        %add3A_1689 = arith.addf %mul3A_1686, %sub3A_1688 : vector<16xf32>
        %swap3A_1690 = arith.index_cast %scan3A_1484 : i32 to index
        %swap3A_1691 = arith.constant 96 : index
        %swap3A_1692 = tpu.vector_load %arg17[%swap3A_1690, %swap3A_1691] {strides = array<i32>} : memref<128x128xf32, #tpu.memory_space<vmem>>, vector<16xf32>,
        tpu.vector_store %arg17[%swap3A_1690, %swap3A_1691], %add3A_1689 {strides = array<i32>} : memref<128x128xf32, #tpu.memory_space<vmem>>, vector<16xf32>,
        %mul3A_1693 = arith.mulf %mul3A_1636, %get3A_93 : vector<16xf32>
        %mul3A_1694 = arith.mulf %add3A_1564, %mul3A_1693 : vector<16xf32>
        %mul3A_1695 = arith.mulf %mul3A_1598, %mul3A_1693 : vector<16xf32>
        %sub3A_1696 = arith.subf %get3A_109, %mul3A_1695 : vector<16xf32>
        %add3A_1697 = arith.addf %mul3A_1694, %sub3A_1696 : vector<16xf32>
        %swap3A_1698 = arith.index_cast %scan3A_1484 : i32 to index
        %swap3A_1699 = arith.constant 112 : index
        %swap3A_1700 = tpu.vector_load %arg17[%swap3A_1698, %swap3A_1699] {strides = array<i32>} : memref<128x128xf32, #tpu.memory_space<vmem>>, vector<16xf32>,
        tpu.vector_store %arg17[%swap3A_1698, %swap3A_1699], %add3A_1697 {strides = array<i32>} : memref<128x128xf32, #tpu.memory_space<vmem>>, vector<16xf32>,
        %scan3A_1701 = arith.constant 7 : i32
        %scan3A_1702 = arith.addi %scan3A_184, %scan3A_1701 : i32
        %mul3A_1703 = arith.constant 128 : i32
        %mul3A_1704 = arith.muli %add3A_155, %mul3A_1703 : i32
        %add3A_1705 = arith.addi %mul3A_1704, %scan3A_1702 : i32
        %rem3A_1706 = arith.constant 200 : i32
        %rem3A_1707 = arith.remsi %add3A_1705, %rem3A_1706 : i32
        %broadcast_in_dim3A_1708 = vector.broadcast %scan3A_1702 : i32 to vector<16xi32>
        %gather3A_1709 = tpu.vector_load_idx %arg13[%broadcast_in_dim3A_1708] : memref<128xi32, #tpu.memory_space<vmem>>[vector<16xi32>], vector<16xi32>,
        %convert_element_type3A_1710 = arith.sitofp %gather3A_1709 : vector<16xi32> to vector<16xf32>
        %get3A_1711 = arith.index_cast %scan3A_1702 : i32 to index
        %get3A_1712 = arith.constant 0 : index
        %get3A_1713 = tpu.vector_load %arg15[%get3A_1711, %get3A_1712] {strides = array<i32>} : memref<128x128xf32, #tpu.memory_space<vmem>>, vector<16xf32>,
        %get3A_1714 = arith.index_cast %rem3A_1707 : i32 to index
        %get3A_1715 = arith.constant 0 : index
        %get3A_1716 = tpu.vector_load %arg18[%get3A_1714, %get3A_1715] {strides = array<i32>} : memref<200x128xf32, #tpu.memory_space<vmem>>, vector<16xf32>,
        %add3A_1717 = arith.addf %get3A_1713, %get3A_1716 : vector<16xf32>
        %mul3A_1718 = arith.mulf %convert_element_type3A_1710, %sub3A : vector<16xf32>
        %add3A_1719 = arith.addf %add3A_1717, %mul3A_1718 : vector<16xf32>
        %get3A_1720 = arith.index_cast %scan3A_1702 : i32 to index
        %get3A_1721 = arith.constant 16 : index
        %get3A_1722 = tpu.vector_load %arg15[%get3A_1720, %get3A_1721] {strides = array<i32>} : memref<128x128xf32, #tpu.memory_space<vmem>>, vector<16xf32>,
        %get3A_1723 = arith.index_cast %rem3A_1707 : i32 to index
        %get3A_1724 = arith.constant 16 : index
        %get3A_1725 = tpu.vector_load %arg18[%get3A_1723, %get3A_1724] {strides = array<i32>} : memref<200x128xf32, #tpu.memory_space<vmem>>, vector<16xf32>,
        %add3A_1726 = arith.addf %get3A_1722, %get3A_1725 : vector<16xf32>
        %mul3A_1727 = arith.mulf %convert_element_type3A_1710, %sub3A_42 : vector<16xf32>
        %add3A_1728 = arith.addf %add3A_1726, %mul3A_1727 : vector<16xf32>
        %get3A_1729 = arith.index_cast %scan3A_1702 : i32 to index
        %get3A_1730 = arith.constant 32 : index
        %get3A_1731 = tpu.vector_load %arg15[%get3A_1729, %get3A_1730] {strides = array<i32>} : memref<128x128xf32, #tpu.memory_space<vmem>>, vector<16xf32>,
        %get3A_1732 = arith.index_cast %rem3A_1707 : i32 to index
        %get3A_1733 = arith.constant 32 : index
        %get3A_1734 = tpu.vector_load %arg18[%get3A_1732, %get3A_1733] {strides = array<i32>} : memref<200x128xf32, #tpu.memory_space<vmem>>, vector<16xf32>,
        %add3A_1735 = arith.addf %get3A_1731, %get3A_1734 : vector<16xf32>
        %mul3A_1736 = arith.mulf %convert_element_type3A_1710, %sub3A_47 : vector<16xf32>
        %add3A_1737 = arith.addf %add3A_1735, %mul3A_1736 : vector<16xf32>
        %get3A_1738 = arith.index_cast %scan3A_1702 : i32 to index
        %get3A_1739 = arith.constant 48 : index
        %get3A_1740 = tpu.vector_load %arg15[%get3A_1738, %get3A_1739] {strides = array<i32>} : memref<128x128xf32, #tpu.memory_space<vmem>>, vector<16xf32>,
        %get3A_1741 = arith.index_cast %rem3A_1707 : i32 to index
        %get3A_1742 = arith.constant 48 : index
        %get3A_1743 = tpu.vector_load %arg18[%get3A_1741, %get3A_1742] {strides = array<i32>} : memref<200x128xf32, #tpu.memory_space<vmem>>, vector<16xf32>,
        %add3A_1744 = arith.addf %get3A_1740, %get3A_1743 : vector<16xf32>
        %mul3A_1745 = arith.mulf %convert_element_type3A_1710, %sub3A_52 : vector<16xf32>
        %add3A_1746 = arith.addf %add3A_1744, %mul3A_1745 : vector<16xf32>
        %get3A_1747 = arith.index_cast %scan3A_1702 : i32 to index
        %get3A_1748 = arith.constant 64 : index
        %get3A_1749 = tpu.vector_load %arg15[%get3A_1747, %get3A_1748] {strides = array<i32>} : memref<128x128xf32, #tpu.memory_space<vmem>>, vector<16xf32>,
        %get3A_1750 = arith.index_cast %rem3A_1707 : i32 to index
        %get3A_1751 = arith.constant 64 : index
        %get3A_1752 = tpu.vector_load %arg18[%get3A_1750, %get3A_1751] {strides = array<i32>} : memref<200x128xf32, #tpu.memory_space<vmem>>, vector<16xf32>,
        %add3A_1753 = arith.addf %get3A_1749, %get3A_1752 : vector<16xf32>
        %mul3A_1754 = arith.mulf %convert_element_type3A_1710, %sub3A_57 : vector<16xf32>
        %add3A_1755 = arith.addf %add3A_1753, %mul3A_1754 : vector<16xf32>
        %get3A_1756 = arith.index_cast %scan3A_1702 : i32 to index
        %get3A_1757 = arith.constant 80 : index
        %get3A_1758 = tpu.vector_load %arg15[%get3A_1756, %get3A_1757] {strides = array<i32>} : memref<128x128xf32, #tpu.memory_space<vmem>>, vector<16xf32>,
        %get3A_1759 = arith.index_cast %rem3A_1707 : i32 to index
        %get3A_1760 = arith.constant 80 : index
        %get3A_1761 = tpu.vector_load %arg18[%get3A_1759, %get3A_1760] {strides = array<i32>} : memref<200x128xf32, #tpu.memory_space<vmem>>, vector<16xf32>,
        %add3A_1762 = arith.addf %get3A_1758, %get3A_1761 : vector<16xf32>
        %mul3A_1763 = arith.mulf %convert_element_type3A_1710, %sub3A_62 : vector<16xf32>
        %add3A_1764 = arith.addf %add3A_1762, %mul3A_1763 : vector<16xf32>
        %get3A_1765 = arith.index_cast %scan3A_1702 : i32 to index
        %get3A_1766 = arith.constant 96 : index
        %get3A_1767 = tpu.vector_load %arg15[%get3A_1765, %get3A_1766] {strides = array<i32>} : memref<128x128xf32, #tpu.memory_space<vmem>>, vector<16xf32>,
        %get3A_1768 = arith.index_cast %rem3A_1707 : i32 to index
        %get3A_1769 = arith.constant 96 : index
        %get3A_1770 = tpu.vector_load %arg18[%get3A_1768, %get3A_1769] {strides = array<i32>} : memref<200x128xf32, #tpu.memory_space<vmem>>, vector<16xf32>,
        %add3A_1771 = arith.addf %get3A_1767, %get3A_1770 : vector<16xf32>
        %mul3A_1772 = arith.mulf %convert_element_type3A_1710, %sub3A_67 : vector<16xf32>
        %add3A_1773 = arith.addf %add3A_1771, %mul3A_1772 : vector<16xf32>
        %get3A_1774 = arith.index_cast %scan3A_1702 : i32 to index
        %get3A_1775 = arith.constant 112 : index
        %get3A_1776 = tpu.vector_load %arg15[%get3A_1774, %get3A_1775] {strides = array<i32>} : memref<128x128xf32, #tpu.memory_space<vmem>>, vector<16xf32>,
        %get3A_1777 = arith.index_cast %rem3A_1707 : i32 to index
        %get3A_1778 = arith.constant 112 : index
        %get3A_1779 = tpu.vector_load %arg18[%get3A_1777, %get3A_1778] {strides = array<i32>} : memref<200x128xf32, #tpu.memory_space<vmem>>, vector<16xf32>,
        %add3A_1780 = arith.addf %get3A_1776, %get3A_1779 : vector<16xf32>
        %mul3A_1781 = arith.mulf %convert_element_type3A_1710, %sub3A_72 : vector<16xf32>
        %add3A_1782 = arith.addf %add3A_1780, %mul3A_1781 : vector<16xf32>
        %add3A_1783 = arith.addf %add3A_1719, %add3A_1728 : vector<16xf32>
        %add3A_1784 = arith.addf %add3A_1737, %add3A_1746 : vector<16xf32>
        %add3A_1785 = arith.addf %add3A_1755, %add3A_1764 : vector<16xf32>
        %add3A_1786 = arith.addf %add3A_1773, %add3A_1782 : vector<16xf32>
        %add3A_1787 = arith.addf %add3A_1783, %add3A_1784 : vector<16xf32>
        %add3A_1788 = arith.addf %add3A_1785, %add3A_1786 : vector<16xf32>
        %add3A_1789 = arith.addf %add3A_1787, %add3A_1788 : vector<16xf32>
        %mul3A_1790 = arith.mulf %add3A_1719, %add3A_1719 : vector<16xf32>
        %mul3A_1791 = arith.mulf %add3A_1728, %add3A_1728 : vector<16xf32>
        %mul3A_1792 = arith.mulf %add3A_1737, %add3A_1737 : vector<16xf32>
        %mul3A_1793 = arith.mulf %add3A_1746, %add3A_1746 : vector<16xf32>
        %mul3A_1794 = arith.mulf %add3A_1755, %add3A_1755 : vector<16xf32>
        %mul3A_1795 = arith.mulf %add3A_1764, %add3A_1764 : vector<16xf32>
        %mul3A_1796 = arith.mulf %add3A_1773, %add3A_1773 : vector<16xf32>
        %mul3A_1797 = arith.mulf %add3A_1782, %add3A_1782 : vector<16xf32>
        %add3A_1798 = arith.addf %mul3A_1790, %mul3A_1791 : vector<16xf32>
        %add3A_1799 = arith.addf %mul3A_1792, %mul3A_1793 : vector<16xf32>
        %add3A_1800 = arith.addf %mul3A_1794, %mul3A_1795 : vector<16xf32>
        %add3A_1801 = arith.addf %mul3A_1796, %mul3A_1797 : vector<16xf32>
        %add3A_1802 = arith.addf %add3A_1798, %add3A_1799 : vector<16xf32>
        %add3A_1803 = arith.addf %add3A_1800, %add3A_1801 : vector<16xf32>
        %add3A_1804 = arith.addf %add3A_1802, %add3A_1803 : vector<16xf32>
        %reduce_sum3A_1805 = arith.constant true
        %reduce_sum3A_1806 = vector.broadcast %reduce_sum3A_1805 : i1 to vector<16xi1>
        %reduce_sum3A_1807 = tpu.scan <sum>, %add3A_1789 masked %reduce_sum3A_1806 : vector<16xf32>, vector<16xi1> -> vector<16xf32>
        %reduce_sum3A_1808 = vector.extract %reduce_sum3A_1807[15] : f32 from vector<16xf32>
        %reduce_sum3A_1809 = arith.constant true
        %reduce_sum3A_1810 = vector.broadcast %reduce_sum3A_1809 : i1 to vector<16xi1>
        %reduce_sum3A_1811 = tpu.scan <sum>, %add3A_1804 masked %reduce_sum3A_1810 : vector<16xf32>, vector<16xi1> -> vector<16xf32>
        %reduce_sum3A_1812 = vector.extract %reduce_sum3A_1811[15] : f32 from vector<16xf32>
        %broadcast_in_dim3A_1813 = vector.broadcast %reduce_sum3A_1808 : f32 to vector<16xf32>
        %mul3A_1814 = arith.constant 7.812500e-03 : f32
        %mul3A_1815 = vector.broadcast %mul3A_1814 : f32 to vector<16xf32>
        %mul3A_1816 = arith.mulf %broadcast_in_dim3A_1813, %mul3A_1815 : vector<16xf32>
        %broadcast_in_dim3A_1817 = vector.broadcast %reduce_sum3A_1812 : f32 to vector<16xf32>
        %mul3A_1818 = arith.constant 7.812500e-03 : f32
        %mul3A_1819 = vector.broadcast %mul3A_1818 : f32 to vector<16xf32>
        %mul3A_1820 = arith.mulf %broadcast_in_dim3A_1817, %mul3A_1819 : vector<16xf32>
        %mul3A_1821 = arith.mulf %mul3A_1816, %mul3A_1816 : vector<16xf32>
        %sub3A_1822 = arith.subf %mul3A_1820, %mul3A_1821 : vector<16xf32>
        %max3A_1823 = arith.constant 0.000000e+00 : f32
        %max3A_1824 = vector.broadcast %max3A_1823 : f32 to vector<16xf32>
        %max3A_1825 = arith.maximumf %sub3A_1822, %max3A_1824 : vector<16xf32>
        %add3A_1826 = arith.constant 9.99999996E-13 : f32
        %add3A_1827 = vector.broadcast %add3A_1826 : f32 to vector<16xf32>
        %add3A_1828 = arith.addf %max3A_1825, %add3A_1827 : vector<16xf32>
        %bitcast_convert_type3A_1829 = tpu.bitcast %add3A_1828 : vector<16xf32> -> vector<16xi32>
        %shift_right_logical3A_1830 = arith.constant 1 : i32
        %shift_right_logical3A_1831 = vector.broadcast %shift_right_logical3A_1830 : i32 to vector<16xi32>
        %shift_right_logical3A_1832 = arith.shrui %bitcast_convert_type3A_1829, %shift_right_logical3A_1831 : vector<16xi32>
        %sub3A_1833 = arith.constant 1597463007 : i32
        %sub3A_1834 = vector.broadcast %sub3A_1833 : i32 to vector<16xi32>
        %sub3A_1835 = arith.subi %sub3A_1834, %shift_right_logical3A_1832 : vector<16xi32>
        %bitcast_convert_type3A_1836 = tpu.bitcast %sub3A_1835 : vector<16xi32> -> vector<16xf32>
        %mul3A_1837 = arith.constant 5.000000e-01 : f32
        %mul3A_1838 = vector.broadcast %mul3A_1837 : f32 to vector<16xf32>
        %mul3A_1839 = arith.mulf %mul3A_1838, %add3A_1828 : vector<16xf32>
        %mul3A_1840 = arith.mulf %mul3A_1839, %bitcast_convert_type3A_1836 : vector<16xf32>
        %mul3A_1841 = arith.mulf %mul3A_1840, %bitcast_convert_type3A_1836 : vector<16xf32>
        %sub3A_1842 = arith.constant 1.500000e+00 : f32
        %sub3A_1843 = vector.broadcast %sub3A_1842 : f32 to vector<16xf32>
        %sub3A_1844 = arith.subf %sub3A_1843, %mul3A_1841 : vector<16xf32>
        %mul3A_1845 = arith.mulf %bitcast_convert_type3A_1836, %sub3A_1844 : vector<16xf32>
        %mul3A_1846 = arith.constant 5.000000e-01 : f32
        %mul3A_1847 = vector.broadcast %mul3A_1846 : f32 to vector<16xf32>
        %mul3A_1848 = arith.mulf %mul3A_1847, %add3A_1828 : vector<16xf32>
        %mul3A_1849 = arith.mulf %mul3A_1848, %mul3A_1845 : vector<16xf32>
        %mul3A_1850 = arith.mulf %mul3A_1849, %mul3A_1845 : vector<16xf32>
        %sub3A_1851 = arith.constant 1.500000e+00 : f32
        %sub3A_1852 = vector.broadcast %sub3A_1851 : f32 to vector<16xf32>
        %sub3A_1853 = arith.subf %sub3A_1852, %mul3A_1850 : vector<16xf32>
        %mul3A_1854 = arith.mulf %mul3A_1845, %sub3A_1853 : vector<16xf32>
        %mul3A_1855 = arith.mulf %mul3A_1854, %get3A_79 : vector<16xf32>
        %mul3A_1856 = arith.mulf %add3A_1719, %mul3A_1855 : vector<16xf32>
        %mul3A_1857 = arith.mulf %mul3A_1816, %mul3A_1855 : vector<16xf32>
        %sub3A_1858 = arith.subf %get3A_95, %mul3A_1857 : vector<16xf32>
        %add3A_1859 = arith.addf %mul3A_1856, %sub3A_1858 : vector<16xf32>
        %swap3A_1860 = arith.index_cast %scan3A_1702 : i32 to index
        %swap3A_1861 = arith.constant 0 : index
        %swap3A_1862 = tpu.vector_load %arg17[%swap3A_1860, %swap3A_1861] {strides = array<i32>} : memref<128x128xf32, #tpu.memory_space<vmem>>, vector<16xf32>,
        tpu.vector_store %arg17[%swap3A_1860, %swap3A_1861], %add3A_1859 {strides = array<i32>} : memref<128x128xf32, #tpu.memory_space<vmem>>, vector<16xf32>,
        %mul3A_1863 = arith.mulf %mul3A_1854, %get3A_81 : vector<16xf32>
        %mul3A_1864 = arith.mulf %add3A_1728, %mul3A_1863 : vector<16xf32>
        %mul3A_1865 = arith.mulf %mul3A_1816, %mul3A_1863 : vector<16xf32>
        %sub3A_1866 = arith.subf %get3A_97, %mul3A_1865 : vector<16xf32>
        %add3A_1867 = arith.addf %mul3A_1864, %sub3A_1866 : vector<16xf32>
        %swap3A_1868 = arith.index_cast %scan3A_1702 : i32 to index
        %swap3A_1869 = arith.constant 16 : index
        %swap3A_1870 = tpu.vector_load %arg17[%swap3A_1868, %swap3A_1869] {strides = array<i32>} : memref<128x128xf32, #tpu.memory_space<vmem>>, vector<16xf32>,
        tpu.vector_store %arg17[%swap3A_1868, %swap3A_1869], %add3A_1867 {strides = array<i32>} : memref<128x128xf32, #tpu.memory_space<vmem>>, vector<16xf32>,
        %mul3A_1871 = arith.mulf %mul3A_1854, %get3A_83 : vector<16xf32>
        %mul3A_1872 = arith.mulf %add3A_1737, %mul3A_1871 : vector<16xf32>
        %mul3A_1873 = arith.mulf %mul3A_1816, %mul3A_1871 : vector<16xf32>
        %sub3A_1874 = arith.subf %get3A_99, %mul3A_1873 : vector<16xf32>
        %add3A_1875 = arith.addf %mul3A_1872, %sub3A_1874 : vector<16xf32>
        %swap3A_1876 = arith.index_cast %scan3A_1702 : i32 to index
        %swap3A_1877 = arith.constant 32 : index
        %swap3A_1878 = tpu.vector_load %arg17[%swap3A_1876, %swap3A_1877] {strides = array<i32>} : memref<128x128xf32, #tpu.memory_space<vmem>>, vector<16xf32>,
        tpu.vector_store %arg17[%swap3A_1876, %swap3A_1877], %add3A_1875 {strides = array<i32>} : memref<128x128xf32, #tpu.memory_space<vmem>>, vector<16xf32>,
        %mul3A_1879 = arith.mulf %mul3A_1854, %get3A_85 : vector<16xf32>
        %mul3A_1880 = arith.mulf %add3A_1746, %mul3A_1879 : vector<16xf32>
        %mul3A_1881 = arith.mulf %mul3A_1816, %mul3A_1879 : vector<16xf32>
        %sub3A_1882 = arith.subf %get3A_101, %mul3A_1881 : vector<16xf32>
        %add3A_1883 = arith.addf %mul3A_1880, %sub3A_1882 : vector<16xf32>
        %swap3A_1884 = arith.index_cast %scan3A_1702 : i32 to index
        %swap3A_1885 = arith.constant 48 : index
        %swap3A_1886 = tpu.vector_load %arg17[%swap3A_1884, %swap3A_1885] {strides = array<i32>} : memref<128x128xf32, #tpu.memory_space<vmem>>, vector<16xf32>,
        tpu.vector_store %arg17[%swap3A_1884, %swap3A_1885], %add3A_1883 {strides = array<i32>} : memref<128x128xf32, #tpu.memory_space<vmem>>, vector<16xf32>,
        %mul3A_1887 = arith.mulf %mul3A_1854, %get3A_87 : vector<16xf32>
        %mul3A_1888 = arith.mulf %add3A_1755, %mul3A_1887 : vector<16xf32>
        %mul3A_1889 = arith.mulf %mul3A_1816, %mul3A_1887 : vector<16xf32>
        %sub3A_1890 = arith.subf %get3A_103, %mul3A_1889 : vector<16xf32>
        %add3A_1891 = arith.addf %mul3A_1888, %sub3A_1890 : vector<16xf32>
        %swap3A_1892 = arith.index_cast %scan3A_1702 : i32 to index
        %swap3A_1893 = arith.constant 64 : index
        %swap3A_1894 = tpu.vector_load %arg17[%swap3A_1892, %swap3A_1893] {strides = array<i32>} : memref<128x128xf32, #tpu.memory_space<vmem>>, vector<16xf32>,
        tpu.vector_store %arg17[%swap3A_1892, %swap3A_1893], %add3A_1891 {strides = array<i32>} : memref<128x128xf32, #tpu.memory_space<vmem>>, vector<16xf32>,
        %mul3A_1895 = arith.mulf %mul3A_1854, %get3A_89 : vector<16xf32>
        %mul3A_1896 = arith.mulf %add3A_1764, %mul3A_1895 : vector<16xf32>
        %mul3A_1897 = arith.mulf %mul3A_1816, %mul3A_1895 : vector<16xf32>
        %sub3A_1898 = arith.subf %get3A_105, %mul3A_1897 : vector<16xf32>
        %add3A_1899 = arith.addf %mul3A_1896, %sub3A_1898 : vector<16xf32>
        %swap3A_1900 = arith.index_cast %scan3A_1702 : i32 to index
        %swap3A_1901 = arith.constant 80 : index
        %swap3A_1902 = tpu.vector_load %arg17[%swap3A_1900, %swap3A_1901] {strides = array<i32>} : memref<128x128xf32, #tpu.memory_space<vmem>>, vector<16xf32>,
        tpu.vector_store %arg17[%swap3A_1900, %swap3A_1901], %add3A_1899 {strides = array<i32>} : memref<128x128xf32, #tpu.memory_space<vmem>>, vector<16xf32>,
        %mul3A_1903 = arith.mulf %mul3A_1854, %get3A_91 : vector<16xf32>
        %mul3A_1904 = arith.mulf %add3A_1773, %mul3A_1903 : vector<16xf32>
        %mul3A_1905 = arith.mulf %mul3A_1816, %mul3A_1903 : vector<16xf32>
        %sub3A_1906 = arith.subf %get3A_107, %mul3A_1905 : vector<16xf32>
        %add3A_1907 = arith.addf %mul3A_1904, %sub3A_1906 : vector<16xf32>
        %swap3A_1908 = arith.index_cast %scan3A_1702 : i32 to index
        %swap3A_1909 = arith.constant 96 : index
        %swap3A_1910 = tpu.vector_load %arg17[%swap3A_1908, %swap3A_1909] {strides = array<i32>} : memref<128x128xf32, #tpu.memory_space<vmem>>, vector<16xf32>,
        tpu.vector_store %arg17[%swap3A_1908, %swap3A_1909], %add3A_1907 {strides = array<i32>} : memref<128x128xf32, #tpu.memory_space<vmem>>, vector<16xf32>,
        %mul3A_1911 = arith.mulf %mul3A_1854, %get3A_93 : vector<16xf32>
        %mul3A_1912 = arith.mulf %add3A_1782, %mul3A_1911 : vector<16xf32>
        %mul3A_1913 = arith.mulf %mul3A_1816, %mul3A_1911 : vector<16xf32>
        %sub3A_1914 = arith.subf %get3A_109, %mul3A_1913 : vector<16xf32>
        %add3A_1915 = arith.addf %mul3A_1912, %sub3A_1914 : vector<16xf32>
        %swap3A_1916 = arith.index_cast %scan3A_1702 : i32 to index
        %swap3A_1917 = arith.constant 112 : index
        %swap3A_1918 = tpu.vector_load %arg17[%swap3A_1916, %swap3A_1917] {strides = array<i32>} : memref<128x128xf32, #tpu.memory_space<vmem>>, vector<16xf32>,
        tpu.vector_store %arg17[%swap3A_1916, %swap3A_1917], %add3A_1915 {strides = array<i32>} : memref<128x128xf32, #tpu.memory_space<vmem>>, vector<16xf32>,
      }
      %scan3A_179 = arith.constant 128 : i32
      %dma_start3A_180 = arith.constant 0 : i32
      %dma_start3A_181 = tpu.memref_slice %arg9[%add3A_158, %dma_start3A_180] : memref<204800x128xf32, #tpu.memory_space<hbm>> -> memref<128x128xf32, #tpu.memory_space<hbm>>
      %dma_start3A_182 = arith.constant 0 : i32
      %dma_start3A_183 = tpu.memref_slice %arg9[%add3A_158, %dma_start3A_182] : memref<204800x128xf32, #tpu.memory_space<hbm>> -> memref<128x128xf32, #tpu.memory_space<hbm>>
      tpu.enqueue_dma source(%arg17 : memref<128x128xf32, #tpu.memory_space<vmem>>) target(%dma_start3A_183 : memref<128x128xf32, #tpu.memory_space<hbm>>) target_semaphore(%arg25 : memref<!tpu.dma_semaphore, #tpu.memory_space<semaphore_mem>>)
    }
    %scan3A_117 = arith.constant 25 : i32
    %dma_wait3A = arith.constant 0 : i32
    %dma_wait3A_118 = tpu.memref_slice %arg9[%mul3A_2, %dma_wait3A] : memref<204800x128xf32, #tpu.memory_space<hbm>> -> memref<128x128xf32, #tpu.memory_space<hbm>>
    %dma_wait3A_119 = arith.constant 0 : i32
    %dma_wait3A_120 = tpu.memref_slice %arg9[%mul3A_2, %dma_wait3A_119] : memref<204800x128xf32, #tpu.memory_space<hbm>> -> memref<128x128xf32, #tpu.memory_space<hbm>>
    tpu.wait_dma2 semaphore(%arg24 : memref<!tpu.dma_semaphore, #tpu.memory_space<semaphore_mem>>) src(%arg16 : memref<128x128xf32, #tpu.memory_space<vmem>>) dst(%dma_wait3A_120 : memref<128x128xf32, #tpu.memory_space<hbm>>)
    %dma_wait3A_121 = arith.constant 0 : i32
    %dma_wait3A_122 = tpu.memref_slice %arg9[%mul3A_2, %dma_wait3A_121] : memref<204800x128xf32, #tpu.memory_space<hbm>> -> memref<128x128xf32, #tpu.memory_space<hbm>>
    %dma_wait3A_123 = arith.constant 0 : i32
    %dma_wait3A_124 = tpu.memref_slice %arg9[%mul3A_2, %dma_wait3A_123] : memref<204800x128xf32, #tpu.memory_space<hbm>> -> memref<128x128xf32, #tpu.memory_space<hbm>>
    tpu.wait_dma2 semaphore(%arg25 : memref<!tpu.dma_semaphore, #tpu.memory_space<semaphore_mem>>) src(%arg17 : memref<128x128xf32, #tpu.memory_space<vmem>>) dst(%dma_wait3A_124 : memref<128x128xf32, #tpu.memory_space<hbm>>)
    return
  }
}

</mosaic_0001>

<sc_bundles>
// kernel: kernel.3.cloned.1.call-start
scs
__scs_entry_jumppad:
0x0: {  	(pc) =	sbr.rel $0x88, $3  }
0x1: {  	(tag) =	ssettag $0x0;
	lr =	simm.s32 $0x1  }
0x2: {  	[smem:$0x3F9A] =	sst lr;
	_ =	strace $0xD0000000  }
0x3: {  	_ = 	snop  }
0x4: {  	_ = 	snop  }
0x5: {  	_ = 	snop  }
0x6: {  	_ = 	snop  }
0x7: {  	_ = 	snop  }
__scs_overlays_trampoline_lowered:
0x8: {  	[smem:$0x3FA9] =	sst s0  }
0x9: {  	[smem:$0x3FAA] =	sst s1  }
0xa: {  	[smem:$0x3FAB] =	sst s2  }
0xb: {  	[smem:$0x3FAC] =	sst s3  }
0xc: {  	[smem:$0x3FAD] =	sst s4  }
0xd: {  	[smem:$0x3FAE] =	sst s5  }
0xe: {  	[smem:$0x3FAF] =	sst s6  }
0xf: {  	[smem:$0x3FB0] =	sst s7  }
0x10: {  	[smem:$0x3FB1] =	sst s8  }
0x11: {  	[smem:$0x3FB2] =	sst s9;
	s0 =	simm.s32 @!p0 $0x0  }
0x12: {  	s1 =	sld [smem:$0x3F98];
	s0 =	simm.s32 @p0 $0x1  }
0x13: {  	[smem:$0x3FB3] =	sst s0;
	s0 =	simm.s32 @!p1 $0x0  }
0x14: {  	s2 =	sld [smem:$0x3F97];
	s0 =	simm.s32 @p1 $0x1  }
0x15: {  	[smem:$0x3FB4] =	sst s0;
	s0 =	simm.s32 @!p2 $0x0  }
0x16: {  	s3 =	sld [smem:$0x3FDB];
	s0 =	simm.s32 @p2 $0x1  }
0x17: {  	s4 =	simm.s32 $0x1BF5;
	[smem:$0x3FB6] =	sst s0  }
0x18: {  	s0 =	sld [smem:$0x3F99];
	_ =	swait.ge [sflag:s4], $0x0  }
0x19: {  	s7 =	sld [smem:$0x3F9A]  }
0x1a: {  	s8 =	sadd.s32 $0xFFFFE003, lr  }
0x1b: {  	s9 =	sadd.s32 $0xFFFFFEF7, lr;
	s5 =	simm.s32 $0xFFFFFFFF;
	p2 =	slt.u32 s8, $0xFFFFF086  }
0x1c: {  	p1 =	slt.u32 s9, $0xF7A;
	s5 =	simm.s32 @!p2 $0x0  }
0x1d: {  	s5 =	simm.s32 @p1 $0x1;
	p0 =	seq.s32 s7, s2  }
0x1e: {  	s7 =	smul.u32 @!p0 $0xF7A, s2;
	p2 =	seq.s32 @!p0 s5, $0x0  }
0x1f: {  	s9 =	smul.u32 $0xF7A, s1;
	s8 =	simm.s32 @!p0 $0x1BF5;
	p2 =	por !p2, p0  }
0x20: {  	[sflag:s8] =	ssyncset.s32 @!p0 $0xFFFFF086;
	s6 =	sadd.s32 @!p0 s3, s7;
	s7 =	simm.s32 @!p0 $0x108  }
0x21: {  	s3 =	sadd.s32 s3, s9;
	s6 =	sadd.s32 @!p0 $0x88, s6;
	s7 =	simm.s32 @p2 $0x1082  }
0x22: {  	[simem:s7], [sflag:s8] =	dma.local @!p0 [hbm:s6], $0xF7A  }
0x23: {  	s9 =	sor.u32 $0xD0000000, s2;
	s6 =	simm.s32 $0x108;
	_ =	swait.ge @!p0 [sflag:s8], $0x0  }
0x24: {  	s3 =	sadd.s32 $0x88, s3;
	s6 =	simm.s32 @!p1 $0x1082;
	[sflag:s4] =	ssyncset.s32 $0xFFFFF086  }
0x25: {  	[simem:s6], [sflag:s4] =	dma.local [hbm:s3], $0xF7A  }
0x26: {  	[smem:$0x3F9A] =	sst s1;
	(tag) =	ssettag s2;
	_ =	strace s9  }
0x27: {  	s1 =	sld [smem:$0x3FAA]  }
0x28: {  	s2 =	sld [smem:$0x3FAB]  }
0x29: {  	s4 =	sld [smem:$0x3FAD]  }
0x2a: {  	p0 =	seq.s32 s5, $0x0;
	s5 =	sld [smem:$0x3FAE]  }
0x2b: {  	s6 =	sld [smem:$0x3FAF]  }
0x2c: {  	s7 =	sld [smem:$0x3FB0]  }
0x2d: {  	s3 =	simm.s32 $0x108;
	s8 =	sld [smem:$0x3FB1]  }
0x2e: {  	s3 =	simm.s32 @!p0 $0x1082;
	s9 =	sld [smem:$0x3FB2]  }
0x2f: {  	lr =	sadd.s32 s0, s3;
	s0 =	sld [smem:$0x3FA9]  }
0x30: {  	s3 =	sld [smem:$0x3FAC]  }
0x31: {  	[smem:$0x3FB5] =	sst s10  }
0x32: {  	s10 =	sld [smem:$0x3FB3];
	_ =	sdelay $0x3  }
0x33: {  	p0 =	seq.s32 s10, $0x1;
	s10 =	sld [smem:$0x3FB5];
	_ =	sdelay $0x3  }
0x34: {  	[smem:$0x3FB5] =	sst s10  }
0x35: {  	s10 =	sld [smem:$0x3FB4];
	_ =	sdelay $0x3  }
0x36: {  	p1 =	seq.s32 s10, $0x1;
	s10 =	sld [smem:$0x3FB5];
	_ =	sdelay $0x3  }
0x37: {  	[smem:$0x3FB5] =	sst s10  }
0x38: {  	s10 =	sld [smem:$0x3FB6]  }
0x39: {  	_ = 	snop;
	(pc) =	sbr.ind lr, $3  }
0x3a: {  	_ = 	snop  }
0x3b: {  	_ = 	snop  }
0x3c: {  	p2 =	seq.s32 s10, $0x1;
	s10 =	sld [smem:$0x3FB5]  }
0x3d: {  	_ =	shalt  }
0x3e: {  	_ =	shalt  }
0x3f: {  	_ =	shalt  }
0x40: {  	_ =	shalt  }
0x41: {  	_ =	shalt  }
0x42: {  	_ =	shalt  }
0x43: {  	_ =	shalt  }
0x44: {  	_ =	shalt  }
0x45: {  	_ =	shalt  }
0x46: {  	_ =	shalt  }
0x47: {  	_ =	shalt  }
0x48: {  	_ =	shalt  }
0x49: {  	_ =	shalt  }
0x4a: {  	_ =	shalt  }
0x4b: {  	_ =	shalt  }
0x4c: {  	_ =	shalt  }
0x4d: {  	_ =	shalt  }
0x4e: {  	_ =	shalt  }
0x4f: {  	_ =	shalt  }
0x50: {  	_ =	shalt  }
0x51: {  	_ =	shalt  }
0x52: {  	_ =	shalt  }
0x53: {  	_ =	shalt  }
0x54: {  	_ =	shalt  }
0x55: {  	_ =	shalt  }
0x56: {  	_ =	shalt  }
0x57: {  	_ =	shalt  }
0x58: {  	_ =	shalt  }
0x59: {  	_ =	shalt  }
0x5a: {  	_ =	shalt  }
0x5b: {  	_ =	shalt  }
0x5c: {  	_ =	shalt  }
0x5d: {  	_ =	shalt  }
0x5e: {  	_ =	shalt  }
0x5f: {  	_ =	shalt  }
0x60: {  	_ =	shalt  }
0x61: {  	_ =	shalt  }
0x62: {  	_ =	shalt  }
0x63: {  	_ =	shalt  }
0x64: {  	_ =	shalt  }
0x65: {  	_ =	shalt  }
0x66: {  	_ =	shalt  }
0x67: {  	_ =	shalt  }
0x68: {  	_ =	shalt  }
0x69: {  	_ =	shalt  }
0x6a: {  	_ =	shalt  }
0x6b: {  	_ =	shalt  }
0x6c: {  	_ =	shalt  }
0x6d: {  	_ =	shalt  }
0x6e: {  	_ =	shalt  }
0x6f: {  	_ =	shalt  }
0x70: {  	_ =	shalt  }
0x71: {  	_ =	shalt  }
0x72: {  	_ =	shalt  }
0x73: {  	_ =	shalt  }
0x74: {  	_ =	shalt  }
0x75: {  	_ =	shalt  }
0x76: {  	_ =	shalt  }
0x77: {  	_ =	shalt  }
0x78: {  	_ =	shalt  }
0x79: {  	_ =	shalt  }
0x7a: {  	_ =	shalt  }
0x7b: {  	_ =	shalt  }
0x7c: {  	_ =	shalt  }
0x7d: {  	_ =	shalt  }
0x7e: {  	_ =	shalt  }
0x7f: {  	_ =	shalt  }
0x80: {  	_ =	shalt  }
0x81: {  	_ =	shalt  }
0x82: {  	_ =	shalt  }
0x83: {  	_ =	shalt  }
0x84: {  	_ =	shalt  }
0x85: {  	_ =	shalt  }
0x86: {  	_ =	shalt  }
0x87: {  	_ =	shalt  }
.Lfunc_end0:
.L_simem_size_0:
called_computation_lowered:
.L_overlay_start_0:
0x88: {  	s2 =	sld [smem:$0x3FD9]  }
0x89: {  	s3 =	sld [smem:$0x3FFE];
	_ =	sdelay $0x1  }
0x8a: {  	s1 =	srdreg.scid  }
0x8b: {  	s0 =	sand.u32 $0x1, s1  }
0x8c: {  	s17 =	sshll.u32 s0, $0xA;
	s2 =	sadd.s32 s3, s2  }
0x8d: {  	s2 =	sadd.s32 s2, s17  }
0x8e: {  	[smem:$0x3FC1] =	sst s2  }
0x8f: {  	_ = 	snop  }
0x90: {  	s2 =	sld [smem:$0x3FC7]  }
0x91: {  	s18 =	sld [smem:$0x3FC6]  }
0x92: {  	s4 =	sld [smem:$0x3FC5]  }
0x93: {  	s5 =	sld [smem:$0x3FC4]  }
0x94: {  	s6 =	sld [smem:$0x3FC3]  }
0x95: {  	s7 =	sld [smem:$0x3FD0];
	(tm) =	ssettm $0x1  }
0x96: {  	s8 =	sld [smem:$0x3FFB];
	_ =	sdelay $0x3  }
0x97: {  	_ =	strace s8  }
0x98: {  	s8 =	sld [smem:$0x3FFC];
	_ =	sdelay $0x3  }
0x99: {  	_ =	strace s8  }
0x9a: {  	s8 =	sld [smem:$0x3FFD];
	_ =	sdelay $0x3  }
0x9b: {  	_ =	strace s8  }
0x9c: {  	_ =	strace $0x8FFFFFFF  }
0x9d: {  	s19 =	sld [smem:$0x3FDB];
	_ =	sdelay $0x1  }
0x9e: {  	s9 =	simm.s32 $_scs_section_size  }
0x9f: {  	s10 =	simm.s32 $_size__tile_overlayer_lowered;
	s11 =	simm.s32 $_tile_overlayer_lowered  }
0xa0: {  	s22 =	simm.s32 $0x1BFF;
	s21 =	sshll.u32 s11, $0x1;
	s8 =	sadd.s32 s9, s19  }
0xa1: {  	s12 =	simm.s32 $0x0;
	s20 =	sshll.u32 s10, $0x1;
	s10 =	sadd.s32 s21, s8  }
0xa2: {  	[timem:s12], [sflag:s22] =	dma.local [hbm:s10], s20  }
0xa3: {  	_ =	swait.ge [sflag:s22], s20  }
0xa4: {  	s9 =	ssub.s32 $0x0, s20;
	[sflag:s22] =	ssyncset.done $0x0  }
0xa5: {  	[sflag:s22] =	ssyncadd.s32 s9;
	_ =	sdelay $0x1  }
0xa6: {  	s23 =	simm.s32 $0x1B8B  }
0xa7: {  	_ =	swait.ge [sflag:s23], $0x1  }
0xa8: {  	[sflag:s23] =	ssyncset.done $0x0  }
0xa9: {  	s25 =	simm.s32 $0x1B8E;
	s24 =	sld [smem:$0x3FFE];
	[sflag:s23] =	ssyncadd.s32 $0xFFFFFFFF  }
0xaa: {  	s26 =	simm.s32 $execute0_lowered;
	[smem:$0x3FD2] =	sst s25  }
0xab: {  	s10 =	sshll.u32 s26, $0x1;
	_ =	strace $0x80000046;
	[dreg:$0x1] =	wrdreg $0xFFFFFFFF  }
0xac: {  	s28 =	simm.s32 $_size_execute0_lowered;
	s8 =	sadd.s32 s8, s10;
	[dreg:$0x0] =	wrdreg $0x0  }
0xad: {  	s10 =	sshll.u32 s28, $0x1;
	[dreg:$0x2] =	wrdreg s8  }
0xae: {  	[dreg:$0x3] =	wrdreg s10  }
0xaf: {  	[dreg:$0x4] =	wrdreg $0xC0  }
0xb0: {  	_ =	task [dreg:s12], $0x5FFFF  }
0xb1: {  	[dreg:$0x1] =	wrdreg $0xFFFFFFFF  }
0xb2: {  	[dreg:$0x0] =	wrdreg $0x60  }
0xb3: {  	[dreg:$0x2] =	wrdreg s24  }
0xb4: {  	[dreg:$0x3] =	wrdreg s2  }
0xb5: {  	[dreg:$0x4] =	wrdreg s18  }
0xb6: {  	[dreg:$0x5] =	wrdreg s4  }
0xb7: {  	[dreg:$0x6] =	wrdreg s5  }
0xb8: {  	[dreg:$0x7] =	wrdreg s6  }
0xb9: {  	[dreg:$0x8] =	wrdreg s7  }
0xba: {  	[dreg:$0x9] =	wrdreg $0x9  }
0xbb: {  	_ =	task.clear_ibuf [dreg:s12], $0xAFFFF;
	_ =	strace $0x90000046  }
0xbc: {  	s29 =	simm.s32 $0x9;
	_ =	strace $0x80000048  }
0xbd: {  	_ =	swait.ge [sflag:s29], $0x1  }
0xbe: {  	[sflag:s29] =	ssyncadd.s32 $0xFFFFFFFF  }
0xbf: {  	_ =	strace $0x90000048  }
0xc0: {  	_ =	sfence  }
0xc1: {  	s30 =	sld [smem:$0x0];
	_ =	sdelay $0x2  }
0xc2: {  	s31 =	sshll.u32 s1, $0xD;
	s1 =	sshrl.u32 s1, $0x2  }
0xc3: {  	s3 =	sand.u32 $0x4000, s31;
	s1 =	sadd.s32 s1, s30  }
0xc4: {  	s0 =	sor.u32 s3, s0;
	s1 =	sshll.u32 s1, $0x11  }
0xc5: {  	s0 =	sor.u32 s1, s0  }
0xc6: {  	s0 =	sadd.s32 $0x8F2B, s0  }
0xc7: {  	[sflag:s0] =	ssyncadd.remote.s32 $0x1  }
0xc8: {  	_ =	sfence.sel $0xFFFF  }
0xc9: {  	[dreg:$0x0] =	wrdreg $0xFFFFFFFF;
	(pc) =	sbr.abs _section_cstart, $3  }
0xca: {  	[dreg:$0x1] =	wrdreg $0xFFFFFFFF  }
0xcb: {  	_ =	task.clear_ibuf [dreg:s12], $0x2FFFF;
	_ =	strace $0x9FFFFFFF  }
0xcc: {  	(tm) =	ssettm $0x7FFFFFFF  }
0xcd: {  	_ =	shalt  }
tec
execute0_lowered:
.L_overlay_start_1:
0x0: {  	(tag) =	ssettag $0x1  }
0x1: {  	s1 =	rddreg [dreg:$0x0]  }
0x2: {  	s0 =	rddreg [dreg:$0x1];
	s2 =	srdreg.scid  }
0x3: {  	s3 =	stileid.u32;
	s7 =	rddreg [dreg:$0x6]  }
0x4: {  	s8 =	simm.s32 $0x0;
	s16 =	simm.s32 $0x5;
	s19 =	simm.s32 $0x16780  }
0x5: {  	s20 =	simm.s32 $0x100;
	s21 =	simm.s32 $0x80;
	s22 =	simm.s32 $0x200  }
0x6: {  	s23 =	simm.s32 $0x1;
	s24 =	simm.s32 $0x180;
	s25 =	simm.s32 $0x4200  }
0x7: {  	s28 =	simm.s32 $0x2;
	s29 =	simm.s32 $0xC200;
	s30 =	simm.s32 $0x3  }
0x8: {  	s31 =	simm.s32 $0x4;
	s2 =	sand.u32 $0x1, s2;
	s3 =	sshll.u32 s3, $0x1  }
0x9: {  	s5 =	simm.s32 $0x0;
	[smem:$0x7FF] =	sst s8;
	s3 =	sor.u32 s2, s3  }
0xa: {  	s10 =	sadd.s32 $0x400, s1;
	s2 =	ssub.s32 $0x2, s2;
	s9 =	smul.u32 $0x1900, s3  }
0xb: {  	s11 =	sadd.s32 $0x6800, s1;
	_ =	strace $0x80000047;
	s26 =	sshrl.u32 s2, $0x1  }
0xc: {  	s1 =	ssub.s32 s2, s26;
	s26 =	simm.s32 $0x8200;
	s3 =	sshrl.u32 s9, $0x3  }
0xd: {  	s14 =	smax.u32 s1, $0x1;
	s12 =	sadd.s32 s10, s3;
	s13 =	sadd.s32 s11, s3  }
.LBB2_1:
0xe: {  	s1 =	rddreg [dreg:$0x2];
	s2 =	simm.s32 $0x10200  }
0xf: {  	[tilespmem:s2], [sflag:$0x5] =	stream.linear.gather [hbm4b:s1+s8], $0x6400, $0x38;
	[tilespmem:$0x16800] =	vst v63  }
0x10: {  	_ =	swait.ge [sflag:s16], $0x6400  }
0x11: {  	[sflag:s16] =	ssyncset.done $0x0  }
0x12: {  	[sflag:s16] =	ssyncadd.s32 $0xFFFF9C00  }
0x13: {  	s6 =	simm.s32 $0x16600;
	s4 =	rddreg [dreg:$0x3]  }
0x14: {  	[tilespmem:s6], [sflag:$0x5] =	stream.linear.gather [hbm4b:s4+s8], $0x100, $0x38;
	[tilespmem:$0x16800] =	vst v63  }
0x15: {  	_ =	swait.ge [sflag:s16], $0x100  }
0x16: {  	[sflag:s16] =	ssyncset.done $0x0  }
0x17: {  	[sflag:s16] =	ssyncadd.s32 $0xFFFFFF00  }
0x18: {  	s17 =	simm.s32 $0x16700;
	s15 =	rddreg [dreg:$0x4]  }
0x19: {  	[tilespmem:s17], [sflag:$0x5] =	stream.linear.gather [hbm4b:s15+s8], $0x80, $0x38;
	[tilespmem:$0x16800] =	vst v63  }
0x1a: {  	_ =	swait.ge [sflag:s16], $0x80  }
0x1b: {  	[sflag:s16] =	ssyncset.done $0x0  }
0x1c: {  	[sflag:s16] =	ssyncadd.s32 $0xFFFFFF80  }
0x1d: {  	s18 =	rddreg [dreg:$0x5]  }
0x1e: {  	[tilespmem:s19], [sflag:$0x5] =	stream.linear.gather [hbm4b:s18+s8], $0x80, $0x38;
	[tilespmem:$0x16800] =	vst v63  }
0x1f: {  	_ =	swait.ge [sflag:s16], $0x80  }
0x20: {  	[sflag:s16] =	ssyncset.done $0x0  }
0x21: {  	[sflag:s16] =	ssyncadd.s32 $0xFFFFFF80  }
0x22: {  	v16 =	vld [tilespmem:$0x16600]  }
0x23: {  	v17 =	vld [tilespmem:$0x16610]  }
0x24: {  	v18 =	vld [tilespmem:$0x16620]  }
0x25: {  	v19 =	vld [tilespmem:$0x16630]  }
0x26: {  	v20 =	vld [tilespmem:$0x16640]  }
0x27: {  	v21 =	vld [tilespmem:$0x16650]  }
0x28: {  	v22 =	vld [tilespmem:$0x16660]  }
0x29: {  	v23 =	vld [tilespmem:$0x16670]  }
0x2a: {  	v30 =	vld [tilespmem:$0x16680]  }
0x2b: {  	v31 =	vld [tilespmem:$0x16690]  }
0x2c: {  	v28 =	vld [tilespmem:$0x166A0]  }
0x2d: {  	v29 =	vld [tilespmem:$0x166B0]  }
0x2e: {  	v24 =	vld [tilespmem:$0x166C0]  }
0x2f: {  	v25 =	vld [tilespmem:$0x166D0]  }
0x30: {  	v26 =	vld [tilespmem:$0x166E0]  }
0x31: {  	s1 =	simm.s32 $0x0;
	v27 =	vld [tilespmem:$0x166F0]  }
0x32: {  	v3 =	vld [tilespmem:s1+$0x10200]  }
0x33: {  	v5 =	vld [tilespmem:s1+$0x10210]  }
0x34: {  	v4 =	vld [tilespmem:s1+$0x10220]  }
0x35: {  	v2 =	vld [tilespmem:s1+$0x10230]  }
0x36: {  	v0 =	vld [tilespmem:s1+$0x10240]  }
0x37: {  	v1 =	vld [tilespmem:s1+$0x10250];
	v6 =	vadd.f32 v3, v16  }
0x38: {  	s2 =	simm.s32 $0x200;
	v5 =	vadd.f32 v5, v17;
	v3 =	vld [tilespmem:s1+$0x10260]  }
.LBB2_2:
0x39: {  	s3 =	sshra.s32 s2, $0x2;
	p0 =	sne.s32 s2, $0x18E00;
	[tilespmem:s1+$0x10200] =	vst v6;
	v4 =	vadd.f32 v4, v18;
	v6 =	vld [tilespmem:s1+$0x10270]  }
0x3a: {  	v7 =	vld [tilespmem:s3+$0x10200];
	[tilespmem:s1+$0x10210] =	vst v5;
	v2 =	vadd.f32 v2, v19  }
0x3b: {  	v5 =	vld [tilespmem:s3+$0x10210];
	[tilespmem:s1+$0x10220] =	vst v4;
	v0 =	vadd.f32 v0, v20  }
.Ltmp0:
0x3c: {  	v4 =	vld [tilespmem:s3+$0x10220];
	[tilespmem:s1+$0x10230] =	vst v2;
	v1 =	vadd.f32 v1, v21;
	(pc) =	sbr.rel @p0 .LBB2_2-.Ltmp0, $4  }
0x3d: {  	v2 =	vld [tilespmem:s3+$0x10230];
	[tilespmem:s1+$0x10240] =	vst v0;
	v3 =	vadd.f32 v3, v22  }
0x3e: {  	v0 =	vld [tilespmem:s3+$0x10240];
	[tilespmem:s1+$0x10250] =	vst v1;
	v8 =	vadd.f32 v6, v23  }
0x3f: {  	v6 =	vadd.f32 v7, v16;
	v1 =	vld [tilespmem:s3+$0x10250];
	[tilespmem:s1+$0x10260] =	vst v3  }
0x40: {  	s2 =	sadd.s32 $0x200, s2;
	v5 =	vadd.f32 v5, v17;
	v3 =	vld [tilespmem:s3+$0x10260];
	[tilespmem:s1+$0x10270] =	vst v8;
	s1 =	smov.u32 s3  }
0x41: {  	[tilespmem:s1+$0x10200] =	vst v6;
	v4 =	vadd.f32 v4, v18;
	v6 =	vld [tilespmem:s1+$0x10270]  }
0x42: {  	[tilespmem:s1+$0x10210] =	vst v5;
	v2 =	vadd.f32 v2, v19  }
0x43: {  	[tilespmem:s1+$0x10220] =	vst v4;
	v0 =	vadd.f32 v0, v20  }
0x44: {  	[tilespmem:s1+$0x10230] =	vst v2;
	v1 =	vadd.f32 v1, v21  }
0x45: {  	[tilespmem:s1+$0x10240] =	vst v0;
	v0 =	vadd.f32 v3, v22  }
0x46: {  	[tilespmem:s1+$0x10250] =	vst v1;
	v1 =	vadd.f32 v6, v23  }
0x47: {  	[tilespmem:s1+$0x10260] =	vst v0  }
0x48: {  	[tilespmem:s1+$0x10270] =	vst v1  }
0x49: {  	v0 =	vld [tilespmem:$0x16700]  }
0x4a: {  	v1 =	vld [tilespmem:$0x16710]  }
0x4b: {  	v2 =	vld [tilespmem:$0x16720]  }
0x4c: {  	v3 =	vld [tilespmem:$0x16730]  }
0x4d: {  	v4 =	vld [tilespmem:$0x16740]  }
0x4e: {  	v5 =	vld [tilespmem:$0x16750]  }
0x4f: {  	v6 =	vld [tilespmem:$0x16760]  }
0x50: {  	v7 =	vld [tilespmem:$0x16770]  }
0x51: {  	v8 =	vld [tilespmem:$0x16780]  }
0x52: {  	v9 =	vld [tilespmem:$0x16790]  }
0x53: {  	v10 =	vld [tilespmem:$0x167A0]  }
0x54: {  	v11 =	vld [tilespmem:$0x167B0]  }
0x55: {  	v12 =	vld [tilespmem:$0x167C0]  }
0x56: {  	v13 =	vld [tilespmem:$0x167D0]  }
0x57: {  	s2 =	simm.s32 $0x0;
	v14 =	vld [tilespmem:$0x167E0]  }
0x58: {  	v15 =	vld [tilespmem:$0x167F0];
	[tilespmem:s2], [sflag:$0x5] =	stream.linear.gather [hbm4b:s12+s2], $0x80, $0x38  }
0x59: {  	_ =	swait.ge [sflag:s16], $0x80  }
0x5a: {  	[sflag:s16] =	ssyncset.done $0x0  }
0x5b: {  	[sflag:s16] =	ssyncadd.s32 $0xFFFFFF80  }
0x5c: {  	[tilespmem:s20], [sflag:$0x5] =	stream.linear.gather [hbm4b:s13+s2], $0x80, $0x38;
	[tilespmem:$0x16800] =	vst v63  }
0x5d: {  	v16 =	vsub.f32 v30, v16;
	v17 =	vsub.f32 v31, v17;
	_ =	swait.ge [sflag:s16], $0x80  }
0x5e: {  	v18 =	vsub.f32 v28, v18;
	v19 =	vsub.f32 v29, v19;
	[sflag:s16] =	ssyncset.done $0x0  }
0x5f: {  	v20 =	vsub.f32 v24, v20;
	v21 =	vsub.f32 v25, v21;
	[sflag:s16] =	ssyncadd.s32 $0xFFFFFF80  }
0x60: {  	v22 =	vsub.f32 v26, v22;
	v23 =	vsub.f32 v27, v23;
	[tilespmem:s22], [sflag:$0x1] =	stream.indirect.gather [hbm4b:s0+s21], $0x80, s2, s21, $0xb8;
	[tilespmem:$0x16800] =	vst v63  }
.LBB2_4:
0x61: {  	s1 =	sshll.u32 s2, $0x8  }
0x62: {  	s3 =	sadd.s32 s9, s1  }
0x63: {  	_ =	swait.ge [sflag:s23], $0x4000;
	s4 =	sshrl.u32 s3, $0x3  }
0x64: {  	[sflag:s23] =	ssyncset.done $0x0;
	s4 =	sor.u32 $0x10, s4  }
0x65: {  	[sflag:s23] =	ssyncadd.s32 $0xFFFFC000;
	s6 =	sadd.s32 s10, s4  }
0x66: {  	[tilespmem:s21], [sflag:$0x5] =	stream.linear.gather [hbm4b:s6+s8], $0x80, $0x38;
	[tilespmem:$0x16800] =	vst v63  }
0x67: {  	_ =	swait.ge [sflag:s16], $0x80  }
0x68: {  	[sflag:s16] =	ssyncset.done $0x0  }
0x69: {  	s4 =	sadd.s32 s11, s4;
	[sflag:s16] =	ssyncadd.s32 $0xFFFFFF80  }
0x6a: {  	[tilespmem:s24], [sflag:$0x5] =	stream.linear.gather [hbm4b:s4+s8], $0x80, $0x38;
	[tilespmem:$0x16800] =	vst v63  }
0x6b: {  	_ =	swait.ge [sflag:s16], $0x80  }
0x6c: {  	p0 =	seq.s32 s2, $0x0;
	[sflag:s16] =	ssyncset.done $0x0  }
0x6d: {  	s4 =	simm.s32 @!p0 $0x3;
	[sflag:s16] =	ssyncadd.s32 $0xFFFFFF80  }
0x6e: {  	[tilespmem:s25], [sflag:$0x2] =	stream.indirect.gather [hbm4b:s0+s21], $0x80, s21, s21, $0xb8;
	[tilespmem:$0x16800] =	vst v63  }
0x6f: {  	_ =	swait.ge @!p0 [sflag:s4], $0x4000  }
0x70: {  	[sflag:s4] =	ssyncset.done @!p0 $0x0  }
0x71: {  	[sflag:s4] =	ssyncadd.s32 @!p0 $0xFFFFC000;
	s4 =	simm.s32 $0x0  }
.LBB2_5:
0x72: {  	s6 =	sor.u32 s1, s4  }
0x73: {  	s15 =	smulhi.u32 $0x51EB851F, s6;
	_ =	sdelay $0x1  }
0x74: {  	s15 =	sshrl.u32 s15, $0x6  }
0x75: {  	s15 =	smul.u32 $0xC8, s15;
	_ =	sdelay $0x1  }
0x76: {  	s15 =	ssub.s32 s6, s15;
	s6 =	sshll.u32 s4, $0x7  }
0x77: {  	v24 =	vmov s4;
	v25 =	vld [tilespmem:s6+$0x200]  }
0x78: {  	v24 =	vand.u32 $0xFFFFFFF8, v24;
	v27 =	vld [tilespmem:s6+$0x210]  }
0x79: {  	v24 =	vbroadcast v24, $0x0;
	v29 =	vld [tilespmem:s6+$0x220]  }
0x7a: {  	v31 =	vld [tilespmem:s6+$0x230]  }
0x7b: {  	v33 =	vld [tilespmem:s6+$0x240]  }
0x7c: {  	v35 =	vld [tilespmem:s6+$0x250]  }
0x7d: {  	v37 =	vld [tilespmem:s6+$0x260]  }
0x7e: {  	v50 =	vld [tilespmem:s6+$0x270]  }
0x7f: {  	s15 =	sshll.u32 s15, $0x7;
	v24 =	vld.idx.msk [tilespmem:v24+s20+$0x0], $0xffff  }
0x80: {  	v26 =	vld [tilespmem:s15+$0x10200]  }
0x81: {  	v28 =	vld [tilespmem:s15+$0x10210]  }
0x82: {  	v30 =	vld [tilespmem:s15+$0x10220]  }
0x83: {  	v32 =	vld [tilespmem:s15+$0x10230]  }
0x84: {  	v34 =	vld [tilespmem:s15+$0x10240]  }
0x85: {  	v36 =	vld [tilespmem:s15+$0x10250]  }
0x86: {  	v38 =	vld [tilespmem:s15+$0x10260]  }
0x87: {  	v40 =	vld [tilespmem:s15+$0x10270];
	v25 =	vadd.f32 v26, v25  }
0x88: {  	v24 =	vcvt.s32.f32 v24;
	v27 =	vadd.f32 v28, v27;
	v29 =	vadd.f32 v30, v29  }
0x89: {  	v52 =	vadd.f32 v32, v31;
	v54 =	vadd.f32 v34, v33  }
0x8a: {  	v56 =	vadd.f32 v36, v35;
	v49 =	vmul.f32 v24, v16;
	v39 =	vmul.f32 v24, v17  }
0x8b: {  	v58 =	vadd.f32 v38, v37;
	v51 =	vmul.f32 v24, v18;
	v53 =	vmul.f32 v24, v19  }
0x8c: {  	v28 =	vadd.f32 v40, v50;
	v55 =	vmul.f32 v24, v20;
	v57 =	vmul.f32 v24, v21  }
0x8d: {  	v59 =	vmul.f32 v24, v22;
	v25 =	vadd.f32 v25, v49;
	v27 =	vadd.f32 v27, v39  }
0x8e: {  	v24 =	vmul.f32 v24, v23;
	v29 =	vadd.f32 v29, v51;
	v26 =	vadd.f32 v52, v53  }
0x8f: {  	v30 =	vadd.f32 v54, v55;
	v31 =	vadd.f32 v56, v57  }
0x90: {  	v32 =	vadd.f32 v58, v59;
	v24 =	vadd.f32 v28, v24  }
0x91: {  	v60 =	vadd.f32 v27, v25;
	v61 =	vadd.f32 v26, v29;
	v63 =	vmul.f32 v25, v25  }
0x92: {  	v62 =	vadd.f32 v31, v30;
	v44 =	vmul.f32 v27, v27;
	v46 =	vmul.f32 v29, v29  }
0x93: {  	v45 =	vadd.f32 v24, v32;
	v47 =	vmul.f32 v26, v26;
	v48 =	vmul.f32 v30, v30  }
0x94: {  	v49 =	vmul.f32 v31, v31;
	v50 =	vmul.f32 v32, v32  }
0x95: {  	v41 =	vmul.f32 v24, v24;
	v28 =	vadd.f32 v61, v60;
	v34 =	vadd.f32 v45, v62  }
0x96: {  	v35 =	vadd.f32 v44, v63;
	v51 =	vadd.f32 v47, v46  }
0x97: {  	v33 =	vadd.f32 v49, v48;
	v37 =	vadd.f32 v41, v50  }
0x98: {  	v28 =	vadd.f32 v34, v28  }
0x99: {  	v52 =	vadd.f32 v51, v35;
	v33 =	vadd.f32 v37, v33;
	_ =	sdelay $0x1  }
0x9a: {  	v33 =	vadd.f32 v33, v52;
	(xrf2) =	vadd.scan.msk.f32 $0xffff, v28;
	_ =	sdelay $0x1  }
0x9b: {  	(xrf2) =	vadd.scan.msk.f32 $0xffff, v33;
	_ =	sdelay $0x7  }
0x9c: {  	v28, _, _ =	vpop (xrf2)  }
0x9d: {  	v28 =	vmul.f32 $7.812500000e-03, v28  }
0x9e: {  	v33, _, _ =	vpop (xrf2)  }
0x9f: {  	v33 =	vmul.f32 $7.812500000e-03, v33;
	v53 =	vmul.f32 v28, v28;
	_ =	sdelay $0x1  }
0xa0: {  	v33 =	vsub.f32 v33, v53;
	_ =	sdelay $0x1  }
0xa1: {  	v33 =	vmax.f32 v33, $0.0e+00  }
0xa2: {  	v33 =	vadd.f32 $9.999999960e-13, v33;
	_ =	sdelay $0x1  }
0xa3: {  	v33 =	vbroadcast v33, $0xF;
	_ =	sdelay $0x1  }
0xa4: {  	v54 =	vshrl.u32 v33, $0x1;
	v33 =	vmul.f32 $5.000000000e-01, v33  }
0xa5: {  	v34 =	vsub.s32 $0x5F3759DF, v54  }
0xa6: {  	v55 =	vmul.f32 v34, v33;
	_ =	sdelay $0x1  }
0xa7: {  	v35 =	vmul.f32 v34, v55;
	_ =	sdelay $0x1  }
0xa8: {  	v35 =	vsub.f32 $1.500000000e+00, v35;
	_ =	sdelay $0x1  }
0xa9: {  	v34 =	vmul.f32 v34, v35;
	_ =	sdelay $0x1  }
0xaa: {  	v33 =	vmul.f32 v34, v33;
	_ =	sdelay $0x1  }
0xab: {  	v33 =	vmul.f32 v33, v34;
	_ =	sdelay $0x1  }
0xac: {  	s15 =	sor.u32 $0x1, s4;
	v33 =	vsub.f32 $1.500000000e+00, v33  }
0xad: {  	v48 =	vmov s15  }
0xae: {  	v50 =	vand.u32 $0xFFFFFFF9, v48;
	v33 =	vmul.f32 v33, v34  }
0xaf: {  	v52 =	vbroadcast v50, $0x0  }
0xb0: {  	v28 =	vbroadcast v28, $0xF;
	v34 =	vmul.f32 v33, v0  }
0xb1: {  	v56 =	vmul.f32 v33, v1;
	v59 =	vmul.f32 v33, v2  }
0xb2: {  	v60 =	vmul.f32 v33, v3;
	v61 =	vmul.f32 v33, v4  }
0xb3: {  	v43 =	vmul.f32 v33, v5;
	v44 =	vmul.f32 v33, v6  }
0xb4: {  	v33 =	vmul.f32 v33, v7;
	v57 =	vmul.f32 v34, v28  }
0xb5: {  	v25 =	vmul.f32 v34, v25;
	v58 =	vmul.f32 v56, v28  }
0xb6: {  	v27 =	vmul.f32 v56, v27;
	v62 =	vmul.f32 v59, v28  }
0xb7: {  	v63 =	vmul.f32 v60, v28;
	v41 =	vmul.f32 v61, v28  }
0xb8: {  	v26 =	vmul.f32 v60, v26;
	v45 =	vmul.f32 v43, v28;
	v36 =	vsub.f32 v8, v57  }
0xb9: {  	v46 =	vmul.f32 v43, v31;
	v47 =	vmul.f32 v44, v28;
	v34 =	vsub.f32 v9, v58  }
0xba: {  	v28 =	vmul.f32 v33, v28;
	v42 =	vsub.f32 v11, v63;
	v25 =	vadd.f32 v36, v25  }
0xbb: {  	v51 =	vmul.f32 v44, v32;
	v31 =	vsub.f32 v14, v47;
	v27 =	vadd.f32 v34, v27  }
0xbc: {  	v24 =	vmul.f32 v33, v24;
	v53 =	vsub.f32 v15, v28;
	v26 =	vadd.f32 v42, v26;
	[tilespmem:s6+$0x8200] =	vst v25  }
0xbd: {  	v29 =	vmul.f32 v59, v29;
	v36 =	vsub.f32 v10, v62;
	v54 =	vadd.f32 v31, v51;
	[tilespmem:s6+$0x8210] =	vst v27  }
0xbe: {  	s17 =	sor.u32 s1, s15;
	v30 =	vmul.f32 v61, v30;
	v34 =	vsub.f32 v12, v41;
	v24 =	vadd.f32 v53, v24;
	[tilespmem:s6+$0x8230] =	vst v26  }
0xbf: {  	s18 =	smulhi.u32 $0x51EB851F, s17;
	v49 =	vsub.f32 v13, v45;
	v29 =	vadd.f32 v36, v29;
	[tilespmem:s6+$0x8260] =	vst v54  }
0xc0: {  	v30 =	vadd.f32 v34, v30;
	[tilespmem:s6+$0x8270] =	vst v24  }
0xc1: {  	s18 =	sshrl.u32 s18, $0x6;
	v25 =	vadd.f32 v49, v46;
	[tilespmem:s6+$0x8220] =	vst v29  }
0xc2: {  	s18 =	smul.u32 $0xC8, s18;
	[tilespmem:s6+$0x8240] =	vst v30  }
0xc3: {  	[tilespmem:s6+$0x8250] =	vst v25  }
0xc4: {  	s17 =	ssub.s32 s17, s18;
	s6 =	sshll.u32 s15, $0x7;
	v24 =	vld.idx.msk [tilespmem:v52+s20+$0x0], $0xffff  }
0xc5: {  	s17 =	sshll.u32 s17, $0x7;
	v25 =	vld [tilespmem:s6+$0x200]  }
0xc6: {  	v55 =	vld [tilespmem:s17+$0x10200]  }
0xc7: {  	v27 =	vld [tilespmem:s6+$0x210]  }
0xc8: {  	v56 =	vld [tilespmem:s17+$0x10210]  }
0xc9: {  	v57 =	vld [tilespmem:s6+$0x220]  }
0xca: {  	v30 =	vld [tilespmem:s17+$0x10220]  }
0xcb: {  	v58 =	vld [tilespmem:s6+$0x230]  }
0xcc: {  	v59 =	vld [tilespmem:s17+$0x10230]  }
0xcd: {  	v60 =	vld [tilespmem:s6+$0x240]  }
0xce: {  	v61 =	vld [tilespmem:s17+$0x10240]  }
0xcf: {  	v62 =	vld [tilespmem:s6+$0x250]  }
0xd0: {  	v63 =	vld [tilespmem:s17+$0x10250]  }
0xd1: {  	v44 =	vld [tilespmem:s6+$0x260]  }
0xd2: {  	v45 =	vld [tilespmem:s17+$0x10260]  }
0xd3: {  	v47 =	vld [tilespmem:s6+$0x270]  }
0xd4: {  	v50 =	vld [tilespmem:s17+$0x10270];
	v25 =	vadd.f32 v55, v25  }
0xd5: {  	v24 =	vcvt.s32.f32 v24;
	v27 =	vadd.f32 v56, v27;
	v29 =	vadd.f32 v30, v57  }
0xd6: {  	v51 =	vadd.f32 v59, v58;
	v53 =	vadd.f32 v61, v60  }
0xd7: {  	v55 =	vadd.f32 v63, v62;
	v46 =	vmul.f32 v24, v16;
	v48 =	vmul.f32 v24, v17  }
0xd8: {  	v57 =	vadd.f32 v45, v44;
	v49 =	vmul.f32 v24, v18;
	v52 =	vmul.f32 v24, v19  }
0xd9: {  	v28 =	vadd.f32 v50, v47;
	v54 =	vmul.f32 v24, v20;
	v56 =	vmul.f32 v24, v21  }
0xda: {  	v58 =	vmul.f32 v24, v22;
	v25 =	vadd.f32 v25, v46;
	v27 =	vadd.f32 v27, v48  }
0xdb: {  	v24 =	vmul.f32 v24, v23;
	v29 =	vadd.f32 v29, v49;
	v26 =	vadd.f32 v51, v52  }
0xdc: {  	v30 =	vadd.f32 v53, v54;
	v31 =	vadd.f32 v55, v56  }
0xdd: {  	v32 =	vadd.f32 v57, v58;
	v24 =	vadd.f32 v28, v24  }
0xde: {  	v59 =	vadd.f32 v27, v25;
	v60 =	vadd.f32 v26, v29;
	v62 =	vmul.f32 v25, v25  }
0xdf: {  	v61 =	vadd.f32 v31, v30;
	v63 =	vmul.f32 v27, v27;
	v45 =	vmul.f32 v29, v29  }
0xe0: {  	v44 =	vadd.f32 v24, v32;
	v46 =	vmul.f32 v26, v26;
	v47 =	vmul.f32 v30, v30  }
0xe1: {  	v48 =	vmul.f32 v31, v31;
	v49 =	vmul.f32 v32, v32  }
0xe2: {  	v50 =	vmul.f32 v24, v24;
	v28 =	vadd.f32 v60, v59;
	v34 =	vadd.f32 v44, v61  }
0xe3: {  	v35 =	vadd.f32 v63, v62;
	v51 =	vadd.f32 v46, v45  }
0xe4: {  	v33 =	vadd.f32 v48, v47;
	v37 =	vadd.f32 v50, v49  }
0xe5: {  	v28 =	vadd.f32 v34, v28  }
0xe6: {  	v52 =	vadd.f32 v51, v35;
	v33 =	vadd.f32 v37, v33;
	_ =	sdelay $0x1  }
0xe7: {  	v33 =	vadd.f32 v33, v52;
	(xrf2) =	vadd.scan.msk.f32 $0xffff, v28;
	_ =	sdelay $0x1  }
0xe8: {  	(xrf2) =	vadd.scan.msk.f32 $0xffff, v33;
	_ =	sdelay $0x7  }
0xe9: {  	v28, _, _ =	vpop (xrf2)  }
0xea: {  	v28 =	vmul.f32 $7.812500000e-03, v28  }
0xeb: {  	v33, _, _ =	vpop (xrf2)  }
0xec: {  	v33 =	vmul.f32 $7.812500000e-03, v33;
	v53 =	vmul.f32 v28, v28;
	_ =	sdelay $0x1  }
0xed: {  	v33 =	vsub.f32 v33, v53;
	_ =	sdelay $0x1  }
0xee: {  	v33 =	vmax.f32 v33, $0.0e+00  }
0xef: {  	v33 =	vadd.f32 $9.999999960e-13, v33;
	_ =	sdelay $0x1  }
0xf0: {  	v33 =	vbroadcast v33, $0xF;
	_ =	sdelay $0x1  }
0xf1: {  	v54 =	vshrl.u32 v33, $0x1;
	v33 =	vmul.f32 $5.000000000e-01, v33  }
0xf2: {  	v34 =	vsub.s32 $0x5F3759DF, v54  }
0xf3: {  	v55 =	vmul.f32 v34, v33;
	_ =	sdelay $0x1  }
0xf4: {  	v35 =	vmul.f32 v34, v55;
	_ =	sdelay $0x1  }
0xf5: {  	v35 =	vsub.f32 $1.500000000e+00, v35;
	_ =	sdelay $0x1  }
0xf6: {  	v34 =	vmul.f32 v34, v35;
	_ =	sdelay $0x1  }
0xf7: {  	v33 =	vmul.f32 v34, v33;
	_ =	sdelay $0x1  }
0xf8: {  	v33 =	vmul.f32 v33, v34;
	_ =	sdelay $0x1  }
0xf9: {  	s15 =	sor.u32 $0x2, s4;
	v33 =	vsub.f32 $1.500000000e+00, v33  }
0xfa: {  	v47 =	vmov s15  }
0xfb: {  	v49 =	vand.u32 $0xFFFFFFFA, v47;
	v33 =	vmul.f32 v33, v34  }
0xfc: {  	v51 =	vbroadcast v49, $0x0  }
0xfd: {  	v28 =	vbroadcast v28, $0xF;
	v34 =	vmul.f32 v33, v0  }
0xfe: {  	v56 =	vmul.f32 v33, v1;
	v59 =	vmul.f32 v33, v2  }
0xff: {  	v60 =	vmul.f32 v33, v3;
	v61 =	vmul.f32 v33, v4  }
0x100: {  	v42 =	vmul.f32 v33, v5;
	v43 =	vmul.f32 v33, v6  }
0x101: {  	v33 =	vmul.f32 v33, v7;
	v57 =	vmul.f32 v34, v28  }
0x102: {  	v25 =	vmul.f32 v34, v25;
	v58 =	vmul.f32 v56, v28  }
0x103: {  	v27 =	vmul.f32 v56, v27;
	v62 =	vmul.f32 v59, v28  }
0x104: {  	v63 =	vmul.f32 v60, v28;
	v40 =	vmul.f32 v61, v28  }
0x105: {  	v26 =	vmul.f32 v60, v26;
	v44 =	vmul.f32 v42, v28;
	v36 =	vsub.f32 v8, v57  }
0x106: {  	v45 =	vmul.f32 v42, v31;
	v46 =	vmul.f32 v43, v28;
	v34 =	vsub.f32 v9, v58  }
0x107: {  	v28 =	vmul.f32 v33, v28;
	v41 =	vsub.f32 v11, v63;
	v25 =	vadd.f32 v36, v25  }
0x108: {  	v50 =	vmul.f32 v43, v32;
	v31 =	vsub.f32 v14, v46;
	v27 =	vadd.f32 v34, v27  }
0x109: {  	v24 =	vmul.f32 v33, v24;
	v52 =	vsub.f32 v15, v28;
	v26 =	vadd.f32 v41, v26;
	[tilespmem:s6+$0x8200] =	vst v25  }
0x10a: {  	v29 =	vmul.f32 v59, v29;
	v36 =	vsub.f32 v10, v62;
	v53 =	vadd.f32 v31, v50;
	[tilespmem:s6+$0x8210] =	vst v27  }
0x10b: {  	s17 =	sor.u32 s1, s15;
	v30 =	vmul.f32 v61, v30;
	v34 =	vsub.f32 v12, v40;
	v24 =	vadd.f32 v52, v24;
	[tilespmem:s6+$0x8230] =	vst v26  }
0x10c: {  	s18 =	smulhi.u32 $0x51EB851F, s17;
	v48 =	vsub.f32 v13, v44;
	v29 =	vadd.f32 v36, v29;
	[tilespmem:s6+$0x8260] =	vst v53  }
0x10d: {  	v30 =	vadd.f32 v34, v30;
	[tilespmem:s6+$0x8270] =	vst v24  }
0x10e: {  	s18 =	sshrl.u32 s18, $0x6;
	v25 =	vadd.f32 v48, v45;
	[tilespmem:s6+$0x8220] =	vst v29  }
0x10f: {  	s18 =	smul.u32 $0xC8, s18;
	[tilespmem:s6+$0x8240] =	vst v30  }
0x110: {  	[tilespmem:s6+$0x8250] =	vst v25  }
0x111: {  	s17 =	ssub.s32 s17, s18;
	s6 =	sshll.u32 s15, $0x7;
	v24 =	vld.idx.msk [tilespmem:v51+s20+$0x0], $0xffff  }
0x112: {  	s18 =	sshll.u32 s17, $0x7;
	v25 =	vld [tilespmem:s6+$0x200]  }
0x113: {  	v54 =	vld [tilespmem:s18+$0x10200]  }
0x114: {  	v27 =	vld [tilespmem:s6+$0x210]  }
0x115: {  	v55 =	vld [tilespmem:s18+$0x10210]  }
0x116: {  	v56 =	vld [tilespmem:s6+$0x220]  }
0x117: {  	v30 =	vld [tilespmem:s18+$0x10220]  }
0x118: {  	v57 =	vld [tilespmem:s6+$0x230]  }
0x119: {  	v58 =	vld [tilespmem:s18+$0x10230]  }
0x11a: {  	v59 =	vld [tilespmem:s6+$0x240]  }
0x11b: {  	v60 =	vld [tilespmem:s18+$0x10240]  }
0x11c: {  	v61 =	vld [tilespmem:s6+$0x250]  }
0x11d: {  	v62 =	vld [tilespmem:s18+$0x10250]  }
0x11e: {  	v63 =	vld [tilespmem:s6+$0x260]  }
0x11f: {  	v44 =	vld [tilespmem:s18+$0x10260]  }
0x120: {  	v46 =	vld [tilespmem:s6+$0x270]  }
0x121: {  	v49 =	vld [tilespmem:s18+$0x10270];
	v25 =	vadd.f32 v54, v25  }
0x122: {  	v24 =	vcvt.s32.f32 v24;
	v27 =	vadd.f32 v55, v27;
	v29 =	vadd.f32 v30, v56  }
0x123: {  	v50 =	vadd.f32 v58, v57;
	v52 =	vadd.f32 v60, v59  }
0x124: {  	v54 =	vadd.f32 v62, v61;
	v45 =	vmul.f32 v24, v16;
	v47 =	vmul.f32 v24, v17  }
0x125: {  	v56 =	vadd.f32 v44, v63;
	v48 =	vmul.f32 v24, v18;
	v51 =	vmul.f32 v24, v19  }
0x126: {  	v28 =	vadd.f32 v49, v46;
	v53 =	vmul.f32 v24, v20;
	v55 =	vmul.f32 v24, v21  }
0x127: {  	v57 =	vmul.f32 v24, v22;
	v25 =	vadd.f32 v25, v45;
	v27 =	vadd.f32 v27, v47  }
0x128: {  	v24 =	vmul.f32 v24, v23;
	v29 =	vadd.f32 v29, v48;
	v26 =	vadd.f32 v50, v51  }
0x129: {  	v30 =	vadd.f32 v52, v53;
	v31 =	vadd.f32 v54, v55  }
0x12a: {  	v32 =	vadd.f32 v56, v57;
	v24 =	vadd.f32 v28, v24  }
0x12b: {  	v58 =	vadd.f32 v27, v25;
	v59 =	vadd.f32 v26, v29;
	v61 =	vmul.f32 v25, v25  }
0x12c: {  	v60 =	vadd.f32 v31, v30;
	v62 =	vmul.f32 v27, v27;
	v44 =	vmul.f32 v29, v29  }
0x12d: {  	v63 =	vadd.f32 v24, v32;
	v45 =	vmul.f32 v26, v26;
	v46 =	vmul.f32 v30, v30  }
0x12e: {  	v47 =	vmul.f32 v31, v31;
	v48 =	vmul.f32 v32, v32  }
0x12f: {  	v49 =	vmul.f32 v24, v24;
	v28 =	vadd.f32 v59, v58;
	v34 =	vadd.f32 v63, v60  }
0x130: {  	v35 =	vadd.f32 v62, v61;
	v50 =	vadd.f32 v45, v44  }
0x131: {  	v33 =	vadd.f32 v47, v46;
	v37 =	vadd.f32 v49, v48  }
0x132: {  	v28 =	vadd.f32 v34, v28  }
0x133: {  	v51 =	vadd.f32 v50, v35;
	v33 =	vadd.f32 v37, v33;
	_ =	sdelay $0x1  }
0x134: {  	v33 =	vadd.f32 v33, v51;
	(xrf2) =	vadd.scan.msk.f32 $0xffff, v28;
	_ =	sdelay $0x1  }
0x135: {  	(xrf2) =	vadd.scan.msk.f32 $0xffff, v33;
	_ =	sdelay $0x7  }
0x136: {  	v28, _, _ =	vpop (xrf2)  }
0x137: {  	v28 =	vmul.f32 $7.812500000e-03, v28  }
0x138: {  	v33, _, _ =	vpop (xrf2)  }
0x139: {  	v33 =	vmul.f32 $7.812500000e-03, v33;
	v52 =	vmul.f32 v28, v28;
	_ =	sdelay $0x1  }
0x13a: {  	v33 =	vsub.f32 v33, v52;
	_ =	sdelay $0x1  }
0x13b: {  	v33 =	vmax.f32 v33, $0.0e+00  }
0x13c: {  	v33 =	vadd.f32 $9.999999960e-13, v33;
	_ =	sdelay $0x1  }
0x13d: {  	v33 =	vbroadcast v33, $0xF;
	_ =	sdelay $0x1  }
0x13e: {  	v53 =	vshrl.u32 v33, $0x1;
	v33 =	vmul.f32 $5.000000000e-01, v33  }
0x13f: {  	v34 =	vsub.s32 $0x5F3759DF, v53  }
0x140: {  	v54 =	vmul.f32 v34, v33;
	_ =	sdelay $0x1  }
0x141: {  	v35 =	vmul.f32 v34, v54;
	_ =	sdelay $0x1  }
0x142: {  	v35 =	vsub.f32 $1.500000000e+00, v35;
	_ =	sdelay $0x1  }
0x143: {  	v34 =	vmul.f32 v34, v35;
	_ =	sdelay $0x1  }
0x144: {  	v33 =	vmul.f32 v34, v33;
	_ =	sdelay $0x1  }
0x145: {  	v33 =	vmul.f32 v33, v34;
	_ =	sdelay $0x1  }
0x146: {  	s15 =	sor.u32 $0x3, s4;
	v33 =	vsub.f32 $1.500000000e+00, v33  }
0x147: {  	v46 =	vmov s15  }
0x148: {  	v48 =	vand.u32 $0xFFFFFFFB, v46;
	v33 =	vmul.f32 v33, v34  }
0x149: {  	v50 =	vbroadcast v48, $0x0  }
0x14a: {  	v28 =	vbroadcast v28, $0xF;
	v34 =	vmul.f32 v33, v0  }
0x14b: {  	v55 =	vmul.f32 v33, v1;
	v58 =	vmul.f32 v33, v2  }
0x14c: {  	v59 =	vmul.f32 v33, v3;
	v60 =	vmul.f32 v33, v4  }
0x14d: {  	v41 =	vmul.f32 v33, v5;
	v42 =	vmul.f32 v33, v6  }
0x14e: {  	v33 =	vmul.f32 v33, v7;
	v56 =	vmul.f32 v34, v28  }
0x14f: {  	v25 =	vmul.f32 v34, v25;
	v57 =	vmul.f32 v55, v28  }
0x150: {  	v27 =	vmul.f32 v55, v27;
	v61 =	vmul.f32 v58, v28  }
0x151: {  	v62 =	vmul.f32 v59, v28;
	v63 =	vmul.f32 v60, v28  }
0x152: {  	v26 =	vmul.f32 v59, v26;
	v43 =	vmul.f32 v41, v28;
	v36 =	vsub.f32 v8, v56  }
0x153: {  	v44 =	vmul.f32 v41, v31;
	v45 =	vmul.f32 v42, v28;
	v34 =	vsub.f32 v9, v57  }
0x154: {  	v28 =	vmul.f32 v33, v28;
	v40 =	vsub.f32 v11, v62;
	v25 =	vadd.f32 v36, v25  }
0x155: {  	v49 =	vmul.f32 v42, v32;
	v31 =	vsub.f32 v14, v45;
	v27 =	vadd.f32 v34, v27  }
0x156: {  	v24 =	vmul.f32 v33, v24;
	v51 =	vsub.f32 v15, v28;
	v26 =	vadd.f32 v40, v26;
	[tilespmem:s6+$0x8200] =	vst v25  }
0x157: {  	v29 =	vmul.f32 v58, v29;
	v36 =	vsub.f32 v10, v61;
	v52 =	vadd.f32 v31, v49;
	[tilespmem:s6+$0x8210] =	vst v27  }
0x158: {  	s17 =	sor.u32 s1, s15;
	v30 =	vmul.f32 v60, v30;
	v34 =	vsub.f32 v12, v63;
	v24 =	vadd.f32 v51, v24;
	[tilespmem:s6+$0x8230] =	vst v26  }
0x159: {  	s18 =	smulhi.u32 $0x51EB851F, s17;
	v47 =	vsub.f32 v13, v43;
	v29 =	vadd.f32 v36, v29;
	[tilespmem:s6+$0x8260] =	vst v52  }
0x15a: {  	v30 =	vadd.f32 v34, v30;
	[tilespmem:s6+$0x8270] =	vst v24  }
0x15b: {  	s18 =	sshrl.u32 s18, $0x6;
	v25 =	vadd.f32 v47, v44;
	[tilespmem:s6+$0x8220] =	vst v29  }
0x15c: {  	s18 =	smul.u32 $0xC8, s18;
	[tilespmem:s6+$0x8240] =	vst v30  }
0x15d: {  	[tilespmem:s6+$0x8250] =	vst v25  }
0x15e: {  	s17 =	ssub.s32 s17, s18;
	s6 =	sshll.u32 s15, $0x7;
	v24 =	vld.idx.msk [tilespmem:v50+s20+$0x0], $0xffff  }
0x15f: {  	s17 =	sshll.u32 s17, $0x7;
	v25 =	vld [tilespmem:s6+$0x200]  }
0x160: {  	v53 =	vld [tilespmem:s17+$0x10200]  }
0x161: {  	v27 =	vld [tilespmem:s6+$0x210]  }
0x162: {  	v54 =	vld [tilespmem:s17+$0x10210]  }
0x163: {  	v55 =	vld [tilespmem:s6+$0x220]  }
0x164: {  	v30 =	vld [tilespmem:s17+$0x10220]  }
0x165: {  	v56 =	vld [tilespmem:s6+$0x230]  }
0x166: {  	v57 =	vld [tilespmem:s17+$0x10230]  }
0x167: {  	v58 =	vld [tilespmem:s6+$0x240]  }
0x168: {  	v59 =	vld [tilespmem:s17+$0x10240]  }
0x169: {  	v60 =	vld [tilespmem:s6+$0x250]  }
0x16a: {  	v61 =	vld [tilespmem:s17+$0x10250]  }
0x16b: {  	v62 =	vld [tilespmem:s6+$0x260]  }
0x16c: {  	v63 =	vld [tilespmem:s17+$0x10260]  }
0x16d: {  	v45 =	vld [tilespmem:s6+$0x270]  }
0x16e: {  	v48 =	vld [tilespmem:s17+$0x10270];
	v25 =	vadd.f32 v53, v25  }
0x16f: {  	v24 =	vcvt.s32.f32 v24;
	v27 =	vadd.f32 v54, v27;
	v29 =	vadd.f32 v30, v55  }
0x170: {  	v49 =	vadd.f32 v57, v56;
	v51 =	vadd.f32 v59, v58  }
0x171: {  	v53 =	vadd.f32 v61, v60;
	v44 =	vmul.f32 v24, v16;
	v46 =	vmul.f32 v24, v17  }
0x172: {  	v55 =	vadd.f32 v63, v62;
	v47 =	vmul.f32 v24, v18;
	v50 =	vmul.f32 v24, v19  }
0x173: {  	v28 =	vadd.f32 v48, v45;
	v52 =	vmul.f32 v24, v20;
	v54 =	vmul.f32 v24, v21  }
0x174: {  	v56 =	vmul.f32 v24, v22;
	v25 =	vadd.f32 v25, v44;
	v27 =	vadd.f32 v27, v46  }
0x175: {  	v24 =	vmul.f32 v24, v23;
	v29 =	vadd.f32 v29, v47;
	v26 =	vadd.f32 v49, v50  }
0x176: {  	v30 =	vadd.f32 v51, v52;
	v31 =	vadd.f32 v53, v54  }
0x177: {  	v32 =	vadd.f32 v55, v56;
	v24 =	vadd.f32 v28, v24  }
0x178: {  	v57 =	vadd.f32 v27, v25;
	v58 =	vadd.f32 v26, v29;
	v60 =	vmul.f32 v25, v25  }
0x179: {  	v59 =	vadd.f32 v31, v30;
	v61 =	vmul.f32 v27, v27;
	v63 =	vmul.f32 v29, v29  }
0x17a: {  	v62 =	vadd.f32 v24, v32;
	v44 =	vmul.f32 v26, v26;
	v45 =	vmul.f32 v30, v30  }
0x17b: {  	v46 =	vmul.f32 v31, v31;
	v47 =	vmul.f32 v32, v32  }
0x17c: {  	v48 =	vmul.f32 v24, v24;
	v28 =	vadd.f32 v58, v57;
	v34 =	vadd.f32 v62, v59  }
0x17d: {  	v35 =	vadd.f32 v61, v60;
	v49 =	vadd.f32 v44, v63  }
0x17e: {  	v33 =	vadd.f32 v46, v45;
	v37 =	vadd.f32 v48, v47  }
0x17f: {  	v28 =	vadd.f32 v34, v28  }
0x180: {  	v50 =	vadd.f32 v49, v35;
	v33 =	vadd.f32 v37, v33;
	_ =	sdelay $0x1  }
0x181: {  	v33 =	vadd.f32 v33, v50;
	(xrf2) =	vadd.scan.msk.f32 $0xffff, v28;
	_ =	sdelay $0x1  }
0x182: {  	(xrf2) =	vadd.scan.msk.f32 $0xffff, v33;
	_ =	sdelay $0x7  }
0x183: {  	v28, _, _ =	vpop (xrf2)  }
0x184: {  	v28 =	vmul.f32 $7.812500000e-03, v28  }
0x185: {  	v33, _, _ =	vpop (xrf2)  }
0x186: {  	v33 =	vmul.f32 $7.812500000e-03, v33;
	v51 =	vmul.f32 v28, v28;
	_ =	sdelay $0x1  }
0x187: {  	v33 =	vsub.f32 v33, v51;
	_ =	sdelay $0x1  }
0x188: {  	v33 =	vmax.f32 v33, $0.0e+00  }
0x189: {  	v33 =	vadd.f32 $9.999999960e-13, v33;
	_ =	sdelay $0x1  }
0x18a: {  	v33 =	vbroadcast v33, $0xF;
	_ =	sdelay $0x1  }
0x18b: {  	v52 =	vshrl.u32 v33, $0x1;
	v33 =	vmul.f32 $5.000000000e-01, v33  }
0x18c: {  	v34 =	vsub.s32 $0x5F3759DF, v52  }
0x18d: {  	v53 =	vmul.f32 v34, v33;
	_ =	sdelay $0x1  }
0x18e: {  	v35 =	vmul.f32 v34, v53;
	_ =	sdelay $0x1  }
0x18f: {  	v35 =	vsub.f32 $1.500000000e+00, v35;
	_ =	sdelay $0x1  }
0x190: {  	v34 =	vmul.f32 v34, v35;
	_ =	sdelay $0x1  }
0x191: {  	v33 =	vmul.f32 v34, v33;
	_ =	sdelay $0x1  }
0x192: {  	v33 =	vmul.f32 v33, v34;
	_ =	sdelay $0x1  }
0x193: {  	s15 =	sor.u32 $0x4, s4;
	v33 =	vsub.f32 $1.500000000e+00, v33  }
0x194: {  	v45 =	vmov s15  }
0x195: {  	v47 =	vand.u32 $0xFFFFFFFC, v45;
	v33 =	vmul.f32 v33, v34  }
0x196: {  	v49 =	vbroadcast v47, $0x0  }
0x197: {  	v28 =	vbroadcast v28, $0xF;
	v34 =	vmul.f32 v33, v0  }
0x198: {  	v54 =	vmul.f32 v33, v1;
	v57 =	vmul.f32 v33, v2  }
0x199: {  	v58 =	vmul.f32 v33, v3;
	v59 =	vmul.f32 v33, v4  }
0x19a: {  	v40 =	vmul.f32 v33, v5;
	v41 =	vmul.f32 v33, v6  }
0x19b: {  	v33 =	vmul.f32 v33, v7;
	v55 =	vmul.f32 v34, v28  }
0x19c: {  	v25 =	vmul.f32 v34, v25;
	v56 =	vmul.f32 v54, v28  }
0x19d: {  	v27 =	vmul.f32 v54, v27;
	v60 =	vmul.f32 v57, v28  }
0x19e: {  	v61 =	vmul.f32 v58, v28;
	v62 =	vmul.f32 v59, v28  }
0x19f: {  	v26 =	vmul.f32 v58, v26;
	v42 =	vmul.f32 v40, v28;
	v36 =	vsub.f32 v8, v55  }
0x1a0: {  	v43 =	vmul.f32 v40, v31;
	v44 =	vmul.f32 v41, v28;
	v34 =	vsub.f32 v9, v56  }
0x1a1: {  	v28 =	vmul.f32 v33, v28;
	v63 =	vsub.f32 v11, v61;
	v25 =	vadd.f32 v36, v25  }
0x1a2: {  	v48 =	vmul.f32 v41, v32;
	v31 =	vsub.f32 v14, v44;
	v27 =	vadd.f32 v34, v27  }
0x1a3: {  	v24 =	vmul.f32 v33, v24;
	v50 =	vsub.f32 v15, v28;
	v26 =	vadd.f32 v63, v26;
	[tilespmem:s6+$0x8200] =	vst v25  }
0x1a4: {  	v29 =	vmul.f32 v57, v29;
	v36 =	vsub.f32 v10, v60;
	v51 =	vadd.f32 v31, v48;
	[tilespmem:s6+$0x8210] =	vst v27  }
0x1a5: {  	s17 =	sor.u32 s1, s15;
	v30 =	vmul.f32 v59, v30;
	v34 =	vsub.f32 v12, v62;
	v24 =	vadd.f32 v50, v24;
	[tilespmem:s6+$0x8230] =	vst v26  }
0x1a6: {  	s18 =	smulhi.u32 $0x51EB851F, s17;
	v46 =	vsub.f32 v13, v42;
	v29 =	vadd.f32 v36, v29;
	[tilespmem:s6+$0x8260] =	vst v51  }
0x1a7: {  	v30 =	vadd.f32 v34, v30;
	[tilespmem:s6+$0x8270] =	vst v24  }
0x1a8: {  	s18 =	sshrl.u32 s18, $0x6;
	v25 =	vadd.f32 v46, v43;
	[tilespmem:s6+$0x8220] =	vst v29  }
0x1a9: {  	s18 =	smul.u32 $0xC8, s18;
	[tilespmem:s6+$0x8240] =	vst v30  }
0x1aa: {  	[tilespmem:s6+$0x8250] =	vst v25  }
0x1ab: {  	s17 =	ssub.s32 s17, s18;
	s6 =	sshll.u32 s15, $0x7;
	v24 =	vld.idx.msk [tilespmem:v49+s20+$0x0], $0xffff  }
0x1ac: {  	s18 =	sshll.u32 s17, $0x7;
	v25 =	vld [tilespmem:s6+$0x200]  }
0x1ad: {  	v52 =	vld [tilespmem:s18+$0x10200]  }
0x1ae: {  	v27 =	vld [tilespmem:s6+$0x210]  }
0x1af: {  	v53 =	vld [tilespmem:s18+$0x10210]  }
0x1b0: {  	v54 =	vld [tilespmem:s6+$0x220]  }
0x1b1: {  	v30 =	vld [tilespmem:s18+$0x10220]  }
0x1b2: {  	v55 =	vld [tilespmem:s6+$0x230]  }
0x1b3: {  	v56 =	vld [tilespmem:s18+$0x10230]  }
0x1b4: {  	v57 =	vld [tilespmem:s6+$0x240]  }
0x1b5: {  	v58 =	vld [tilespmem:s18+$0x10240]  }
0x1b6: {  	v59 =	vld [tilespmem:s6+$0x250]  }
0x1b7: {  	v60 =	vld [tilespmem:s18+$0x10250]  }
0x1b8: {  	v61 =	vld [tilespmem:s6+$0x260]  }
0x1b9: {  	v62 =	vld [tilespmem:s18+$0x10260]  }
0x1ba: {  	v44 =	vld [tilespmem:s6+$0x270]  }
0x1bb: {  	v47 =	vld [tilespmem:s18+$0x10270];
	v25 =	vadd.f32 v52, v25  }
0x1bc: {  	v24 =	vcvt.s32.f32 v24;
	v27 =	vadd.f32 v53, v27;
	v29 =	vadd.f32 v30, v54  }
0x1bd: {  	v48 =	vadd.f32 v56, v55;
	v50 =	vadd.f32 v58, v57  }
0x1be: {  	v52 =	vadd.f32 v60, v59;
	v63 =	vmul.f32 v24, v16;
	v45 =	vmul.f32 v24, v17  }
0x1bf: {  	v54 =	vadd.f32 v62, v61;
	v46 =	vmul.f32 v24, v18;
	v49 =	vmul.f32 v24, v19  }
0x1c0: {  	v28 =	vadd.f32 v47, v44;
	v51 =	vmul.f32 v24, v20;
	v53 =	vmul.f32 v24, v21  }
0x1c1: {  	v55 =	vmul.f32 v24, v22;
	v25 =	vadd.f32 v25, v63;
	v27 =	vadd.f32 v27, v45  }
0x1c2: {  	v24 =	vmul.f32 v24, v23;
	v29 =	vadd.f32 v29, v46;
	v26 =	vadd.f32 v48, v49  }
0x1c3: {  	v30 =	vadd.f32 v50, v51;
	v31 =	vadd.f32 v52, v53  }
0x1c4: {  	v32 =	vadd.f32 v54, v55;
	v24 =	vadd.f32 v28, v24  }
0x1c5: {  	v56 =	vadd.f32 v27, v25;
	v57 =	vadd.f32 v26, v29;
	v59 =	vmul.f32 v25, v25  }
0x1c6: {  	v58 =	vadd.f32 v31, v30;
	v60 =	vmul.f32 v27, v27;
	v62 =	vmul.f32 v29, v29  }
0x1c7: {  	v61 =	vadd.f32 v24, v32;
	v63 =	vmul.f32 v26, v26;
	v44 =	vmul.f32 v30, v30  }
0x1c8: {  	v45 =	vmul.f32 v31, v31;
	v46 =	vmul.f32 v32, v32  }
0x1c9: {  	v47 =	vmul.f32 v24, v24;
	v28 =	vadd.f32 v57, v56;
	v34 =	vadd.f32 v61, v58  }
0x1ca: {  	v35 =	vadd.f32 v60, v59;
	v48 =	vadd.f32 v63, v62  }
0x1cb: {  	v33 =	vadd.f32 v45, v44;
	v37 =	vadd.f32 v47, v46  }
0x1cc: {  	v28 =	vadd.f32 v34, v28  }
0x1cd: {  	v49 =	vadd.f32 v48, v35;
	v33 =	vadd.f32 v37, v33;
	_ =	sdelay $0x1  }
0x1ce: {  	v33 =	vadd.f32 v33, v49;
	(xrf2) =	vadd.scan.msk.f32 $0xffff, v28;
	_ =	sdelay $0x1  }
0x1cf: {  	(xrf2) =	vadd.scan.msk.f32 $0xffff, v33;
	_ =	sdelay $0x7  }
0x1d0: {  	v28, _, _ =	vpop (xrf2)  }
0x1d1: {  	v28 =	vmul.f32 $7.812500000e-03, v28  }
0x1d2: {  	v33, _, _ =	vpop (xrf2)  }
0x1d3: {  	v33 =	vmul.f32 $7.812500000e-03, v33;
	v50 =	vmul.f32 v28, v28;
	_ =	sdelay $0x1  }
0x1d4: {  	v33 =	vsub.f32 v33, v50;
	_ =	sdelay $0x1  }
0x1d5: {  	v33 =	vmax.f32 v33, $0.0e+00  }
0x1d6: {  	v33 =	vadd.f32 $9.999999960e-13, v33;
	_ =	sdelay $0x1  }
0x1d7: {  	v33 =	vbroadcast v33, $0xF;
	_ =	sdelay $0x1  }
0x1d8: {  	v51 =	vshrl.u32 v33, $0x1;
	v33 =	vmul.f32 $5.000000000e-01, v33  }
0x1d9: {  	v34 =	vsub.s32 $0x5F3759DF, v51  }
0x1da: {  	v52 =	vmul.f32 v34, v33;
	_ =	sdelay $0x1  }
0x1db: {  	v35 =	vmul.f32 v34, v52;
	_ =	sdelay $0x1  }
0x1dc: {  	v35 =	vsub.f32 $1.500000000e+00, v35;
	_ =	sdelay $0x1  }
0x1dd: {  	v34 =	vmul.f32 v34, v35;
	_ =	sdelay $0x1  }
0x1de: {  	v33 =	vmul.f32 v34, v33;
	_ =	sdelay $0x1  }
0x1df: {  	v33 =	vmul.f32 v33, v34;
	_ =	sdelay $0x1  }
0x1e0: {  	s15 =	sor.u32 $0x5, s4;
	v33 =	vsub.f32 $1.500000000e+00, v33  }
0x1e1: {  	v44 =	vmov s15  }
0x1e2: {  	v46 =	vand.u32 $0xFFFFFFFD, v44;
	v33 =	vmul.f32 v33, v34  }
0x1e3: {  	v48 =	vbroadcast v46, $0x0  }
0x1e4: {  	v28 =	vbroadcast v28, $0xF;
	v34 =	vmul.f32 v33, v0  }
0x1e5: {  	v53 =	vmul.f32 v33, v1;
	v56 =	vmul.f32 v33, v2  }
0x1e6: {  	v57 =	vmul.f32 v33, v3;
	v58 =	vmul.f32 v33, v4  }
0x1e7: {  	v63 =	vmul.f32 v33, v5;
	v40 =	vmul.f32 v33, v6  }
0x1e8: {  	v33 =	vmul.f32 v33, v7;
	v54 =	vmul.f32 v34, v28  }
0x1e9: {  	v25 =	vmul.f32 v34, v25;
	v55 =	vmul.f32 v53, v28  }
0x1ea: {  	v27 =	vmul.f32 v53, v27;
	v59 =	vmul.f32 v56, v28  }
0x1eb: {  	v60 =	vmul.f32 v57, v28;
	v61 =	vmul.f32 v58, v28  }
0x1ec: {  	v26 =	vmul.f32 v57, v26;
	v41 =	vmul.f32 v63, v28;
	v36 =	vsub.f32 v8, v54  }
0x1ed: {  	v42 =	vmul.f32 v63, v31;
	v43 =	vmul.f32 v40, v28;
	v34 =	vsub.f32 v9, v55  }
0x1ee: {  	v28 =	vmul.f32 v33, v28;
	v62 =	vsub.f32 v11, v60;
	v25 =	vadd.f32 v36, v25  }
0x1ef: {  	v47 =	vmul.f32 v40, v32;
	v31 =	vsub.f32 v14, v43;
	v27 =	vadd.f32 v34, v27  }
0x1f0: {  	v24 =	vmul.f32 v33, v24;
	v49 =	vsub.f32 v15, v28;
	v26 =	vadd.f32 v62, v26;
	[tilespmem:s6+$0x8200] =	vst v25  }
0x1f1: {  	v29 =	vmul.f32 v56, v29;
	v36 =	vsub.f32 v10, v59;
	v50 =	vadd.f32 v31, v47;
	[tilespmem:s6+$0x8210] =	vst v27  }
0x1f2: {  	s17 =	sor.u32 s1, s15;
	v30 =	vmul.f32 v58, v30;
	v34 =	vsub.f32 v12, v61;
	v24 =	vadd.f32 v49, v24;
	[tilespmem:s6+$0x8230] =	vst v26  }
0x1f3: {  	s18 =	smulhi.u32 $0x51EB851F, s17;
	v45 =	vsub.f32 v13, v41;
	v29 =	vadd.f32 v36, v29;
	[tilespmem:s6+$0x8260] =	vst v50  }
0x1f4: {  	v30 =	vadd.f32 v34, v30;
	[tilespmem:s6+$0x8270] =	vst v24  }
0x1f5: {  	s18 =	sshrl.u32 s18, $0x6;
	v25 =	vadd.f32 v45, v42;
	[tilespmem:s6+$0x8220] =	vst v29  }
0x1f6: {  	s18 =	smul.u32 $0xC8, s18;
	[tilespmem:s6+$0x8240] =	vst v30  }
0x1f7: {  	[tilespmem:s6+$0x8250] =	vst v25  }
0x1f8: {  	s17 =	ssub.s32 s17, s18;
	s6 =	sshll.u32 s15, $0x7;
	v24 =	vld.idx.msk [tilespmem:v48+s20+$0x0], $0xffff  }
0x1f9: {  	s17 =	sshll.u32 s17, $0x7;
	v25 =	vld [tilespmem:s6+$0x200]  }
0x1fa: {  	v51 =	vld [tilespmem:s17+$0x10200]  }
0x1fb: {  	v27 =	vld [tilespmem:s6+$0x210]  }
0x1fc: {  	v52 =	vld [tilespmem:s17+$0x10210]  }
0x1fd: {  	v53 =	vld [tilespmem:s6+$0x220]  }
0x1fe: {  	v30 =	vld [tilespmem:s17+$0x10220]  }
0x1ff: {  	v54 =	vld [tilespmem:s6+$0x230]  }
0x200: {  	v55 =	vld [tilespmem:s17+$0x10230]  }
0x201: {  	v56 =	vld [tilespmem:s6+$0x240]  }
0x202: {  	v57 =	vld [tilespmem:s17+$0x10240]  }
0x203: {  	v58 =	vld [tilespmem:s6+$0x250]  }
0x204: {  	v59 =	vld [tilespmem:s17+$0x10250]  }
0x205: {  	v60 =	vld [tilespmem:s6+$0x260]  }
0x206: {  	v61 =	vld [tilespmem:s17+$0x10260]  }
0x207: {  	v63 =	vld [tilespmem:s6+$0x270]  }
0x208: {  	v46 =	vld [tilespmem:s17+$0x10270];
	v25 =	vadd.f32 v51, v25  }
0x209: {  	v24 =	vcvt.s32.f32 v24;
	v27 =	vadd.f32 v52, v27;
	v29 =	vadd.f32 v30, v53  }
0x20a: {  	v47 =	vadd.f32 v55, v54;
	v49 =	vadd.f32 v57, v56  }
0x20b: {  	v51 =	vadd.f32 v59, v58;
	v62 =	vmul.f32 v24, v16;
	v44 =	vmul.f32 v24, v17  }
0x20c: {  	v53 =	vadd.f32 v61, v60;
	v45 =	vmul.f32 v24, v18;
	v48 =	vmul.f32 v24, v19  }
0x20d: {  	v28 =	vadd.f32 v46, v63;
	v50 =	vmul.f32 v24, v20;
	v52 =	vmul.f32 v24, v21  }
0x20e: {  	v54 =	vmul.f32 v24, v22;
	v25 =	vadd.f32 v25, v62;
	v27 =	vadd.f32 v27, v44  }
0x20f: {  	v24 =	vmul.f32 v24, v23;
	v29 =	vadd.f32 v29, v45;
	v26 =	vadd.f32 v47, v48  }
0x210: {  	v30 =	vadd.f32 v49, v50;
	v31 =	vadd.f32 v51, v52  }
0x211: {  	v32 =	vadd.f32 v53, v54;
	v24 =	vadd.f32 v28, v24  }
0x212: {  	v55 =	vadd.f32 v27, v25;
	v56 =	vadd.f32 v26, v29;
	v58 =	vmul.f32 v25, v25  }
0x213: {  	v57 =	vadd.f32 v31, v30;
	v59 =	vmul.f32 v27, v27;
	v61 =	vmul.f32 v29, v29  }
0x214: {  	v60 =	vadd.f32 v24, v32;
	v62 =	vmul.f32 v26, v26;
	v63 =	vmul.f32 v30, v30  }
0x215: {  	v44 =	vmul.f32 v31, v31;
	v45 =	vmul.f32 v32, v32  }
0x216: {  	v46 =	vmul.f32 v24, v24;
	v28 =	vadd.f32 v56, v55;
	v34 =	vadd.f32 v60, v57  }
0x217: {  	v35 =	vadd.f32 v59, v58;
	v47 =	vadd.f32 v62, v61  }
0x218: {  	v33 =	vadd.f32 v44, v63;
	v37 =	vadd.f32 v46, v45  }
0x219: {  	v28 =	vadd.f32 v34, v28  }
0x21a: {  	v48 =	vadd.f32 v47, v35;
	v33 =	vadd.f32 v37, v33;
	_ =	sdelay $0x1  }
0x21b: {  	v33 =	vadd.f32 v33, v48;
	(xrf2) =	vadd.scan.msk.f32 $0xffff, v28;
	_ =	sdelay $0x1  }
0x21c: {  	(xrf2) =	vadd.scan.msk.f32 $0xffff, v33;
	_ =	sdelay $0x7  }
0x21d: {  	v28, _, _ =	vpop (xrf2)  }
0x21e: {  	v28 =	vmul.f32 $7.812500000e-03, v28  }
0x21f: {  	v33, _, _ =	vpop (xrf2)  }
0x220: {  	v33 =	vmul.f32 $7.812500000e-03, v33;
	v49 =	vmul.f32 v28, v28;
	_ =	sdelay $0x1  }
0x221: {  	v33 =	vsub.f32 v33, v49;
	_ =	sdelay $0x1  }
0x222: {  	v33 =	vmax.f32 v33, $0.0e+00  }
0x223: {  	v33 =	vadd.f32 $9.999999960e-13, v33;
	_ =	sdelay $0x1  }
0x224: {  	v33 =	vbroadcast v33, $0xF;
	_ =	sdelay $0x1  }
0x225: {  	v50 =	vshrl.u32 v33, $0x1;
	v33 =	vmul.f32 $5.000000000e-01, v33  }
0x226: {  	v34 =	vsub.s32 $0x5F3759DF, v50  }
0x227: {  	v51 =	vmul.f32 v34, v33;
	_ =	sdelay $0x1  }
0x228: {  	v35 =	vmul.f32 v34, v51;
	_ =	sdelay $0x1  }
0x229: {  	v35 =	vsub.f32 $1.500000000e+00, v35;
	_ =	sdelay $0x1  }
0x22a: {  	v34 =	vmul.f32 v34, v35;
	_ =	sdelay $0x1  }
0x22b: {  	v33 =	vmul.f32 v34, v33;
	_ =	sdelay $0x1  }
0x22c: {  	v33 =	vmul.f32 v33, v34;
	_ =	sdelay $0x1  }
0x22d: {  	s15 =	sor.u32 $0x6, s4;
	v33 =	vsub.f32 $1.500000000e+00, v33  }
0x22e: {  	v41 =	vmov s15  }
0x22f: {  	v43 =	vand.u32 $0xFFFFFFFE, v41;
	v33 =	vmul.f32 v33, v34  }
0x230: {  	v45 =	vbroadcast v43, $0x0  }
0x231: {  	v28 =	vbroadcast v28, $0xF;
	v34 =	vmul.f32 v33, v0  }
0x232: {  	v52 =	vmul.f32 v33, v1;
	v55 =	vmul.f32 v33, v2  }
0x233: {  	v56 =	vmul.f32 v33, v3;
	v57 =	vmul.f32 v33, v4  }
0x234: {  	v62 =	vmul.f32 v33, v5;
	v63 =	vmul.f32 v33, v6  }
0x235: {  	v33 =	vmul.f32 v33, v7;
	v53 =	vmul.f32 v34, v28  }
0x236: {  	v25 =	vmul.f32 v34, v25;
	v54 =	vmul.f32 v52, v28  }
0x237: {  	v27 =	vmul.f32 v52, v27;
	v58 =	vmul.f32 v55, v28  }
0x238: {  	v59 =	vmul.f32 v56, v28;
	v60 =	vmul.f32 v57, v28  }
0x239: {  	v26 =	vmul.f32 v56, v26;
	v38 =	vmul.f32 v62, v28;
	v36 =	vsub.f32 v8, v53  }
0x23a: {  	v39 =	vmul.f32 v62, v31;
	v40 =	vmul.f32 v63, v28;
	v34 =	vsub.f32 v9, v54  }
0x23b: {  	v28 =	vmul.f32 v33, v28;
	v61 =	vsub.f32 v11, v59;
	v25 =	vadd.f32 v36, v25  }
0x23c: {  	v44 =	vmul.f32 v63, v32;
	v31 =	vsub.f32 v14, v40;
	v27 =	vadd.f32 v34, v27  }
0x23d: {  	v24 =	vmul.f32 v33, v24;
	v46 =	vsub.f32 v15, v28;
	v26 =	vadd.f32 v61, v26;
	[tilespmem:s6+$0x8200] =	vst v25  }
0x23e: {  	v29 =	vmul.f32 v55, v29;
	v36 =	vsub.f32 v10, v58;
	v47 =	vadd.f32 v31, v44;
	[tilespmem:s6+$0x8210] =	vst v27  }
0x23f: {  	s17 =	sor.u32 s1, s15;
	v30 =	vmul.f32 v57, v30;
	v34 =	vsub.f32 v12, v60;
	v24 =	vadd.f32 v46, v24;
	[tilespmem:s6+$0x8230] =	vst v26  }
0x240: {  	s18 =	smulhi.u32 $0x51EB851F, s17;
	v42 =	vsub.f32 v13, v38;
	v29 =	vadd.f32 v36, v29;
	[tilespmem:s6+$0x8260] =	vst v47  }
0x241: {  	v30 =	vadd.f32 v34, v30;
	[tilespmem:s6+$0x8270] =	vst v24  }
0x242: {  	s18 =	sshrl.u32 s18, $0x6;
	v25 =	vadd.f32 v42, v39;
	[tilespmem:s6+$0x8220] =	vst v29  }
0x243: {  	s18 =	smul.u32 $0xC8, s18;
	[tilespmem:s6+$0x8240] =	vst v30  }
0x244: {  	[tilespmem:s6+$0x8250] =	vst v25  }
0x245: {  	s17 =	ssub.s32 s17, s18;
	s6 =	sshll.u32 s15, $0x7;
	v24 =	vld.idx.msk [tilespmem:v45+s20+$0x0], $0xffff  }
0x246: {  	s18 =	sshll.u32 s17, $0x7;
	v25 =	vld [tilespmem:s6+$0x200]  }
0x247: {  	v48 =	vld [tilespmem:s18+$0x10200]  }
0x248: {  	v27 =	vld [tilespmem:s6+$0x210]  }
0x249: {  	v49 =	vld [tilespmem:s18+$0x10210]  }
0x24a: {  	v50 =	vld [tilespmem:s6+$0x220]  }
0x24b: {  	v30 =	vld [tilespmem:s18+$0x10220]  }
0x24c: {  	v51 =	vld [tilespmem:s6+$0x230]  }
0x24d: {  	v52 =	vld [tilespmem:s18+$0x10230]  }
0x24e: {  	v53 =	vld [tilespmem:s6+$0x240]  }
0x24f: {  	v54 =	vld [tilespmem:s18+$0x10240]  }
0x250: {  	v55 =	vld [tilespmem:s6+$0x250]  }
0x251: {  	v56 =	vld [tilespmem:s18+$0x10250]  }
0x252: {  	v57 =	vld [tilespmem:s6+$0x260]  }
0x253: {  	v58 =	vld [tilespmem:s18+$0x10260]  }
0x254: {  	v60 =	vld [tilespmem:s6+$0x270]  }
0x255: {  	v63 =	vld [tilespmem:s18+$0x10270];
	v25 =	vadd.f32 v48, v25  }
0x256: {  	v24 =	vcvt.s32.f32 v24;
	v27 =	vadd.f32 v49, v27;
	v29 =	vadd.f32 v30, v50  }
0x257: {  	v44 =	vadd.f32 v52, v51;
	v46 =	vadd.f32 v54, v53  }
0x258: {  	v48 =	vadd.f32 v56, v55;
	v59 =	vmul.f32 v24, v16;
	v61 =	vmul.f32 v24, v17  }
0x259: {  	v50 =	vadd.f32 v58, v57;
	v62 =	vmul.f32 v24, v18;
	v45 =	vmul.f32 v24, v19  }
0x25a: {  	v28 =	vadd.f32 v63, v60;
	v47 =	vmul.f32 v24, v20;
	v49 =	vmul.f32 v24, v21  }
0x25b: {  	v51 =	vmul.f32 v24, v22;
	v25 =	vadd.f32 v25, v59;
	v27 =	vadd.f32 v27, v61  }
0x25c: {  	v24 =	vmul.f32 v24, v23;
	v29 =	vadd.f32 v29, v62;
	v26 =	vadd.f32 v44, v45  }
0x25d: {  	v30 =	vadd.f32 v46, v47;
	v31 =	vadd.f32 v48, v49  }
0x25e: {  	v32 =	vadd.f32 v50, v51;
	v24 =	vadd.f32 v28, v24  }
0x25f: {  	v52 =	vadd.f32 v27, v25;
	v53 =	vadd.f32 v26, v29;
	v55 =	vmul.f32 v25, v25  }
0x260: {  	v54 =	vadd.f32 v31, v30;
	v56 =	vmul.f32 v27, v27;
	v58 =	vmul.f32 v29, v29  }
0x261: {  	v57 =	vadd.f32 v24, v32;
	v59 =	vmul.f32 v26, v26;
	v60 =	vmul.f32 v30, v30  }
0x262: {  	v61 =	vmul.f32 v31, v31;
	v62 =	vmul.f32 v32, v32  }
0x263: {  	v63 =	vmul.f32 v24, v24;
	v28 =	vadd.f32 v53, v52;
	v34 =	vadd.f32 v57, v54  }
0x264: {  	v35 =	vadd.f32 v56, v55;
	v43 =	vadd.f32 v59, v58  }
0x265: {  	v33 =	vadd.f32 v61, v60;
	v37 =	vadd.f32 v63, v62  }
0x266: {  	v28 =	vadd.f32 v34, v28  }
0x267: {  	v44 =	vadd.f32 v43, v35;
	v33 =	vadd.f32 v37, v33;
	_ =	sdelay $0x1  }
0x268: {  	v33 =	vadd.f32 v33, v44;
	(xrf2) =	vadd.scan.msk.f32 $0xffff, v28;
	_ =	sdelay $0x1  }
0x269: {  	(xrf2) =	vadd.scan.msk.f32 $0xffff, v33;
	_ =	sdelay $0x7  }
0x26a: {  	v28, _, _ =	vpop (xrf2)  }
0x26b: {  	v28 =	vmul.f32 $7.812500000e-03, v28  }
0x26c: {  	v33, _, _ =	vpop (xrf2)  }
0x26d: {  	v33 =	vmul.f32 $7.812500000e-03, v33;
	v45 =	vmul.f32 v28, v28;
	_ =	sdelay $0x1  }
0x26e: {  	v33 =	vsub.f32 v33, v45;
	_ =	sdelay $0x1  }
0x26f: {  	v33 =	vmax.f32 v33, $0.0e+00  }
0x270: {  	v33 =	vadd.f32 $9.999999960e-13, v33;
	_ =	sdelay $0x1  }
0x271: {  	v33 =	vbroadcast v33, $0xF;
	_ =	sdelay $0x1  }
0x272: {  	v46 =	vshrl.u32 v33, $0x1;
	v33 =	vmul.f32 $5.000000000e-01, v33  }
0x273: {  	v34 =	vsub.s32 $0x5F3759DF, v46  }
0x274: {  	v47 =	vmul.f32 v34, v33;
	_ =	sdelay $0x1  }
0x275: {  	v35 =	vmul.f32 v34, v47;
	_ =	sdelay $0x1  }
0x276: {  	v35 =	vsub.f32 $1.500000000e+00, v35;
	_ =	sdelay $0x1  }
0x277: {  	v34 =	vmul.f32 v34, v35;
	_ =	sdelay $0x1  }
0x278: {  	v33 =	vmul.f32 v34, v33;
	_ =	sdelay $0x1  }
0x279: {  	v33 =	vmul.f32 v33, v34;
	_ =	sdelay $0x1  }
0x27a: {  	v33 =	vsub.f32 $1.500000000e+00, v33;
	_ =	sdelay $0x1  }
0x27b: {  	v33 =	vmul.f32 v33, v34  }
0x27c: {  	v28 =	vbroadcast v28, $0xF  }
0x27d: {  	v34 =	vmul.f32 v33, v0;
	v49 =	vmul.f32 v33, v1  }
0x27e: {  	v51 =	vmul.f32 v33, v2;
	v55 =	vmul.f32 v33, v3  }
0x27f: {  	v56 =	vmul.f32 v33, v4;
	v58 =	vmul.f32 v33, v5  }
0x280: {  	v61 =	vmul.f32 v33, v6;
	v33 =	vmul.f32 v33, v7  }
0x281: {  	v48 =	vmul.f32 v34, v28;
	v25 =	vmul.f32 v34, v25  }
0x282: {  	s15 =	sor.u32 $0x7, s4;
	v52 =	vmul.f32 v49, v28;
	v53 =	vmul.f32 v51, v28  }
0x283: {  	v43 =	vmov s15;
	v27 =	vmul.f32 v49, v27;
	v29 =	vmul.f32 v51, v29  }
0x284: {  	v57 =	vmul.f32 v55, v28;
	v26 =	vmul.f32 v55, v26;
	v50 =	vsub.f32 v8, v48  }
0x285: {  	v59 =	vmul.f32 v56, v28;
	v60 =	vmul.f32 v58, v28;
	v54 =	vsub.f32 v9, v52  }
0x286: {  	v37 =	vmul.f32 v61, v28;
	v34 =	vsub.f32 v10, v53;
	v25 =	vadd.f32 v50, v25  }
0x287: {  	v28 =	vmul.f32 v33, v28;
	v36 =	vsub.f32 v11, v57;
	v27 =	vadd.f32 v54, v27  }
0x288: {  	v40 =	vmul.f32 v61, v32;
	v41 =	vsub.f32 v14, v37;
	v29 =	vadd.f32 v34, v29;
	[tilespmem:s6+$0x8200] =	vst v25  }
0x289: {  	v24 =	vmul.f32 v33, v24;
	v42 =	vsub.f32 v15, v28;
	v26 =	vadd.f32 v36, v26;
	[tilespmem:s6+$0x8210] =	vst v27  }
0x28a: {  	s17 =	sor.u32 s1, s15;
	v30 =	vmul.f32 v56, v30;
	v34 =	vsub.f32 v12, v59;
	v44 =	vadd.f32 v41, v40;
	[tilespmem:s6+$0x8220] =	vst v29  }
0x28b: {  	s18 =	smulhi.u32 $0x51EB851F, s17;
	v62 =	vmul.f32 v58, v31;
	v63 =	vsub.f32 v13, v60;
	v24 =	vadd.f32 v42, v24;
	[tilespmem:s6+$0x8230] =	vst v26  }
0x28c: {  	v38 =	vadd.f32 v34, v30;
	[tilespmem:s6+$0x8260] =	vst v44  }
0x28d: {  	s18 =	sshrl.u32 s18, $0x6;
	v25 =	vadd.f32 v63, v62;
	[tilespmem:s6+$0x8270] =	vst v24  }
0x28e: {  	s18 =	smul.u32 $0xC8, s18;
	[tilespmem:s6+$0x8240] =	vst v38  }
0x28f: {  	[tilespmem:s6+$0x8250] =	vst v25  }
0x290: {  	s17 =	ssub.s32 s17, s18;
	s6 =	sshll.u32 s15, $0x7;
	v24 =	vld.idx.msk [tilespmem:v43+s20+$0x0], $0xffff  }
0x291: {  	s17 =	sshll.u32 s17, $0x7;
	v25 =	vld [tilespmem:s6+$0x200]  }
0x292: {  	v45 =	vld [tilespmem:s17+$0x10200]  }
0x293: {  	v27 =	vld [tilespmem:s6+$0x210]  }
0x294: {  	v46 =	vld [tilespmem:s17+$0x10210]  }
0x295: {  	v47 =	vld [tilespmem:s6+$0x220]  }
0x296: {  	v48 =	vld [tilespmem:s17+$0x10220]  }
0x297: {  	v49 =	vld [tilespmem:s6+$0x230]  }
0x298: {  	v50 =	vld [tilespmem:s17+$0x10230]  }
0x299: {  	v51 =	vld [tilespmem:s6+$0x240]  }
0x29a: {  	v52 =	vld [tilespmem:s17+$0x10240]  }
0x29b: {  	v53 =	vld [tilespmem:s6+$0x250]  }
0x29c: {  	v54 =	vld [tilespmem:s17+$0x10250]  }
0x29d: {  	v55 =	vld [tilespmem:s6+$0x260]  }
0x29e: {  	v56 =	vld [tilespmem:s17+$0x10260]  }
0x29f: {  	v58 =	vld [tilespmem:s6+$0x270]  }
0x2a0: {  	v61 =	vld [tilespmem:s17+$0x10270];
	v25 =	vadd.f32 v45, v25  }
0x2a1: {  	v24 =	vcvt.s32.f32 v24;
	v27 =	vadd.f32 v46, v27;
	v29 =	vadd.f32 v48, v47  }
0x2a2: {  	v62 =	vadd.f32 v50, v49;
	v39 =	vadd.f32 v52, v51  }
0x2a3: {  	v42 =	vadd.f32 v54, v53;
	v57 =	vmul.f32 v24, v16;
	v59 =	vmul.f32 v24, v17  }
0x2a4: {  	v44 =	vadd.f32 v56, v55;
	v60 =	vmul.f32 v24, v18;
	v63 =	vmul.f32 v24, v19  }
0x2a5: {  	v28 =	vadd.f32 v61, v58;
	v41 =	vmul.f32 v24, v20;
	v43 =	vmul.f32 v24, v21  }
0x2a6: {  	v45 =	vmul.f32 v24, v22;
	v25 =	vadd.f32 v25, v57;
	v27 =	vadd.f32 v27, v59  }
0x2a7: {  	v24 =	vmul.f32 v24, v23;
	v29 =	vadd.f32 v29, v60;
	v26 =	vadd.f32 v62, v63  }
0x2a8: {  	v30 =	vadd.f32 v39, v41;
	v31 =	vadd.f32 v42, v43  }
0x2a9: {  	v32 =	vadd.f32 v44, v45;
	v24 =	vadd.f32 v28, v24  }
0x2aa: {  	v46 =	vadd.f32 v27, v25;
	v47 =	vadd.f32 v26, v29;
	v49 =	vmul.f32 v25, v25  }
0x2ab: {  	v48 =	vadd.f32 v31, v30;
	v50 =	vmul.f32 v27, v27;
	v52 =	vmul.f32 v29, v29  }
0x2ac: {  	v51 =	vadd.f32 v24, v32;
	v53 =	vmul.f32 v26, v26;
	v54 =	vmul.f32 v30, v30  }
0x2ad: {  	v55 =	vmul.f32 v31, v31;
	v56 =	vmul.f32 v32, v32  }
0x2ae: {  	v57 =	vmul.f32 v24, v24;
	v28 =	vadd.f32 v47, v46;
	v34 =	vadd.f32 v51, v48  }
0x2af: {  	v35 =	vadd.f32 v50, v49;
	v58 =	vadd.f32 v53, v52  }
0x2b0: {  	v33 =	vadd.f32 v55, v54;
	v37 =	vadd.f32 v57, v56  }
0x2b1: {  	v28 =	vadd.f32 v34, v28  }
0x2b2: {  	v59 =	vadd.f32 v58, v35;
	v33 =	vadd.f32 v37, v33;
	_ =	sdelay $0x1  }
0x2b3: {  	v33 =	vadd.f32 v33, v59;
	(xrf2) =	vadd.scan.msk.f32 $0xffff, v28;
	_ =	sdelay $0x1  }
0x2b4: {  	(xrf2) =	vadd.scan.msk.f32 $0xffff, v33;
	_ =	sdelay $0x7  }
0x2b5: {  	v28, _, _ =	vpop (xrf2)  }
0x2b6: {  	v28 =	vmul.f32 $7.812500000e-03, v28  }
0x2b7: {  	v33, _, _ =	vpop (xrf2)  }
0x2b8: {  	v33 =	vmul.f32 $7.812500000e-03, v33;
	v60 =	vmul.f32 v28, v28;
	_ =	sdelay $0x1  }
0x2b9: {  	v33 =	vsub.f32 v33, v60;
	_ =	sdelay $0x1  }
0x2ba: {  	v33 =	vmax.f32 v33, $0.0e+00  }
0x2bb: {  	v33 =	vadd.f32 $9.999999960e-13, v33;
	_ =	sdelay $0x1  }
0x2bc: {  	v33 =	vbroadcast v33, $0xF;
	_ =	sdelay $0x1  }
0x2bd: {  	v61 =	vshrl.u32 v33, $0x1;
	v33 =	vmul.f32 $5.000000000e-01, v33  }
0x2be: {  	v34 =	vsub.s32 $0x5F3759DF, v61  }
0x2bf: {  	v62 =	vmul.f32 v34, v33;
	_ =	sdelay $0x1  }
0x2c0: {  	v35 =	vmul.f32 v34, v62;
	_ =	sdelay $0x1  }
0x2c1: {  	v35 =	vsub.f32 $1.500000000e+00, v35;
	_ =	sdelay $0x1  }
0x2c2: {  	v34 =	vmul.f32 v34, v35;
	_ =	sdelay $0x1  }
0x2c3: {  	v33 =	vmul.f32 v34, v33;
	_ =	sdelay $0x1  }
0x2c4: {  	v33 =	vmul.f32 v33, v34;
	_ =	sdelay $0x1  }
0x2c5: {  	v33 =	vsub.f32 $1.500000000e+00, v33;
	_ =	sdelay $0x1  }
0x2c6: {  	v33 =	vmul.f32 v33, v34  }
0x2c7: {  	v28 =	vbroadcast v28, $0xF  }
0x2c8: {  	v34 =	vmul.f32 v33, v0;
	v63 =	vmul.f32 v33, v1  }
0x2c9: {  	v43 =	vmul.f32 v33, v2;
	v45 =	vmul.f32 v33, v3  }
0x2ca: {  	v49 =	vmul.f32 v33, v4;
	v50 =	vmul.f32 v33, v5  }
0x2cb: {  	v52 =	vmul.f32 v33, v6;
	v33 =	vmul.f32 v33, v7  }
0x2cc: {  	v40 =	vmul.f32 v34, v28;
	v41 =	vmul.f32 v63, v28  }
0x2cd: {  	v25 =	vmul.f32 v34, v25;
	v27 =	vmul.f32 v63, v27  }
0x2ce: {  	v46 =	vmul.f32 v43, v28;
	v47 =	vmul.f32 v45, v28  }
0x2cf: {  	v29 =	vmul.f32 v43, v29;
	v26 =	vmul.f32 v45, v26;
	v42 =	vsub.f32 v8, v40  }
0x2d0: {  	v51 =	vmul.f32 v49, v28;
	v53 =	vmul.f32 v50, v28;
	v44 =	vsub.f32 v9, v41  }
0x2d1: {  	v56 =	vmul.f32 v52, v28;
	v48 =	vsub.f32 v10, v46;
	v25 =	vadd.f32 v42, v25  }
0x2d2: {  	v57 =	vmul.f32 v50, v31;
	v34 =	vsub.f32 v11, v47;
	v27 =	vadd.f32 v44, v27  }
0x2d3: {  	v28 =	vmul.f32 v33, v28;
	v58 =	vsub.f32 v13, v53;
	v29 =	vadd.f32 v48, v29;
	[tilespmem:s6+$0x8200] =	vst v25  }
0x2d4: {  	v59 =	vmul.f32 v52, v32;
	v60 =	vsub.f32 v14, v56;
	v26 =	vadd.f32 v34, v26;
	[tilespmem:s6+$0x8210] =	vst v27  }
0x2d5: {  	p0 =	slt.u32 s4, $0x78;
	v24 =	vmul.f32 v33, v24;
	v62 =	vsub.f32 v15, v28;
	v61 =	vadd.f32 v58, v57;
	[tilespmem:s6+$0x8220] =	vst v29  }
.Ltmp1:
0x2d6: {  	v54 =	vmul.f32 v49, v30;
	v55 =	vsub.f32 v12, v51;
	v63 =	vadd.f32 v60, v59;
	[tilespmem:s6+$0x8230] =	vst v26;
	(pc) =	sbr.rel @p0 .LBB2_5-.Ltmp1, $4  }
0x2d7: {  	v24 =	vadd.f32 v62, v24;
	[tilespmem:s6+$0x8250] =	vst v61  }
0x2d8: {  	v25 =	vadd.f32 v55, v54;
	[tilespmem:s6+$0x8260] =	vst v63  }
0x2d9: {  	s18 =	sadd.s32 $0x8, s4;
	[tilespmem:s6+$0x8270] =	vst v24  }
0x2da: {  	s4 =	smov.u32 s18;
	[tilespmem:s6+$0x8240] =	vst v25  }
0x2db: {  	s3 =	sshll.u32 s3, $0x4  }
0x2dc: {  	s3 =	sadd.s32 s7, s3  }
0x2dd: {  	[hbm4b:s3+s8] =	stream.linear.scatter [tilespmem:s26], [sflag:$0x3], $0x4000, $0x38;
	[tilespmem:$0x16800] =	vst v63  }
0x2de: {  	s3 =	sor.u32 $0x80, s1  }
0x2df: {  	p0 =	seq.s32 s2, $0x18;
	s1 =	sadd.s32 s9, s3  }
0x2e0: {  	_ =	swait.ge [sflag:s28], $0x4000;
	s4 =	sshrl.u32 @!p0 s1, $0x3  }
0x2e1: {  	[sflag:s28] =	ssyncset.done $0x0;
	s4 =	sadd.s32 @!p0 $0x10, s4  }
0x2e2: {  	s15 =	simm.s32 @!p0 $0x0;
	[sflag:s28] =	ssyncadd.s32 $0xFFFFC000;
	s6 =	sadd.s32 @!p0 s10, s4  }
0x2e3: {  	[tilespmem:s15], [sflag:$0x5] =	stream.linear.gather @!p0 [hbm4b:s6+s15], $0x80, $0x38;
	[tilespmem:$0x16800] =	vst v63  }
0x2e4: {  	s6 =	simm.s32 @!p0 $0x5  }
0x2e5: {  	_ =	swait.ge @!p0 [sflag:s6], $0x80  }
0x2e6: {  	[sflag:s6] =	ssyncset.done @!p0 $0x0  }
0x2e7: {  	s17 =	simm.s32 @!p0 $0x100;
	s4 =	sadd.s32 @!p0 s11, s4;
	[sflag:s6] =	ssyncadd.s32 @!p0 $0xFFFFFF80  }
0x2e8: {  	[tilespmem:s17], [sflag:$0x5] =	stream.linear.gather @!p0 [hbm4b:s4+s15], $0x80, $0x38;
	[tilespmem:$0x16800] =	vst v63  }
0x2e9: {  	_ =	swait.ge @!p0 [sflag:s6], $0x80  }
0x2ea: {  	p1 =	seq.s32 @!p0 s2, $0x0;
	[sflag:s6] =	ssyncset.done @!p0 $0x0  }
0x2eb: {  	s4 =	simm.s32 @!p0 $0x80;
	[sflag:s6] =	ssyncadd.s32 @!p0 $0xFFFFFF80;
	s6 =	simm.s32 @!p0 $0x200  }
0x2ec: {  	[tilespmem:s6], [sflag:$0x1] =	stream.indirect.gather @!p0 [hbm4b:s0+s4], $0x80, s15, s4, $0xb8;
	[tilespmem:$0x16800] =	vst v63  }
0x2ed: {  	p0 =	por p0, !p1  }
0x2ee: {  	_ =	swait.ge @p0 [sflag:s31], $0x4000  }
0x2ef: {  	[sflag:s31] =	ssyncset.done @p0 $0x0  }
0x2f0: {  	s4 =	simm.s32 $0x0;
	[sflag:s31] =	ssyncadd.s32 @p0 $0xFFFFC000  }
.LBB2_7:
0x2f1: {  	s6 =	sor.u32 s3, s4  }
0x2f2: {  	s15 =	smulhi.u32 $0x51EB851F, s6;
	_ =	sdelay $0x1  }
0x2f3: {  	s15 =	sshrl.u32 s15, $0x6  }
0x2f4: {  	s15 =	smul.u32 $0xC8, s15;
	_ =	sdelay $0x1  }
0x2f5: {  	s15 =	ssub.s32 s6, s15;
	s6 =	sshll.u32 s4, $0x7  }
0x2f6: {  	v24 =	vmov s4;
	v25 =	vld [tilespmem:s6+$0x4200]  }
0x2f7: {  	v24 =	vand.u32 $0xFFFFFFF8, v24;
	v27 =	vld [tilespmem:s6+$0x4210]  }
0x2f8: {  	v24 =	vbroadcast v24, $0x0;
	v29 =	vld [tilespmem:s6+$0x4220]  }
0x2f9: {  	v31 =	vld [tilespmem:s6+$0x4230]  }
0x2fa: {  	v33 =	vld [tilespmem:s6+$0x4240]  }
0x2fb: {  	v35 =	vld [tilespmem:s6+$0x4250]  }
0x2fc: {  	v37 =	vld [tilespmem:s6+$0x4260]  }
0x2fd: {  	v50 =	vld [tilespmem:s6+$0x4270]  }
0x2fe: {  	s15 =	sshll.u32 s15, $0x7;
	v24 =	vld.idx.msk [tilespmem:v24+s24+$0x0], $0xffff  }
0x2ff: {  	v26 =	vld [tilespmem:s15+$0x10200]  }
0x300: {  	v28 =	vld [tilespmem:s15+$0x10210]  }
0x301: {  	v30 =	vld [tilespmem:s15+$0x10220]  }
0x302: {  	v32 =	vld [tilespmem:s15+$0x10230]  }
0x303: {  	v34 =	vld [tilespmem:s15+$0x10240]  }
0x304: {  	v36 =	vld [tilespmem:s15+$0x10250]  }
0x305: {  	v38 =	vld [tilespmem:s15+$0x10260]  }
0x306: {  	v40 =	vld [tilespmem:s15+$0x10270];
	v25 =	vadd.f32 v26, v25  }
0x307: {  	v24 =	vcvt.s32.f32 v24;
	v27 =	vadd.f32 v28, v27;
	v29 =	vadd.f32 v30, v29  }
0x308: {  	v52 =	vadd.f32 v32, v31;
	v54 =	vadd.f32 v34, v33  }
0x309: {  	v56 =	vadd.f32 v36, v35;
	v49 =	vmul.f32 v24, v16;
	v39 =	vmul.f32 v24, v17  }
0x30a: {  	v58 =	vadd.f32 v38, v37;
	v51 =	vmul.f32 v24, v18;
	v53 =	vmul.f32 v24, v19  }
0x30b: {  	v28 =	vadd.f32 v40, v50;
	v55 =	vmul.f32 v24, v20;
	v57 =	vmul.f32 v24, v21  }
0x30c: {  	v59 =	vmul.f32 v24, v22;
	v25 =	vadd.f32 v25, v49;
	v27 =	vadd.f32 v27, v39  }
0x30d: {  	v24 =	vmul.f32 v24, v23;
	v29 =	vadd.f32 v29, v51;
	v26 =	vadd.f32 v52, v53  }
0x30e: {  	v30 =	vadd.f32 v54, v55;
	v31 =	vadd.f32 v56, v57  }
0x30f: {  	v32 =	vadd.f32 v58, v59;
	v24 =	vadd.f32 v28, v24  }
0x310: {  	v60 =	vadd.f32 v27, v25;
	v61 =	vadd.f32 v26, v29;
	v63 =	vmul.f32 v25, v25  }
0x311: {  	v62 =	vadd.f32 v31, v30;
	v44 =	vmul.f32 v27, v27;
	v46 =	vmul.f32 v29, v29  }
0x312: {  	v45 =	vadd.f32 v24, v32;
	v47 =	vmul.f32 v26, v26;
	v48 =	vmul.f32 v30, v30  }
0x313: {  	v49 =	vmul.f32 v31, v31;
	v50 =	vmul.f32 v32, v32  }
0x314: {  	v41 =	vmul.f32 v24, v24;
	v28 =	vadd.f32 v61, v60;
	v34 =	vadd.f32 v45, v62  }
0x315: {  	v35 =	vadd.f32 v44, v63;
	v51 =	vadd.f32 v47, v46  }
0x316: {  	v33 =	vadd.f32 v49, v48;
	v37 =	vadd.f32 v41, v50  }
0x317: {  	v28 =	vadd.f32 v34, v28  }
0x318: {  	v52 =	vadd.f32 v51, v35;
	v33 =	vadd.f32 v37, v33;
	_ =	sdelay $0x1  }
0x319: {  	v33 =	vadd.f32 v33, v52;
	(xrf2) =	vadd.scan.msk.f32 $0xffff, v28;
	_ =	sdelay $0x1  }
0x31a: {  	(xrf2) =	vadd.scan.msk.f32 $0xffff, v33;
	_ =	sdelay $0x7  }
0x31b: {  	v28, _, _ =	vpop (xrf2)  }
0x31c: {  	v28 =	vmul.f32 $7.812500000e-03, v28  }
0x31d: {  	v33, _, _ =	vpop (xrf2)  }
0x31e: {  	v33 =	vmul.f32 $7.812500000e-03, v33;
	v53 =	vmul.f32 v28, v28;
	_ =	sdelay $0x1  }
0x31f: {  	v33 =	vsub.f32 v33, v53;
	_ =	sdelay $0x1  }
0x320: {  	v33 =	vmax.f32 v33, $0.0e+00  }
0x321: {  	v33 =	vadd.f32 $9.999999960e-13, v33;
	_ =	sdelay $0x1  }
0x322: {  	v33 =	vbroadcast v33, $0xF;
	_ =	sdelay $0x1  }
0x323: {  	v54 =	vshrl.u32 v33, $0x1;
	v33 =	vmul.f32 $5.000000000e-01, v33  }
0x324: {  	v34 =	vsub.s32 $0x5F3759DF, v54  }
0x325: {  	v55 =	vmul.f32 v34, v33;
	_ =	sdelay $0x1  }
0x326: {  	v35 =	vmul.f32 v34, v55;
	_ =	sdelay $0x1  }
0x327: {  	v35 =	vsub.f32 $1.500000000e+00, v35;
	_ =	sdelay $0x1  }
0x328: {  	v34 =	vmul.f32 v34, v35;
	_ =	sdelay $0x1  }
0x329: {  	v33 =	vmul.f32 v34, v33;
	_ =	sdelay $0x1  }
0x32a: {  	v33 =	vmul.f32 v33, v34;
	_ =	sdelay $0x1  }
0x32b: {  	s15 =	sor.u32 $0x1, s4;
	v33 =	vsub.f32 $1.500000000e+00, v33  }
0x32c: {  	v48 =	vmov s15  }
0x32d: {  	v50 =	vand.u32 $0xFFFFFFF9, v48;
	v33 =	vmul.f32 v33, v34  }
0x32e: {  	v52 =	vbroadcast v50, $0x0  }
0x32f: {  	v28 =	vbroadcast v28, $0xF;
	v34 =	vmul.f32 v33, v0  }
0x330: {  	v56 =	vmul.f32 v33, v1;
	v59 =	vmul.f32 v33, v2  }
0x331: {  	v60 =	vmul.f32 v33, v3;
	v61 =	vmul.f32 v33, v4  }
0x332: {  	v43 =	vmul.f32 v33, v5;
	v44 =	vmul.f32 v33, v6  }
0x333: {  	v33 =	vmul.f32 v33, v7;
	v57 =	vmul.f32 v34, v28  }
0x334: {  	v25 =	vmul.f32 v34, v25;
	v58 =	vmul.f32 v56, v28  }
0x335: {  	v27 =	vmul.f32 v56, v27;
	v62 =	vmul.f32 v59, v28  }
0x336: {  	v63 =	vmul.f32 v60, v28;
	v41 =	vmul.f32 v61, v28  }
0x337: {  	v26 =	vmul.f32 v60, v26;
	v45 =	vmul.f32 v43, v28;
	v36 =	vsub.f32 v8, v57  }
0x338: {  	v46 =	vmul.f32 v43, v31;
	v47 =	vmul.f32 v44, v28;
	v34 =	vsub.f32 v9, v58  }
0x339: {  	v28 =	vmul.f32 v33, v28;
	v42 =	vsub.f32 v11, v63;
	v25 =	vadd.f32 v36, v25  }
0x33a: {  	v51 =	vmul.f32 v44, v32;
	v31 =	vsub.f32 v14, v47;
	v27 =	vadd.f32 v34, v27  }
0x33b: {  	v24 =	vmul.f32 v33, v24;
	v53 =	vsub.f32 v15, v28;
	v26 =	vadd.f32 v42, v26;
	[tilespmem:s6+$0xC200] =	vst v25  }
0x33c: {  	v29 =	vmul.f32 v59, v29;
	v36 =	vsub.f32 v10, v62;
	v54 =	vadd.f32 v31, v51;
	[tilespmem:s6+$0xC210] =	vst v27  }
0x33d: {  	s17 =	sor.u32 s3, s15;
	v30 =	vmul.f32 v61, v30;
	v34 =	vsub.f32 v12, v41;
	v24 =	vadd.f32 v53, v24;
	[tilespmem:s6+$0xC230] =	vst v26  }
0x33e: {  	s18 =	smulhi.u32 $0x51EB851F, s17;
	v49 =	vsub.f32 v13, v45;
	v29 =	vadd.f32 v36, v29;
	[tilespmem:s6+$0xC260] =	vst v54  }
0x33f: {  	v30 =	vadd.f32 v34, v30;
	[tilespmem:s6+$0xC270] =	vst v24  }
0x340: {  	s18 =	sshrl.u32 s18, $0x6;
	v25 =	vadd.f32 v49, v46;
	[tilespmem:s6+$0xC220] =	vst v29  }
0x341: {  	s18 =	smul.u32 $0xC8, s18;
	[tilespmem:s6+$0xC240] =	vst v30  }
0x342: {  	[tilespmem:s6+$0xC250] =	vst v25  }
0x343: {  	s17 =	ssub.s32 s17, s18;
	s6 =	sshll.u32 s15, $0x7;
	v24 =	vld.idx.msk [tilespmem:v52+s24+$0x0], $0xffff  }
0x344: {  	s17 =	sshll.u32 s17, $0x7;
	v25 =	vld [tilespmem:s6+$0x4200]  }
0x345: {  	v55 =	vld [tilespmem:s17+$0x10200]  }
0x346: {  	v27 =	vld [tilespmem:s6+$0x4210]  }
0x347: {  	v56 =	vld [tilespmem:s17+$0x10210]  }
0x348: {  	v57 =	vld [tilespmem:s6+$0x4220]  }
0x349: {  	v30 =	vld [tilespmem:s17+$0x10220]  }
0x34a: {  	v58 =	vld [tilespmem:s6+$0x4230]  }
0x34b: {  	v59 =	vld [tilespmem:s17+$0x10230]  }
0x34c: {  	v60 =	vld [tilespmem:s6+$0x4240]  }
0x34d: {  	v61 =	vld [tilespmem:s17+$0x10240]  }
0x34e: {  	v62 =	vld [tilespmem:s6+$0x4250]  }
0x34f: {  	v63 =	vld [tilespmem:s17+$0x10250]  }
0x350: {  	v44 =	vld [tilespmem:s6+$0x4260]  }
0x351: {  	v45 =	vld [tilespmem:s17+$0x10260]  }
0x352: {  	v47 =	vld [tilespmem:s6+$0x4270]  }
0x353: {  	v50 =	vld [tilespmem:s17+$0x10270];
	v25 =	vadd.f32 v55, v25  }
0x354: {  	v24 =	vcvt.s32.f32 v24;
	v27 =	vadd.f32 v56, v27;
	v29 =	vadd.f32 v30, v57  }
0x355: {  	v51 =	vadd.f32 v59, v58;
	v53 =	vadd.f32 v61, v60  }
0x356: {  	v55 =	vadd.f32 v63, v62;
	v46 =	vmul.f32 v24, v16;
	v48 =	vmul.f32 v24, v17  }
0x357: {  	v57 =	vadd.f32 v45, v44;
	v49 =	vmul.f32 v24, v18;
	v52 =	vmul.f32 v24, v19  }
0x358: {  	v28 =	vadd.f32 v50, v47;
	v54 =	vmul.f32 v24, v20;
	v56 =	vmul.f32 v24, v21  }
0x359: {  	v58 =	vmul.f32 v24, v22;
	v25 =	vadd.f32 v25, v46;
	v27 =	vadd.f32 v27, v48  }
0x35a: {  	v24 =	vmul.f32 v24, v23;
	v29 =	vadd.f32 v29, v49;
	v26 =	vadd.f32 v51, v52  }
0x35b: {  	v30 =	vadd.f32 v53, v54;
	v31 =	vadd.f32 v55, v56  }
0x35c: {  	v32 =	vadd.f32 v57, v58;
	v24 =	vadd.f32 v28, v24  }
0x35d: {  	v59 =	vadd.f32 v27, v25;
	v60 =	vadd.f32 v26, v29;
	v62 =	vmul.f32 v25, v25  }
0x35e: {  	v61 =	vadd.f32 v31, v30;
	v63 =	vmul.f32 v27, v27;
	v45 =	vmul.f32 v29, v29  }
0x35f: {  	v44 =	vadd.f32 v24, v32;
	v46 =	vmul.f32 v26, v26;
	v47 =	vmul.f32 v30, v30  }
0x360: {  	v48 =	vmul.f32 v31, v31;
	v49 =	vmul.f32 v32, v32  }
0x361: {  	v50 =	vmul.f32 v24, v24;
	v28 =	vadd.f32 v60, v59;
	v34 =	vadd.f32 v44, v61  }
0x362: {  	v35 =	vadd.f32 v63, v62;
	v51 =	vadd.f32 v46, v45  }
0x363: {  	v33 =	vadd.f32 v48, v47;
	v37 =	vadd.f32 v50, v49  }
0x364: {  	v28 =	vadd.f32 v34, v28  }
0x365: {  	v52 =	vadd.f32 v51, v35;
	v33 =	vadd.f32 v37, v33;
	_ =	sdelay $0x1  }
0x366: {  	v33 =	vadd.f32 v33, v52;
	(xrf2) =	vadd.scan.msk.f32 $0xffff, v28;
	_ =	sdelay $0x1  }
0x367: {  	(xrf2) =	vadd.scan.msk.f32 $0xffff, v33;
	_ =	sdelay $0x7  }
0x368: {  	v28, _, _ =	vpop (xrf2)  }
0x369: {  	v28 =	vmul.f32 $7.812500000e-03, v28  }
0x36a: {  	v33, _, _ =	vpop (xrf2)  }
0x36b: {  	v33 =	vmul.f32 $7.812500000e-03, v33;
	v53 =	vmul.f32 v28, v28;
	_ =	sdelay $0x1  }
0x36c: {  	v33 =	vsub.f32 v33, v53;
	_ =	sdelay $0x1  }
0x36d: {  	v33 =	vmax.f32 v33, $0.0e+00  }
0x36e: {  	v33 =	vadd.f32 $9.999999960e-13, v33;
	_ =	sdelay $0x1  }
0x36f: {  	v33 =	vbroadcast v33, $0xF;
	_ =	sdelay $0x1  }
0x370: {  	v54 =	vshrl.u32 v33, $0x1;
	v33 =	vmul.f32 $5.000000000e-01, v33  }
0x371: {  	v34 =	vsub.s32 $0x5F3759DF, v54  }
0x372: {  	v55 =	vmul.f32 v34, v33;
	_ =	sdelay $0x1  }
0x373: {  	v35 =	vmul.f32 v34, v55;
	_ =	sdelay $0x1  }
0x374: {  	v35 =	vsub.f32 $1.500000000e+00, v35;
	_ =	sdelay $0x1  }
0x375: {  	v34 =	vmul.f32 v34, v35;
	_ =	sdelay $0x1  }
0x376: {  	v33 =	vmul.f32 v34, v33;
	_ =	sdelay $0x1  }
0x377: {  	v33 =	vmul.f32 v33, v34;
	_ =	sdelay $0x1  }
0x378: {  	s15 =	sor.u32 $0x2, s4;
	v33 =	vsub.f32 $1.500000000e+00, v33  }
0x379: {  	v47 =	vmov s15  }
0x37a: {  	v49 =	vand.u32 $0xFFFFFFFA, v47;
	v33 =	vmul.f32 v33, v34  }
0x37b: {  	v51 =	vbroadcast v49, $0x0  }
0x37c: {  	v28 =	vbroadcast v28, $0xF;
	v34 =	vmul.f32 v33, v0  }
0x37d: {  	v56 =	vmul.f32 v33, v1;
	v59 =	vmul.f32 v33, v2  }
0x37e: {  	v60 =	vmul.f32 v33, v3;
	v61 =	vmul.f32 v33, v4  }
0x37f: {  	v42 =	vmul.f32 v33, v5;
	v43 =	vmul.f32 v33, v6  }
0x380: {  	v33 =	vmul.f32 v33, v7;
	v57 =	vmul.f32 v34, v28  }
0x381: {  	v25 =	vmul.f32 v34, v25;
	v58 =	vmul.f32 v56, v28  }
0x382: {  	v27 =	vmul.f32 v56, v27;
	v62 =	vmul.f32 v59, v28  }
0x383: {  	v63 =	vmul.f32 v60, v28;
	v40 =	vmul.f32 v61, v28  }
0x384: {  	v26 =	vmul.f32 v60, v26;
	v44 =	vmul.f32 v42, v28;
	v36 =	vsub.f32 v8, v57  }
0x385: {  	v45 =	vmul.f32 v42, v31;
	v46 =	vmul.f32 v43, v28;
	v34 =	vsub.f32 v9, v58  }
0x386: {  	v28 =	vmul.f32 v33, v28;
	v41 =	vsub.f32 v11, v63;
	v25 =	vadd.f32 v36, v25  }
0x387: {  	v50 =	vmul.f32 v43, v32;
	v31 =	vsub.f32 v14, v46;
	v27 =	vadd.f32 v34, v27  }
0x388: {  	v24 =	vmul.f32 v33, v24;
	v52 =	vsub.f32 v15, v28;
	v26 =	vadd.f32 v41, v26;
	[tilespmem:s6+$0xC200] =	vst v25  }
0x389: {  	v29 =	vmul.f32 v59, v29;
	v36 =	vsub.f32 v10, v62;
	v53 =	vadd.f32 v31, v50;
	[tilespmem:s6+$0xC210] =	vst v27  }
0x38a: {  	s17 =	sor.u32 s3, s15;
	v30 =	vmul.f32 v61, v30;
	v34 =	vsub.f32 v12, v40;
	v24 =	vadd.f32 v52, v24;
	[tilespmem:s6+$0xC230] =	vst v26  }
0x38b: {  	s18 =	smulhi.u32 $0x51EB851F, s17;
	v48 =	vsub.f32 v13, v44;
	v29 =	vadd.f32 v36, v29;
	[tilespmem:s6+$0xC260] =	vst v53  }
0x38c: {  	v30 =	vadd.f32 v34, v30;
	[tilespmem:s6+$0xC270] =	vst v24  }
0x38d: {  	s18 =	sshrl.u32 s18, $0x6;
	v25 =	vadd.f32 v48, v45;
	[tilespmem:s6+$0xC220] =	vst v29  }
0x38e: {  	s18 =	smul.u32 $0xC8, s18;
	[tilespmem:s6+$0xC240] =	vst v30  }
0x38f: {  	[tilespmem:s6+$0xC250] =	vst v25  }
0x390: {  	s17 =	ssub.s32 s17, s18;
	s6 =	sshll.u32 s15, $0x7;
	v24 =	vld.idx.msk [tilespmem:v51+s24+$0x0], $0xffff  }
0x391: {  	s18 =	sshll.u32 s17, $0x7;
	v25 =	vld [tilespmem:s6+$0x4200]  }
0x392: {  	v54 =	vld [tilespmem:s18+$0x10200]  }
0x393: {  	v27 =	vld [tilespmem:s6+$0x4210]  }
0x394: {  	v55 =	vld [tilespmem:s18+$0x10210]  }
0x395: {  	v56 =	vld [tilespmem:s6+$0x4220]  }
0x396: {  	v30 =	vld [tilespmem:s18+$0x10220]  }
0x397: {  	v57 =	vld [tilespmem:s6+$0x4230]  }
0x398: {  	v58 =	vld [tilespmem:s18+$0x10230]  }
0x399: {  	v59 =	vld [tilespmem:s6+$0x4240]  }
0x39a: {  	v60 =	vld [tilespmem:s18+$0x10240]  }
0x39b: {  	v61 =	vld [tilespmem:s6+$0x4250]  }
0x39c: {  	v62 =	vld [tilespmem:s18+$0x10250]  }
0x39d: {  	v63 =	vld [tilespmem:s6+$0x4260]  }
0x39e: {  	v44 =	vld [tilespmem:s18+$0x10260]  }
0x39f: {  	v46 =	vld [tilespmem:s6+$0x4270]  }
0x3a0: {  	v49 =	vld [tilespmem:s18+$0x10270];
	v25 =	vadd.f32 v54, v25  }
0x3a1: {  	v24 =	vcvt.s32.f32 v24;
	v27 =	vadd.f32 v55, v27;
	v29 =	vadd.f32 v30, v56  }
0x3a2: {  	v50 =	vadd.f32 v58, v57;
	v52 =	vadd.f32 v60, v59  }
0x3a3: {  	v54 =	vadd.f32 v62, v61;
	v45 =	vmul.f32 v24, v16;
	v47 =	vmul.f32 v24, v17  }
0x3a4: {  	v56 =	vadd.f32 v44, v63;
	v48 =	vmul.f32 v24, v18;
	v51 =	vmul.f32 v24, v19  }
0x3a5: {  	v28 =	vadd.f32 v49, v46;
	v53 =	vmul.f32 v24, v20;
	v55 =	vmul.f32 v24, v21  }
0x3a6: {  	v57 =	vmul.f32 v24, v22;
	v25 =	vadd.f32 v25, v45;
	v27 =	vadd.f32 v27, v47  }
0x3a7: {  	v24 =	vmul.f32 v24, v23;
	v29 =	vadd.f32 v29, v48;
	v26 =	vadd.f32 v50, v51  }
0x3a8: {  	v30 =	vadd.f32 v52, v53;
	v31 =	vadd.f32 v54, v55  }
0x3a9: {  	v32 =	vadd.f32 v56, v57;
	v24 =	vadd.f32 v28, v24  }
0x3aa: {  	v58 =	vadd.f32 v27, v25;
	v59 =	vadd.f32 v26, v29;
	v61 =	vmul.f32 v25, v25  }
0x3ab: {  	v60 =	vadd.f32 v31, v30;
	v62 =	vmul.f32 v27, v27;
	v44 =	vmul.f32 v29, v29  }
0x3ac: {  	v63 =	vadd.f32 v24, v32;
	v45 =	vmul.f32 v26, v26;
	v46 =	vmul.f32 v30, v30  }
0x3ad: {  	v47 =	vmul.f32 v31, v31;
	v48 =	vmul.f32 v32, v32  }
0x3ae: {  	v49 =	vmul.f32 v24, v24;
	v28 =	vadd.f32 v59, v58;
	v34 =	vadd.f32 v63, v60  }
0x3af: {  	v35 =	vadd.f32 v62, v61;
	v50 =	vadd.f32 v45, v44  }
0x3b0: {  	v33 =	vadd.f32 v47, v46;
	v37 =	vadd.f32 v49, v48  }
0x3b1: {  	v28 =	vadd.f32 v34, v28  }
0x3b2: {  	v51 =	vadd.f32 v50, v35;
	v33 =	vadd.f32 v37, v33;
	_ =	sdelay $0x1  }
0x3b3: {  	v33 =	vadd.f32 v33, v51;
	(xrf2) =	vadd.scan.msk.f32 $0xffff, v28;
	_ =	sdelay $0x1  }
0x3b4: {  	(xrf2) =	vadd.scan.msk.f32 $0xffff, v33;
	_ =	sdelay $0x7  }
0x3b5: {  	v28, _, _ =	vpop (xrf2)  }
0x3b6: {  	v28 =	vmul.f32 $7.812500000e-03, v28  }
0x3b7: {  	v33, _, _ =	vpop (xrf2)  }
0x3b8: {  	v33 =	vmul.f32 $7.812500000e-03, v33;
	v52 =	vmul.f32 v28, v28;
	_ =	sdelay $0x1  }
0x3b9: {  	v33 =	vsub.f32 v33, v52;
	_ =	sdelay $0x1  }
0x3ba: {  	v33 =	vmax.f32 v33, $0.0e+00  }
0x3bb: {  	v33 =	vadd.f32 $9.999999960e-13, v33;
	_ =	sdelay $0x1  }
0x3bc: {  	v33 =	vbroadcast v33, $0xF;
	_ =	sdelay $0x1  }
0x3bd: {  	v53 =	vshrl.u32 v33, $0x1;
	v33 =	vmul.f32 $5.000000000e-01, v33  }
0x3be: {  	v34 =	vsub.s32 $0x5F3759DF, v53  }
0x3bf: {  	v54 =	vmul.f32 v34, v33;
	_ =	sdelay $0x1  }
0x3c0: {  	v35 =	vmul.f32 v34, v54;
	_ =	sdelay $0x1  }
0x3c1: {  	v35 =	vsub.f32 $1.500000000e+00, v35;
	_ =	sdelay $0x1  }
0x3c2: {  	v34 =	vmul.f32 v34, v35;
	_ =	sdelay $0x1  }
0x3c3: {  	v33 =	vmul.f32 v34, v33;
	_ =	sdelay $0x1  }
0x3c4: {  	v33 =	vmul.f32 v33, v34;
	_ =	sdelay $0x1  }
0x3c5: {  	s15 =	sor.u32 $0x3, s4;
	v33 =	vsub.f32 $1.500000000e+00, v33  }
0x3c6: {  	v46 =	vmov s15  }
0x3c7: {  	v48 =	vand.u32 $0xFFFFFFFB, v46;
	v33 =	vmul.f32 v33, v34  }
0x3c8: {  	v50 =	vbroadcast v48, $0x0  }
0x3c9: {  	v28 =	vbroadcast v28, $0xF;
	v34 =	vmul.f32 v33, v0  }
0x3ca: {  	v55 =	vmul.f32 v33, v1;
	v58 =	vmul.f32 v33, v2  }
0x3cb: {  	v59 =	vmul.f32 v33, v3;
	v60 =	vmul.f32 v33, v4  }
0x3cc: {  	v41 =	vmul.f32 v33, v5;
	v42 =	vmul.f32 v33, v6  }
0x3cd: {  	v33 =	vmul.f32 v33, v7;
	v56 =	vmul.f32 v34, v28  }
0x3ce: {  	v25 =	vmul.f32 v34, v25;
	v57 =	vmul.f32 v55, v28  }
0x3cf: {  	v27 =	vmul.f32 v55, v27;
	v61 =	vmul.f32 v58, v28  }
0x3d0: {  	v62 =	vmul.f32 v59, v28;
	v63 =	vmul.f32 v60, v28  }
0x3d1: {  	v26 =	vmul.f32 v59, v26;
	v43 =	vmul.f32 v41, v28;
	v36 =	vsub.f32 v8, v56  }
0x3d2: {  	v44 =	vmul.f32 v41, v31;
	v45 =	vmul.f32 v42, v28;
	v34 =	vsub.f32 v9, v57  }
0x3d3: {  	v28 =	vmul.f32 v33, v28;
	v40 =	vsub.f32 v11, v62;
	v25 =	vadd.f32 v36, v25  }
0x3d4: {  	v49 =	vmul.f32 v42, v32;
	v31 =	vsub.f32 v14, v45;
	v27 =	vadd.f32 v34, v27  }
0x3d5: {  	v24 =	vmul.f32 v33, v24;
	v51 =	vsub.f32 v15, v28;
	v26 =	vadd.f32 v40, v26;
	[tilespmem:s6+$0xC200] =	vst v25  }
0x3d6: {  	v29 =	vmul.f32 v58, v29;
	v36 =	vsub.f32 v10, v61;
	v52 =	vadd.f32 v31, v49;
	[tilespmem:s6+$0xC210] =	vst v27  }
0x3d7: {  	s17 =	sor.u32 s3, s15;
	v30 =	vmul.f32 v60, v30;
	v34 =	vsub.f32 v12, v63;
	v24 =	vadd.f32 v51, v24;
	[tilespmem:s6+$0xC230] =	vst v26  }
0x3d8: {  	s18 =	smulhi.u32 $0x51EB851F, s17;
	v47 =	vsub.f32 v13, v43;
	v29 =	vadd.f32 v36, v29;
	[tilespmem:s6+$0xC260] =	vst v52  }
0x3d9: {  	v30 =	vadd.f32 v34, v30;
	[tilespmem:s6+$0xC270] =	vst v24  }
0x3da: {  	s18 =	sshrl.u32 s18, $0x6;
	v25 =	vadd.f32 v47, v44;
	[tilespmem:s6+$0xC220] =	vst v29  }
0x3db: {  	s18 =	smul.u32 $0xC8, s18;
	[tilespmem:s6+$0xC240] =	vst v30  }
0x3dc: {  	[tilespmem:s6+$0xC250] =	vst v25  }
0x3dd: {  	s17 =	ssub.s32 s17, s18;
	s6 =	sshll.u32 s15, $0x7;
	v24 =	vld.idx.msk [tilespmem:v50+s24+$0x0], $0xffff  }
0x3de: {  	s17 =	sshll.u32 s17, $0x7;
	v25 =	vld [tilespmem:s6+$0x4200]  }
0x3df: {  	v53 =	vld [tilespmem:s17+$0x10200]  }
0x3e0: {  	v27 =	vld [tilespmem:s6+$0x4210]  }
0x3e1: {  	v54 =	vld [tilespmem:s17+$0x10210]  }
0x3e2: {  	v55 =	vld [tilespmem:s6+$0x4220]  }
0x3e3: {  	v30 =	vld [tilespmem:s17+$0x10220]  }
0x3e4: {  	v56 =	vld [tilespmem:s6+$0x4230]  }
0x3e5: {  	v57 =	vld [tilespmem:s17+$0x10230]  }
0x3e6: {  	v58 =	vld [tilespmem:s6+$0x4240]  }
0x3e7: {  	v59 =	vld [tilespmem:s17+$0x10240]  }
0x3e8: {  	v60 =	vld [tilespmem:s6+$0x4250]  }
0x3e9: {  	v61 =	vld [tilespmem:s17+$0x10250]  }
0x3ea: {  	v62 =	vld [tilespmem:s6+$0x4260]  }
0x3eb: {  	v63 =	vld [tilespmem:s17+$0x10260]  }
0x3ec: {  	v45 =	vld [tilespmem:s6+$0x4270]  }
0x3ed: {  	v48 =	vld [tilespmem:s17+$0x10270];
	v25 =	vadd.f32 v53, v25  }
0x3ee: {  	v24 =	vcvt.s32.f32 v24;
	v27 =	vadd.f32 v54, v27;
	v29 =	vadd.f32 v30, v55  }
0x3ef: {  	v49 =	vadd.f32 v57, v56;
	v51 =	vadd.f32 v59, v58  }
0x3f0: {  	v53 =	vadd.f32 v61, v60;
	v44 =	vmul.f32 v24, v16;
	v46 =	vmul.f32 v24, v17  }
0x3f1: {  	v55 =	vadd.f32 v63, v62;
	v47 =	vmul.f32 v24, v18;
	v50 =	vmul.f32 v24, v19  }
0x3f2: {  	v28 =	vadd.f32 v48, v45;
	v52 =	vmul.f32 v24, v20;
	v54 =	vmul.f32 v24, v21  }
0x3f3: {  	v56 =	vmul.f32 v24, v22;
	v25 =	vadd.f32 v25, v44;
	v27 =	vadd.f32 v27, v46  }
0x3f4: {  	v24 =	vmul.f32 v24, v23;
	v29 =	vadd.f32 v29, v47;
	v26 =	vadd.f32 v49, v50  }
0x3f5: {  	v30 =	vadd.f32 v51, v52;
	v31 =	vadd.f32 v53, v54  }
0x3f6: {  	v32 =	vadd.f32 v55, v56;
	v24 =	vadd.f32 v28, v24  }
0x3f7: {  	v57 =	vadd.f32 v27, v25;
	v58 =	vadd.f32 v26, v29;
	v60 =	vmul.f32 v25, v25  }
0x3f8: {  	v59 =	vadd.f32 v31, v30;
	v61 =	vmul.f32 v27, v27;
	v63 =	vmul.f32 v29, v29  }
0x3f9: {  	v62 =	vadd.f32 v24, v32;
	v44 =	vmul.f32 v26, v26;
	v45 =	vmul.f32 v30, v30  }
0x3fa: {  	v46 =	vmul.f32 v31, v31;
	v47 =	vmul.f32 v32, v32  }
0x3fb: {  	v48 =	vmul.f32 v24, v24;
	v28 =	vadd.f32 v58, v57;
	v34 =	vadd.f32 v62, v59  }
0x3fc: {  	v35 =	vadd.f32 v61, v60;
	v49 =	vadd.f32 v44, v63  }
0x3fd: {  	v33 =	vadd.f32 v46, v45;
	v37 =	vadd.f32 v48, v47  }
0x3fe: {  	v28 =	vadd.f32 v34, v28  }
0x3ff: {  	v50 =	vadd.f32 v49, v35;
	v33 =	vadd.f32 v37, v33;
	_ =	sdelay $0x1  }
0x400: {  	v33 =	vadd.f32 v33, v50;
	(xrf2) =	vadd.scan.msk.f32 $0xffff, v28;
	_ =	sdelay $0x1  }
0x401: {  	(xrf2) =	vadd.scan.msk.f32 $0xffff, v33;
	_ =	sdelay $0x7  }
0x402: {  	v28, _, _ =	vpop (xrf2)  }
0x403: {  	v28 =	vmul.f32 $7.812500000e-03, v28  }
0x404: {  	v33, _, _ =	vpop (xrf2)  }
0x405: {  	v33 =	vmul.f32 $7.812500000e-03, v33;
	v51 =	vmul.f32 v28, v28;
	_ =	sdelay $0x1  }
0x406: {  	v33 =	vsub.f32 v33, v51;
	_ =	sdelay $0x1  }
0x407: {  	v33 =	vmax.f32 v33, $0.0e+00  }
0x408: {  	v33 =	vadd.f32 $9.999999960e-13, v33;
	_ =	sdelay $0x1  }
0x409: {  	v33 =	vbroadcast v33, $0xF;
	_ =	sdelay $0x1  }
0x40a: {  	v52 =	vshrl.u32 v33, $0x1;
	v33 =	vmul.f32 $5.000000000e-01, v33  }
0x40b: {  	v34 =	vsub.s32 $0x5F3759DF, v52  }
0x40c: {  	v53 =	vmul.f32 v34, v33;
	_ =	sdelay $0x1  }
0x40d: {  	v35 =	vmul.f32 v34, v53;
	_ =	sdelay $0x1  }
0x40e: {  	v35 =	vsub.f32 $1.500000000e+00, v35;
	_ =	sdelay $0x1  }
0x40f: {  	v34 =	vmul.f32 v34, v35;
	_ =	sdelay $0x1  }
0x410: {  	v33 =	vmul.f32 v34, v33;
	_ =	sdelay $0x1  }
0x411: {  	v33 =	vmul.f32 v33, v34;
	_ =	sdelay $0x1  }
0x412: {  	s15 =	sor.u32 $0x4, s4;
	v33 =	vsub.f32 $1.500000000e+00, v33  }
0x413: {  	v45 =	vmov s15  }
0x414: {  	v47 =	vand.u32 $0xFFFFFFFC, v45;
	v33 =	vmul.f32 v33, v34  }
0x415: {  	v49 =	vbroadcast v47, $0x0  }
0x416: {  	v28 =	vbroadcast v28, $0xF;
	v34 =	vmul.f32 v33, v0  }
0x417: {  	v54 =	vmul.f32 v33, v1;
	v57 =	vmul.f32 v33, v2  }
0x418: {  	v58 =	vmul.f32 v33, v3;
	v59 =	vmul.f32 v33, v4  }
0x419: {  	v40 =	vmul.f32 v33, v5;
	v41 =	vmul.f32 v33, v6  }
0x41a: {  	v33 =	vmul.f32 v33, v7;
	v55 =	vmul.f32 v34, v28  }
0x41b: {  	v25 =	vmul.f32 v34, v25;
	v56 =	vmul.f32 v54, v28  }
0x41c: {  	v27 =	vmul.f32 v54, v27;
	v60 =	vmul.f32 v57, v28  }
0x41d: {  	v61 =	vmul.f32 v58, v28;
	v62 =	vmul.f32 v59, v28  }
0x41e: {  	v26 =	vmul.f32 v58, v26;
	v42 =	vmul.f32 v40, v28;
	v36 =	vsub.f32 v8, v55  }
0x41f: {  	v43 =	vmul.f32 v40, v31;
	v44 =	vmul.f32 v41, v28;
	v34 =	vsub.f32 v9, v56  }
0x420: {  	v28 =	vmul.f32 v33, v28;
	v63 =	vsub.f32 v11, v61;
	v25 =	vadd.f32 v36, v25  }
0x421: {  	v48 =	vmul.f32 v41, v32;
	v31 =	vsub.f32 v14, v44;
	v27 =	vadd.f32 v34, v27  }
0x422: {  	v24 =	vmul.f32 v33, v24;
	v50 =	vsub.f32 v15, v28;
	v26 =	vadd.f32 v63, v26;
	[tilespmem:s6+$0xC200] =	vst v25  }
0x423: {  	v29 =	vmul.f32 v57, v29;
	v36 =	vsub.f32 v10, v60;
	v51 =	vadd.f32 v31, v48;
	[tilespmem:s6+$0xC210] =	vst v27  }
0x424: {  	s17 =	sor.u32 s3, s15;
	v30 =	vmul.f32 v59, v30;
	v34 =	vsub.f32 v12, v62;
	v24 =	vadd.f32 v50, v24;
	[tilespmem:s6+$0xC230] =	vst v26  }
0x425: {  	s18 =	smulhi.u32 $0x51EB851F, s17;
	v46 =	vsub.f32 v13, v42;
	v29 =	vadd.f32 v36, v29;
	[tilespmem:s6+$0xC260] =	vst v51  }
0x426: {  	v30 =	vadd.f32 v34, v30;
	[tilespmem:s6+$0xC270] =	vst v24  }
0x427: {  	s18 =	sshrl.u32 s18, $0x6;
	v25 =	vadd.f32 v46, v43;
	[tilespmem:s6+$0xC220] =	vst v29  }
0x428: {  	s18 =	smul.u32 $0xC8, s18;
	[tilespmem:s6+$0xC240] =	vst v30  }
0x429: {  	[tilespmem:s6+$0xC250] =	vst v25  }
0x42a: {  	s17 =	ssub.s32 s17, s18;
	s6 =	sshll.u32 s15, $0x7;
	v24 =	vld.idx.msk [tilespmem:v49+s24+$0x0], $0xffff  }
0x42b: {  	s18 =	sshll.u32 s17, $0x7;
	v25 =	vld [tilespmem:s6+$0x4200]  }
0x42c: {  	v52 =	vld [tilespmem:s18+$0x10200]  }
0x42d: {  	v27 =	vld [tilespmem:s6+$0x4210]  }
0x42e: {  	v53 =	vld [tilespmem:s18+$0x10210]  }
0x42f: {  	v54 =	vld [tilespmem:s6+$0x4220]  }
0x430: {  	v30 =	vld [tilespmem:s18+$0x10220]  }
0x431: {  	v55 =	vld [tilespmem:s6+$0x4230]  }
0x432: {  	v56 =	vld [tilespmem:s18+$0x10230]  }
0x433: {  	v57 =	vld [tilespmem:s6+$0x4240]  }
0x434: {  	v58 =	vld [tilespmem:s18+$0x10240]  }
0x435: {  	v59 =	vld [tilespmem:s6+$0x4250]  }
0x436: {  	v60 =	vld [tilespmem:s18+$0x10250]  }
0x437: {  	v61 =	vld [tilespmem:s6+$0x4260]  }
0x438: {  	v62 =	vld [tilespmem:s18+$0x10260]  }
0x439: {  	v44 =	vld [tilespmem:s6+$0x4270]  }
0x43a: {  	v47 =	vld [tilespmem:s18+$0x10270];
	v25 =	vadd.f32 v52, v25  }
0x43b: {  	v24 =	vcvt.s32.f32 v24;
	v27 =	vadd.f32 v53, v27;
	v29 =	vadd.f32 v30, v54  }
0x43c: {  	v48 =	vadd.f32 v56, v55;
	v50 =	vadd.f32 v58, v57  }
0x43d: {  	v52 =	vadd.f32 v60, v59;
	v63 =	vmul.f32 v24, v16;
	v45 =	vmul.f32 v24, v17  }
0x43e: {  	v54 =	vadd.f32 v62, v61;
	v46 =	vmul.f32 v24, v18;
	v49 =	vmul.f32 v24, v19  }
0x43f: {  	v28 =	vadd.f32 v47, v44;
	v51 =	vmul.f32 v24, v20;
	v53 =	vmul.f32 v24, v21  }
0x440: {  	v55 =	vmul.f32 v24, v22;
	v25 =	vadd.f32 v25, v63;
	v27 =	vadd.f32 v27, v45  }
0x441: {  	v24 =	vmul.f32 v24, v23;
	v29 =	vadd.f32 v29, v46;
	v26 =	vadd.f32 v48, v49  }
0x442: {  	v30 =	vadd.f32 v50, v51;
	v31 =	vadd.f32 v52, v53  }
0x443: {  	v32 =	vadd.f32 v54, v55;
	v24 =	vadd.f32 v28, v24  }
0x444: {  	v56 =	vadd.f32 v27, v25;
	v57 =	vadd.f32 v26, v29;
	v59 =	vmul.f32 v25, v25  }
0x445: {  	v58 =	vadd.f32 v31, v30;
	v60 =	vmul.f32 v27, v27;
	v62 =	vmul.f32 v29, v29  }
0x446: {  	v61 =	vadd.f32 v24, v32;
	v63 =	vmul.f32 v26, v26;
	v44 =	vmul.f32 v30, v30  }
0x447: {  	v45 =	vmul.f32 v31, v31;
	v46 =	vmul.f32 v32, v32  }
0x448: {  	v47 =	vmul.f32 v24, v24;
	v28 =	vadd.f32 v57, v56;
	v34 =	vadd.f32 v61, v58  }
0x449: {  	v35 =	vadd.f32 v60, v59;
	v48 =	vadd.f32 v63, v62  }
0x44a: {  	v33 =	vadd.f32 v45, v44;
	v37 =	vadd.f32 v47, v46  }
0x44b: {  	v28 =	vadd.f32 v34, v28  }
0x44c: {  	v49 =	vadd.f32 v48, v35;
	v33 =	vadd.f32 v37, v33;
	_ =	sdelay $0x1  }
0x44d: {  	v33 =	vadd.f32 v33, v49;
	(xrf2) =	vadd.scan.msk.f32 $0xffff, v28;
	_ =	sdelay $0x1  }
0x44e: {  	(xrf2) =	vadd.scan.msk.f32 $0xffff, v33;
	_ =	sdelay $0x7  }
0x44f: {  	v28, _, _ =	vpop (xrf2)  }
0x450: {  	v28 =	vmul.f32 $7.812500000e-03, v28  }
0x451: {  	v33, _, _ =	vpop (xrf2)  }
0x452: {  	v33 =	vmul.f32 $7.812500000e-03, v33;
	v50 =	vmul.f32 v28, v28;
	_ =	sdelay $0x1  }
0x453: {  	v33 =	vsub.f32 v33, v50;
	_ =	sdelay $0x1  }
0x454: {  	v33 =	vmax.f32 v33, $0.0e+00  }
0x455: {  	v33 =	vadd.f32 $9.999999960e-13, v33;
	_ =	sdelay $0x1  }
0x456: {  	v33 =	vbroadcast v33, $0xF;
	_ =	sdelay $0x1  }
0x457: {  	v51 =	vshrl.u32 v33, $0x1;
	v33 =	vmul.f32 $5.000000000e-01, v33  }
0x458: {  	v34 =	vsub.s32 $0x5F3759DF, v51  }
0x459: {  	v52 =	vmul.f32 v34, v33;
	_ =	sdelay $0x1  }
0x45a: {  	v35 =	vmul.f32 v34, v52;
	_ =	sdelay $0x1  }
0x45b: {  	v35 =	vsub.f32 $1.500000000e+00, v35;
	_ =	sdelay $0x1  }
0x45c: {  	v34 =	vmul.f32 v34, v35;
	_ =	sdelay $0x1  }
0x45d: {  	v33 =	vmul.f32 v34, v33;
	_ =	sdelay $0x1  }
0x45e: {  	v33 =	vmul.f32 v33, v34;
	_ =	sdelay $0x1  }
0x45f: {  	s15 =	sor.u32 $0x5, s4;
	v33 =	vsub.f32 $1.500000000e+00, v33  }
0x460: {  	v44 =	vmov s15  }
0x461: {  	v46 =	vand.u32 $0xFFFFFFFD, v44;
	v33 =	vmul.f32 v33, v34  }
0x462: {  	v48 =	vbroadcast v46, $0x0  }
0x463: {  	v28 =	vbroadcast v28, $0xF;
	v34 =	vmul.f32 v33, v0  }
0x464: {  	v53 =	vmul.f32 v33, v1;
	v56 =	vmul.f32 v33, v2  }
0x465: {  	v57 =	vmul.f32 v33, v3;
	v58 =	vmul.f32 v33, v4  }
0x466: {  	v63 =	vmul.f32 v33, v5;
	v40 =	vmul.f32 v33, v6  }
0x467: {  	v33 =	vmul.f32 v33, v7;
	v54 =	vmul.f32 v34, v28  }
0x468: {  	v25 =	vmul.f32 v34, v25;
	v55 =	vmul.f32 v53, v28  }
0x469: {  	v27 =	vmul.f32 v53, v27;
	v59 =	vmul.f32 v56, v28  }
0x46a: {  	v60 =	vmul.f32 v57, v28;
	v61 =	vmul.f32 v58, v28  }
0x46b: {  	v26 =	vmul.f32 v57, v26;
	v41 =	vmul.f32 v63, v28;
	v36 =	vsub.f32 v8, v54  }
0x46c: {  	v42 =	vmul.f32 v63, v31;
	v43 =	vmul.f32 v40, v28;
	v34 =	vsub.f32 v9, v55  }
0x46d: {  	v28 =	vmul.f32 v33, v28;
	v62 =	vsub.f32 v11, v60;
	v25 =	vadd.f32 v36, v25  }
0x46e: {  	v47 =	vmul.f32 v40, v32;
	v31 =	vsub.f32 v14, v43;
	v27 =	vadd.f32 v34, v27  }
0x46f: {  	v24 =	vmul.f32 v33, v24;
	v49 =	vsub.f32 v15, v28;
	v26 =	vadd.f32 v62, v26;
	[tilespmem:s6+$0xC200] =	vst v25  }
0x470: {  	v29 =	vmul.f32 v56, v29;
	v36 =	vsub.f32 v10, v59;
	v50 =	vadd.f32 v31, v47;
	[tilespmem:s6+$0xC210] =	vst v27  }
0x471: {  	s17 =	sor.u32 s3, s15;
	v30 =	vmul.f32 v58, v30;
	v34 =	vsub.f32 v12, v61;
	v24 =	vadd.f32 v49, v24;
	[tilespmem:s6+$0xC230] =	vst v26  }
0x472: {  	s18 =	smulhi.u32 $0x51EB851F, s17;
	v45 =	vsub.f32 v13, v41;
	v29 =	vadd.f32 v36, v29;
	[tilespmem:s6+$0xC260] =	vst v50  }
0x473: {  	v30 =	vadd.f32 v34, v30;
	[tilespmem:s6+$0xC270] =	vst v24  }
0x474: {  	s18 =	sshrl.u32 s18, $0x6;
	v25 =	vadd.f32 v45, v42;
	[tilespmem:s6+$0xC220] =	vst v29  }
0x475: {  	s18 =	smul.u32 $0xC8, s18;
	[tilespmem:s6+$0xC240] =	vst v30  }
0x476: {  	[tilespmem:s6+$0xC250] =	vst v25  }
0x477: {  	s17 =	ssub.s32 s17, s18;
	s6 =	sshll.u32 s15, $0x7;
	v24 =	vld.idx.msk [tilespmem:v48+s24+$0x0], $0xffff  }
0x478: {  	s17 =	sshll.u32 s17, $0x7;
	v25 =	vld [tilespmem:s6+$0x4200]  }
0x479: {  	v51 =	vld [tilespmem:s17+$0x10200]  }
0x47a: {  	v27 =	vld [tilespmem:s6+$0x4210]  }
0x47b: {  	v52 =	vld [tilespmem:s17+$0x10210]  }
0x47c: {  	v53 =	vld [tilespmem:s6+$0x4220]  }
0x47d: {  	v30 =	vld [tilespmem:s17+$0x10220]  }
0x47e: {  	v54 =	vld [tilespmem:s6+$0x4230]  }
0x47f: {  	v55 =	vld [tilespmem:s17+$0x10230]  }
0x480: {  	v56 =	vld [tilespmem:s6+$0x4240]  }
0x481: {  	v57 =	vld [tilespmem:s17+$0x10240]  }
0x482: {  	v58 =	vld [tilespmem:s6+$0x4250]  }
0x483: {  	v59 =	vld [tilespmem:s17+$0x10250]  }
0x484: {  	v60 =	vld [tilespmem:s6+$0x4260]  }
0x485: {  	v61 =	vld [tilespmem:s17+$0x10260]  }
0x486: {  	v63 =	vld [tilespmem:s6+$0x4270]  }
0x487: {  	v46 =	vld [tilespmem:s17+$0x10270];
	v25 =	vadd.f32 v51, v25  }
0x488: {  	v24 =	vcvt.s32.f32 v24;
	v27 =	vadd.f32 v52, v27;
	v29 =	vadd.f32 v30, v53  }
0x489: {  	v47 =	vadd.f32 v55, v54;
	v49 =	vadd.f32 v57, v56  }
0x48a: {  	v51 =	vadd.f32 v59, v58;
	v62 =	vmul.f32 v24, v16;
	v44 =	vmul.f32 v24, v17  }
0x48b: {  	v53 =	vadd.f32 v61, v60;
	v45 =	vmul.f32 v24, v18;
	v48 =	vmul.f32 v24, v19  }
0x48c: {  	v28 =	vadd.f32 v46, v63;
	v50 =	vmul.f32 v24, v20;
	v52 =	vmul.f32 v24, v21  }
0x48d: {  	v54 =	vmul.f32 v24, v22;
	v25 =	vadd.f32 v25, v62;
	v27 =	vadd.f32 v27, v44  }
0x48e: {  	v24 =	vmul.f32 v24, v23;
	v29 =	vadd.f32 v29, v45;
	v26 =	vadd.f32 v47, v48  }
0x48f: {  	v30 =	vadd.f32 v49, v50;
	v31 =	vadd.f32 v51, v52  }
0x490: {  	v32 =	vadd.f32 v53, v54;
	v24 =	vadd.f32 v28, v24  }
0x491: {  	v55 =	vadd.f32 v27, v25;
	v56 =	vadd.f32 v26, v29;
	v58 =	vmul.f32 v25, v25  }
0x492: {  	v57 =	vadd.f32 v31, v30;
	v59 =	vmul.f32 v27, v27;
	v61 =	vmul.f32 v29, v29  }
0x493: {  	v60 =	vadd.f32 v24, v32;
	v62 =	vmul.f32 v26, v26;
	v63 =	vmul.f32 v30, v30  }
0x494: {  	v44 =	vmul.f32 v31, v31;
	v45 =	vmul.f32 v32, v32  }
0x495: {  	v46 =	vmul.f32 v24, v24;
	v28 =	vadd.f32 v56, v55;
	v34 =	vadd.f32 v60, v57  }
0x496: {  	v35 =	vadd.f32 v59, v58;
	v47 =	vadd.f32 v62, v61  }
0x497: {  	v33 =	vadd.f32 v44, v63;
	v37 =	vadd.f32 v46, v45  }
0x498: {  	v28 =	vadd.f32 v34, v28  }
0x499: {  	v48 =	vadd.f32 v47, v35;
	v33 =	vadd.f32 v37, v33;
	_ =	sdelay $0x1  }
0x49a: {  	v33 =	vadd.f32 v33, v48;
	(xrf2) =	vadd.scan.msk.f32 $0xffff, v28;
	_ =	sdelay $0x1  }
0x49b: {  	(xrf2) =	vadd.scan.msk.f32 $0xffff, v33;
	_ =	sdelay $0x7  }
0x49c: {  	v28, _, _ =	vpop (xrf2)  }
0x49d: {  	v28 =	vmul.f32 $7.812500000e-03, v28  }
0x49e: {  	v33, _, _ =	vpop (xrf2)  }
0x49f: {  	v33 =	vmul.f32 $7.812500000e-03, v33;
	v49 =	vmul.f32 v28, v28;
	_ =	sdelay $0x1  }
0x4a0: {  	v33 =	vsub.f32 v33, v49;
	_ =	sdelay $0x1  }
0x4a1: {  	v33 =	vmax.f32 v33, $0.0e+00  }
0x4a2: {  	v33 =	vadd.f32 $9.999999960e-13, v33;
	_ =	sdelay $0x1  }
0x4a3: {  	v33 =	vbroadcast v33, $0xF;
	_ =	sdelay $0x1  }
0x4a4: {  	v50 =	vshrl.u32 v33, $0x1;
	v33 =	vmul.f32 $5.000000000e-01, v33  }
0x4a5: {  	v34 =	vsub.s32 $0x5F3759DF, v50  }
0x4a6: {  	v51 =	vmul.f32 v34, v33;
	_ =	sdelay $0x1  }
0x4a7: {  	v35 =	vmul.f32 v34, v51;
	_ =	sdelay $0x1  }
0x4a8: {  	v35 =	vsub.f32 $1.500000000e+00, v35;
	_ =	sdelay $0x1  }
0x4a9: {  	v34 =	vmul.f32 v34, v35;
	_ =	sdelay $0x1  }
0x4aa: {  	v33 =	vmul.f32 v34, v33;
	_ =	sdelay $0x1  }
0x4ab: {  	v33 =	vmul.f32 v33, v34;
	_ =	sdelay $0x1  }
0x4ac: {  	s15 =	sor.u32 $0x6, s4;
	v33 =	vsub.f32 $1.500000000e+00, v33  }
0x4ad: {  	v41 =	vmov s15  }
0x4ae: {  	v43 =	vand.u32 $0xFFFFFFFE, v41;
	v33 =	vmul.f32 v33, v34  }
0x4af: {  	v45 =	vbroadcast v43, $0x0  }
0x4b0: {  	v28 =	vbroadcast v28, $0xF;
	v34 =	vmul.f32 v33, v0  }
0x4b1: {  	v52 =	vmul.f32 v33, v1;
	v55 =	vmul.f32 v33, v2  }
0x4b2: {  	v56 =	vmul.f32 v33, v3;
	v57 =	vmul.f32 v33, v4  }
0x4b3: {  	v62 =	vmul.f32 v33, v5;
	v63 =	vmul.f32 v33, v6  }
0x4b4: {  	v33 =	vmul.f32 v33, v7;
	v53 =	vmul.f32 v34, v28  }
0x4b5: {  	v25 =	vmul.f32 v34, v25;
	v54 =	vmul.f32 v52, v28  }
0x4b6: {  	v27 =	vmul.f32 v52, v27;
	v58 =	vmul.f32 v55, v28  }
0x4b7: {  	v59 =	vmul.f32 v56, v28;
	v60 =	vmul.f32 v57, v28  }
0x4b8: {  	v26 =	vmul.f32 v56, v26;
	v38 =	vmul.f32 v62, v28;
	v36 =	vsub.f32 v8, v53  }
0x4b9: {  	v39 =	vmul.f32 v62, v31;
	v40 =	vmul.f32 v63, v28;
	v34 =	vsub.f32 v9, v54  }
0x4ba: {  	v28 =	vmul.f32 v33, v28;
	v61 =	vsub.f32 v11, v59;
	v25 =	vadd.f32 v36, v25  }
0x4bb: {  	v44 =	vmul.f32 v63, v32;
	v31 =	vsub.f32 v14, v40;
	v27 =	vadd.f32 v34, v27  }
0x4bc: {  	v24 =	vmul.f32 v33, v24;
	v46 =	vsub.f32 v15, v28;
	v26 =	vadd.f32 v61, v26;
	[tilespmem:s6+$0xC200] =	vst v25  }
0x4bd: {  	v29 =	vmul.f32 v55, v29;
	v36 =	vsub.f32 v10, v58;
	v47 =	vadd.f32 v31, v44;
	[tilespmem:s6+$0xC210] =	vst v27  }
0x4be: {  	s17 =	sor.u32 s3, s15;
	v30 =	vmul.f32 v57, v30;
	v34 =	vsub.f32 v12, v60;
	v24 =	vadd.f32 v46, v24;
	[tilespmem:s6+$0xC230] =	vst v26  }
0x4bf: {  	s18 =	smulhi.u32 $0x51EB851F, s17;
	v42 =	vsub.f32 v13, v38;
	v29 =	vadd.f32 v36, v29;
	[tilespmem:s6+$0xC260] =	vst v47  }
0x4c0: {  	v30 =	vadd.f32 v34, v30;
	[tilespmem:s6+$0xC270] =	vst v24  }
0x4c1: {  	s18 =	sshrl.u32 s18, $0x6;
	v25 =	vadd.f32 v42, v39;
	[tilespmem:s6+$0xC220] =	vst v29  }
0x4c2: {  	s18 =	smul.u32 $0xC8, s18;
	[tilespmem:s6+$0xC240] =	vst v30  }
0x4c3: {  	[tilespmem:s6+$0xC250] =	vst v25  }
0x4c4: {  	s17 =	ssub.s32 s17, s18;
	s6 =	sshll.u32 s15, $0x7;
	v24 =	vld.idx.msk [tilespmem:v45+s24+$0x0], $0xffff  }
0x4c5: {  	s18 =	sshll.u32 s17, $0x7;
	v25 =	vld [tilespmem:s6+$0x4200]  }
0x4c6: {  	v48 =	vld [tilespmem:s18+$0x10200]  }
0x4c7: {  	v27 =	vld [tilespmem:s6+$0x4210]  }
0x4c8: {  	v49 =	vld [tilespmem:s18+$0x10210]  }
0x4c9: {  	v50 =	vld [tilespmem:s6+$0x4220]  }
0x4ca: {  	v30 =	vld [tilespmem:s18+$0x10220]  }
0x4cb: {  	v51 =	vld [tilespmem:s6+$0x4230]  }
0x4cc: {  	v52 =	vld [tilespmem:s18+$0x10230]  }
0x4cd: {  	v53 =	vld [tilespmem:s6+$0x4240]  }
0x4ce: {  	v54 =	vld [tilespmem:s18+$0x10240]  }
0x4cf: {  	v55 =	vld [tilespmem:s6+$0x4250]  }
0x4d0: {  	v56 =	vld [tilespmem:s18+$0x10250]  }
0x4d1: {  	v57 =	vld [tilespmem:s6+$0x4260]  }
0x4d2: {  	v58 =	vld [tilespmem:s18+$0x10260]  }
0x4d3: {  	v60 =	vld [tilespmem:s6+$0x4270]  }
0x4d4: {  	v63 =	vld [tilespmem:s18+$0x10270];
	v25 =	vadd.f32 v48, v25  }
0x4d5: {  	v24 =	vcvt.s32.f32 v24;
	v27 =	vadd.f32 v49, v27;
	v29 =	vadd.f32 v30, v50  }
0x4d6: {  	v44 =	vadd.f32 v52, v51;
	v46 =	vadd.f32 v54, v53  }
0x4d7: {  	v48 =	vadd.f32 v56, v55;
	v59 =	vmul.f32 v24, v16;
	v61 =	vmul.f32 v24, v17  }
0x4d8: {  	v50 =	vadd.f32 v58, v57;
	v62 =	vmul.f32 v24, v18;
	v45 =	vmul.f32 v24, v19  }
0x4d9: {  	v28 =	vadd.f32 v63, v60;
	v47 =	vmul.f32 v24, v20;
	v49 =	vmul.f32 v24, v21  }
0x4da: {  	v51 =	vmul.f32 v24, v22;
	v25 =	vadd.f32 v25, v59;
	v27 =	vadd.f32 v27, v61  }
0x4db: {  	v24 =	vmul.f32 v24, v23;
	v29 =	vadd.f32 v29, v62;
	v26 =	vadd.f32 v44, v45  }
0x4dc: {  	v30 =	vadd.f32 v46, v47;
	v31 =	vadd.f32 v48, v49  }
0x4dd: {  	v32 =	vadd.f32 v50, v51;
	v24 =	vadd.f32 v28, v24  }
0x4de: {  	v52 =	vadd.f32 v27, v25;
	v53 =	vadd.f32 v26, v29;
	v55 =	vmul.f32 v25, v25  }
0x4df: {  	v54 =	vadd.f32 v31, v30;
	v56 =	vmul.f32 v27, v27;
	v58 =	vmul.f32 v29, v29  }
0x4e0: {  	v57 =	vadd.f32 v24, v32;
	v59 =	vmul.f32 v26, v26;
	v60 =	vmul.f32 v30, v30  }
0x4e1: {  	v61 =	vmul.f32 v31, v31;
	v62 =	vmul.f32 v32, v32  }
0x4e2: {  	v63 =	vmul.f32 v24, v24;
	v28 =	vadd.f32 v53, v52;
	v34 =	vadd.f32 v57, v54  }
0x4e3: {  	v35 =	vadd.f32 v56, v55;
	v43 =	vadd.f32 v59, v58  }
0x4e4: {  	v33 =	vadd.f32 v61, v60;
	v37 =	vadd.f32 v63, v62  }
0x4e5: {  	v28 =	vadd.f32 v34, v28  }
0x4e6: {  	v44 =	vadd.f32 v43, v35;
	v33 =	vadd.f32 v37, v33;
	_ =	sdelay $0x1  }
0x4e7: {  	v33 =	vadd.f32 v33, v44;
	(xrf2) =	vadd.scan.msk.f32 $0xffff, v28;
	_ =	sdelay $0x1  }
0x4e8: {  	(xrf2) =	vadd.scan.msk.f32 $0xffff, v33;
	_ =	sdelay $0x7  }
0x4e9: {  	v28, _, _ =	vpop (xrf2)  }
0x4ea: {  	v28 =	vmul.f32 $7.812500000e-03, v28  }
0x4eb: {  	v33, _, _ =	vpop (xrf2)  }
0x4ec: {  	v33 =	vmul.f32 $7.812500000e-03, v33;
	v45 =	vmul.f32 v28, v28;
	_ =	sdelay $0x1  }
0x4ed: {  	v33 =	vsub.f32 v33, v45;
	_ =	sdelay $0x1  }
0x4ee: {  	v33 =	vmax.f32 v33, $0.0e+00  }
0x4ef: {  	v33 =	vadd.f32 $9.999999960e-13, v33;
	_ =	sdelay $0x1  }
0x4f0: {  	v33 =	vbroadcast v33, $0xF;
	_ =	sdelay $0x1  }
0x4f1: {  	v46 =	vshrl.u32 v33, $0x1;
	v33 =	vmul.f32 $5.000000000e-01, v33  }
0x4f2: {  	v34 =	vsub.s32 $0x5F3759DF, v46  }
0x4f3: {  	v47 =	vmul.f32 v34, v33;
	_ =	sdelay $0x1  }
0x4f4: {  	v35 =	vmul.f32 v34, v47;
	_ =	sdelay $0x1  }
0x4f5: {  	v35 =	vsub.f32 $1.500000000e+00, v35;
	_ =	sdelay $0x1  }
0x4f6: {  	v34 =	vmul.f32 v34, v35;
	_ =	sdelay $0x1  }
0x4f7: {  	v33 =	vmul.f32 v34, v33;
	_ =	sdelay $0x1  }
0x4f8: {  	v33 =	vmul.f32 v33, v34;
	_ =	sdelay $0x1  }
0x4f9: {  	v33 =	vsub.f32 $1.500000000e+00, v33;
	_ =	sdelay $0x1  }
0x4fa: {  	v33 =	vmul.f32 v33, v34  }
0x4fb: {  	v28 =	vbroadcast v28, $0xF  }
0x4fc: {  	v34 =	vmul.f32 v33, v0;
	v49 =	vmul.f32 v33, v1  }
0x4fd: {  	v51 =	vmul.f32 v33, v2;
	v55 =	vmul.f32 v33, v3  }
0x4fe: {  	v56 =	vmul.f32 v33, v4;
	v58 =	vmul.f32 v33, v5  }
0x4ff: {  	v61 =	vmul.f32 v33, v6;
	v33 =	vmul.f32 v33, v7  }
0x500: {  	v48 =	vmul.f32 v34, v28;
	v25 =	vmul.f32 v34, v25  }
0x501: {  	s15 =	sor.u32 $0x7, s4;
	v52 =	vmul.f32 v49, v28;
	v53 =	vmul.f32 v51, v28  }
0x502: {  	v43 =	vmov s15;
	v27 =	vmul.f32 v49, v27;
	v29 =	vmul.f32 v51, v29  }
0x503: {  	v57 =	vmul.f32 v55, v28;
	v26 =	vmul.f32 v55, v26;
	v50 =	vsub.f32 v8, v48  }
0x504: {  	v59 =	vmul.f32 v56, v28;
	v60 =	vmul.f32 v58, v28;
	v54 =	vsub.f32 v9, v52  }
0x505: {  	v37 =	vmul.f32 v61, v28;
	v34 =	vsub.f32 v10, v53;
	v25 =	vadd.f32 v50, v25  }
0x506: {  	v28 =	vmul.f32 v33, v28;
	v36 =	vsub.f32 v11, v57;
	v27 =	vadd.f32 v54, v27  }
0x507: {  	v40 =	vmul.f32 v61, v32;
	v41 =	vsub.f32 v14, v37;
	v29 =	vadd.f32 v34, v29;
	[tilespmem:s6+$0xC200] =	vst v25  }
0x508: {  	v24 =	vmul.f32 v33, v24;
	v42 =	vsub.f32 v15, v28;
	v26 =	vadd.f32 v36, v26;
	[tilespmem:s6+$0xC210] =	vst v27  }
0x509: {  	s17 =	sor.u32 s3, s15;
	v30 =	vmul.f32 v56, v30;
	v34 =	vsub.f32 v12, v59;
	v44 =	vadd.f32 v41, v40;
	[tilespmem:s6+$0xC220] =	vst v29  }
0x50a: {  	s18 =	smulhi.u32 $0x51EB851F, s17;
	v62 =	vmul.f32 v58, v31;
	v63 =	vsub.f32 v13, v60;
	v24 =	vadd.f32 v42, v24;
	[tilespmem:s6+$0xC230] =	vst v26  }
0x50b: {  	v38 =	vadd.f32 v34, v30;
	[tilespmem:s6+$0xC260] =	vst v44  }
0x50c: {  	s18 =	sshrl.u32 s18, $0x6;
	v25 =	vadd.f32 v63, v62;
	[tilespmem:s6+$0xC270] =	vst v24  }
0x50d: {  	s18 =	smul.u32 $0xC8, s18;
	[tilespmem:s6+$0xC240] =	vst v38  }
0x50e: {  	[tilespmem:s6+$0xC250] =	vst v25  }
0x50f: {  	s17 =	ssub.s32 s17, s18;
	s6 =	sshll.u32 s15, $0x7;
	v24 =	vld.idx.msk [tilespmem:v43+s24+$0x0], $0xffff  }
0x510: {  	s17 =	sshll.u32 s17, $0x7;
	v25 =	vld [tilespmem:s6+$0x4200]  }
0x511: {  	v45 =	vld [tilespmem:s17+$0x10200]  }
0x512: {  	v27 =	vld [tilespmem:s6+$0x4210]  }
0x513: {  	v46 =	vld [tilespmem:s17+$0x10210]  }
0x514: {  	v47 =	vld [tilespmem:s6+$0x4220]  }
0x515: {  	v48 =	vld [tilespmem:s17+$0x10220]  }
0x516: {  	v49 =	vld [tilespmem:s6+$0x4230]  }
0x517: {  	v50 =	vld [tilespmem:s17+$0x10230]  }
0x518: {  	v51 =	vld [tilespmem:s6+$0x4240]  }
0x519: {  	v52 =	vld [tilespmem:s17+$0x10240]  }
0x51a: {  	v53 =	vld [tilespmem:s6+$0x4250]  }
0x51b: {  	v54 =	vld [tilespmem:s17+$0x10250]  }
0x51c: {  	v55 =	vld [tilespmem:s6+$0x4260]  }
0x51d: {  	v56 =	vld [tilespmem:s17+$0x10260]  }
0x51e: {  	v58 =	vld [tilespmem:s6+$0x4270]  }
0x51f: {  	v61 =	vld [tilespmem:s17+$0x10270];
	v25 =	vadd.f32 v45, v25  }
0x520: {  	v24 =	vcvt.s32.f32 v24;
	v27 =	vadd.f32 v46, v27;
	v29 =	vadd.f32 v48, v47  }
0x521: {  	v62 =	vadd.f32 v50, v49;
	v39 =	vadd.f32 v52, v51  }
0x522: {  	v42 =	vadd.f32 v54, v53;
	v57 =	vmul.f32 v24, v16;
	v59 =	vmul.f32 v24, v17  }
0x523: {  	v44 =	vadd.f32 v56, v55;
	v60 =	vmul.f32 v24, v18;
	v63 =	vmul.f32 v24, v19  }
0x524: {  	v28 =	vadd.f32 v61, v58;
	v41 =	vmul.f32 v24, v20;
	v43 =	vmul.f32 v24, v21  }
0x525: {  	v45 =	vmul.f32 v24, v22;
	v25 =	vadd.f32 v25, v57;
	v27 =	vadd.f32 v27, v59  }
0x526: {  	v24 =	vmul.f32 v24, v23;
	v29 =	vadd.f32 v29, v60;
	v26 =	vadd.f32 v62, v63  }
0x527: {  	v30 =	vadd.f32 v39, v41;
	v31 =	vadd.f32 v42, v43  }
0x528: {  	v32 =	vadd.f32 v44, v45;
	v24 =	vadd.f32 v28, v24  }
0x529: {  	v46 =	vadd.f32 v27, v25;
	v47 =	vadd.f32 v26, v29;
	v49 =	vmul.f32 v25, v25  }
0x52a: {  	v48 =	vadd.f32 v31, v30;
	v50 =	vmul.f32 v27, v27;
	v52 =	vmul.f32 v29, v29  }
0x52b: {  	v51 =	vadd.f32 v24, v32;
	v53 =	vmul.f32 v26, v26;
	v54 =	vmul.f32 v30, v30  }
0x52c: {  	v55 =	vmul.f32 v31, v31;
	v56 =	vmul.f32 v32, v32  }
0x52d: {  	v57 =	vmul.f32 v24, v24;
	v28 =	vadd.f32 v47, v46;
	v34 =	vadd.f32 v51, v48  }
0x52e: {  	v35 =	vadd.f32 v50, v49;
	v58 =	vadd.f32 v53, v52  }
0x52f: {  	v33 =	vadd.f32 v55, v54;
	v37 =	vadd.f32 v57, v56  }
0x530: {  	v28 =	vadd.f32 v34, v28  }
0x531: {  	v59 =	vadd.f32 v58, v35;
	v33 =	vadd.f32 v37, v33;
	_ =	sdelay $0x1  }
0x532: {  	v33 =	vadd.f32 v33, v59;
	(xrf2) =	vadd.scan.msk.f32 $0xffff, v28;
	_ =	sdelay $0x1  }
0x533: {  	(xrf2) =	vadd.scan.msk.f32 $0xffff, v33;
	_ =	sdelay $0x7  }
0x534: {  	v28, _, _ =	vpop (xrf2)  }
0x535: {  	v28 =	vmul.f32 $7.812500000e-03, v28  }
0x536: {  	v33, _, _ =	vpop (xrf2)  }
0x537: {  	v33 =	vmul.f32 $7.812500000e-03, v33;
	v60 =	vmul.f32 v28, v28;
	_ =	sdelay $0x1  }
0x538: {  	v33 =	vsub.f32 v33, v60;
	_ =	sdelay $0x1  }
0x539: {  	v33 =	vmax.f32 v33, $0.0e+00  }
0x53a: {  	v33 =	vadd.f32 $9.999999960e-13, v33;
	_ =	sdelay $0x1  }
0x53b: {  	v33 =	vbroadcast v33, $0xF;
	_ =	sdelay $0x1  }
0x53c: {  	v61 =	vshrl.u32 v33, $0x1;
	v33 =	vmul.f32 $5.000000000e-01, v33  }
0x53d: {  	v34 =	vsub.s32 $0x5F3759DF, v61  }
0x53e: {  	v62 =	vmul.f32 v34, v33;
	_ =	sdelay $0x1  }
0x53f: {  	v35 =	vmul.f32 v34, v62;
	_ =	sdelay $0x1  }
0x540: {  	v35 =	vsub.f32 $1.500000000e+00, v35;
	_ =	sdelay $0x1  }
0x541: {  	v34 =	vmul.f32 v34, v35;
	_ =	sdelay $0x1  }
0x542: {  	v33 =	vmul.f32 v34, v33;
	_ =	sdelay $0x1  }
0x543: {  	v33 =	vmul.f32 v33, v34;
	_ =	sdelay $0x1  }
0x544: {  	v33 =	vsub.f32 $1.500000000e+00, v33;
	_ =	sdelay $0x1  }
0x545: {  	v33 =	vmul.f32 v33, v34  }
0x546: {  	v28 =	vbroadcast v28, $0xF  }
0x547: {  	v34 =	vmul.f32 v33, v0;
	v63 =	vmul.f32 v33, v1  }
0x548: {  	v43 =	vmul.f32 v33, v2;
	v45 =	vmul.f32 v33, v3  }
0x549: {  	v49 =	vmul.f32 v33, v4;
	v50 =	vmul.f32 v33, v5  }
0x54a: {  	v52 =	vmul.f32 v33, v6;
	v33 =	vmul.f32 v33, v7  }
0x54b: {  	v40 =	vmul.f32 v34, v28;
	v41 =	vmul.f32 v63, v28  }
0x54c: {  	v25 =	vmul.f32 v34, v25;
	v27 =	vmul.f32 v63, v27  }
0x54d: {  	v46 =	vmul.f32 v43, v28;
	v47 =	vmul.f32 v45, v28  }
0x54e: {  	v29 =	vmul.f32 v43, v29;
	v26 =	vmul.f32 v45, v26;
	v42 =	vsub.f32 v8, v40  }
0x54f: {  	v51 =	vmul.f32 v49, v28;
	v53 =	vmul.f32 v50, v28;
	v44 =	vsub.f32 v9, v41  }
0x550: {  	v56 =	vmul.f32 v52, v28;
	v48 =	vsub.f32 v10, v46;
	v25 =	vadd.f32 v42, v25  }
0x551: {  	v57 =	vmul.f32 v50, v31;
	v34 =	vsub.f32 v11, v47;
	v27 =	vadd.f32 v44, v27  }
0x552: {  	v28 =	vmul.f32 v33, v28;
	v58 =	vsub.f32 v13, v53;
	v29 =	vadd.f32 v48, v29;
	[tilespmem:s6+$0xC200] =	vst v25  }
0x553: {  	v59 =	vmul.f32 v52, v32;
	v60 =	vsub.f32 v14, v56;
	v26 =	vadd.f32 v34, v26;
	[tilespmem:s6+$0xC210] =	vst v27  }
0x554: {  	p0 =	slt.u32 s4, $0x78;
	v24 =	vmul.f32 v33, v24;
	v62 =	vsub.f32 v15, v28;
	v61 =	vadd.f32 v58, v57;
	[tilespmem:s6+$0xC220] =	vst v29  }
.Ltmp2:
0x555: {  	v54 =	vmul.f32 v49, v30;
	v55 =	vsub.f32 v12, v51;
	v63 =	vadd.f32 v60, v59;
	[tilespmem:s6+$0xC230] =	vst v26;
	(pc) =	sbr.rel @p0 .LBB2_7-.Ltmp2, $4  }
0x556: {  	v24 =	vadd.f32 v62, v24;
	[tilespmem:s6+$0xC250] =	vst v61  }
0x557: {  	v25 =	vadd.f32 v55, v54;
	[tilespmem:s6+$0xC260] =	vst v63  }
0x558: {  	s18 =	sadd.s32 $0x8, s4;
	[tilespmem:s6+$0xC270] =	vst v24  }
0x559: {  	s4 =	smov.u32 s18;
	[tilespmem:s6+$0xC240] =	vst v25  }
0x55a: {  	s2 =	sadd.s32 $0x1, s2  }
0x55b: {  	p0 =	sne.s32 s2, $0x19  }
.Ltmp3:
0x55c: {  	_ = 	snop;
	(pc) =	sbr.rel @p0 .LBB2_4-.Ltmp3, $4  }
0x55d: {  	_ = 	snop  }
0x55e: {  	s1 =	sshll.u32 s1, $0x4  }
0x55f: {  	s1 =	sadd.s32 s7, s1  }
0x560: {  	[hbm4b:s1+s8] =	stream.linear.scatter [tilespmem:s29], [sflag:$0x4], $0x4000, $0x38;
	[tilespmem:$0x16800] =	vst v63  }
0x561: {  	s5 =	sadd.s32 $0x1, s5  }
0x562: {  	_ =	swait.ge [sflag:s30], $0x4000;
	p0 =	sne.s32 s5, s14  }
.Ltmp4:
0x563: {  	[sflag:s30] =	ssyncset.done $0x0;
	(pc) =	sbr.rel @p0 .LBB2_1-.Ltmp4, $4  }
0x564: {  	[sflag:s30] =	ssyncadd.s32 $0xFFFFC000  }
0x565: {  	_ =	swait.ge [sflag:s31], $0x4000  }
0x566: {  	[sflag:s31] =	ssyncset.done $0x0  }
0x567: {  	[sflag:s31] =	ssyncadd.s32 $0xFFFFC000  }
0x568: {  	_ =	sfence.sel $0x180000  }
0x569: {  	[bflag:$0x0] =	sbarrier.arrive $0xFFFF  }
0x56a: {  	_ =	strace $0x90000047  }
0x56b: {  	s0 =	stileid.u32;
	[bflag:$0x2] =	sbarrier.arrive $0xFFFF  }
0x56c: {  	p0 =	sne.s32 s0, $0x0;
	s0 =	rddreg [dreg:$0x7]  }
0x56d: {  	s0 =	sadd.s32 @!p0 $0x100000, s0  }
0x56e: {  	[sflag:s0] =	ssyncadd.tile.s32 @!p0 $0x1;
	_ =	shalt  }
.Lfunc_end2:
_tile_overlayer_lowered:
.L_overlay_start_2:
0x56f: {  	(tag) =	ssettag $0x2  }
0x570: {  	s0 =	rddreg [dreg:$0x0];
	s2 =	stileid.u32  }
0x571: {  	s1 =	rddreg [dreg:$0x1];
	p0 =	sne.s32 s2, $0x0  }
0x572: {  	s3 =	rddreg [dreg:$0x2];
	[bflag:$0x3] =	sbarrier.arrive $0xFFFF;
	s2 =	simm.s32 @!p0 $0x1C05  }
0x573: {  	[timem:s3], [sflag:s2] =	dma.local @!p0 [hbm:s0], s1  }
0x574: {  	s0 =	simm.s32 @!p0 $0x5  }
0x575: {  	_ =	swait.ge @!p0 [sflag:s0], s1  }
0x576: {  	s1 =	ssub.s32 @!p0 $0x0, s1;
	[sflag:s0] =	ssyncset.done @!p0 $0x0  }
0x577: {  	[sflag:s0] =	ssyncadd.s32 @!p0 s1  }
0x578: {  	[bflag:$0x3] =	sbarrier.arrive $0xFFFF  }
0x579: {  	_ =	shalt  }

</sc_bundles>
